<compile_context>
chip_gen: v7x
topology: tpu7x:2x2x1
jax: 0.10.2.dev20260603
libtpu: 0.0.44.dev20260713+nightly
codegen_flags: <defaults>
</compile_context>

<pallas_src>
import functools

import jax
import jax.numpy as jnp
from jax import lax
from jax.experimental import pallas as pl
from jax.experimental.pallas import tpu as pltpu
from jax.experimental.pallas import tpu_sc as plsc

_B = 64
_L = 512
_D = 3584

_NC = 2
_NS = 16
_NW = _NC * _NS
_BPW = _B // _NW
_LANES = 16
_ND = _D // _LANES
_K = 32
_NCHUNK = _L // _K
_U = 8

_mesh = plsc.VectorSubcoreMesh(core_axis_name="c", subcore_axis_name="s")


@functools.partial(
    pl.kernel,
    out_type=jax.ShapeDtypeStruct((_B, _D), jnp.float32),
    mesh=_mesh,
    scratch_types=[
        pltpu.VMEM((_L,), jnp.int32),
        pltpu.VMEM((_L,), jnp.int32),
        pltpu.VMEM((_L,), jnp.float32),
        pltpu.VMEM((_K, _D), jnp.float32),
        pltpu.VMEM((_D,), jnp.float32),
        pltpu.SemaphoreType.DMA,
    ],
)
def _pooled_embedding(ids_hbm, mask_hbm, table_hbm, out_hbm,
                      idx_v, mi_v, mf_v, buf_v, acc_v, sem):
    wid = lax.axis_index("s") * _NC + lax.axis_index("c")

    for bi in range(_BPW):
        b = wid * _BPW + bi
        pltpu.sync_copy(ids_hbm.at[b], idx_v)
        pltpu.sync_copy(mask_hbm.at[b], mi_v)

        def mask_cvt(i, _):
            sl = pl.ds(i * _LANES, _LANES)
            mf_v[sl] = mi_v[sl].astype(jnp.float32)
            return 0
        lax.fori_loop(0, _L // _LANES, mask_cvt, 0)

        def zero_acc(i, _):
            acc_v[pl.ds(i * _LANES, _LANES)] = jnp.zeros((_LANES,), jnp.float32)
            return 0
        lax.fori_loop(0, _ND, zero_acc, 0)

        def chunk_body(s, _):
            base = pl.multiple_of(s * _K, 8)
            pltpu.async_copy(
                table_hbm.at[idx_v.at[pl.ds(base, _K)]], buf_v, sem
            ).wait()

            def dgroup_body(dg, _):
                d0 = dg * _U * _LANES
                accs = tuple(
                    acc_v[pl.ds(d0 + u * _LANES, _LANES)] for u in range(_U)
                )

                def row16_body(g, accs):
                    mvec = mf_v[pl.ds(base + g * _LANES, _LANES)]
                    for j in range(_LANES):
                        r = g * _LANES + j
                        m = mvec[j]
                        accs = tuple(
                            accs[u]
                            + buf_v[r, pl.ds(d0 + u * _LANES, _LANES)] * m
                            for u in range(_U)
                        )
                    return accs

                accs = lax.fori_loop(0, _K // _LANES, row16_body, accs)
                for u in range(_U):
                    acc_v[pl.ds(d0 + u * _LANES, _LANES)] = accs[u]
                return 0

            lax.fori_loop(0, _ND // _U, dgroup_body, 0)
            return 0

        lax.fori_loop(0, _NCHUNK, chunk_body, 0)

        def mask_sum(i, acc):
            return acc + mf_v[pl.ds(i * _LANES, _LANES)]
        msum = lax.fori_loop(0, _L // _LANES, mask_sum,
                             jnp.zeros((_LANES,), jnp.float32))
        mtot = msum[0]
        for j in range(1, _LANES):
            mtot = mtot + msum[j]
        total = jnp.maximum(mtot, 1e-9)
        tvec = jnp.full((_LANES,), 1.0, jnp.float32) * total
        inv = jnp.full((_LANES,), 1.0, jnp.float32) / tvec

        def scale_body(i, _):
            sl = pl.ds(i * _LANES, _LANES)
            acc_v[sl] = acc_v[sl] * inv
            return 0
        lax.fori_loop(0, _ND, scale_body, 0)

        pltpu.sync_copy(acc_v, out_hbm.at[b])


def kernel(input_ids, attention_mask, embed_table):
    return _pooled_embedding(input_ids, attention_mask, embed_table)

# --- scband reference (transcript-rebuilt; emitter-appended) ---
"""Pipeline reference for scband-text-embedding-42236708389081 (READ-ONLY COPY).

The authoritative reference and input builder live on the scoring server;
editing this copy changes nothing except your own understanding.
"""

import jax, jax.numpy as jnp
import numpy as np

VOCAB = 151936
HID = 3584
B = 64
L = 512

def setup_inputs(seed: int = 0) -> dict:
    key = jax.random.key(seed)
    k1, k2 = jax.random.split(key)
    input_ids = jax.random.randint(k1, (B, L), 0, VOCAB, dtype=jnp.int32)
    attention_mask = jnp.ones((B, L), dtype=jnp.int32)
    # learned parameter: embed_tokens weight table per Qwen2-VL-7B config
    embed_table = jax.random.normal(k2, (VOCAB, HID), dtype=jnp.float32) * 0.02
    return {"input_ids": input_ids, "attention_mask": attention_mask, "embed_table": embed_table}

def reference(input_ids, attention_mask, embed_table):
    # token_only mode: hidden_states = embed_tokens(input_ids)
    hidden_states = jnp.take(embed_table, input_ids, axis=0)  # (B, L, HID)
    # mean pooling with attention mask (matches _pool with pooling='mean')
    mask_expanded = attention_mask.astype(jnp.float32)[..., None]  # (B, L, 1)
    sum_embeddings = jnp.sum(hidden_states * mask_expanded, axis=1)  # (B, HID)
    sum_mask = jnp.clip(jnp.sum(mask_expanded, axis=1), 1e-9, None)  # (B, 1)
    pooled = sum_embeddings / sum_mask
    # batch > 1 so no squeeze; final .float() cast
    return pooled.astype(jnp.float32)

if __name__ == "__main__":
    import jax
    _d = setup_inputs()
    print(jax.jit(kernel)(*tuple(_d.values())))

</pallas_src>

<mosaic_0001>
#map = affine_map<(d0, d1) -> (0, 0)>
module attributes {stable_mosaic.version = 14 : i64} {
  func.func @_pooled_embedding(%arg0: i32, %arg1: i32, %arg2: memref<64x512xi32, #tpu.memory_space<hbm>>, %arg3: memref<64x512xi32, #tpu.memory_space<hbm>>, %arg4: memref<151936x3584xf32, #tpu.memory_space<hbm>>, %arg5: memref<64x3584xf32, #tpu.memory_space<hbm>>, %arg6: memref<512xi32, #tpu.memory_space<vmem>>, %arg7: memref<512xi32, #tpu.memory_space<vmem>>, %arg8: memref<512xf32, #tpu.memory_space<vmem>>, %arg9: memref<32x3584xf32, #tpu.memory_space<vmem>>, %arg10: memref<3584xf32, #tpu.memory_space<vmem>>, %arg11: memref<!tpu.dma_semaphore, #tpu.memory_space<semaphore_mem>>) attributes {dimension_semantics = [#tpu.dimension_semantics<core_parallel>, #tpu.dimension_semantics<subcore_parallel>], iteration_bounds = array<i64: 2, 16>, scalar_prefetch = 0 : i64, scratch_operands = 6 : i64, tpu.core_type = #tpu.core_type<sc_vector_subcore>, window_params = [{transform_indices = #map}, {transform_indices = #map}, {transform_indices = #map}, {transform_indices = #map}]} {
    %mul3A = arith.constant 2 : i32
    %mul3A_0 = arith.muli %arg1, %mul3A : i32
    %add3A = arith.addi %mul3A_0, %arg0 : i32
    %mul3A_1 = arith.constant 2 : i32
    %mul3A_2 = arith.muli %add3A, %mul3A_1 : i32
    %add3A_3 = arith.constant 0 : i32
    %add3A_4 = arith.addi %mul3A_2, %add3A_3 : i32
    "tpu.region"() ({
      %run_scoped3A = tpu.sem_alloc : memref<!tpu.dma_semaphore, #tpu.memory_space<semaphore_mem>>
      %dma_start3A = arith.constant 0 : i32
      %dma_start3A_187 = tpu.memref_slice %arg2[%add3A_4, %dma_start3A] : memref<64x512xi32, #tpu.memory_space<hbm>> -> memref<1x512xi32, #tpu.memory_space<hbm>>
      %dma_start3A_188 = tpu.memref_squeeze %dma_start3A_187 : memref<1x512xi32, #tpu.memory_space<hbm>> -> memref<512xi32, #tpu.memory_space<hbm>>
      %dma_start3A_189 = arith.constant 0 : i32
      %dma_start3A_190 = tpu.memref_slice %arg2[%add3A_4, %dma_start3A_189] : memref<64x512xi32, #tpu.memory_space<hbm>> -> memref<1x512xi32, #tpu.memory_space<hbm>>
      %dma_start3A_191 = tpu.memref_squeeze %dma_start3A_190 : memref<1x512xi32, #tpu.memory_space<hbm>> -> memref<512xi32, #tpu.memory_space<hbm>>
      tpu.enqueue_dma source(%dma_start3A_191 : memref<512xi32, #tpu.memory_space<hbm>>) target(%arg6 : memref<512xi32, #tpu.memory_space<vmem>>) target_semaphore(%run_scoped3A : memref<!tpu.dma_semaphore, #tpu.memory_space<semaphore_mem>>)
      %dma_wait3A = arith.constant 0 : i32
      %dma_wait3A_192 = tpu.memref_slice %arg2[%add3A_4, %dma_wait3A] : memref<64x512xi32, #tpu.memory_space<hbm>> -> memref<1x512xi32, #tpu.memory_space<hbm>>
      %dma_wait3A_193 = tpu.memref_squeeze %dma_wait3A_192 : memref<1x512xi32, #tpu.memory_space<hbm>> -> memref<512xi32, #tpu.memory_space<hbm>>
      %dma_wait3A_194 = arith.constant 0 : i32
      %dma_wait3A_195 = tpu.memref_slice %arg2[%add3A_4, %dma_wait3A_194] : memref<64x512xi32, #tpu.memory_space<hbm>> -> memref<1x512xi32, #tpu.memory_space<hbm>>
      %dma_wait3A_196 = tpu.memref_squeeze %dma_wait3A_195 : memref<1x512xi32, #tpu.memory_space<hbm>> -> memref<512xi32, #tpu.memory_space<hbm>>
      tpu.wait_dma2 semaphore(%run_scoped3A : memref<!tpu.dma_semaphore, #tpu.memory_space<semaphore_mem>>) src(%dma_wait3A_196 : memref<512xi32, #tpu.memory_space<hbm>>) dst(%arg6 : memref<512xi32, #tpu.memory_space<vmem>>)
      tpu.yield
    }) : () -> ()
    "tpu.region"() ({
      %run_scoped3A = tpu.sem_alloc : memref<!tpu.dma_semaphore, #tpu.memory_space<semaphore_mem>>
      %dma_start3A = arith.constant 0 : i32
      %dma_start3A_187 = tpu.memref_slice %arg3[%add3A_4, %dma_start3A] : memref<64x512xi32, #tpu.memory_space<hbm>> -> memref<1x512xi32, #tpu.memory_space<hbm>>
      %dma_start3A_188 = tpu.memref_squeeze %dma_start3A_187 : memref<1x512xi32, #tpu.memory_space<hbm>> -> memref<512xi32, #tpu.memory_space<hbm>>
      %dma_start3A_189 = arith.constant 0 : i32
      %dma_start3A_190 = tpu.memref_slice %arg3[%add3A_4, %dma_start3A_189] : memref<64x512xi32, #tpu.memory_space<hbm>> -> memref<1x512xi32, #tpu.memory_space<hbm>>
      %dma_start3A_191 = tpu.memref_squeeze %dma_start3A_190 : memref<1x512xi32, #tpu.memory_space<hbm>> -> memref<512xi32, #tpu.memory_space<hbm>>
      tpu.enqueue_dma source(%dma_start3A_191 : memref<512xi32, #tpu.memory_space<hbm>>) target(%arg7 : memref<512xi32, #tpu.memory_space<vmem>>) target_semaphore(%run_scoped3A : memref<!tpu.dma_semaphore, #tpu.memory_space<semaphore_mem>>)
      %dma_wait3A = arith.constant 0 : i32
      %dma_wait3A_192 = tpu.memref_slice %arg3[%add3A_4, %dma_wait3A] : memref<64x512xi32, #tpu.memory_space<hbm>> -> memref<1x512xi32, #tpu.memory_space<hbm>>
      %dma_wait3A_193 = tpu.memref_squeeze %dma_wait3A_192 : memref<1x512xi32, #tpu.memory_space<hbm>> -> memref<512xi32, #tpu.memory_space<hbm>>
      %dma_wait3A_194 = arith.constant 0 : i32
      %dma_wait3A_195 = tpu.memref_slice %arg3[%add3A_4, %dma_wait3A_194] : memref<64x512xi32, #tpu.memory_space<hbm>> -> memref<1x512xi32, #tpu.memory_space<hbm>>
      %dma_wait3A_196 = tpu.memref_squeeze %dma_wait3A_195 : memref<1x512xi32, #tpu.memory_space<hbm>> -> memref<512xi32, #tpu.memory_space<hbm>>
      tpu.wait_dma2 semaphore(%run_scoped3A : memref<!tpu.dma_semaphore, #tpu.memory_space<semaphore_mem>>) src(%dma_wait3A_196 : memref<512xi32, #tpu.memory_space<hbm>>) dst(%arg7 : memref<512xi32, #tpu.memory_space<vmem>>)
      tpu.yield
    }) : () -> ()
    %scan3A = arith.constant 0 : i32
    %scan3A_5 = arith.constant 0 : i32
    %scan3A_6 = arith.constant 32 : i32
    %scan3A_7 = arith.addi %scan3A_5, %scan3A_6 : i32
    %scan3A_8 = arith.constant 1 : i32
    %scan3A_9 = scf.for %scan3A_187 = %scan3A_5 to %scan3A_7 step %scan3A_8 iter_args(%scan3A_188 = %scan3A) -> (i32)  : i32 {
      %mul3A_189 = arith.constant 16 : i32
      %mul3A_190 = arith.muli %scan3A_187, %mul3A_189 : i32
      %get3A = arith.index_cast %mul3A_190 : i32 to index
      %get3A_191 = tpu.vector_load %arg7[%get3A] {strides = array<i32>} : memref<512xi32, #tpu.memory_space<vmem>>, vector<16xi32>,
      %get3A_192 = vector.shape_cast %get3A_191 : vector<16xi32> to vector<16xi32>
      %convert_element_type3A = arith.sitofp %get3A_192 : vector<16xi32> to vector<16xf32>
      %swap3A = arith.index_cast %mul3A_190 : i32 to index
      %swap3A_193 = tpu.vector_load %arg8[%swap3A] {strides = array<i32>} : memref<512xf32, #tpu.memory_space<vmem>>, vector<16xf32>,
      %swap3A_194 = vector.shape_cast %swap3A_193 : vector<16xf32> to vector<16xf32>
      %swap3A_195 = vector.shape_cast %convert_element_type3A : vector<16xf32> to vector<16xf32>
      tpu.vector_store %arg8[%swap3A], %swap3A_195 {strides = array<i32>} : memref<512xf32, #tpu.memory_space<vmem>>, vector<16xf32>,
      %scan3A_196 = arith.constant 0 : i32
      scf.yield %scan3A_196 : i32
    }
    %scan3A_10 = arith.constant 32 : i32
    %scan3A_11 = arith.constant 0 : i32
    %scan3A_12 = arith.constant 0 : i32
    %scan3A_13 = arith.constant 224 : i32
    %scan3A_14 = arith.addi %scan3A_12, %scan3A_13 : i32
    %scan3A_15 = arith.constant 1 : i32
    %scan3A_16 = scf.for %scan3A_187 = %scan3A_12 to %scan3A_14 step %scan3A_15 iter_args(%scan3A_188 = %scan3A_11) -> (i32)  : i32 {
      %broadcast_in_dim3A_189 = arith.constant 0.000000e+00 : f32
      %broadcast_in_dim3A_190 = vector.broadcast %broadcast_in_dim3A_189 : f32 to vector<16xf32>
      %mul3A_191 = arith.constant 16 : i32
      %mul3A_192 = arith.muli %scan3A_187, %mul3A_191 : i32
      %swap3A = arith.index_cast %mul3A_192 : i32 to index
      %swap3A_193 = tpu.vector_load %arg10[%swap3A] {strides = array<i32>} : memref<3584xf32, #tpu.memory_space<vmem>>, vector<16xf32>,
      %swap3A_194 = vector.shape_cast %swap3A_193 : vector<16xf32> to vector<16xf32>
      %swap3A_195 = vector.shape_cast %broadcast_in_dim3A_190 : vector<16xf32> to vector<16xf32>
      tpu.vector_store %arg10[%swap3A], %swap3A_195 {strides = array<i32>} : memref<3584xf32, #tpu.memory_space<vmem>>, vector<16xf32>,
      %scan3A_196 = arith.constant 0 : i32
      scf.yield %scan3A_196 : i32
    }
    %scan3A_17 = arith.constant 224 : i32
    %scan3A_18 = arith.constant 0 : i32
    %scan3A_19 = arith.constant 0 : i32
    %scan3A_20 = arith.constant 16 : i32
    %scan3A_21 = arith.addi %scan3A_19, %scan3A_20 : i32
    %scan3A_22 = arith.constant 1 : i32
    %scan3A_23 = scf.for %scan3A_187 = %scan3A_19 to %scan3A_21 step %scan3A_22 iter_args(%scan3A_188 = %scan3A_18) -> (i32)  : i32 {
      %mul3A_189 = arith.constant 32 : i32
      %mul3A_190 = arith.muli %scan3A_187, %mul3A_189 : i32
      %multiple_of3A = tpu.assume_multiple %mul3A_190, 8 : i32
      %dma_start3A = tpu.memref_slice %arg6[%multiple_of3A] : memref<512xi32, #tpu.memory_space<vmem>> -> memref<32xi32, #tpu.memory_space<vmem>>
      %dma_start3A_191 = arith.constant 0 : i32
      %dma_start3A_192 = arith.constant 0 : i32
      %dma_start3A_193 = tpu.memref_slice %arg4[%dma_start3A_191, %dma_start3A_192] : memref<151936x3584xf32, #tpu.memory_space<hbm>> -> memref<151936x3584xf32, #tpu.memory_space<hbm>>
      tpu.enqueue_indirect_dma source(%dma_start3A_193 : memref<151936x3584xf32, #tpu.memory_space<hbm>>) target(%arg9 : memref<32x3584xf32, #tpu.memory_space<vmem>>) offsets(%dma_start3A : memref<32xi32, #tpu.memory_space<vmem>>) semaphore(%arg11 : memref<!tpu.dma_semaphore, #tpu.memory_space<semaphore_mem>>)
      %dma_wait3A = tpu.memref_slice %arg6[%multiple_of3A] : memref<512xi32, #tpu.memory_space<vmem>> -> memref<32xi32, #tpu.memory_space<vmem>>
      %dma_wait3A_194 = arith.constant 0 : i32
      %dma_wait3A_195 = arith.constant 0 : i32
      %dma_wait3A_196 = tpu.memref_slice %arg4[%dma_wait3A_194, %dma_wait3A_195] : memref<151936x3584xf32, #tpu.memory_space<hbm>> -> memref<151936x3584xf32, #tpu.memory_space<hbm>>
      tpu.wait_indirect_dma semaphore(%arg11 : memref<!tpu.dma_semaphore, #tpu.memory_space<semaphore_mem>>) src(%dma_wait3A_196 : memref<151936x3584xf32, #tpu.memory_space<hbm>>) dst(%arg9 : memref<32x3584xf32, #tpu.memory_space<vmem>>)
      %scan3A_197 = arith.constant 0 : i32
      %scan3A_198 = arith.constant 0 : i32
      %scan3A_199 = arith.constant 28 : i32
      %scan3A_200 = arith.addi %scan3A_198, %scan3A_199 : i32
      %scan3A_201 = arith.constant 1 : i32
      %scan3A_202 = scf.for %scan3A_205 = %scan3A_198 to %scan3A_200 step %scan3A_201 iter_args(%scan3A_206 = %scan3A_197) -> (i32)  : i32 {
        %mul3A_207 = arith.constant 8 : i32
        %mul3A_208 = arith.muli %scan3A_205, %mul3A_207 : i32
        %mul3A_209 = arith.constant 16 : i32
        %mul3A_210 = arith.muli %mul3A_208, %mul3A_209 : i32
        %add3A_211 = arith.constant 0 : i32
        %add3A_212 = arith.addi %mul3A_210, %add3A_211 : i32
        %get3A = arith.index_cast %add3A_212 : i32 to index
        %get3A_213 = tpu.vector_load %arg10[%get3A] {strides = array<i32>} : memref<3584xf32, #tpu.memory_space<vmem>>, vector<16xf32>,
        %get3A_214 = vector.shape_cast %get3A_213 : vector<16xf32> to vector<16xf32>
        %add3A_215 = arith.constant 16 : i32
        %add3A_216 = arith.addi %mul3A_210, %add3A_215 : i32
        %get3A_217 = arith.index_cast %add3A_216 : i32 to index
        %get3A_218 = tpu.vector_load %arg10[%get3A_217] {strides = array<i32>} : memref<3584xf32, #tpu.memory_space<vmem>>, vector<16xf32>,
        %get3A_219 = vector.shape_cast %get3A_218 : vector<16xf32> to vector<16xf32>
        %add3A_220 = arith.constant 32 : i32
        %add3A_221 = arith.addi %mul3A_210, %add3A_220 : i32
        %get3A_222 = arith.index_cast %add3A_221 : i32 to index
        %get3A_223 = tpu.vector_load %arg10[%get3A_222] {strides = array<i32>} : memref<3584xf32, #tpu.memory_space<vmem>>, vector<16xf32>,
        %get3A_224 = vector.shape_cast %get3A_223 : vector<16xf32> to vector<16xf32>
        %add3A_225 = arith.constant 48 : i32
        %add3A_226 = arith.addi %mul3A_210, %add3A_225 : i32
        %get3A_227 = arith.index_cast %add3A_226 : i32 to index
        %get3A_228 = tpu.vector_load %arg10[%get3A_227] {strides = array<i32>} : memref<3584xf32, #tpu.memory_space<vmem>>, vector<16xf32>,
        %get3A_229 = vector.shape_cast %get3A_228 : vector<16xf32> to vector<16xf32>
        %add3A_230 = arith.constant 64 : i32
        %add3A_231 = arith.addi %mul3A_210, %add3A_230 : i32
        %get3A_232 = arith.index_cast %add3A_231 : i32 to index
        %get3A_233 = tpu.vector_load %arg10[%get3A_232] {strides = array<i32>} : memref<3584xf32, #tpu.memory_space<vmem>>, vector<16xf32>,
        %get3A_234 = vector.shape_cast %get3A_233 : vector<16xf32> to vector<16xf32>
        %add3A_235 = arith.constant 80 : i32
        %add3A_236 = arith.addi %mul3A_210, %add3A_235 : i32
        %get3A_237 = arith.index_cast %add3A_236 : i32 to index
        %get3A_238 = tpu.vector_load %arg10[%get3A_237] {strides = array<i32>} : memref<3584xf32, #tpu.memory_space<vmem>>, vector<16xf32>,
        %get3A_239 = vector.shape_cast %get3A_238 : vector<16xf32> to vector<16xf32>
        %add3A_240 = arith.constant 96 : i32
        %add3A_241 = arith.addi %mul3A_210, %add3A_240 : i32
        %get3A_242 = arith.index_cast %add3A_241 : i32 to index
        %get3A_243 = tpu.vector_load %arg10[%get3A_242] {strides = array<i32>} : memref<3584xf32, #tpu.memory_space<vmem>>, vector<16xf32>,
        %get3A_244 = vector.shape_cast %get3A_243 : vector<16xf32> to vector<16xf32>
        %add3A_245 = arith.constant 112 : i32
        %add3A_246 = arith.addi %mul3A_210, %add3A_245 : i32
        %get3A_247 = arith.index_cast %add3A_246 : i32 to index
        %get3A_248 = tpu.vector_load %arg10[%get3A_247] {strides = array<i32>} : memref<3584xf32, #tpu.memory_space<vmem>>, vector<16xf32>,
        %get3A_249 = vector.shape_cast %get3A_248 : vector<16xf32> to vector<16xf32>
        %scan3A_250 = arith.constant 0 : i32
        %scan3A_251 = arith.constant 2 : i32
        %scan3A_252 = arith.addi %scan3A_250, %scan3A_251 : i32
        %scan3A_253 = arith.constant 1 : i32
        %scan3A_254:8 = scf.for %scan3A_304 = %scan3A_250 to %scan3A_252 step %scan3A_253 iter_args(%scan3A_305 = %get3A_214, %scan3A_306 = %get3A_219, %scan3A_307 = %get3A_224, %scan3A_308 = %get3A_229, %scan3A_309 = %get3A_234, %scan3A_310 = %get3A_239, %scan3A_311 = %get3A_244, %scan3A_312 = %get3A_249) -> (vector<16xf32>, vector<16xf32>, vector<16xf32>, vector<16xf32>, vector<16xf32>, vector<16xf32>, vector<16xf32>, vector<16xf32>)  : i32 {
          %mul3A_313 = arith.constant 16 : i32
          %mul3A_314 = arith.muli %scan3A_304, %mul3A_313 : i32
          %add3A_315 = arith.addi %multiple_of3A, %mul3A_314 : i32
          %get3A_316 = arith.index_cast %add3A_315 : i32 to index
          %get3A_317 = tpu.vector_load %arg8[%get3A_316] {strides = array<i32>} : memref<512xf32, #tpu.memory_space<vmem>>, vector<16xf32>,
          %get3A_318 = vector.shape_cast %get3A_317 : vector<16xf32> to vector<16xf32>
          %mul3A_319 = arith.constant 16 : i32
          %mul3A_320 = arith.muli %scan3A_304, %mul3A_319 : i32
          %add3A_321 = arith.constant 0 : i32
          %add3A_322 = arith.addi %mul3A_320, %add3A_321 : i32
          %slice3A_323 = vector.extract_strided_slice %get3A_318 {offsets = [0], sizes = [1], strides = [1]} : vector<16xf32> to vector<1xf32>
          %squeeze3A_324 = vector.extract %slice3A_323[0] : f32 from vector<1xf32>
          %add3A_325 = arith.constant 0 : i32
          %add3A_326 = arith.addi %mul3A_210, %add3A_325 : i32
          %get3A_327 = arith.index_cast %add3A_322 : i32 to index
          %get3A_328 = arith.index_cast %add3A_326 : i32 to index
          %get3A_329 = tpu.vector_load %arg9[%get3A_327, %get3A_328] {strides = array<i32>} : memref<32x3584xf32, #tpu.memory_space<vmem>>, vector<1x16xf32>,
          %get3A_330 = vector.shape_cast %get3A_329 : vector<1x16xf32> to vector<16xf32>
          %mul3A_331 = vector.broadcast %squeeze3A_324 : f32 to vector<16xf32>
          %mul3A_332 = arith.mulf %get3A_330, %mul3A_331 : vector<16xf32>
          %add3A_333 = arith.addf %scan3A_305, %mul3A_332 : vector<16xf32>
          %add3A_334 = arith.constant 16 : i32
          %add3A_335 = arith.addi %mul3A_210, %add3A_334 : i32
          %get3A_336 = arith.index_cast %add3A_322 : i32 to index
          %get3A_337 = arith.index_cast %add3A_335 : i32 to index
          %get3A_338 = tpu.vector_load %arg9[%get3A_336, %get3A_337] {strides = array<i32>} : memref<32x3584xf32, #tpu.memory_space<vmem>>, vector<1x16xf32>,
          %get3A_339 = vector.shape_cast %get3A_338 : vector<1x16xf32> to vector<16xf32>
          %mul3A_340 = vector.broadcast %squeeze3A_324 : f32 to vector<16xf32>
          %mul3A_341 = arith.mulf %get3A_339, %mul3A_340 : vector<16xf32>
          %add3A_342 = arith.addf %scan3A_306, %mul3A_341 : vector<16xf32>
          %add3A_343 = arith.constant 32 : i32
          %add3A_344 = arith.addi %mul3A_210, %add3A_343 : i32
          %get3A_345 = arith.index_cast %add3A_322 : i32 to index
          %get3A_346 = arith.index_cast %add3A_344 : i32 to index
          %get3A_347 = tpu.vector_load %arg9[%get3A_345, %get3A_346] {strides = array<i32>} : memref<32x3584xf32, #tpu.memory_space<vmem>>, vector<1x16xf32>,
          %get3A_348 = vector.shape_cast %get3A_347 : vector<1x16xf32> to vector<16xf32>
          %mul3A_349 = vector.broadcast %squeeze3A_324 : f32 to vector<16xf32>
          %mul3A_350 = arith.mulf %get3A_348, %mul3A_349 : vector<16xf32>
          %add3A_351 = arith.addf %scan3A_307, %mul3A_350 : vector<16xf32>
          %add3A_352 = arith.constant 48 : i32
          %add3A_353 = arith.addi %mul3A_210, %add3A_352 : i32
          %get3A_354 = arith.index_cast %add3A_322 : i32 to index
          %get3A_355 = arith.index_cast %add3A_353 : i32 to index
          %get3A_356 = tpu.vector_load %arg9[%get3A_354, %get3A_355] {strides = array<i32>} : memref<32x3584xf32, #tpu.memory_space<vmem>>, vector<1x16xf32>,
          %get3A_357 = vector.shape_cast %get3A_356 : vector<1x16xf32> to vector<16xf32>
          %mul3A_358 = vector.broadcast %squeeze3A_324 : f32 to vector<16xf32>
          %mul3A_359 = arith.mulf %get3A_357, %mul3A_358 : vector<16xf32>
          %add3A_360 = arith.addf %scan3A_308, %mul3A_359 : vector<16xf32>
          %add3A_361 = arith.constant 64 : i32
          %add3A_362 = arith.addi %mul3A_210, %add3A_361 : i32
          %get3A_363 = arith.index_cast %add3A_322 : i32 to index
          %get3A_364 = arith.index_cast %add3A_362 : i32 to index
          %get3A_365 = tpu.vector_load %arg9[%get3A_363, %get3A_364] {strides = array<i32>} : memref<32x3584xf32, #tpu.memory_space<vmem>>, vector<1x16xf32>,
          %get3A_366 = vector.shape_cast %get3A_365 : vector<1x16xf32> to vector<16xf32>
          %mul3A_367 = vector.broadcast %squeeze3A_324 : f32 to vector<16xf32>
          %mul3A_368 = arith.mulf %get3A_366, %mul3A_367 : vector<16xf32>
          %add3A_369 = arith.addf %scan3A_309, %mul3A_368 : vector<16xf32>
          %add3A_370 = arith.constant 80 : i32
          %add3A_371 = arith.addi %mul3A_210, %add3A_370 : i32
          %get3A_372 = arith.index_cast %add3A_322 : i32 to index
          %get3A_373 = arith.index_cast %add3A_371 : i32 to index
          %get3A_374 = tpu.vector_load %arg9[%get3A_372, %get3A_373] {strides = array<i32>} : memref<32x3584xf32, #tpu.memory_space<vmem>>, vector<1x16xf32>,
          %get3A_375 = vector.shape_cast %get3A_374 : vector<1x16xf32> to vector<16xf32>
          %mul3A_376 = vector.broadcast %squeeze3A_324 : f32 to vector<16xf32>
          %mul3A_377 = arith.mulf %get3A_375, %mul3A_376 : vector<16xf32>
          %add3A_378 = arith.addf %scan3A_310, %mul3A_377 : vector<16xf32>
          %add3A_379 = arith.constant 96 : i32
          %add3A_380 = arith.addi %mul3A_210, %add3A_379 : i32
          %get3A_381 = arith.index_cast %add3A_322 : i32 to index
          %get3A_382 = arith.index_cast %add3A_380 : i32 to index
          %get3A_383 = tpu.vector_load %arg9[%get3A_381, %get3A_382] {strides = array<i32>} : memref<32x3584xf32, #tpu.memory_space<vmem>>, vector<1x16xf32>,
          %get3A_384 = vector.shape_cast %get3A_383 : vector<1x16xf32> to vector<16xf32>
          %mul3A_385 = vector.broadcast %squeeze3A_324 : f32 to vector<16xf32>
          %mul3A_386 = arith.mulf %get3A_384, %mul3A_385 : vector<16xf32>
          %add3A_387 = arith.addf %scan3A_311, %mul3A_386 : vector<16xf32>
          %add3A_388 = arith.constant 112 : i32
          %add3A_389 = arith.addi %mul3A_210, %add3A_388 : i32
          %get3A_390 = arith.index_cast %add3A_322 : i32 to index
          %get3A_391 = arith.index_cast %add3A_389 : i32 to index
          %get3A_392 = tpu.vector_load %arg9[%get3A_390, %get3A_391] {strides = array<i32>} : memref<32x3584xf32, #tpu.memory_space<vmem>>, vector<1x16xf32>,
          %get3A_393 = vector.shape_cast %get3A_392 : vector<1x16xf32> to vector<16xf32>
          %mul3A_394 = vector.broadcast %squeeze3A_324 : f32 to vector<16xf32>
          %mul3A_395 = arith.mulf %get3A_393, %mul3A_394 : vector<16xf32>
          %add3A_396 = arith.addf %scan3A_312, %mul3A_395 : vector<16xf32>
          %mul3A_397 = arith.constant 16 : i32
          %mul3A_398 = arith.muli %scan3A_304, %mul3A_397 : i32
          %add3A_399 = arith.constant 1 : i32
          %add3A_400 = arith.addi %mul3A_398, %add3A_399 : i32
          %slice3A_401 = vector.extract_strided_slice %get3A_318 {offsets = [1], sizes = [1], strides = [1]} : vector<16xf32> to vector<1xf32>
          %squeeze3A_402 = vector.extract %slice3A_401[0] : f32 from vector<1xf32>
          %add3A_403 = arith.constant 0 : i32
          %add3A_404 = arith.addi %mul3A_210, %add3A_403 : i32
          %get3A_405 = arith.index_cast %add3A_400 : i32 to index
          %get3A_406 = arith.index_cast %add3A_404 : i32 to index
          %get3A_407 = tpu.vector_load %arg9[%get3A_405, %get3A_406] {strides = array<i32>} : memref<32x3584xf32, #tpu.memory_space<vmem>>, vector<1x16xf32>,
          %get3A_408 = vector.shape_cast %get3A_407 : vector<1x16xf32> to vector<16xf32>
          %mul3A_409 = vector.broadcast %squeeze3A_402 : f32 to vector<16xf32>
          %mul3A_410 = arith.mulf %get3A_408, %mul3A_409 : vector<16xf32>
          %add3A_411 = arith.addf %add3A_333, %mul3A_410 : vector<16xf32>
          %add3A_412 = arith.constant 16 : i32
          %add3A_413 = arith.addi %mul3A_210, %add3A_412 : i32
          %get3A_414 = arith.index_cast %add3A_400 : i32 to index
          %get3A_415 = arith.index_cast %add3A_413 : i32 to index
          %get3A_416 = tpu.vector_load %arg9[%get3A_414, %get3A_415] {strides = array<i32>} : memref<32x3584xf32, #tpu.memory_space<vmem>>, vector<1x16xf32>,
          %get3A_417 = vector.shape_cast %get3A_416 : vector<1x16xf32> to vector<16xf32>
          %mul3A_418 = vector.broadcast %squeeze3A_402 : f32 to vector<16xf32>
          %mul3A_419 = arith.mulf %get3A_417, %mul3A_418 : vector<16xf32>
          %add3A_420 = arith.addf %add3A_342, %mul3A_419 : vector<16xf32>
          %add3A_421 = arith.constant 32 : i32
          %add3A_422 = arith.addi %mul3A_210, %add3A_421 : i32
          %get3A_423 = arith.index_cast %add3A_400 : i32 to index
          %get3A_424 = arith.index_cast %add3A_422 : i32 to index
          %get3A_425 = tpu.vector_load %arg9[%get3A_423, %get3A_424] {strides = array<i32>} : memref<32x3584xf32, #tpu.memory_space<vmem>>, vector<1x16xf32>,
          %get3A_426 = vector.shape_cast %get3A_425 : vector<1x16xf32> to vector<16xf32>
          %mul3A_427 = vector.broadcast %squeeze3A_402 : f32 to vector<16xf32>
          %mul3A_428 = arith.mulf %get3A_426, %mul3A_427 : vector<16xf32>
          %add3A_429 = arith.addf %add3A_351, %mul3A_428 : vector<16xf32>
          %add3A_430 = arith.constant 48 : i32
          %add3A_431 = arith.addi %mul3A_210, %add3A_430 : i32
          %get3A_432 = arith.index_cast %add3A_400 : i32 to index
          %get3A_433 = arith.index_cast %add3A_431 : i32 to index
          %get3A_434 = tpu.vector_load %arg9[%get3A_432, %get3A_433] {strides = array<i32>} : memref<32x3584xf32, #tpu.memory_space<vmem>>, vector<1x16xf32>,
          %get3A_435 = vector.shape_cast %get3A_434 : vector<1x16xf32> to vector<16xf32>
          %mul3A_436 = vector.broadcast %squeeze3A_402 : f32 to vector<16xf32>
          %mul3A_437 = arith.mulf %get3A_435, %mul3A_436 : vector<16xf32>
          %add3A_438 = arith.addf %add3A_360, %mul3A_437 : vector<16xf32>
          %add3A_439 = arith.constant 64 : i32
          %add3A_440 = arith.addi %mul3A_210, %add3A_439 : i32
          %get3A_441 = arith.index_cast %add3A_400 : i32 to index
          %get3A_442 = arith.index_cast %add3A_440 : i32 to index
          %get3A_443 = tpu.vector_load %arg9[%get3A_441, %get3A_442] {strides = array<i32>} : memref<32x3584xf32, #tpu.memory_space<vmem>>, vector<1x16xf32>,
          %get3A_444 = vector.shape_cast %get3A_443 : vector<1x16xf32> to vector<16xf32>
          %mul3A_445 = vector.broadcast %squeeze3A_402 : f32 to vector<16xf32>
          %mul3A_446 = arith.mulf %get3A_444, %mul3A_445 : vector<16xf32>
          %add3A_447 = arith.addf %add3A_369, %mul3A_446 : vector<16xf32>
          %add3A_448 = arith.constant 80 : i32
          %add3A_449 = arith.addi %mul3A_210, %add3A_448 : i32
          %get3A_450 = arith.index_cast %add3A_400 : i32 to index
          %get3A_451 = arith.index_cast %add3A_449 : i32 to index
          %get3A_452 = tpu.vector_load %arg9[%get3A_450, %get3A_451] {strides = array<i32>} : memref<32x3584xf32, #tpu.memory_space<vmem>>, vector<1x16xf32>,
          %get3A_453 = vector.shape_cast %get3A_452 : vector<1x16xf32> to vector<16xf32>
          %mul3A_454 = vector.broadcast %squeeze3A_402 : f32 to vector<16xf32>
          %mul3A_455 = arith.mulf %get3A_453, %mul3A_454 : vector<16xf32>
          %add3A_456 = arith.addf %add3A_378, %mul3A_455 : vector<16xf32>
          %add3A_457 = arith.constant 96 : i32
          %add3A_458 = arith.addi %mul3A_210, %add3A_457 : i32
          %get3A_459 = arith.index_cast %add3A_400 : i32 to index
          %get3A_460 = arith.index_cast %add3A_458 : i32 to index
          %get3A_461 = tpu.vector_load %arg9[%get3A_459, %get3A_460] {strides = array<i32>} : memref<32x3584xf32, #tpu.memory_space<vmem>>, vector<1x16xf32>,
          %get3A_462 = vector.shape_cast %get3A_461 : vector<1x16xf32> to vector<16xf32>
          %mul3A_463 = vector.broadcast %squeeze3A_402 : f32 to vector<16xf32>
          %mul3A_464 = arith.mulf %get3A_462, %mul3A_463 : vector<16xf32>
          %add3A_465 = arith.addf %add3A_387, %mul3A_464 : vector<16xf32>
          %add3A_466 = arith.constant 112 : i32
          %add3A_467 = arith.addi %mul3A_210, %add3A_466 : i32
          %get3A_468 = arith.index_cast %add3A_400 : i32 to index
          %get3A_469 = arith.index_cast %add3A_467 : i32 to index
          %get3A_470 = tpu.vector_load %arg9[%get3A_468, %get3A_469] {strides = array<i32>} : memref<32x3584xf32, #tpu.memory_space<vmem>>, vector<1x16xf32>,
          %get3A_471 = vector.shape_cast %get3A_470 : vector<1x16xf32> to vector<16xf32>
          %mul3A_472 = vector.broadcast %squeeze3A_402 : f32 to vector<16xf32>
          %mul3A_473 = arith.mulf %get3A_471, %mul3A_472 : vector<16xf32>
          %add3A_474 = arith.addf %add3A_396, %mul3A_473 : vector<16xf32>
          %mul3A_475 = arith.constant 16 : i32
          %mul3A_476 = arith.muli %scan3A_304, %mul3A_475 : i32
          %add3A_477 = arith.constant 2 : i32
          %add3A_478 = arith.addi %mul3A_476, %add3A_477 : i32
          %slice3A_479 = vector.extract_strided_slice %get3A_318 {offsets = [2], sizes = [1], strides = [1]} : vector<16xf32> to vector<1xf32>
          %squeeze3A_480 = vector.extract %slice3A_479[0] : f32 from vector<1xf32>
          %add3A_481 = arith.constant 0 : i32
          %add3A_482 = arith.addi %mul3A_210, %add3A_481 : i32
          %get3A_483 = arith.index_cast %add3A_478 : i32 to index
          %get3A_484 = arith.index_cast %add3A_482 : i32 to index
          %get3A_485 = tpu.vector_load %arg9[%get3A_483, %get3A_484] {strides = array<i32>} : memref<32x3584xf32, #tpu.memory_space<vmem>>, vector<1x16xf32>,
          %get3A_486 = vector.shape_cast %get3A_485 : vector<1x16xf32> to vector<16xf32>
          %mul3A_487 = vector.broadcast %squeeze3A_480 : f32 to vector<16xf32>
          %mul3A_488 = arith.mulf %get3A_486, %mul3A_487 : vector<16xf32>
          %add3A_489 = arith.addf %add3A_411, %mul3A_488 : vector<16xf32>
          %add3A_490 = arith.constant 16 : i32
          %add3A_491 = arith.addi %mul3A_210, %add3A_490 : i32
          %get3A_492 = arith.index_cast %add3A_478 : i32 to index
          %get3A_493 = arith.index_cast %add3A_491 : i32 to index
          %get3A_494 = tpu.vector_load %arg9[%get3A_492, %get3A_493] {strides = array<i32>} : memref<32x3584xf32, #tpu.memory_space<vmem>>, vector<1x16xf32>,
          %get3A_495 = vector.shape_cast %get3A_494 : vector<1x16xf32> to vector<16xf32>
          %mul3A_496 = vector.broadcast %squeeze3A_480 : f32 to vector<16xf32>
          %mul3A_497 = arith.mulf %get3A_495, %mul3A_496 : vector<16xf32>
          %add3A_498 = arith.addf %add3A_420, %mul3A_497 : vector<16xf32>
          %add3A_499 = arith.constant 32 : i32
          %add3A_500 = arith.addi %mul3A_210, %add3A_499 : i32
          %get3A_501 = arith.index_cast %add3A_478 : i32 to index
          %get3A_502 = arith.index_cast %add3A_500 : i32 to index
          %get3A_503 = tpu.vector_load %arg9[%get3A_501, %get3A_502] {strides = array<i32>} : memref<32x3584xf32, #tpu.memory_space<vmem>>, vector<1x16xf32>,
          %get3A_504 = vector.shape_cast %get3A_503 : vector<1x16xf32> to vector<16xf32>
          %mul3A_505 = vector.broadcast %squeeze3A_480 : f32 to vector<16xf32>
          %mul3A_506 = arith.mulf %get3A_504, %mul3A_505 : vector<16xf32>
          %add3A_507 = arith.addf %add3A_429, %mul3A_506 : vector<16xf32>
          %add3A_508 = arith.constant 48 : i32
          %add3A_509 = arith.addi %mul3A_210, %add3A_508 : i32
          %get3A_510 = arith.index_cast %add3A_478 : i32 to index
          %get3A_511 = arith.index_cast %add3A_509 : i32 to index
          %get3A_512 = tpu.vector_load %arg9[%get3A_510, %get3A_511] {strides = array<i32>} : memref<32x3584xf32, #tpu.memory_space<vmem>>, vector<1x16xf32>,
          %get3A_513 = vector.shape_cast %get3A_512 : vector<1x16xf32> to vector<16xf32>
          %mul3A_514 = vector.broadcast %squeeze3A_480 : f32 to vector<16xf32>
          %mul3A_515 = arith.mulf %get3A_513, %mul3A_514 : vector<16xf32>
          %add3A_516 = arith.addf %add3A_438, %mul3A_515 : vector<16xf32>
          %add3A_517 = arith.constant 64 : i32
          %add3A_518 = arith.addi %mul3A_210, %add3A_517 : i32
          %get3A_519 = arith.index_cast %add3A_478 : i32 to index
          %get3A_520 = arith.index_cast %add3A_518 : i32 to index
          %get3A_521 = tpu.vector_load %arg9[%get3A_519, %get3A_520] {strides = array<i32>} : memref<32x3584xf32, #tpu.memory_space<vmem>>, vector<1x16xf32>,
          %get3A_522 = vector.shape_cast %get3A_521 : vector<1x16xf32> to vector<16xf32>
          %mul3A_523 = vector.broadcast %squeeze3A_480 : f32 to vector<16xf32>
          %mul3A_524 = arith.mulf %get3A_522, %mul3A_523 : vector<16xf32>
          %add3A_525 = arith.addf %add3A_447, %mul3A_524 : vector<16xf32>
          %add3A_526 = arith.constant 80 : i32
          %add3A_527 = arith.addi %mul3A_210, %add3A_526 : i32
          %get3A_528 = arith.index_cast %add3A_478 : i32 to index
          %get3A_529 = arith.index_cast %add3A_527 : i32 to index
          %get3A_530 = tpu.vector_load %arg9[%get3A_528, %get3A_529] {strides = array<i32>} : memref<32x3584xf32, #tpu.memory_space<vmem>>, vector<1x16xf32>,
          %get3A_531 = vector.shape_cast %get3A_530 : vector<1x16xf32> to vector<16xf32>
          %mul3A_532 = vector.broadcast %squeeze3A_480 : f32 to vector<16xf32>
          %mul3A_533 = arith.mulf %get3A_531, %mul3A_532 : vector<16xf32>
          %add3A_534 = arith.addf %add3A_456, %mul3A_533 : vector<16xf32>
          %add3A_535 = arith.constant 96 : i32
          %add3A_536 = arith.addi %mul3A_210, %add3A_535 : i32
          %get3A_537 = arith.index_cast %add3A_478 : i32 to index
          %get3A_538 = arith.index_cast %add3A_536 : i32 to index
          %get3A_539 = tpu.vector_load %arg9[%get3A_537, %get3A_538] {strides = array<i32>} : memref<32x3584xf32, #tpu.memory_space<vmem>>, vector<1x16xf32>,
          %get3A_540 = vector.shape_cast %get3A_539 : vector<1x16xf32> to vector<16xf32>
          %mul3A_541 = vector.broadcast %squeeze3A_480 : f32 to vector<16xf32>
          %mul3A_542 = arith.mulf %get3A_540, %mul3A_541 : vector<16xf32>
          %add3A_543 = arith.addf %add3A_465, %mul3A_542 : vector<16xf32>
          %add3A_544 = arith.constant 112 : i32
          %add3A_545 = arith.addi %mul3A_210, %add3A_544 : i32
          %get3A_546 = arith.index_cast %add3A_478 : i32 to index
          %get3A_547 = arith.index_cast %add3A_545 : i32 to index
          %get3A_548 = tpu.vector_load %arg9[%get3A_546, %get3A_547] {strides = array<i32>} : memref<32x3584xf32, #tpu.memory_space<vmem>>, vector<1x16xf32>,
          %get3A_549 = vector.shape_cast %get3A_548 : vector<1x16xf32> to vector<16xf32>
          %mul3A_550 = vector.broadcast %squeeze3A_480 : f32 to vector<16xf32>
          %mul3A_551 = arith.mulf %get3A_549, %mul3A_550 : vector<16xf32>
          %add3A_552 = arith.addf %add3A_474, %mul3A_551 : vector<16xf32>
          %mul3A_553 = arith.constant 16 : i32
          %mul3A_554 = arith.muli %scan3A_304, %mul3A_553 : i32
          %add3A_555 = arith.constant 3 : i32
          %add3A_556 = arith.addi %mul3A_554, %add3A_555 : i32
          %slice3A_557 = vector.extract_strided_slice %get3A_318 {offsets = [3], sizes = [1], strides = [1]} : vector<16xf32> to vector<1xf32>
          %squeeze3A_558 = vector.extract %slice3A_557[0] : f32 from vector<1xf32>
          %add3A_559 = arith.constant 0 : i32
          %add3A_560 = arith.addi %mul3A_210, %add3A_559 : i32
          %get3A_561 = arith.index_cast %add3A_556 : i32 to index
          %get3A_562 = arith.index_cast %add3A_560 : i32 to index
          %get3A_563 = tpu.vector_load %arg9[%get3A_561, %get3A_562] {strides = array<i32>} : memref<32x3584xf32, #tpu.memory_space<vmem>>, vector<1x16xf32>,
          %get3A_564 = vector.shape_cast %get3A_563 : vector<1x16xf32> to vector<16xf32>
          %mul3A_565 = vector.broadcast %squeeze3A_558 : f32 to vector<16xf32>
          %mul3A_566 = arith.mulf %get3A_564, %mul3A_565 : vector<16xf32>
          %add3A_567 = arith.addf %add3A_489, %mul3A_566 : vector<16xf32>
          %add3A_568 = arith.constant 16 : i32
          %add3A_569 = arith.addi %mul3A_210, %add3A_568 : i32
          %get3A_570 = arith.index_cast %add3A_556 : i32 to index
          %get3A_571 = arith.index_cast %add3A_569 : i32 to index
          %get3A_572 = tpu.vector_load %arg9[%get3A_570, %get3A_571] {strides = array<i32>} : memref<32x3584xf32, #tpu.memory_space<vmem>>, vector<1x16xf32>,
          %get3A_573 = vector.shape_cast %get3A_572 : vector<1x16xf32> to vector<16xf32>
          %mul3A_574 = vector.broadcast %squeeze3A_558 : f32 to vector<16xf32>
          %mul3A_575 = arith.mulf %get3A_573, %mul3A_574 : vector<16xf32>
          %add3A_576 = arith.addf %add3A_498, %mul3A_575 : vector<16xf32>
          %add3A_577 = arith.constant 32 : i32
          %add3A_578 = arith.addi %mul3A_210, %add3A_577 : i32
          %get3A_579 = arith.index_cast %add3A_556 : i32 to index
          %get3A_580 = arith.index_cast %add3A_578 : i32 to index
          %get3A_581 = tpu.vector_load %arg9[%get3A_579, %get3A_580] {strides = array<i32>} : memref<32x3584xf32, #tpu.memory_space<vmem>>, vector<1x16xf32>,
          %get3A_582 = vector.shape_cast %get3A_581 : vector<1x16xf32> to vector<16xf32>
          %mul3A_583 = vector.broadcast %squeeze3A_558 : f32 to vector<16xf32>
          %mul3A_584 = arith.mulf %get3A_582, %mul3A_583 : vector<16xf32>
          %add3A_585 = arith.addf %add3A_507, %mul3A_584 : vector<16xf32>
          %add3A_586 = arith.constant 48 : i32
          %add3A_587 = arith.addi %mul3A_210, %add3A_586 : i32
          %get3A_588 = arith.index_cast %add3A_556 : i32 to index
          %get3A_589 = arith.index_cast %add3A_587 : i32 to index
          %get3A_590 = tpu.vector_load %arg9[%get3A_588, %get3A_589] {strides = array<i32>} : memref<32x3584xf32, #tpu.memory_space<vmem>>, vector<1x16xf32>,
          %get3A_591 = vector.shape_cast %get3A_590 : vector<1x16xf32> to vector<16xf32>
          %mul3A_592 = vector.broadcast %squeeze3A_558 : f32 to vector<16xf32>
          %mul3A_593 = arith.mulf %get3A_591, %mul3A_592 : vector<16xf32>
          %add3A_594 = arith.addf %add3A_516, %mul3A_593 : vector<16xf32>
          %add3A_595 = arith.constant 64 : i32
          %add3A_596 = arith.addi %mul3A_210, %add3A_595 : i32
          %get3A_597 = arith.index_cast %add3A_556 : i32 to index
          %get3A_598 = arith.index_cast %add3A_596 : i32 to index
          %get3A_599 = tpu.vector_load %arg9[%get3A_597, %get3A_598] {strides = array<i32>} : memref<32x3584xf32, #tpu.memory_space<vmem>>, vector<1x16xf32>,
          %get3A_600 = vector.shape_cast %get3A_599 : vector<1x16xf32> to vector<16xf32>
          %mul3A_601 = vector.broadcast %squeeze3A_558 : f32 to vector<16xf32>
          %mul3A_602 = arith.mulf %get3A_600, %mul3A_601 : vector<16xf32>
          %add3A_603 = arith.addf %add3A_525, %mul3A_602 : vector<16xf32>
          %add3A_604 = arith.constant 80 : i32
          %add3A_605 = arith.addi %mul3A_210, %add3A_604 : i32
          %get3A_606 = arith.index_cast %add3A_556 : i32 to index
          %get3A_607 = arith.index_cast %add3A_605 : i32 to index
          %get3A_608 = tpu.vector_load %arg9[%get3A_606, %get3A_607] {strides = array<i32>} : memref<32x3584xf32, #tpu.memory_space<vmem>>, vector<1x16xf32>,
          %get3A_609 = vector.shape_cast %get3A_608 : vector<1x16xf32> to vector<16xf32>
          %mul3A_610 = vector.broadcast %squeeze3A_558 : f32 to vector<16xf32>
          %mul3A_611 = arith.mulf %get3A_609, %mul3A_610 : vector<16xf32>
          %add3A_612 = arith.addf %add3A_534, %mul3A_611 : vector<16xf32>
          %add3A_613 = arith.constant 96 : i32
          %add3A_614 = arith.addi %mul3A_210, %add3A_613 : i32
          %get3A_615 = arith.index_cast %add3A_556 : i32 to index
          %get3A_616 = arith.index_cast %add3A_614 : i32 to index
          %get3A_617 = tpu.vector_load %arg9[%get3A_615, %get3A_616] {strides = array<i32>} : memref<32x3584xf32, #tpu.memory_space<vmem>>, vector<1x16xf32>,
          %get3A_618 = vector.shape_cast %get3A_617 : vector<1x16xf32> to vector<16xf32>
          %mul3A_619 = vector.broadcast %squeeze3A_558 : f32 to vector<16xf32>
          %mul3A_620 = arith.mulf %get3A_618, %mul3A_619 : vector<16xf32>
          %add3A_621 = arith.addf %add3A_543, %mul3A_620 : vector<16xf32>
          %add3A_622 = arith.constant 112 : i32
          %add3A_623 = arith.addi %mul3A_210, %add3A_622 : i32
          %get3A_624 = arith.index_cast %add3A_556 : i32 to index
          %get3A_625 = arith.index_cast %add3A_623 : i32 to index
          %get3A_626 = tpu.vector_load %arg9[%get3A_624, %get3A_625] {strides = array<i32>} : memref<32x3584xf32, #tpu.memory_space<vmem>>, vector<1x16xf32>,
          %get3A_627 = vector.shape_cast %get3A_626 : vector<1x16xf32> to vector<16xf32>
          %mul3A_628 = vector.broadcast %squeeze3A_558 : f32 to vector<16xf32>
          %mul3A_629 = arith.mulf %get3A_627, %mul3A_628 : vector<16xf32>
          %add3A_630 = arith.addf %add3A_552, %mul3A_629 : vector<16xf32>
          %mul3A_631 = arith.constant 16 : i32
          %mul3A_632 = arith.muli %scan3A_304, %mul3A_631 : i32
          %add3A_633 = arith.constant 4 : i32
          %add3A_634 = arith.addi %mul3A_632, %add3A_633 : i32
          %slice3A_635 = vector.extract_strided_slice %get3A_318 {offsets = [4], sizes = [1], strides = [1]} : vector<16xf32> to vector<1xf32>
          %squeeze3A_636 = vector.extract %slice3A_635[0] : f32 from vector<1xf32>
          %add3A_637 = arith.constant 0 : i32
          %add3A_638 = arith.addi %mul3A_210, %add3A_637 : i32
          %get3A_639 = arith.index_cast %add3A_634 : i32 to index
          %get3A_640 = arith.index_cast %add3A_638 : i32 to index
          %get3A_641 = tpu.vector_load %arg9[%get3A_639, %get3A_640] {strides = array<i32>} : memref<32x3584xf32, #tpu.memory_space<vmem>>, vector<1x16xf32>,
          %get3A_642 = vector.shape_cast %get3A_641 : vector<1x16xf32> to vector<16xf32>
          %mul3A_643 = vector.broadcast %squeeze3A_636 : f32 to vector<16xf32>
          %mul3A_644 = arith.mulf %get3A_642, %mul3A_643 : vector<16xf32>
          %add3A_645 = arith.addf %add3A_567, %mul3A_644 : vector<16xf32>
          %add3A_646 = arith.constant 16 : i32
          %add3A_647 = arith.addi %mul3A_210, %add3A_646 : i32
          %get3A_648 = arith.index_cast %add3A_634 : i32 to index
          %get3A_649 = arith.index_cast %add3A_647 : i32 to index
          %get3A_650 = tpu.vector_load %arg9[%get3A_648, %get3A_649] {strides = array<i32>} : memref<32x3584xf32, #tpu.memory_space<vmem>>, vector<1x16xf32>,
          %get3A_651 = vector.shape_cast %get3A_650 : vector<1x16xf32> to vector<16xf32>
          %mul3A_652 = vector.broadcast %squeeze3A_636 : f32 to vector<16xf32>
          %mul3A_653 = arith.mulf %get3A_651, %mul3A_652 : vector<16xf32>
          %add3A_654 = arith.addf %add3A_576, %mul3A_653 : vector<16xf32>
          %add3A_655 = arith.constant 32 : i32
          %add3A_656 = arith.addi %mul3A_210, %add3A_655 : i32
          %get3A_657 = arith.index_cast %add3A_634 : i32 to index
          %get3A_658 = arith.index_cast %add3A_656 : i32 to index
          %get3A_659 = tpu.vector_load %arg9[%get3A_657, %get3A_658] {strides = array<i32>} : memref<32x3584xf32, #tpu.memory_space<vmem>>, vector<1x16xf32>,
          %get3A_660 = vector.shape_cast %get3A_659 : vector<1x16xf32> to vector<16xf32>
          %mul3A_661 = vector.broadcast %squeeze3A_636 : f32 to vector<16xf32>
          %mul3A_662 = arith.mulf %get3A_660, %mul3A_661 : vector<16xf32>
          %add3A_663 = arith.addf %add3A_585, %mul3A_662 : vector<16xf32>
          %add3A_664 = arith.constant 48 : i32
          %add3A_665 = arith.addi %mul3A_210, %add3A_664 : i32
          %get3A_666 = arith.index_cast %add3A_634 : i32 to index
          %get3A_667 = arith.index_cast %add3A_665 : i32 to index
          %get3A_668 = tpu.vector_load %arg9[%get3A_666, %get3A_667] {strides = array<i32>} : memref<32x3584xf32, #tpu.memory_space<vmem>>, vector<1x16xf32>,
          %get3A_669 = vector.shape_cast %get3A_668 : vector<1x16xf32> to vector<16xf32>
          %mul3A_670 = vector.broadcast %squeeze3A_636 : f32 to vector<16xf32>
          %mul3A_671 = arith.mulf %get3A_669, %mul3A_670 : vector<16xf32>
          %add3A_672 = arith.addf %add3A_594, %mul3A_671 : vector<16xf32>
          %add3A_673 = arith.constant 64 : i32
          %add3A_674 = arith.addi %mul3A_210, %add3A_673 : i32
          %get3A_675 = arith.index_cast %add3A_634 : i32 to index
          %get3A_676 = arith.index_cast %add3A_674 : i32 to index
          %get3A_677 = tpu.vector_load %arg9[%get3A_675, %get3A_676] {strides = array<i32>} : memref<32x3584xf32, #tpu.memory_space<vmem>>, vector<1x16xf32>,
          %get3A_678 = vector.shape_cast %get3A_677 : vector<1x16xf32> to vector<16xf32>
          %mul3A_679 = vector.broadcast %squeeze3A_636 : f32 to vector<16xf32>
          %mul3A_680 = arith.mulf %get3A_678, %mul3A_679 : vector<16xf32>
          %add3A_681 = arith.addf %add3A_603, %mul3A_680 : vector<16xf32>
          %add3A_682 = arith.constant 80 : i32
          %add3A_683 = arith.addi %mul3A_210, %add3A_682 : i32
          %get3A_684 = arith.index_cast %add3A_634 : i32 to index
          %get3A_685 = arith.index_cast %add3A_683 : i32 to index
          %get3A_686 = tpu.vector_load %arg9[%get3A_684, %get3A_685] {strides = array<i32>} : memref<32x3584xf32, #tpu.memory_space<vmem>>, vector<1x16xf32>,
          %get3A_687 = vector.shape_cast %get3A_686 : vector<1x16xf32> to vector<16xf32>
          %mul3A_688 = vector.broadcast %squeeze3A_636 : f32 to vector<16xf32>
          %mul3A_689 = arith.mulf %get3A_687, %mul3A_688 : vector<16xf32>
          %add3A_690 = arith.addf %add3A_612, %mul3A_689 : vector<16xf32>
          %add3A_691 = arith.constant 96 : i32
          %add3A_692 = arith.addi %mul3A_210, %add3A_691 : i32
          %get3A_693 = arith.index_cast %add3A_634 : i32 to index
          %get3A_694 = arith.index_cast %add3A_692 : i32 to index
          %get3A_695 = tpu.vector_load %arg9[%get3A_693, %get3A_694] {strides = array<i32>} : memref<32x3584xf32, #tpu.memory_space<vmem>>, vector<1x16xf32>,
          %get3A_696 = vector.shape_cast %get3A_695 : vector<1x16xf32> to vector<16xf32>
          %mul3A_697 = vector.broadcast %squeeze3A_636 : f32 to vector<16xf32>
          %mul3A_698 = arith.mulf %get3A_696, %mul3A_697 : vector<16xf32>
          %add3A_699 = arith.addf %add3A_621, %mul3A_698 : vector<16xf32>
          %add3A_700 = arith.constant 112 : i32
          %add3A_701 = arith.addi %mul3A_210, %add3A_700 : i32
          %get3A_702 = arith.index_cast %add3A_634 : i32 to index
          %get3A_703 = arith.index_cast %add3A_701 : i32 to index
          %get3A_704 = tpu.vector_load %arg9[%get3A_702, %get3A_703] {strides = array<i32>} : memref<32x3584xf32, #tpu.memory_space<vmem>>, vector<1x16xf32>,
          %get3A_705 = vector.shape_cast %get3A_704 : vector<1x16xf32> to vector<16xf32>
          %mul3A_706 = vector.broadcast %squeeze3A_636 : f32 to vector<16xf32>
          %mul3A_707 = arith.mulf %get3A_705, %mul3A_706 : vector<16xf32>
          %add3A_708 = arith.addf %add3A_630, %mul3A_707 : vector<16xf32>
          %mul3A_709 = arith.constant 16 : i32
          %mul3A_710 = arith.muli %scan3A_304, %mul3A_709 : i32
          %add3A_711 = arith.constant 5 : i32
          %add3A_712 = arith.addi %mul3A_710, %add3A_711 : i32
          %slice3A_713 = vector.extract_strided_slice %get3A_318 {offsets = [5], sizes = [1], strides = [1]} : vector<16xf32> to vector<1xf32>
          %squeeze3A_714 = vector.extract %slice3A_713[0] : f32 from vector<1xf32>
          %add3A_715 = arith.constant 0 : i32
          %add3A_716 = arith.addi %mul3A_210, %add3A_715 : i32
          %get3A_717 = arith.index_cast %add3A_712 : i32 to index
          %get3A_718 = arith.index_cast %add3A_716 : i32 to index
          %get3A_719 = tpu.vector_load %arg9[%get3A_717, %get3A_718] {strides = array<i32>} : memref<32x3584xf32, #tpu.memory_space<vmem>>, vector<1x16xf32>,
          %get3A_720 = vector.shape_cast %get3A_719 : vector<1x16xf32> to vector<16xf32>
          %mul3A_721 = vector.broadcast %squeeze3A_714 : f32 to vector<16xf32>
          %mul3A_722 = arith.mulf %get3A_720, %mul3A_721 : vector<16xf32>
          %add3A_723 = arith.addf %add3A_645, %mul3A_722 : vector<16xf32>
          %add3A_724 = arith.constant 16 : i32
          %add3A_725 = arith.addi %mul3A_210, %add3A_724 : i32
          %get3A_726 = arith.index_cast %add3A_712 : i32 to index
          %get3A_727 = arith.index_cast %add3A_725 : i32 to index
          %get3A_728 = tpu.vector_load %arg9[%get3A_726, %get3A_727] {strides = array<i32>} : memref<32x3584xf32, #tpu.memory_space<vmem>>, vector<1x16xf32>,
          %get3A_729 = vector.shape_cast %get3A_728 : vector<1x16xf32> to vector<16xf32>
          %mul3A_730 = vector.broadcast %squeeze3A_714 : f32 to vector<16xf32>
          %mul3A_731 = arith.mulf %get3A_729, %mul3A_730 : vector<16xf32>
          %add3A_732 = arith.addf %add3A_654, %mul3A_731 : vector<16xf32>
          %add3A_733 = arith.constant 32 : i32
          %add3A_734 = arith.addi %mul3A_210, %add3A_733 : i32
          %get3A_735 = arith.index_cast %add3A_712 : i32 to index
          %get3A_736 = arith.index_cast %add3A_734 : i32 to index
          %get3A_737 = tpu.vector_load %arg9[%get3A_735, %get3A_736] {strides = array<i32>} : memref<32x3584xf32, #tpu.memory_space<vmem>>, vector<1x16xf32>,
          %get3A_738 = vector.shape_cast %get3A_737 : vector<1x16xf32> to vector<16xf32>
          %mul3A_739 = vector.broadcast %squeeze3A_714 : f32 to vector<16xf32>
          %mul3A_740 = arith.mulf %get3A_738, %mul3A_739 : vector<16xf32>
          %add3A_741 = arith.addf %add3A_663, %mul3A_740 : vector<16xf32>
          %add3A_742 = arith.constant 48 : i32
          %add3A_743 = arith.addi %mul3A_210, %add3A_742 : i32
          %get3A_744 = arith.index_cast %add3A_712 : i32 to index
          %get3A_745 = arith.index_cast %add3A_743 : i32 to index
          %get3A_746 = tpu.vector_load %arg9[%get3A_744, %get3A_745] {strides = array<i32>} : memref<32x3584xf32, #tpu.memory_space<vmem>>, vector<1x16xf32>,
          %get3A_747 = vector.shape_cast %get3A_746 : vector<1x16xf32> to vector<16xf32>
          %mul3A_748 = vector.broadcast %squeeze3A_714 : f32 to vector<16xf32>
          %mul3A_749 = arith.mulf %get3A_747, %mul3A_748 : vector<16xf32>
          %add3A_750 = arith.addf %add3A_672, %mul3A_749 : vector<16xf32>
          %add3A_751 = arith.constant 64 : i32
          %add3A_752 = arith.addi %mul3A_210, %add3A_751 : i32
          %get3A_753 = arith.index_cast %add3A_712 : i32 to index
          %get3A_754 = arith.index_cast %add3A_752 : i32 to index
          %get3A_755 = tpu.vector_load %arg9[%get3A_753, %get3A_754] {strides = array<i32>} : memref<32x3584xf32, #tpu.memory_space<vmem>>, vector<1x16xf32>,
          %get3A_756 = vector.shape_cast %get3A_755 : vector<1x16xf32> to vector<16xf32>
          %mul3A_757 = vector.broadcast %squeeze3A_714 : f32 to vector<16xf32>
          %mul3A_758 = arith.mulf %get3A_756, %mul3A_757 : vector<16xf32>
          %add3A_759 = arith.addf %add3A_681, %mul3A_758 : vector<16xf32>
          %add3A_760 = arith.constant 80 : i32
          %add3A_761 = arith.addi %mul3A_210, %add3A_760 : i32
          %get3A_762 = arith.index_cast %add3A_712 : i32 to index
          %get3A_763 = arith.index_cast %add3A_761 : i32 to index
          %get3A_764 = tpu.vector_load %arg9[%get3A_762, %get3A_763] {strides = array<i32>} : memref<32x3584xf32, #tpu.memory_space<vmem>>, vector<1x16xf32>,
          %get3A_765 = vector.shape_cast %get3A_764 : vector<1x16xf32> to vector<16xf32>
          %mul3A_766 = vector.broadcast %squeeze3A_714 : f32 to vector<16xf32>
          %mul3A_767 = arith.mulf %get3A_765, %mul3A_766 : vector<16xf32>
          %add3A_768 = arith.addf %add3A_690, %mul3A_767 : vector<16xf32>
          %add3A_769 = arith.constant 96 : i32
          %add3A_770 = arith.addi %mul3A_210, %add3A_769 : i32
          %get3A_771 = arith.index_cast %add3A_712 : i32 to index
          %get3A_772 = arith.index_cast %add3A_770 : i32 to index
          %get3A_773 = tpu.vector_load %arg9[%get3A_771, %get3A_772] {strides = array<i32>} : memref<32x3584xf32, #tpu.memory_space<vmem>>, vector<1x16xf32>,
          %get3A_774 = vector.shape_cast %get3A_773 : vector<1x16xf32> to vector<16xf32>
          %mul3A_775 = vector.broadcast %squeeze3A_714 : f32 to vector<16xf32>
          %mul3A_776 = arith.mulf %get3A_774, %mul3A_775 : vector<16xf32>
          %add3A_777 = arith.addf %add3A_699, %mul3A_776 : vector<16xf32>
          %add3A_778 = arith.constant 112 : i32
          %add3A_779 = arith.addi %mul3A_210, %add3A_778 : i32
          %get3A_780 = arith.index_cast %add3A_712 : i32 to index
          %get3A_781 = arith.index_cast %add3A_779 : i32 to index
          %get3A_782 = tpu.vector_load %arg9[%get3A_780, %get3A_781] {strides = array<i32>} : memref<32x3584xf32, #tpu.memory_space<vmem>>, vector<1x16xf32>,
          %get3A_783 = vector.shape_cast %get3A_782 : vector<1x16xf32> to vector<16xf32>
          %mul3A_784 = vector.broadcast %squeeze3A_714 : f32 to vector<16xf32>
          %mul3A_785 = arith.mulf %get3A_783, %mul3A_784 : vector<16xf32>
          %add3A_786 = arith.addf %add3A_708, %mul3A_785 : vector<16xf32>
          %mul3A_787 = arith.constant 16 : i32
          %mul3A_788 = arith.muli %scan3A_304, %mul3A_787 : i32
          %add3A_789 = arith.constant 6 : i32
          %add3A_790 = arith.addi %mul3A_788, %add3A_789 : i32
          %slice3A_791 = vector.extract_strided_slice %get3A_318 {offsets = [6], sizes = [1], strides = [1]} : vector<16xf32> to vector<1xf32>
          %squeeze3A_792 = vector.extract %slice3A_791[0] : f32 from vector<1xf32>
          %add3A_793 = arith.constant 0 : i32
          %add3A_794 = arith.addi %mul3A_210, %add3A_793 : i32
          %get3A_795 = arith.index_cast %add3A_790 : i32 to index
          %get3A_796 = arith.index_cast %add3A_794 : i32 to index
          %get3A_797 = tpu.vector_load %arg9[%get3A_795, %get3A_796] {strides = array<i32>} : memref<32x3584xf32, #tpu.memory_space<vmem>>, vector<1x16xf32>,
          %get3A_798 = vector.shape_cast %get3A_797 : vector<1x16xf32> to vector<16xf32>
          %mul3A_799 = vector.broadcast %squeeze3A_792 : f32 to vector<16xf32>
          %mul3A_800 = arith.mulf %get3A_798, %mul3A_799 : vector<16xf32>
          %add3A_801 = arith.addf %add3A_723, %mul3A_800 : vector<16xf32>
          %add3A_802 = arith.constant 16 : i32
          %add3A_803 = arith.addi %mul3A_210, %add3A_802 : i32
          %get3A_804 = arith.index_cast %add3A_790 : i32 to index
          %get3A_805 = arith.index_cast %add3A_803 : i32 to index
          %get3A_806 = tpu.vector_load %arg9[%get3A_804, %get3A_805] {strides = array<i32>} : memref<32x3584xf32, #tpu.memory_space<vmem>>, vector<1x16xf32>,
          %get3A_807 = vector.shape_cast %get3A_806 : vector<1x16xf32> to vector<16xf32>
          %mul3A_808 = vector.broadcast %squeeze3A_792 : f32 to vector<16xf32>
          %mul3A_809 = arith.mulf %get3A_807, %mul3A_808 : vector<16xf32>
          %add3A_810 = arith.addf %add3A_732, %mul3A_809 : vector<16xf32>
          %add3A_811 = arith.constant 32 : i32
          %add3A_812 = arith.addi %mul3A_210, %add3A_811 : i32
          %get3A_813 = arith.index_cast %add3A_790 : i32 to index
          %get3A_814 = arith.index_cast %add3A_812 : i32 to index
          %get3A_815 = tpu.vector_load %arg9[%get3A_813, %get3A_814] {strides = array<i32>} : memref<32x3584xf32, #tpu.memory_space<vmem>>, vector<1x16xf32>,
          %get3A_816 = vector.shape_cast %get3A_815 : vector<1x16xf32> to vector<16xf32>
          %mul3A_817 = vector.broadcast %squeeze3A_792 : f32 to vector<16xf32>
          %mul3A_818 = arith.mulf %get3A_816, %mul3A_817 : vector<16xf32>
          %add3A_819 = arith.addf %add3A_741, %mul3A_818 : vector<16xf32>
          %add3A_820 = arith.constant 48 : i32
          %add3A_821 = arith.addi %mul3A_210, %add3A_820 : i32
          %get3A_822 = arith.index_cast %add3A_790 : i32 to index
          %get3A_823 = arith.index_cast %add3A_821 : i32 to index
          %get3A_824 = tpu.vector_load %arg9[%get3A_822, %get3A_823] {strides = array<i32>} : memref<32x3584xf32, #tpu.memory_space<vmem>>, vector<1x16xf32>,
          %get3A_825 = vector.shape_cast %get3A_824 : vector<1x16xf32> to vector<16xf32>
          %mul3A_826 = vector.broadcast %squeeze3A_792 : f32 to vector<16xf32>
          %mul3A_827 = arith.mulf %get3A_825, %mul3A_826 : vector<16xf32>
          %add3A_828 = arith.addf %add3A_750, %mul3A_827 : vector<16xf32>
          %add3A_829 = arith.constant 64 : i32
          %add3A_830 = arith.addi %mul3A_210, %add3A_829 : i32
          %get3A_831 = arith.index_cast %add3A_790 : i32 to index
          %get3A_832 = arith.index_cast %add3A_830 : i32 to index
          %get3A_833 = tpu.vector_load %arg9[%get3A_831, %get3A_832] {strides = array<i32>} : memref<32x3584xf32, #tpu.memory_space<vmem>>, vector<1x16xf32>,
          %get3A_834 = vector.shape_cast %get3A_833 : vector<1x16xf32> to vector<16xf32>
          %mul3A_835 = vector.broadcast %squeeze3A_792 : f32 to vector<16xf32>
          %mul3A_836 = arith.mulf %get3A_834, %mul3A_835 : vector<16xf32>
          %add3A_837 = arith.addf %add3A_759, %mul3A_836 : vector<16xf32>
          %add3A_838 = arith.constant 80 : i32
          %add3A_839 = arith.addi %mul3A_210, %add3A_838 : i32
          %get3A_840 = arith.index_cast %add3A_790 : i32 to index
          %get3A_841 = arith.index_cast %add3A_839 : i32 to index
          %get3A_842 = tpu.vector_load %arg9[%get3A_840, %get3A_841] {strides = array<i32>} : memref<32x3584xf32, #tpu.memory_space<vmem>>, vector<1x16xf32>,
          %get3A_843 = vector.shape_cast %get3A_842 : vector<1x16xf32> to vector<16xf32>
          %mul3A_844 = vector.broadcast %squeeze3A_792 : f32 to vector<16xf32>
          %mul3A_845 = arith.mulf %get3A_843, %mul3A_844 : vector<16xf32>
          %add3A_846 = arith.addf %add3A_768, %mul3A_845 : vector<16xf32>
          %add3A_847 = arith.constant 96 : i32
          %add3A_848 = arith.addi %mul3A_210, %add3A_847 : i32
          %get3A_849 = arith.index_cast %add3A_790 : i32 to index
          %get3A_850 = arith.index_cast %add3A_848 : i32 to index
          %get3A_851 = tpu.vector_load %arg9[%get3A_849, %get3A_850] {strides = array<i32>} : memref<32x3584xf32, #tpu.memory_space<vmem>>, vector<1x16xf32>,
          %get3A_852 = vector.shape_cast %get3A_851 : vector<1x16xf32> to vector<16xf32>
          %mul3A_853 = vector.broadcast %squeeze3A_792 : f32 to vector<16xf32>
          %mul3A_854 = arith.mulf %get3A_852, %mul3A_853 : vector<16xf32>
          %add3A_855 = arith.addf %add3A_777, %mul3A_854 : vector<16xf32>
          %add3A_856 = arith.constant 112 : i32
          %add3A_857 = arith.addi %mul3A_210, %add3A_856 : i32
          %get3A_858 = arith.index_cast %add3A_790 : i32 to index
          %get3A_859 = arith.index_cast %add3A_857 : i32 to index
          %get3A_860 = tpu.vector_load %arg9[%get3A_858, %get3A_859] {strides = array<i32>} : memref<32x3584xf32, #tpu.memory_space<vmem>>, vector<1x16xf32>,
          %get3A_861 = vector.shape_cast %get3A_860 : vector<1x16xf32> to vector<16xf32>
          %mul3A_862 = vector.broadcast %squeeze3A_792 : f32 to vector<16xf32>
          %mul3A_863 = arith.mulf %get3A_861, %mul3A_862 : vector<16xf32>
          %add3A_864 = arith.addf %add3A_786, %mul3A_863 : vector<16xf32>
          %mul3A_865 = arith.constant 16 : i32
          %mul3A_866 = arith.muli %scan3A_304, %mul3A_865 : i32
          %add3A_867 = arith.constant 7 : i32
          %add3A_868 = arith.addi %mul3A_866, %add3A_867 : i32
          %slice3A_869 = vector.extract_strided_slice %get3A_318 {offsets = [7], sizes = [1], strides = [1]} : vector<16xf32> to vector<1xf32>
          %squeeze3A_870 = vector.extract %slice3A_869[0] : f32 from vector<1xf32>
          %add3A_871 = arith.constant 0 : i32
          %add3A_872 = arith.addi %mul3A_210, %add3A_871 : i32
          %get3A_873 = arith.index_cast %add3A_868 : i32 to index
          %get3A_874 = arith.index_cast %add3A_872 : i32 to index
          %get3A_875 = tpu.vector_load %arg9[%get3A_873, %get3A_874] {strides = array<i32>} : memref<32x3584xf32, #tpu.memory_space<vmem>>, vector<1x16xf32>,
          %get3A_876 = vector.shape_cast %get3A_875 : vector<1x16xf32> to vector<16xf32>
          %mul3A_877 = vector.broadcast %squeeze3A_870 : f32 to vector<16xf32>
          %mul3A_878 = arith.mulf %get3A_876, %mul3A_877 : vector<16xf32>
          %add3A_879 = arith.addf %add3A_801, %mul3A_878 : vector<16xf32>
          %add3A_880 = arith.constant 16 : i32
          %add3A_881 = arith.addi %mul3A_210, %add3A_880 : i32
          %get3A_882 = arith.index_cast %add3A_868 : i32 to index
          %get3A_883 = arith.index_cast %add3A_881 : i32 to index
          %get3A_884 = tpu.vector_load %arg9[%get3A_882, %get3A_883] {strides = array<i32>} : memref<32x3584xf32, #tpu.memory_space<vmem>>, vector<1x16xf32>,
          %get3A_885 = vector.shape_cast %get3A_884 : vector<1x16xf32> to vector<16xf32>
          %mul3A_886 = vector.broadcast %squeeze3A_870 : f32 to vector<16xf32>
          %mul3A_887 = arith.mulf %get3A_885, %mul3A_886 : vector<16xf32>
          %add3A_888 = arith.addf %add3A_810, %mul3A_887 : vector<16xf32>
          %add3A_889 = arith.constant 32 : i32
          %add3A_890 = arith.addi %mul3A_210, %add3A_889 : i32
          %get3A_891 = arith.index_cast %add3A_868 : i32 to index
          %get3A_892 = arith.index_cast %add3A_890 : i32 to index
          %get3A_893 = tpu.vector_load %arg9[%get3A_891, %get3A_892] {strides = array<i32>} : memref<32x3584xf32, #tpu.memory_space<vmem>>, vector<1x16xf32>,
          %get3A_894 = vector.shape_cast %get3A_893 : vector<1x16xf32> to vector<16xf32>
          %mul3A_895 = vector.broadcast %squeeze3A_870 : f32 to vector<16xf32>
          %mul3A_896 = arith.mulf %get3A_894, %mul3A_895 : vector<16xf32>
          %add3A_897 = arith.addf %add3A_819, %mul3A_896 : vector<16xf32>
          %add3A_898 = arith.constant 48 : i32
          %add3A_899 = arith.addi %mul3A_210, %add3A_898 : i32
          %get3A_900 = arith.index_cast %add3A_868 : i32 to index
          %get3A_901 = arith.index_cast %add3A_899 : i32 to index
          %get3A_902 = tpu.vector_load %arg9[%get3A_900, %get3A_901] {strides = array<i32>} : memref<32x3584xf32, #tpu.memory_space<vmem>>, vector<1x16xf32>,
          %get3A_903 = vector.shape_cast %get3A_902 : vector<1x16xf32> to vector<16xf32>
          %mul3A_904 = vector.broadcast %squeeze3A_870 : f32 to vector<16xf32>
          %mul3A_905 = arith.mulf %get3A_903, %mul3A_904 : vector<16xf32>
          %add3A_906 = arith.addf %add3A_828, %mul3A_905 : vector<16xf32>
          %add3A_907 = arith.constant 64 : i32
          %add3A_908 = arith.addi %mul3A_210, %add3A_907 : i32
          %get3A_909 = arith.index_cast %add3A_868 : i32 to index
          %get3A_910 = arith.index_cast %add3A_908 : i32 to index
          %get3A_911 = tpu.vector_load %arg9[%get3A_909, %get3A_910] {strides = array<i32>} : memref<32x3584xf32, #tpu.memory_space<vmem>>, vector<1x16xf32>,
          %get3A_912 = vector.shape_cast %get3A_911 : vector<1x16xf32> to vector<16xf32>
          %mul3A_913 = vector.broadcast %squeeze3A_870 : f32 to vector<16xf32>
          %mul3A_914 = arith.mulf %get3A_912, %mul3A_913 : vector<16xf32>
          %add3A_915 = arith.addf %add3A_837, %mul3A_914 : vector<16xf32>
          %add3A_916 = arith.constant 80 : i32
          %add3A_917 = arith.addi %mul3A_210, %add3A_916 : i32
          %get3A_918 = arith.index_cast %add3A_868 : i32 to index
          %get3A_919 = arith.index_cast %add3A_917 : i32 to index
          %get3A_920 = tpu.vector_load %arg9[%get3A_918, %get3A_919] {strides = array<i32>} : memref<32x3584xf32, #tpu.memory_space<vmem>>, vector<1x16xf32>,
          %get3A_921 = vector.shape_cast %get3A_920 : vector<1x16xf32> to vector<16xf32>
          %mul3A_922 = vector.broadcast %squeeze3A_870 : f32 to vector<16xf32>
          %mul3A_923 = arith.mulf %get3A_921, %mul3A_922 : vector<16xf32>
          %add3A_924 = arith.addf %add3A_846, %mul3A_923 : vector<16xf32>
          %add3A_925 = arith.constant 96 : i32
          %add3A_926 = arith.addi %mul3A_210, %add3A_925 : i32
          %get3A_927 = arith.index_cast %add3A_868 : i32 to index
          %get3A_928 = arith.index_cast %add3A_926 : i32 to index
          %get3A_929 = tpu.vector_load %arg9[%get3A_927, %get3A_928] {strides = array<i32>} : memref<32x3584xf32, #tpu.memory_space<vmem>>, vector<1x16xf32>,
          %get3A_930 = vector.shape_cast %get3A_929 : vector<1x16xf32> to vector<16xf32>
          %mul3A_931 = vector.broadcast %squeeze3A_870 : f32 to vector<16xf32>
          %mul3A_932 = arith.mulf %get3A_930, %mul3A_931 : vector<16xf32>
          %add3A_933 = arith.addf %add3A_855, %mul3A_932 : vector<16xf32>
          %add3A_934 = arith.constant 112 : i32
          %add3A_935 = arith.addi %mul3A_210, %add3A_934 : i32
          %get3A_936 = arith.index_cast %add3A_868 : i32 to index
          %get3A_937 = arith.index_cast %add3A_935 : i32 to index
          %get3A_938 = tpu.vector_load %arg9[%get3A_936, %get3A_937] {strides = array<i32>} : memref<32x3584xf32, #tpu.memory_space<vmem>>, vector<1x16xf32>,
          %get3A_939 = vector.shape_cast %get3A_938 : vector<1x16xf32> to vector<16xf32>
          %mul3A_940 = vector.broadcast %squeeze3A_870 : f32 to vector<16xf32>
          %mul3A_941 = arith.mulf %get3A_939, %mul3A_940 : vector<16xf32>
          %add3A_942 = arith.addf %add3A_864, %mul3A_941 : vector<16xf32>
          %mul3A_943 = arith.constant 16 : i32
          %mul3A_944 = arith.muli %scan3A_304, %mul3A_943 : i32
          %add3A_945 = arith.constant 8 : i32
          %add3A_946 = arith.addi %mul3A_944, %add3A_945 : i32
          %slice3A_947 = vector.extract_strided_slice %get3A_318 {offsets = [8], sizes = [1], strides = [1]} : vector<16xf32> to vector<1xf32>
          %squeeze3A_948 = vector.extract %slice3A_947[0] : f32 from vector<1xf32>
          %add3A_949 = arith.constant 0 : i32
          %add3A_950 = arith.addi %mul3A_210, %add3A_949 : i32
          %get3A_951 = arith.index_cast %add3A_946 : i32 to index
          %get3A_952 = arith.index_cast %add3A_950 : i32 to index
          %get3A_953 = tpu.vector_load %arg9[%get3A_951, %get3A_952] {strides = array<i32>} : memref<32x3584xf32, #tpu.memory_space<vmem>>, vector<1x16xf32>,
          %get3A_954 = vector.shape_cast %get3A_953 : vector<1x16xf32> to vector<16xf32>
          %mul3A_955 = vector.broadcast %squeeze3A_948 : f32 to vector<16xf32>
          %mul3A_956 = arith.mulf %get3A_954, %mul3A_955 : vector<16xf32>
          %add3A_957 = arith.addf %add3A_879, %mul3A_956 : vector<16xf32>
          %add3A_958 = arith.constant 16 : i32
          %add3A_959 = arith.addi %mul3A_210, %add3A_958 : i32
          %get3A_960 = arith.index_cast %add3A_946 : i32 to index
          %get3A_961 = arith.index_cast %add3A_959 : i32 to index
          %get3A_962 = tpu.vector_load %arg9[%get3A_960, %get3A_961] {strides = array<i32>} : memref<32x3584xf32, #tpu.memory_space<vmem>>, vector<1x16xf32>,
          %get3A_963 = vector.shape_cast %get3A_962 : vector<1x16xf32> to vector<16xf32>
          %mul3A_964 = vector.broadcast %squeeze3A_948 : f32 to vector<16xf32>
          %mul3A_965 = arith.mulf %get3A_963, %mul3A_964 : vector<16xf32>
          %add3A_966 = arith.addf %add3A_888, %mul3A_965 : vector<16xf32>
          %add3A_967 = arith.constant 32 : i32
          %add3A_968 = arith.addi %mul3A_210, %add3A_967 : i32
          %get3A_969 = arith.index_cast %add3A_946 : i32 to index
          %get3A_970 = arith.index_cast %add3A_968 : i32 to index
          %get3A_971 = tpu.vector_load %arg9[%get3A_969, %get3A_970] {strides = array<i32>} : memref<32x3584xf32, #tpu.memory_space<vmem>>, vector<1x16xf32>,
          %get3A_972 = vector.shape_cast %get3A_971 : vector<1x16xf32> to vector<16xf32>
          %mul3A_973 = vector.broadcast %squeeze3A_948 : f32 to vector<16xf32>
          %mul3A_974 = arith.mulf %get3A_972, %mul3A_973 : vector<16xf32>
          %add3A_975 = arith.addf %add3A_897, %mul3A_974 : vector<16xf32>
          %add3A_976 = arith.constant 48 : i32
          %add3A_977 = arith.addi %mul3A_210, %add3A_976 : i32
          %get3A_978 = arith.index_cast %add3A_946 : i32 to index
          %get3A_979 = arith.index_cast %add3A_977 : i32 to index
          %get3A_980 = tpu.vector_load %arg9[%get3A_978, %get3A_979] {strides = array<i32>} : memref<32x3584xf32, #tpu.memory_space<vmem>>, vector<1x16xf32>,
          %get3A_981 = vector.shape_cast %get3A_980 : vector<1x16xf32> to vector<16xf32>
          %mul3A_982 = vector.broadcast %squeeze3A_948 : f32 to vector<16xf32>
          %mul3A_983 = arith.mulf %get3A_981, %mul3A_982 : vector<16xf32>
          %add3A_984 = arith.addf %add3A_906, %mul3A_983 : vector<16xf32>
          %add3A_985 = arith.constant 64 : i32
          %add3A_986 = arith.addi %mul3A_210, %add3A_985 : i32
          %get3A_987 = arith.index_cast %add3A_946 : i32 to index
          %get3A_988 = arith.index_cast %add3A_986 : i32 to index
          %get3A_989 = tpu.vector_load %arg9[%get3A_987, %get3A_988] {strides = array<i32>} : memref<32x3584xf32, #tpu.memory_space<vmem>>, vector<1x16xf32>,
          %get3A_990 = vector.shape_cast %get3A_989 : vector<1x16xf32> to vector<16xf32>
          %mul3A_991 = vector.broadcast %squeeze3A_948 : f32 to vector<16xf32>
          %mul3A_992 = arith.mulf %get3A_990, %mul3A_991 : vector<16xf32>
          %add3A_993 = arith.addf %add3A_915, %mul3A_992 : vector<16xf32>
          %add3A_994 = arith.constant 80 : i32
          %add3A_995 = arith.addi %mul3A_210, %add3A_994 : i32
          %get3A_996 = arith.index_cast %add3A_946 : i32 to index
          %get3A_997 = arith.index_cast %add3A_995 : i32 to index
          %get3A_998 = tpu.vector_load %arg9[%get3A_996, %get3A_997] {strides = array<i32>} : memref<32x3584xf32, #tpu.memory_space<vmem>>, vector<1x16xf32>,
          %get3A_999 = vector.shape_cast %get3A_998 : vector<1x16xf32> to vector<16xf32>
          %mul3A_1000 = vector.broadcast %squeeze3A_948 : f32 to vector<16xf32>
          %mul3A_1001 = arith.mulf %get3A_999, %mul3A_1000 : vector<16xf32>
          %add3A_1002 = arith.addf %add3A_924, %mul3A_1001 : vector<16xf32>
          %add3A_1003 = arith.constant 96 : i32
          %add3A_1004 = arith.addi %mul3A_210, %add3A_1003 : i32
          %get3A_1005 = arith.index_cast %add3A_946 : i32 to index
          %get3A_1006 = arith.index_cast %add3A_1004 : i32 to index
          %get3A_1007 = tpu.vector_load %arg9[%get3A_1005, %get3A_1006] {strides = array<i32>} : memref<32x3584xf32, #tpu.memory_space<vmem>>, vector<1x16xf32>,
          %get3A_1008 = vector.shape_cast %get3A_1007 : vector<1x16xf32> to vector<16xf32>
          %mul3A_1009 = vector.broadcast %squeeze3A_948 : f32 to vector<16xf32>
          %mul3A_1010 = arith.mulf %get3A_1008, %mul3A_1009 : vector<16xf32>
          %add3A_1011 = arith.addf %add3A_933, %mul3A_1010 : vector<16xf32>
          %add3A_1012 = arith.constant 112 : i32
          %add3A_1013 = arith.addi %mul3A_210, %add3A_1012 : i32
          %get3A_1014 = arith.index_cast %add3A_946 : i32 to index
          %get3A_1015 = arith.index_cast %add3A_1013 : i32 to index
          %get3A_1016 = tpu.vector_load %arg9[%get3A_1014, %get3A_1015] {strides = array<i32>} : memref<32x3584xf32, #tpu.memory_space<vmem>>, vector<1x16xf32>,
          %get3A_1017 = vector.shape_cast %get3A_1016 : vector<1x16xf32> to vector<16xf32>
          %mul3A_1018 = vector.broadcast %squeeze3A_948 : f32 to vector<16xf32>
          %mul3A_1019 = arith.mulf %get3A_1017, %mul3A_1018 : vector<16xf32>
          %add3A_1020 = arith.addf %add3A_942, %mul3A_1019 : vector<16xf32>
          %mul3A_1021 = arith.constant 16 : i32
          %mul3A_1022 = arith.muli %scan3A_304, %mul3A_1021 : i32
          %add3A_1023 = arith.constant 9 : i32
          %add3A_1024 = arith.addi %mul3A_1022, %add3A_1023 : i32
          %slice3A_1025 = vector.extract_strided_slice %get3A_318 {offsets = [9], sizes = [1], strides = [1]} : vector<16xf32> to vector<1xf32>
          %squeeze3A_1026 = vector.extract %slice3A_1025[0] : f32 from vector<1xf32>
          %add3A_1027 = arith.constant 0 : i32
          %add3A_1028 = arith.addi %mul3A_210, %add3A_1027 : i32
          %get3A_1029 = arith.index_cast %add3A_1024 : i32 to index
          %get3A_1030 = arith.index_cast %add3A_1028 : i32 to index
          %get3A_1031 = tpu.vector_load %arg9[%get3A_1029, %get3A_1030] {strides = array<i32>} : memref<32x3584xf32, #tpu.memory_space<vmem>>, vector<1x16xf32>,
          %get3A_1032 = vector.shape_cast %get3A_1031 : vector<1x16xf32> to vector<16xf32>
          %mul3A_1033 = vector.broadcast %squeeze3A_1026 : f32 to vector<16xf32>
          %mul3A_1034 = arith.mulf %get3A_1032, %mul3A_1033 : vector<16xf32>
          %add3A_1035 = arith.addf %add3A_957, %mul3A_1034 : vector<16xf32>
          %add3A_1036 = arith.constant 16 : i32
          %add3A_1037 = arith.addi %mul3A_210, %add3A_1036 : i32
          %get3A_1038 = arith.index_cast %add3A_1024 : i32 to index
          %get3A_1039 = arith.index_cast %add3A_1037 : i32 to index
          %get3A_1040 = tpu.vector_load %arg9[%get3A_1038, %get3A_1039] {strides = array<i32>} : memref<32x3584xf32, #tpu.memory_space<vmem>>, vector<1x16xf32>,
          %get3A_1041 = vector.shape_cast %get3A_1040 : vector<1x16xf32> to vector<16xf32>
          %mul3A_1042 = vector.broadcast %squeeze3A_1026 : f32 to vector<16xf32>
          %mul3A_1043 = arith.mulf %get3A_1041, %mul3A_1042 : vector<16xf32>
          %add3A_1044 = arith.addf %add3A_966, %mul3A_1043 : vector<16xf32>
          %add3A_1045 = arith.constant 32 : i32
          %add3A_1046 = arith.addi %mul3A_210, %add3A_1045 : i32
          %get3A_1047 = arith.index_cast %add3A_1024 : i32 to index
          %get3A_1048 = arith.index_cast %add3A_1046 : i32 to index
          %get3A_1049 = tpu.vector_load %arg9[%get3A_1047, %get3A_1048] {strides = array<i32>} : memref<32x3584xf32, #tpu.memory_space<vmem>>, vector<1x16xf32>,
          %get3A_1050 = vector.shape_cast %get3A_1049 : vector<1x16xf32> to vector<16xf32>
          %mul3A_1051 = vector.broadcast %squeeze3A_1026 : f32 to vector<16xf32>
          %mul3A_1052 = arith.mulf %get3A_1050, %mul3A_1051 : vector<16xf32>
          %add3A_1053 = arith.addf %add3A_975, %mul3A_1052 : vector<16xf32>
          %add3A_1054 = arith.constant 48 : i32
          %add3A_1055 = arith.addi %mul3A_210, %add3A_1054 : i32
          %get3A_1056 = arith.index_cast %add3A_1024 : i32 to index
          %get3A_1057 = arith.index_cast %add3A_1055 : i32 to index
          %get3A_1058 = tpu.vector_load %arg9[%get3A_1056, %get3A_1057] {strides = array<i32>} : memref<32x3584xf32, #tpu.memory_space<vmem>>, vector<1x16xf32>,
          %get3A_1059 = vector.shape_cast %get3A_1058 : vector<1x16xf32> to vector<16xf32>
          %mul3A_1060 = vector.broadcast %squeeze3A_1026 : f32 to vector<16xf32>
          %mul3A_1061 = arith.mulf %get3A_1059, %mul3A_1060 : vector<16xf32>
          %add3A_1062 = arith.addf %add3A_984, %mul3A_1061 : vector<16xf32>
          %add3A_1063 = arith.constant 64 : i32
          %add3A_1064 = arith.addi %mul3A_210, %add3A_1063 : i32
          %get3A_1065 = arith.index_cast %add3A_1024 : i32 to index
          %get3A_1066 = arith.index_cast %add3A_1064 : i32 to index
          %get3A_1067 = tpu.vector_load %arg9[%get3A_1065, %get3A_1066] {strides = array<i32>} : memref<32x3584xf32, #tpu.memory_space<vmem>>, vector<1x16xf32>,
          %get3A_1068 = vector.shape_cast %get3A_1067 : vector<1x16xf32> to vector<16xf32>
          %mul3A_1069 = vector.broadcast %squeeze3A_1026 : f32 to vector<16xf32>
          %mul3A_1070 = arith.mulf %get3A_1068, %mul3A_1069 : vector<16xf32>
          %add3A_1071 = arith.addf %add3A_993, %mul3A_1070 : vector<16xf32>
          %add3A_1072 = arith.constant 80 : i32
          %add3A_1073 = arith.addi %mul3A_210, %add3A_1072 : i32
          %get3A_1074 = arith.index_cast %add3A_1024 : i32 to index
          %get3A_1075 = arith.index_cast %add3A_1073 : i32 to index
          %get3A_1076 = tpu.vector_load %arg9[%get3A_1074, %get3A_1075] {strides = array<i32>} : memref<32x3584xf32, #tpu.memory_space<vmem>>, vector<1x16xf32>,
          %get3A_1077 = vector.shape_cast %get3A_1076 : vector<1x16xf32> to vector<16xf32>
          %mul3A_1078 = vector.broadcast %squeeze3A_1026 : f32 to vector<16xf32>
          %mul3A_1079 = arith.mulf %get3A_1077, %mul3A_1078 : vector<16xf32>
          %add3A_1080 = arith.addf %add3A_1002, %mul3A_1079 : vector<16xf32>
          %add3A_1081 = arith.constant 96 : i32
          %add3A_1082 = arith.addi %mul3A_210, %add3A_1081 : i32
          %get3A_1083 = arith.index_cast %add3A_1024 : i32 to index
          %get3A_1084 = arith.index_cast %add3A_1082 : i32 to index
          %get3A_1085 = tpu.vector_load %arg9[%get3A_1083, %get3A_1084] {strides = array<i32>} : memref<32x3584xf32, #tpu.memory_space<vmem>>, vector<1x16xf32>,
          %get3A_1086 = vector.shape_cast %get3A_1085 : vector<1x16xf32> to vector<16xf32>
          %mul3A_1087 = vector.broadcast %squeeze3A_1026 : f32 to vector<16xf32>
          %mul3A_1088 = arith.mulf %get3A_1086, %mul3A_1087 : vector<16xf32>
          %add3A_1089 = arith.addf %add3A_1011, %mul3A_1088 : vector<16xf32>
          %add3A_1090 = arith.constant 112 : i32
          %add3A_1091 = arith.addi %mul3A_210, %add3A_1090 : i32
          %get3A_1092 = arith.index_cast %add3A_1024 : i32 to index
          %get3A_1093 = arith.index_cast %add3A_1091 : i32 to index
          %get3A_1094 = tpu.vector_load %arg9[%get3A_1092, %get3A_1093] {strides = array<i32>} : memref<32x3584xf32, #tpu.memory_space<vmem>>, vector<1x16xf32>,
          %get3A_1095 = vector.shape_cast %get3A_1094 : vector<1x16xf32> to vector<16xf32>
          %mul3A_1096 = vector.broadcast %squeeze3A_1026 : f32 to vector<16xf32>
          %mul3A_1097 = arith.mulf %get3A_1095, %mul3A_1096 : vector<16xf32>
          %add3A_1098 = arith.addf %add3A_1020, %mul3A_1097 : vector<16xf32>
          %mul3A_1099 = arith.constant 16 : i32
          %mul3A_1100 = arith.muli %scan3A_304, %mul3A_1099 : i32
          %add3A_1101 = arith.constant 10 : i32
          %add3A_1102 = arith.addi %mul3A_1100, %add3A_1101 : i32
          %slice3A_1103 = vector.extract_strided_slice %get3A_318 {offsets = [10], sizes = [1], strides = [1]} : vector<16xf32> to vector<1xf32>
          %squeeze3A_1104 = vector.extract %slice3A_1103[0] : f32 from vector<1xf32>
          %add3A_1105 = arith.constant 0 : i32
          %add3A_1106 = arith.addi %mul3A_210, %add3A_1105 : i32
          %get3A_1107 = arith.index_cast %add3A_1102 : i32 to index
          %get3A_1108 = arith.index_cast %add3A_1106 : i32 to index
          %get3A_1109 = tpu.vector_load %arg9[%get3A_1107, %get3A_1108] {strides = array<i32>} : memref<32x3584xf32, #tpu.memory_space<vmem>>, vector<1x16xf32>,
          %get3A_1110 = vector.shape_cast %get3A_1109 : vector<1x16xf32> to vector<16xf32>
          %mul3A_1111 = vector.broadcast %squeeze3A_1104 : f32 to vector<16xf32>
          %mul3A_1112 = arith.mulf %get3A_1110, %mul3A_1111 : vector<16xf32>
          %add3A_1113 = arith.addf %add3A_1035, %mul3A_1112 : vector<16xf32>
          %add3A_1114 = arith.constant 16 : i32
          %add3A_1115 = arith.addi %mul3A_210, %add3A_1114 : i32
          %get3A_1116 = arith.index_cast %add3A_1102 : i32 to index
          %get3A_1117 = arith.index_cast %add3A_1115 : i32 to index
          %get3A_1118 = tpu.vector_load %arg9[%get3A_1116, %get3A_1117] {strides = array<i32>} : memref<32x3584xf32, #tpu.memory_space<vmem>>, vector<1x16xf32>,
          %get3A_1119 = vector.shape_cast %get3A_1118 : vector<1x16xf32> to vector<16xf32>
          %mul3A_1120 = vector.broadcast %squeeze3A_1104 : f32 to vector<16xf32>
          %mul3A_1121 = arith.mulf %get3A_1119, %mul3A_1120 : vector<16xf32>
          %add3A_1122 = arith.addf %add3A_1044, %mul3A_1121 : vector<16xf32>
          %add3A_1123 = arith.constant 32 : i32
          %add3A_1124 = arith.addi %mul3A_210, %add3A_1123 : i32
          %get3A_1125 = arith.index_cast %add3A_1102 : i32 to index
          %get3A_1126 = arith.index_cast %add3A_1124 : i32 to index
          %get3A_1127 = tpu.vector_load %arg9[%get3A_1125, %get3A_1126] {strides = array<i32>} : memref<32x3584xf32, #tpu.memory_space<vmem>>, vector<1x16xf32>,
          %get3A_1128 = vector.shape_cast %get3A_1127 : vector<1x16xf32> to vector<16xf32>
          %mul3A_1129 = vector.broadcast %squeeze3A_1104 : f32 to vector<16xf32>
          %mul3A_1130 = arith.mulf %get3A_1128, %mul3A_1129 : vector<16xf32>
          %add3A_1131 = arith.addf %add3A_1053, %mul3A_1130 : vector<16xf32>
          %add3A_1132 = arith.constant 48 : i32
          %add3A_1133 = arith.addi %mul3A_210, %add3A_1132 : i32
          %get3A_1134 = arith.index_cast %add3A_1102 : i32 to index
          %get3A_1135 = arith.index_cast %add3A_1133 : i32 to index
          %get3A_1136 = tpu.vector_load %arg9[%get3A_1134, %get3A_1135] {strides = array<i32>} : memref<32x3584xf32, #tpu.memory_space<vmem>>, vector<1x16xf32>,
          %get3A_1137 = vector.shape_cast %get3A_1136 : vector<1x16xf32> to vector<16xf32>
          %mul3A_1138 = vector.broadcast %squeeze3A_1104 : f32 to vector<16xf32>
          %mul3A_1139 = arith.mulf %get3A_1137, %mul3A_1138 : vector<16xf32>
          %add3A_1140 = arith.addf %add3A_1062, %mul3A_1139 : vector<16xf32>
          %add3A_1141 = arith.constant 64 : i32
          %add3A_1142 = arith.addi %mul3A_210, %add3A_1141 : i32
          %get3A_1143 = arith.index_cast %add3A_1102 : i32 to index
          %get3A_1144 = arith.index_cast %add3A_1142 : i32 to index
          %get3A_1145 = tpu.vector_load %arg9[%get3A_1143, %get3A_1144] {strides = array<i32>} : memref<32x3584xf32, #tpu.memory_space<vmem>>, vector<1x16xf32>,
          %get3A_1146 = vector.shape_cast %get3A_1145 : vector<1x16xf32> to vector<16xf32>
          %mul3A_1147 = vector.broadcast %squeeze3A_1104 : f32 to vector<16xf32>
          %mul3A_1148 = arith.mulf %get3A_1146, %mul3A_1147 : vector<16xf32>
          %add3A_1149 = arith.addf %add3A_1071, %mul3A_1148 : vector<16xf32>
          %add3A_1150 = arith.constant 80 : i32
          %add3A_1151 = arith.addi %mul3A_210, %add3A_1150 : i32
          %get3A_1152 = arith.index_cast %add3A_1102 : i32 to index
          %get3A_1153 = arith.index_cast %add3A_1151 : i32 to index
          %get3A_1154 = tpu.vector_load %arg9[%get3A_1152, %get3A_1153] {strides = array<i32>} : memref<32x3584xf32, #tpu.memory_space<vmem>>, vector<1x16xf32>,
          %get3A_1155 = vector.shape_cast %get3A_1154 : vector<1x16xf32> to vector<16xf32>
          %mul3A_1156 = vector.broadcast %squeeze3A_1104 : f32 to vector<16xf32>
          %mul3A_1157 = arith.mulf %get3A_1155, %mul3A_1156 : vector<16xf32>
          %add3A_1158 = arith.addf %add3A_1080, %mul3A_1157 : vector<16xf32>
          %add3A_1159 = arith.constant 96 : i32
          %add3A_1160 = arith.addi %mul3A_210, %add3A_1159 : i32
          %get3A_1161 = arith.index_cast %add3A_1102 : i32 to index
          %get3A_1162 = arith.index_cast %add3A_1160 : i32 to index
          %get3A_1163 = tpu.vector_load %arg9[%get3A_1161, %get3A_1162] {strides = array<i32>} : memref<32x3584xf32, #tpu.memory_space<vmem>>, vector<1x16xf32>,
          %get3A_1164 = vector.shape_cast %get3A_1163 : vector<1x16xf32> to vector<16xf32>
          %mul3A_1165 = vector.broadcast %squeeze3A_1104 : f32 to vector<16xf32>
          %mul3A_1166 = arith.mulf %get3A_1164, %mul3A_1165 : vector<16xf32>
          %add3A_1167 = arith.addf %add3A_1089, %mul3A_1166 : vector<16xf32>
          %add3A_1168 = arith.constant 112 : i32
          %add3A_1169 = arith.addi %mul3A_210, %add3A_1168 : i32
          %get3A_1170 = arith.index_cast %add3A_1102 : i32 to index
          %get3A_1171 = arith.index_cast %add3A_1169 : i32 to index
          %get3A_1172 = tpu.vector_load %arg9[%get3A_1170, %get3A_1171] {strides = array<i32>} : memref<32x3584xf32, #tpu.memory_space<vmem>>, vector<1x16xf32>,
          %get3A_1173 = vector.shape_cast %get3A_1172 : vector<1x16xf32> to vector<16xf32>
          %mul3A_1174 = vector.broadcast %squeeze3A_1104 : f32 to vector<16xf32>
          %mul3A_1175 = arith.mulf %get3A_1173, %mul3A_1174 : vector<16xf32>
          %add3A_1176 = arith.addf %add3A_1098, %mul3A_1175 : vector<16xf32>
          %mul3A_1177 = arith.constant 16 : i32
          %mul3A_1178 = arith.muli %scan3A_304, %mul3A_1177 : i32
          %add3A_1179 = arith.constant 11 : i32
          %add3A_1180 = arith.addi %mul3A_1178, %add3A_1179 : i32
          %slice3A_1181 = vector.extract_strided_slice %get3A_318 {offsets = [11], sizes = [1], strides = [1]} : vector<16xf32> to vector<1xf32>
          %squeeze3A_1182 = vector.extract %slice3A_1181[0] : f32 from vector<1xf32>
          %add3A_1183 = arith.constant 0 : i32
          %add3A_1184 = arith.addi %mul3A_210, %add3A_1183 : i32
          %get3A_1185 = arith.index_cast %add3A_1180 : i32 to index
          %get3A_1186 = arith.index_cast %add3A_1184 : i32 to index
          %get3A_1187 = tpu.vector_load %arg9[%get3A_1185, %get3A_1186] {strides = array<i32>} : memref<32x3584xf32, #tpu.memory_space<vmem>>, vector<1x16xf32>,
          %get3A_1188 = vector.shape_cast %get3A_1187 : vector<1x16xf32> to vector<16xf32>
          %mul3A_1189 = vector.broadcast %squeeze3A_1182 : f32 to vector<16xf32>
          %mul3A_1190 = arith.mulf %get3A_1188, %mul3A_1189 : vector<16xf32>
          %add3A_1191 = arith.addf %add3A_1113, %mul3A_1190 : vector<16xf32>
          %add3A_1192 = arith.constant 16 : i32
          %add3A_1193 = arith.addi %mul3A_210, %add3A_1192 : i32
          %get3A_1194 = arith.index_cast %add3A_1180 : i32 to index
          %get3A_1195 = arith.index_cast %add3A_1193 : i32 to index
          %get3A_1196 = tpu.vector_load %arg9[%get3A_1194, %get3A_1195] {strides = array<i32>} : memref<32x3584xf32, #tpu.memory_space<vmem>>, vector<1x16xf32>,
          %get3A_1197 = vector.shape_cast %get3A_1196 : vector<1x16xf32> to vector<16xf32>
          %mul3A_1198 = vector.broadcast %squeeze3A_1182 : f32 to vector<16xf32>
          %mul3A_1199 = arith.mulf %get3A_1197, %mul3A_1198 : vector<16xf32>
          %add3A_1200 = arith.addf %add3A_1122, %mul3A_1199 : vector<16xf32>
          %add3A_1201 = arith.constant 32 : i32
          %add3A_1202 = arith.addi %mul3A_210, %add3A_1201 : i32
          %get3A_1203 = arith.index_cast %add3A_1180 : i32 to index
          %get3A_1204 = arith.index_cast %add3A_1202 : i32 to index
          %get3A_1205 = tpu.vector_load %arg9[%get3A_1203, %get3A_1204] {strides = array<i32>} : memref<32x3584xf32, #tpu.memory_space<vmem>>, vector<1x16xf32>,
          %get3A_1206 = vector.shape_cast %get3A_1205 : vector<1x16xf32> to vector<16xf32>
          %mul3A_1207 = vector.broadcast %squeeze3A_1182 : f32 to vector<16xf32>
          %mul3A_1208 = arith.mulf %get3A_1206, %mul3A_1207 : vector<16xf32>
          %add3A_1209 = arith.addf %add3A_1131, %mul3A_1208 : vector<16xf32>
          %add3A_1210 = arith.constant 48 : i32
          %add3A_1211 = arith.addi %mul3A_210, %add3A_1210 : i32
          %get3A_1212 = arith.index_cast %add3A_1180 : i32 to index
          %get3A_1213 = arith.index_cast %add3A_1211 : i32 to index
          %get3A_1214 = tpu.vector_load %arg9[%get3A_1212, %get3A_1213] {strides = array<i32>} : memref<32x3584xf32, #tpu.memory_space<vmem>>, vector<1x16xf32>,
          %get3A_1215 = vector.shape_cast %get3A_1214 : vector<1x16xf32> to vector<16xf32>
          %mul3A_1216 = vector.broadcast %squeeze3A_1182 : f32 to vector<16xf32>
          %mul3A_1217 = arith.mulf %get3A_1215, %mul3A_1216 : vector<16xf32>
          %add3A_1218 = arith.addf %add3A_1140, %mul3A_1217 : vector<16xf32>
          %add3A_1219 = arith.constant 64 : i32
          %add3A_1220 = arith.addi %mul3A_210, %add3A_1219 : i32
          %get3A_1221 = arith.index_cast %add3A_1180 : i32 to index
          %get3A_1222 = arith.index_cast %add3A_1220 : i32 to index
          %get3A_1223 = tpu.vector_load %arg9[%get3A_1221, %get3A_1222] {strides = array<i32>} : memref<32x3584xf32, #tpu.memory_space<vmem>>, vector<1x16xf32>,
          %get3A_1224 = vector.shape_cast %get3A_1223 : vector<1x16xf32> to vector<16xf32>
          %mul3A_1225 = vector.broadcast %squeeze3A_1182 : f32 to vector<16xf32>
          %mul3A_1226 = arith.mulf %get3A_1224, %mul3A_1225 : vector<16xf32>
          %add3A_1227 = arith.addf %add3A_1149, %mul3A_1226 : vector<16xf32>
          %add3A_1228 = arith.constant 80 : i32
          %add3A_1229 = arith.addi %mul3A_210, %add3A_1228 : i32
          %get3A_1230 = arith.index_cast %add3A_1180 : i32 to index
          %get3A_1231 = arith.index_cast %add3A_1229 : i32 to index
          %get3A_1232 = tpu.vector_load %arg9[%get3A_1230, %get3A_1231] {strides = array<i32>} : memref<32x3584xf32, #tpu.memory_space<vmem>>, vector<1x16xf32>,
          %get3A_1233 = vector.shape_cast %get3A_1232 : vector<1x16xf32> to vector<16xf32>
          %mul3A_1234 = vector.broadcast %squeeze3A_1182 : f32 to vector<16xf32>
          %mul3A_1235 = arith.mulf %get3A_1233, %mul3A_1234 : vector<16xf32>
          %add3A_1236 = arith.addf %add3A_1158, %mul3A_1235 : vector<16xf32>
          %add3A_1237 = arith.constant 96 : i32
          %add3A_1238 = arith.addi %mul3A_210, %add3A_1237 : i32
          %get3A_1239 = arith.index_cast %add3A_1180 : i32 to index
          %get3A_1240 = arith.index_cast %add3A_1238 : i32 to index
          %get3A_1241 = tpu.vector_load %arg9[%get3A_1239, %get3A_1240] {strides = array<i32>} : memref<32x3584xf32, #tpu.memory_space<vmem>>, vector<1x16xf32>,
          %get3A_1242 = vector.shape_cast %get3A_1241 : vector<1x16xf32> to vector<16xf32>
          %mul3A_1243 = vector.broadcast %squeeze3A_1182 : f32 to vector<16xf32>
          %mul3A_1244 = arith.mulf %get3A_1242, %mul3A_1243 : vector<16xf32>
          %add3A_1245 = arith.addf %add3A_1167, %mul3A_1244 : vector<16xf32>
          %add3A_1246 = arith.constant 112 : i32
          %add3A_1247 = arith.addi %mul3A_210, %add3A_1246 : i32
          %get3A_1248 = arith.index_cast %add3A_1180 : i32 to index
          %get3A_1249 = arith.index_cast %add3A_1247 : i32 to index
          %get3A_1250 = tpu.vector_load %arg9[%get3A_1248, %get3A_1249] {strides = array<i32>} : memref<32x3584xf32, #tpu.memory_space<vmem>>, vector<1x16xf32>,
          %get3A_1251 = vector.shape_cast %get3A_1250 : vector<1x16xf32> to vector<16xf32>
          %mul3A_1252 = vector.broadcast %squeeze3A_1182 : f32 to vector<16xf32>
          %mul3A_1253 = arith.mulf %get3A_1251, %mul3A_1252 : vector<16xf32>
          %add3A_1254 = arith.addf %add3A_1176, %mul3A_1253 : vector<16xf32>
          %mul3A_1255 = arith.constant 16 : i32
          %mul3A_1256 = arith.muli %scan3A_304, %mul3A_1255 : i32
          %add3A_1257 = arith.constant 12 : i32
          %add3A_1258 = arith.addi %mul3A_1256, %add3A_1257 : i32
          %slice3A_1259 = vector.extract_strided_slice %get3A_318 {offsets = [12], sizes = [1], strides = [1]} : vector<16xf32> to vector<1xf32>
          %squeeze3A_1260 = vector.extract %slice3A_1259[0] : f32 from vector<1xf32>
          %add3A_1261 = arith.constant 0 : i32
          %add3A_1262 = arith.addi %mul3A_210, %add3A_1261 : i32
          %get3A_1263 = arith.index_cast %add3A_1258 : i32 to index
          %get3A_1264 = arith.index_cast %add3A_1262 : i32 to index
          %get3A_1265 = tpu.vector_load %arg9[%get3A_1263, %get3A_1264] {strides = array<i32>} : memref<32x3584xf32, #tpu.memory_space<vmem>>, vector<1x16xf32>,
          %get3A_1266 = vector.shape_cast %get3A_1265 : vector<1x16xf32> to vector<16xf32>
          %mul3A_1267 = vector.broadcast %squeeze3A_1260 : f32 to vector<16xf32>
          %mul3A_1268 = arith.mulf %get3A_1266, %mul3A_1267 : vector<16xf32>
          %add3A_1269 = arith.addf %add3A_1191, %mul3A_1268 : vector<16xf32>
          %add3A_1270 = arith.constant 16 : i32
          %add3A_1271 = arith.addi %mul3A_210, %add3A_1270 : i32
          %get3A_1272 = arith.index_cast %add3A_1258 : i32 to index
          %get3A_1273 = arith.index_cast %add3A_1271 : i32 to index
          %get3A_1274 = tpu.vector_load %arg9[%get3A_1272, %get3A_1273] {strides = array<i32>} : memref<32x3584xf32, #tpu.memory_space<vmem>>, vector<1x16xf32>,
          %get3A_1275 = vector.shape_cast %get3A_1274 : vector<1x16xf32> to vector<16xf32>
          %mul3A_1276 = vector.broadcast %squeeze3A_1260 : f32 to vector<16xf32>
          %mul3A_1277 = arith.mulf %get3A_1275, %mul3A_1276 : vector<16xf32>
          %add3A_1278 = arith.addf %add3A_1200, %mul3A_1277 : vector<16xf32>
          %add3A_1279 = arith.constant 32 : i32
          %add3A_1280 = arith.addi %mul3A_210, %add3A_1279 : i32
          %get3A_1281 = arith.index_cast %add3A_1258 : i32 to index
          %get3A_1282 = arith.index_cast %add3A_1280 : i32 to index
          %get3A_1283 = tpu.vector_load %arg9[%get3A_1281, %get3A_1282] {strides = array<i32>} : memref<32x3584xf32, #tpu.memory_space<vmem>>, vector<1x16xf32>,
          %get3A_1284 = vector.shape_cast %get3A_1283 : vector<1x16xf32> to vector<16xf32>
          %mul3A_1285 = vector.broadcast %squeeze3A_1260 : f32 to vector<16xf32>
          %mul3A_1286 = arith.mulf %get3A_1284, %mul3A_1285 : vector<16xf32>
          %add3A_1287 = arith.addf %add3A_1209, %mul3A_1286 : vector<16xf32>
          %add3A_1288 = arith.constant 48 : i32
          %add3A_1289 = arith.addi %mul3A_210, %add3A_1288 : i32
          %get3A_1290 = arith.index_cast %add3A_1258 : i32 to index
          %get3A_1291 = arith.index_cast %add3A_1289 : i32 to index
          %get3A_1292 = tpu.vector_load %arg9[%get3A_1290, %get3A_1291] {strides = array<i32>} : memref<32x3584xf32, #tpu.memory_space<vmem>>, vector<1x16xf32>,
          %get3A_1293 = vector.shape_cast %get3A_1292 : vector<1x16xf32> to vector<16xf32>
          %mul3A_1294 = vector.broadcast %squeeze3A_1260 : f32 to vector<16xf32>
          %mul3A_1295 = arith.mulf %get3A_1293, %mul3A_1294 : vector<16xf32>
          %add3A_1296 = arith.addf %add3A_1218, %mul3A_1295 : vector<16xf32>
          %add3A_1297 = arith.constant 64 : i32
          %add3A_1298 = arith.addi %mul3A_210, %add3A_1297 : i32
          %get3A_1299 = arith.index_cast %add3A_1258 : i32 to index
          %get3A_1300 = arith.index_cast %add3A_1298 : i32 to index
          %get3A_1301 = tpu.vector_load %arg9[%get3A_1299, %get3A_1300] {strides = array<i32>} : memref<32x3584xf32, #tpu.memory_space<vmem>>, vector<1x16xf32>,
          %get3A_1302 = vector.shape_cast %get3A_1301 : vector<1x16xf32> to vector<16xf32>
          %mul3A_1303 = vector.broadcast %squeeze3A_1260 : f32 to vector<16xf32>
          %mul3A_1304 = arith.mulf %get3A_1302, %mul3A_1303 : vector<16xf32>
          %add3A_1305 = arith.addf %add3A_1227, %mul3A_1304 : vector<16xf32>
          %add3A_1306 = arith.constant 80 : i32
          %add3A_1307 = arith.addi %mul3A_210, %add3A_1306 : i32
          %get3A_1308 = arith.index_cast %add3A_1258 : i32 to index
          %get3A_1309 = arith.index_cast %add3A_1307 : i32 to index
          %get3A_1310 = tpu.vector_load %arg9[%get3A_1308, %get3A_1309] {strides = array<i32>} : memref<32x3584xf32, #tpu.memory_space<vmem>>, vector<1x16xf32>,
          %get3A_1311 = vector.shape_cast %get3A_1310 : vector<1x16xf32> to vector<16xf32>
          %mul3A_1312 = vector.broadcast %squeeze3A_1260 : f32 to vector<16xf32>
          %mul3A_1313 = arith.mulf %get3A_1311, %mul3A_1312 : vector<16xf32>
          %add3A_1314 = arith.addf %add3A_1236, %mul3A_1313 : vector<16xf32>
          %add3A_1315 = arith.constant 96 : i32
          %add3A_1316 = arith.addi %mul3A_210, %add3A_1315 : i32
          %get3A_1317 = arith.index_cast %add3A_1258 : i32 to index
          %get3A_1318 = arith.index_cast %add3A_1316 : i32 to index
          %get3A_1319 = tpu.vector_load %arg9[%get3A_1317, %get3A_1318] {strides = array<i32>} : memref<32x3584xf32, #tpu.memory_space<vmem>>, vector<1x16xf32>,
          %get3A_1320 = vector.shape_cast %get3A_1319 : vector<1x16xf32> to vector<16xf32>
          %mul3A_1321 = vector.broadcast %squeeze3A_1260 : f32 to vector<16xf32>
          %mul3A_1322 = arith.mulf %get3A_1320, %mul3A_1321 : vector<16xf32>
          %add3A_1323 = arith.addf %add3A_1245, %mul3A_1322 : vector<16xf32>
          %add3A_1324 = arith.constant 112 : i32
          %add3A_1325 = arith.addi %mul3A_210, %add3A_1324 : i32
          %get3A_1326 = arith.index_cast %add3A_1258 : i32 to index
          %get3A_1327 = arith.index_cast %add3A_1325 : i32 to index
          %get3A_1328 = tpu.vector_load %arg9[%get3A_1326, %get3A_1327] {strides = array<i32>} : memref<32x3584xf32, #tpu.memory_space<vmem>>, vector<1x16xf32>,
          %get3A_1329 = vector.shape_cast %get3A_1328 : vector<1x16xf32> to vector<16xf32>
          %mul3A_1330 = vector.broadcast %squeeze3A_1260 : f32 to vector<16xf32>
          %mul3A_1331 = arith.mulf %get3A_1329, %mul3A_1330 : vector<16xf32>
          %add3A_1332 = arith.addf %add3A_1254, %mul3A_1331 : vector<16xf32>
          %mul3A_1333 = arith.constant 16 : i32
          %mul3A_1334 = arith.muli %scan3A_304, %mul3A_1333 : i32
          %add3A_1335 = arith.constant 13 : i32
          %add3A_1336 = arith.addi %mul3A_1334, %add3A_1335 : i32
          %slice3A_1337 = vector.extract_strided_slice %get3A_318 {offsets = [13], sizes = [1], strides = [1]} : vector<16xf32> to vector<1xf32>
          %squeeze3A_1338 = vector.extract %slice3A_1337[0] : f32 from vector<1xf32>
          %add3A_1339 = arith.constant 0 : i32
          %add3A_1340 = arith.addi %mul3A_210, %add3A_1339 : i32
          %get3A_1341 = arith.index_cast %add3A_1336 : i32 to index
          %get3A_1342 = arith.index_cast %add3A_1340 : i32 to index
          %get3A_1343 = tpu.vector_load %arg9[%get3A_1341, %get3A_1342] {strides = array<i32>} : memref<32x3584xf32, #tpu.memory_space<vmem>>, vector<1x16xf32>,
          %get3A_1344 = vector.shape_cast %get3A_1343 : vector<1x16xf32> to vector<16xf32>
          %mul3A_1345 = vector.broadcast %squeeze3A_1338 : f32 to vector<16xf32>
          %mul3A_1346 = arith.mulf %get3A_1344, %mul3A_1345 : vector<16xf32>
          %add3A_1347 = arith.addf %add3A_1269, %mul3A_1346 : vector<16xf32>
          %add3A_1348 = arith.constant 16 : i32
          %add3A_1349 = arith.addi %mul3A_210, %add3A_1348 : i32
          %get3A_1350 = arith.index_cast %add3A_1336 : i32 to index
          %get3A_1351 = arith.index_cast %add3A_1349 : i32 to index
          %get3A_1352 = tpu.vector_load %arg9[%get3A_1350, %get3A_1351] {strides = array<i32>} : memref<32x3584xf32, #tpu.memory_space<vmem>>, vector<1x16xf32>,
          %get3A_1353 = vector.shape_cast %get3A_1352 : vector<1x16xf32> to vector<16xf32>
          %mul3A_1354 = vector.broadcast %squeeze3A_1338 : f32 to vector<16xf32>
          %mul3A_1355 = arith.mulf %get3A_1353, %mul3A_1354 : vector<16xf32>
          %add3A_1356 = arith.addf %add3A_1278, %mul3A_1355 : vector<16xf32>
          %add3A_1357 = arith.constant 32 : i32
          %add3A_1358 = arith.addi %mul3A_210, %add3A_1357 : i32
          %get3A_1359 = arith.index_cast %add3A_1336 : i32 to index
          %get3A_1360 = arith.index_cast %add3A_1358 : i32 to index
          %get3A_1361 = tpu.vector_load %arg9[%get3A_1359, %get3A_1360] {strides = array<i32>} : memref<32x3584xf32, #tpu.memory_space<vmem>>, vector<1x16xf32>,
          %get3A_1362 = vector.shape_cast %get3A_1361 : vector<1x16xf32> to vector<16xf32>
          %mul3A_1363 = vector.broadcast %squeeze3A_1338 : f32 to vector<16xf32>
          %mul3A_1364 = arith.mulf %get3A_1362, %mul3A_1363 : vector<16xf32>
          %add3A_1365 = arith.addf %add3A_1287, %mul3A_1364 : vector<16xf32>
          %add3A_1366 = arith.constant 48 : i32
          %add3A_1367 = arith.addi %mul3A_210, %add3A_1366 : i32
          %get3A_1368 = arith.index_cast %add3A_1336 : i32 to index
          %get3A_1369 = arith.index_cast %add3A_1367 : i32 to index
          %get3A_1370 = tpu.vector_load %arg9[%get3A_1368, %get3A_1369] {strides = array<i32>} : memref<32x3584xf32, #tpu.memory_space<vmem>>, vector<1x16xf32>,
          %get3A_1371 = vector.shape_cast %get3A_1370 : vector<1x16xf32> to vector<16xf32>
          %mul3A_1372 = vector.broadcast %squeeze3A_1338 : f32 to vector<16xf32>
          %mul3A_1373 = arith.mulf %get3A_1371, %mul3A_1372 : vector<16xf32>
          %add3A_1374 = arith.addf %add3A_1296, %mul3A_1373 : vector<16xf32>
          %add3A_1375 = arith.constant 64 : i32
          %add3A_1376 = arith.addi %mul3A_210, %add3A_1375 : i32
          %get3A_1377 = arith.index_cast %add3A_1336 : i32 to index
          %get3A_1378 = arith.index_cast %add3A_1376 : i32 to index
          %get3A_1379 = tpu.vector_load %arg9[%get3A_1377, %get3A_1378] {strides = array<i32>} : memref<32x3584xf32, #tpu.memory_space<vmem>>, vector<1x16xf32>,
          %get3A_1380 = vector.shape_cast %get3A_1379 : vector<1x16xf32> to vector<16xf32>
          %mul3A_1381 = vector.broadcast %squeeze3A_1338 : f32 to vector<16xf32>
          %mul3A_1382 = arith.mulf %get3A_1380, %mul3A_1381 : vector<16xf32>
          %add3A_1383 = arith.addf %add3A_1305, %mul3A_1382 : vector<16xf32>
          %add3A_1384 = arith.constant 80 : i32
          %add3A_1385 = arith.addi %mul3A_210, %add3A_1384 : i32
          %get3A_1386 = arith.index_cast %add3A_1336 : i32 to index
          %get3A_1387 = arith.index_cast %add3A_1385 : i32 to index
          %get3A_1388 = tpu.vector_load %arg9[%get3A_1386, %get3A_1387] {strides = array<i32>} : memref<32x3584xf32, #tpu.memory_space<vmem>>, vector<1x16xf32>,
          %get3A_1389 = vector.shape_cast %get3A_1388 : vector<1x16xf32> to vector<16xf32>
          %mul3A_1390 = vector.broadcast %squeeze3A_1338 : f32 to vector<16xf32>
          %mul3A_1391 = arith.mulf %get3A_1389, %mul3A_1390 : vector<16xf32>
          %add3A_1392 = arith.addf %add3A_1314, %mul3A_1391 : vector<16xf32>
          %add3A_1393 = arith.constant 96 : i32
          %add3A_1394 = arith.addi %mul3A_210, %add3A_1393 : i32
          %get3A_1395 = arith.index_cast %add3A_1336 : i32 to index
          %get3A_1396 = arith.index_cast %add3A_1394 : i32 to index
          %get3A_1397 = tpu.vector_load %arg9[%get3A_1395, %get3A_1396] {strides = array<i32>} : memref<32x3584xf32, #tpu.memory_space<vmem>>, vector<1x16xf32>,
          %get3A_1398 = vector.shape_cast %get3A_1397 : vector<1x16xf32> to vector<16xf32>
          %mul3A_1399 = vector.broadcast %squeeze3A_1338 : f32 to vector<16xf32>
          %mul3A_1400 = arith.mulf %get3A_1398, %mul3A_1399 : vector<16xf32>
          %add3A_1401 = arith.addf %add3A_1323, %mul3A_1400 : vector<16xf32>
          %add3A_1402 = arith.constant 112 : i32
          %add3A_1403 = arith.addi %mul3A_210, %add3A_1402 : i32
          %get3A_1404 = arith.index_cast %add3A_1336 : i32 to index
          %get3A_1405 = arith.index_cast %add3A_1403 : i32 to index
          %get3A_1406 = tpu.vector_load %arg9[%get3A_1404, %get3A_1405] {strides = array<i32>} : memref<32x3584xf32, #tpu.memory_space<vmem>>, vector<1x16xf32>,
          %get3A_1407 = vector.shape_cast %get3A_1406 : vector<1x16xf32> to vector<16xf32>
          %mul3A_1408 = vector.broadcast %squeeze3A_1338 : f32 to vector<16xf32>
          %mul3A_1409 = arith.mulf %get3A_1407, %mul3A_1408 : vector<16xf32>
          %add3A_1410 = arith.addf %add3A_1332, %mul3A_1409 : vector<16xf32>
          %mul3A_1411 = arith.constant 16 : i32
          %mul3A_1412 = arith.muli %scan3A_304, %mul3A_1411 : i32
          %add3A_1413 = arith.constant 14 : i32
          %add3A_1414 = arith.addi %mul3A_1412, %add3A_1413 : i32
          %slice3A_1415 = vector.extract_strided_slice %get3A_318 {offsets = [14], sizes = [1], strides = [1]} : vector<16xf32> to vector<1xf32>
          %squeeze3A_1416 = vector.extract %slice3A_1415[0] : f32 from vector<1xf32>
          %add3A_1417 = arith.constant 0 : i32
          %add3A_1418 = arith.addi %mul3A_210, %add3A_1417 : i32
          %get3A_1419 = arith.index_cast %add3A_1414 : i32 to index
          %get3A_1420 = arith.index_cast %add3A_1418 : i32 to index
          %get3A_1421 = tpu.vector_load %arg9[%get3A_1419, %get3A_1420] {strides = array<i32>} : memref<32x3584xf32, #tpu.memory_space<vmem>>, vector<1x16xf32>,
          %get3A_1422 = vector.shape_cast %get3A_1421 : vector<1x16xf32> to vector<16xf32>
          %mul3A_1423 = vector.broadcast %squeeze3A_1416 : f32 to vector<16xf32>
          %mul3A_1424 = arith.mulf %get3A_1422, %mul3A_1423 : vector<16xf32>
          %add3A_1425 = arith.addf %add3A_1347, %mul3A_1424 : vector<16xf32>
          %add3A_1426 = arith.constant 16 : i32
          %add3A_1427 = arith.addi %mul3A_210, %add3A_1426 : i32
          %get3A_1428 = arith.index_cast %add3A_1414 : i32 to index
          %get3A_1429 = arith.index_cast %add3A_1427 : i32 to index
          %get3A_1430 = tpu.vector_load %arg9[%get3A_1428, %get3A_1429] {strides = array<i32>} : memref<32x3584xf32, #tpu.memory_space<vmem>>, vector<1x16xf32>,
          %get3A_1431 = vector.shape_cast %get3A_1430 : vector<1x16xf32> to vector<16xf32>
          %mul3A_1432 = vector.broadcast %squeeze3A_1416 : f32 to vector<16xf32>
          %mul3A_1433 = arith.mulf %get3A_1431, %mul3A_1432 : vector<16xf32>
          %add3A_1434 = arith.addf %add3A_1356, %mul3A_1433 : vector<16xf32>
          %add3A_1435 = arith.constant 32 : i32
          %add3A_1436 = arith.addi %mul3A_210, %add3A_1435 : i32
          %get3A_1437 = arith.index_cast %add3A_1414 : i32 to index
          %get3A_1438 = arith.index_cast %add3A_1436 : i32 to index
          %get3A_1439 = tpu.vector_load %arg9[%get3A_1437, %get3A_1438] {strides = array<i32>} : memref<32x3584xf32, #tpu.memory_space<vmem>>, vector<1x16xf32>,
          %get3A_1440 = vector.shape_cast %get3A_1439 : vector<1x16xf32> to vector<16xf32>
          %mul3A_1441 = vector.broadcast %squeeze3A_1416 : f32 to vector<16xf32>
          %mul3A_1442 = arith.mulf %get3A_1440, %mul3A_1441 : vector<16xf32>
          %add3A_1443 = arith.addf %add3A_1365, %mul3A_1442 : vector<16xf32>
          %add3A_1444 = arith.constant 48 : i32
          %add3A_1445 = arith.addi %mul3A_210, %add3A_1444 : i32
          %get3A_1446 = arith.index_cast %add3A_1414 : i32 to index
          %get3A_1447 = arith.index_cast %add3A_1445 : i32 to index
          %get3A_1448 = tpu.vector_load %arg9[%get3A_1446, %get3A_1447] {strides = array<i32>} : memref<32x3584xf32, #tpu.memory_space<vmem>>, vector<1x16xf32>,
          %get3A_1449 = vector.shape_cast %get3A_1448 : vector<1x16xf32> to vector<16xf32>
          %mul3A_1450 = vector.broadcast %squeeze3A_1416 : f32 to vector<16xf32>
          %mul3A_1451 = arith.mulf %get3A_1449, %mul3A_1450 : vector<16xf32>
          %add3A_1452 = arith.addf %add3A_1374, %mul3A_1451 : vector<16xf32>
          %add3A_1453 = arith.constant 64 : i32
          %add3A_1454 = arith.addi %mul3A_210, %add3A_1453 : i32
          %get3A_1455 = arith.index_cast %add3A_1414 : i32 to index
          %get3A_1456 = arith.index_cast %add3A_1454 : i32 to index
          %get3A_1457 = tpu.vector_load %arg9[%get3A_1455, %get3A_1456] {strides = array<i32>} : memref<32x3584xf32, #tpu.memory_space<vmem>>, vector<1x16xf32>,
          %get3A_1458 = vector.shape_cast %get3A_1457 : vector<1x16xf32> to vector<16xf32>
          %mul3A_1459 = vector.broadcast %squeeze3A_1416 : f32 to vector<16xf32>
          %mul3A_1460 = arith.mulf %get3A_1458, %mul3A_1459 : vector<16xf32>
          %add3A_1461 = arith.addf %add3A_1383, %mul3A_1460 : vector<16xf32>
          %add3A_1462 = arith.constant 80 : i32
          %add3A_1463 = arith.addi %mul3A_210, %add3A_1462 : i32
          %get3A_1464 = arith.index_cast %add3A_1414 : i32 to index
          %get3A_1465 = arith.index_cast %add3A_1463 : i32 to index
          %get3A_1466 = tpu.vector_load %arg9[%get3A_1464, %get3A_1465] {strides = array<i32>} : memref<32x3584xf32, #tpu.memory_space<vmem>>, vector<1x16xf32>,
          %get3A_1467 = vector.shape_cast %get3A_1466 : vector<1x16xf32> to vector<16xf32>
          %mul3A_1468 = vector.broadcast %squeeze3A_1416 : f32 to vector<16xf32>
          %mul3A_1469 = arith.mulf %get3A_1467, %mul3A_1468 : vector<16xf32>
          %add3A_1470 = arith.addf %add3A_1392, %mul3A_1469 : vector<16xf32>
          %add3A_1471 = arith.constant 96 : i32
          %add3A_1472 = arith.addi %mul3A_210, %add3A_1471 : i32
          %get3A_1473 = arith.index_cast %add3A_1414 : i32 to index
          %get3A_1474 = arith.index_cast %add3A_1472 : i32 to index
          %get3A_1475 = tpu.vector_load %arg9[%get3A_1473, %get3A_1474] {strides = array<i32>} : memref<32x3584xf32, #tpu.memory_space<vmem>>, vector<1x16xf32>,
          %get3A_1476 = vector.shape_cast %get3A_1475 : vector<1x16xf32> to vector<16xf32>
          %mul3A_1477 = vector.broadcast %squeeze3A_1416 : f32 to vector<16xf32>
          %mul3A_1478 = arith.mulf %get3A_1476, %mul3A_1477 : vector<16xf32>
          %add3A_1479 = arith.addf %add3A_1401, %mul3A_1478 : vector<16xf32>
          %add3A_1480 = arith.constant 112 : i32
          %add3A_1481 = arith.addi %mul3A_210, %add3A_1480 : i32
          %get3A_1482 = arith.index_cast %add3A_1414 : i32 to index
          %get3A_1483 = arith.index_cast %add3A_1481 : i32 to index
          %get3A_1484 = tpu.vector_load %arg9[%get3A_1482, %get3A_1483] {strides = array<i32>} : memref<32x3584xf32, #tpu.memory_space<vmem>>, vector<1x16xf32>,
          %get3A_1485 = vector.shape_cast %get3A_1484 : vector<1x16xf32> to vector<16xf32>
          %mul3A_1486 = vector.broadcast %squeeze3A_1416 : f32 to vector<16xf32>
          %mul3A_1487 = arith.mulf %get3A_1485, %mul3A_1486 : vector<16xf32>
          %add3A_1488 = arith.addf %add3A_1410, %mul3A_1487 : vector<16xf32>
          %mul3A_1489 = arith.constant 16 : i32
          %mul3A_1490 = arith.muli %scan3A_304, %mul3A_1489 : i32
          %add3A_1491 = arith.constant 15 : i32
          %add3A_1492 = arith.addi %mul3A_1490, %add3A_1491 : i32
          %slice3A_1493 = vector.extract_strided_slice %get3A_318 {offsets = [15], sizes = [1], strides = [1]} : vector<16xf32> to vector<1xf32>
          %squeeze3A_1494 = vector.extract %slice3A_1493[0] : f32 from vector<1xf32>
          %add3A_1495 = arith.constant 0 : i32
          %add3A_1496 = arith.addi %mul3A_210, %add3A_1495 : i32
          %get3A_1497 = arith.index_cast %add3A_1492 : i32 to index
          %get3A_1498 = arith.index_cast %add3A_1496 : i32 to index
          %get3A_1499 = tpu.vector_load %arg9[%get3A_1497, %get3A_1498] {strides = array<i32>} : memref<32x3584xf32, #tpu.memory_space<vmem>>, vector<1x16xf32>,
          %get3A_1500 = vector.shape_cast %get3A_1499 : vector<1x16xf32> to vector<16xf32>
          %mul3A_1501 = vector.broadcast %squeeze3A_1494 : f32 to vector<16xf32>
          %mul3A_1502 = arith.mulf %get3A_1500, %mul3A_1501 : vector<16xf32>
          %add3A_1503 = arith.addf %add3A_1425, %mul3A_1502 : vector<16xf32>
          %add3A_1504 = arith.constant 16 : i32
          %add3A_1505 = arith.addi %mul3A_210, %add3A_1504 : i32
          %get3A_1506 = arith.index_cast %add3A_1492 : i32 to index
          %get3A_1507 = arith.index_cast %add3A_1505 : i32 to index
          %get3A_1508 = tpu.vector_load %arg9[%get3A_1506, %get3A_1507] {strides = array<i32>} : memref<32x3584xf32, #tpu.memory_space<vmem>>, vector<1x16xf32>,
          %get3A_1509 = vector.shape_cast %get3A_1508 : vector<1x16xf32> to vector<16xf32>
          %mul3A_1510 = vector.broadcast %squeeze3A_1494 : f32 to vector<16xf32>
          %mul3A_1511 = arith.mulf %get3A_1509, %mul3A_1510 : vector<16xf32>
          %add3A_1512 = arith.addf %add3A_1434, %mul3A_1511 : vector<16xf32>
          %add3A_1513 = arith.constant 32 : i32
          %add3A_1514 = arith.addi %mul3A_210, %add3A_1513 : i32
          %get3A_1515 = arith.index_cast %add3A_1492 : i32 to index
          %get3A_1516 = arith.index_cast %add3A_1514 : i32 to index
          %get3A_1517 = tpu.vector_load %arg9[%get3A_1515, %get3A_1516] {strides = array<i32>} : memref<32x3584xf32, #tpu.memory_space<vmem>>, vector<1x16xf32>,
          %get3A_1518 = vector.shape_cast %get3A_1517 : vector<1x16xf32> to vector<16xf32>
          %mul3A_1519 = vector.broadcast %squeeze3A_1494 : f32 to vector<16xf32>
          %mul3A_1520 = arith.mulf %get3A_1518, %mul3A_1519 : vector<16xf32>
          %add3A_1521 = arith.addf %add3A_1443, %mul3A_1520 : vector<16xf32>
          %add3A_1522 = arith.constant 48 : i32
          %add3A_1523 = arith.addi %mul3A_210, %add3A_1522 : i32
          %get3A_1524 = arith.index_cast %add3A_1492 : i32 to index
          %get3A_1525 = arith.index_cast %add3A_1523 : i32 to index
          %get3A_1526 = tpu.vector_load %arg9[%get3A_1524, %get3A_1525] {strides = array<i32>} : memref<32x3584xf32, #tpu.memory_space<vmem>>, vector<1x16xf32>,
          %get3A_1527 = vector.shape_cast %get3A_1526 : vector<1x16xf32> to vector<16xf32>
          %mul3A_1528 = vector.broadcast %squeeze3A_1494 : f32 to vector<16xf32>
          %mul3A_1529 = arith.mulf %get3A_1527, %mul3A_1528 : vector<16xf32>
          %add3A_1530 = arith.addf %add3A_1452, %mul3A_1529 : vector<16xf32>
          %add3A_1531 = arith.constant 64 : i32
          %add3A_1532 = arith.addi %mul3A_210, %add3A_1531 : i32
          %get3A_1533 = arith.index_cast %add3A_1492 : i32 to index
          %get3A_1534 = arith.index_cast %add3A_1532 : i32 to index
          %get3A_1535 = tpu.vector_load %arg9[%get3A_1533, %get3A_1534] {strides = array<i32>} : memref<32x3584xf32, #tpu.memory_space<vmem>>, vector<1x16xf32>,
          %get3A_1536 = vector.shape_cast %get3A_1535 : vector<1x16xf32> to vector<16xf32>
          %mul3A_1537 = vector.broadcast %squeeze3A_1494 : f32 to vector<16xf32>
          %mul3A_1538 = arith.mulf %get3A_1536, %mul3A_1537 : vector<16xf32>
          %add3A_1539 = arith.addf %add3A_1461, %mul3A_1538 : vector<16xf32>
          %add3A_1540 = arith.constant 80 : i32
          %add3A_1541 = arith.addi %mul3A_210, %add3A_1540 : i32
          %get3A_1542 = arith.index_cast %add3A_1492 : i32 to index
          %get3A_1543 = arith.index_cast %add3A_1541 : i32 to index
          %get3A_1544 = tpu.vector_load %arg9[%get3A_1542, %get3A_1543] {strides = array<i32>} : memref<32x3584xf32, #tpu.memory_space<vmem>>, vector<1x16xf32>,
          %get3A_1545 = vector.shape_cast %get3A_1544 : vector<1x16xf32> to vector<16xf32>
          %mul3A_1546 = vector.broadcast %squeeze3A_1494 : f32 to vector<16xf32>
          %mul3A_1547 = arith.mulf %get3A_1545, %mul3A_1546 : vector<16xf32>
          %add3A_1548 = arith.addf %add3A_1470, %mul3A_1547 : vector<16xf32>
          %add3A_1549 = arith.constant 96 : i32
          %add3A_1550 = arith.addi %mul3A_210, %add3A_1549 : i32
          %get3A_1551 = arith.index_cast %add3A_1492 : i32 to index
          %get3A_1552 = arith.index_cast %add3A_1550 : i32 to index
          %get3A_1553 = tpu.vector_load %arg9[%get3A_1551, %get3A_1552] {strides = array<i32>} : memref<32x3584xf32, #tpu.memory_space<vmem>>, vector<1x16xf32>,
          %get3A_1554 = vector.shape_cast %get3A_1553 : vector<1x16xf32> to vector<16xf32>
          %mul3A_1555 = vector.broadcast %squeeze3A_1494 : f32 to vector<16xf32>
          %mul3A_1556 = arith.mulf %get3A_1554, %mul3A_1555 : vector<16xf32>
          %add3A_1557 = arith.addf %add3A_1479, %mul3A_1556 : vector<16xf32>
          %add3A_1558 = arith.constant 112 : i32
          %add3A_1559 = arith.addi %mul3A_210, %add3A_1558 : i32
          %get3A_1560 = arith.index_cast %add3A_1492 : i32 to index
          %get3A_1561 = arith.index_cast %add3A_1559 : i32 to index
          %get3A_1562 = tpu.vector_load %arg9[%get3A_1560, %get3A_1561] {strides = array<i32>} : memref<32x3584xf32, #tpu.memory_space<vmem>>, vector<1x16xf32>,
          %get3A_1563 = vector.shape_cast %get3A_1562 : vector<1x16xf32> to vector<16xf32>
          %mul3A_1564 = vector.broadcast %squeeze3A_1494 : f32 to vector<16xf32>
          %mul3A_1565 = arith.mulf %get3A_1563, %mul3A_1564 : vector<16xf32>
          %add3A_1566 = arith.addf %add3A_1488, %mul3A_1565 : vector<16xf32>
          scf.yield %add3A_1503, %add3A_1512, %add3A_1521, %add3A_1530, %add3A_1539, %add3A_1548, %add3A_1557, %add3A_1566 : vector<16xf32>, vector<16xf32>, vector<16xf32>, vector<16xf32>, vector<16xf32>, vector<16xf32>, vector<16xf32>, vector<16xf32>
        }
        %scan3A_255 = arith.constant 2 : i32
        %add3A_256 = arith.constant 0 : i32
        %add3A_257 = arith.addi %mul3A_210, %add3A_256 : i32
        %swap3A = arith.index_cast %add3A_257 : i32 to index
        %swap3A_258 = tpu.vector_load %arg10[%swap3A] {strides = array<i32>} : memref<3584xf32, #tpu.memory_space<vmem>>, vector<16xf32>,
        %swap3A_259 = vector.shape_cast %swap3A_258 : vector<16xf32> to vector<16xf32>
        %swap3A_260 = vector.shape_cast %scan3A_254#0 : vector<16xf32> to vector<16xf32>
        tpu.vector_store %arg10[%swap3A], %swap3A_260 {strides = array<i32>} : memref<3584xf32, #tpu.memory_space<vmem>>, vector<16xf32>,
        %add3A_261 = arith.constant 16 : i32
        %add3A_262 = arith.addi %mul3A_210, %add3A_261 : i32
        %swap3A_263 = arith.index_cast %add3A_262 : i32 to index
        %swap3A_264 = tpu.vector_load %arg10[%swap3A_263] {strides = array<i32>} : memref<3584xf32, #tpu.memory_space<vmem>>, vector<16xf32>,
        %swap3A_265 = vector.shape_cast %swap3A_264 : vector<16xf32> to vector<16xf32>
        %swap3A_266 = vector.shape_cast %scan3A_254#1 : vector<16xf32> to vector<16xf32>
        tpu.vector_store %arg10[%swap3A_263], %swap3A_266 {strides = array<i32>} : memref<3584xf32, #tpu.memory_space<vmem>>, vector<16xf32>,
        %add3A_267 = arith.constant 32 : i32
        %add3A_268 = arith.addi %mul3A_210, %add3A_267 : i32
        %swap3A_269 = arith.index_cast %add3A_268 : i32 to index
        %swap3A_270 = tpu.vector_load %arg10[%swap3A_269] {strides = array<i32>} : memref<3584xf32, #tpu.memory_space<vmem>>, vector<16xf32>,
        %swap3A_271 = vector.shape_cast %swap3A_270 : vector<16xf32> to vector<16xf32>
        %swap3A_272 = vector.shape_cast %scan3A_254#2 : vector<16xf32> to vector<16xf32>
        tpu.vector_store %arg10[%swap3A_269], %swap3A_272 {strides = array<i32>} : memref<3584xf32, #tpu.memory_space<vmem>>, vector<16xf32>,
        %add3A_273 = arith.constant 48 : i32
        %add3A_274 = arith.addi %mul3A_210, %add3A_273 : i32
        %swap3A_275 = arith.index_cast %add3A_274 : i32 to index
        %swap3A_276 = tpu.vector_load %arg10[%swap3A_275] {strides = array<i32>} : memref<3584xf32, #tpu.memory_space<vmem>>, vector<16xf32>,
        %swap3A_277 = vector.shape_cast %swap3A_276 : vector<16xf32> to vector<16xf32>
        %swap3A_278 = vector.shape_cast %scan3A_254#3 : vector<16xf32> to vector<16xf32>
        tpu.vector_store %arg10[%swap3A_275], %swap3A_278 {strides = array<i32>} : memref<3584xf32, #tpu.memory_space<vmem>>, vector<16xf32>,
        %add3A_279 = arith.constant 64 : i32
        %add3A_280 = arith.addi %mul3A_210, %add3A_279 : i32
        %swap3A_281 = arith.index_cast %add3A_280 : i32 to index
        %swap3A_282 = tpu.vector_load %arg10[%swap3A_281] {strides = array<i32>} : memref<3584xf32, #tpu.memory_space<vmem>>, vector<16xf32>,
        %swap3A_283 = vector.shape_cast %swap3A_282 : vector<16xf32> to vector<16xf32>
        %swap3A_284 = vector.shape_cast %scan3A_254#4 : vector<16xf32> to vector<16xf32>
        tpu.vector_store %arg10[%swap3A_281], %swap3A_284 {strides = array<i32>} : memref<3584xf32, #tpu.memory_space<vmem>>, vector<16xf32>,
        %add3A_285 = arith.constant 80 : i32
        %add3A_286 = arith.addi %mul3A_210, %add3A_285 : i32
        %swap3A_287 = arith.index_cast %add3A_286 : i32 to index
        %swap3A_288 = tpu.vector_load %arg10[%swap3A_287] {strides = array<i32>} : memref<3584xf32, #tpu.memory_space<vmem>>, vector<16xf32>,
        %swap3A_289 = vector.shape_cast %swap3A_288 : vector<16xf32> to vector<16xf32>
        %swap3A_290 = vector.shape_cast %scan3A_254#5 : vector<16xf32> to vector<16xf32>
        tpu.vector_store %arg10[%swap3A_287], %swap3A_290 {strides = array<i32>} : memref<3584xf32, #tpu.memory_space<vmem>>, vector<16xf32>,
        %add3A_291 = arith.constant 96 : i32
        %add3A_292 = arith.addi %mul3A_210, %add3A_291 : i32
        %swap3A_293 = arith.index_cast %add3A_292 : i32 to index
        %swap3A_294 = tpu.vector_load %arg10[%swap3A_293] {strides = array<i32>} : memref<3584xf32, #tpu.memory_space<vmem>>, vector<16xf32>,
        %swap3A_295 = vector.shape_cast %swap3A_294 : vector<16xf32> to vector<16xf32>
        %swap3A_296 = vector.shape_cast %scan3A_254#6 : vector<16xf32> to vector<16xf32>
        tpu.vector_store %arg10[%swap3A_293], %swap3A_296 {strides = array<i32>} : memref<3584xf32, #tpu.memory_space<vmem>>, vector<16xf32>,
        %add3A_297 = arith.constant 112 : i32
        %add3A_298 = arith.addi %mul3A_210, %add3A_297 : i32
        %swap3A_299 = arith.index_cast %add3A_298 : i32 to index
        %swap3A_300 = tpu.vector_load %arg10[%swap3A_299] {strides = array<i32>} : memref<3584xf32, #tpu.memory_space<vmem>>, vector<16xf32>,
        %swap3A_301 = vector.shape_cast %swap3A_300 : vector<16xf32> to vector<16xf32>
        %swap3A_302 = vector.shape_cast %scan3A_254#7 : vector<16xf32> to vector<16xf32>
        tpu.vector_store %arg10[%swap3A_299], %swap3A_302 {strides = array<i32>} : memref<3584xf32, #tpu.memory_space<vmem>>, vector<16xf32>,
        %scan3A_303 = arith.constant 0 : i32
        scf.yield %scan3A_303 : i32
      }
      %scan3A_203 = arith.constant 28 : i32
      %scan3A_204 = arith.constant 0 : i32
      scf.yield %scan3A_204 : i32
    }
    %scan3A_24 = arith.constant 16 : i32
    %broadcast_in_dim3A = arith.constant 0.000000e+00 : f32
    %broadcast_in_dim3A_25 = vector.broadcast %broadcast_in_dim3A : f32 to vector<16xf32>
    %scan3A_26 = arith.constant 0 : i32
    %scan3A_27 = arith.constant 32 : i32
    %scan3A_28 = arith.addi %scan3A_26, %scan3A_27 : i32
    %scan3A_29 = arith.constant 1 : i32
    %scan3A_30 = scf.for %scan3A_187 = %scan3A_26 to %scan3A_28 step %scan3A_29 iter_args(%scan3A_188 = %broadcast_in_dim3A_25) -> (vector<16xf32>)  : i32 {
      %mul3A_189 = arith.constant 16 : i32
      %mul3A_190 = arith.muli %scan3A_187, %mul3A_189 : i32
      %get3A = arith.index_cast %mul3A_190 : i32 to index
      %get3A_191 = tpu.vector_load %arg8[%get3A] {strides = array<i32>} : memref<512xf32, #tpu.memory_space<vmem>>, vector<16xf32>,
      %get3A_192 = vector.shape_cast %get3A_191 : vector<16xf32> to vector<16xf32>
      %add3A_193 = arith.addf %scan3A_188, %get3A_192 : vector<16xf32>
      scf.yield %add3A_193 : vector<16xf32>
    }
    %scan3A_31 = arith.constant 32 : i32
    %slice3A = vector.extract_strided_slice %scan3A_30 {offsets = [0], sizes = [1], strides = [1]} : vector<16xf32> to vector<1xf32>
    %squeeze3A = vector.extract %slice3A[0] : f32 from vector<1xf32>
    %slice3A_32 = vector.extract_strided_slice %scan3A_30 {offsets = [1], sizes = [1], strides = [1]} : vector<16xf32> to vector<1xf32>
    %squeeze3A_33 = vector.extract %slice3A_32[0] : f32 from vector<1xf32>
    %add3A_34 = arith.addf %squeeze3A, %squeeze3A_33 : f32
    %slice3A_35 = vector.extract_strided_slice %scan3A_30 {offsets = [2], sizes = [1], strides = [1]} : vector<16xf32> to vector<1xf32>
    %squeeze3A_36 = vector.extract %slice3A_35[0] : f32 from vector<1xf32>
    %add3A_37 = arith.addf %add3A_34, %squeeze3A_36 : f32
    %slice3A_38 = vector.extract_strided_slice %scan3A_30 {offsets = [3], sizes = [1], strides = [1]} : vector<16xf32> to vector<1xf32>
    %squeeze3A_39 = vector.extract %slice3A_38[0] : f32 from vector<1xf32>
    %add3A_40 = arith.addf %add3A_37, %squeeze3A_39 : f32
    %slice3A_41 = vector.extract_strided_slice %scan3A_30 {offsets = [4], sizes = [1], strides = [1]} : vector<16xf32> to vector<1xf32>
    %squeeze3A_42 = vector.extract %slice3A_41[0] : f32 from vector<1xf32>
    %add3A_43 = arith.addf %add3A_40, %squeeze3A_42 : f32
    %slice3A_44 = vector.extract_strided_slice %scan3A_30 {offsets = [5], sizes = [1], strides = [1]} : vector<16xf32> to vector<1xf32>
    %squeeze3A_45 = vector.extract %slice3A_44[0] : f32 from vector<1xf32>
    %add3A_46 = arith.addf %add3A_43, %squeeze3A_45 : f32
    %slice3A_47 = vector.extract_strided_slice %scan3A_30 {offsets = [6], sizes = [1], strides = [1]} : vector<16xf32> to vector<1xf32>
    %squeeze3A_48 = vector.extract %slice3A_47[0] : f32 from vector<1xf32>
    %add3A_49 = arith.addf %add3A_46, %squeeze3A_48 : f32
    %slice3A_50 = vector.extract_strided_slice %scan3A_30 {offsets = [7], sizes = [1], strides = [1]} : vector<16xf32> to vector<1xf32>
    %squeeze3A_51 = vector.extract %slice3A_50[0] : f32 from vector<1xf32>
    %add3A_52 = arith.addf %add3A_49, %squeeze3A_51 : f32
    %slice3A_53 = vector.extract_strided_slice %scan3A_30 {offsets = [8], sizes = [1], strides = [1]} : vector<16xf32> to vector<1xf32>
    %squeeze3A_54 = vector.extract %slice3A_53[0] : f32 from vector<1xf32>
    %add3A_55 = arith.addf %add3A_52, %squeeze3A_54 : f32
    %slice3A_56 = vector.extract_strided_slice %scan3A_30 {offsets = [9], sizes = [1], strides = [1]} : vector<16xf32> to vector<1xf32>
    %squeeze3A_57 = vector.extract %slice3A_56[0] : f32 from vector<1xf32>
    %add3A_58 = arith.addf %add3A_55, %squeeze3A_57 : f32
    %slice3A_59 = vector.extract_strided_slice %scan3A_30 {offsets = [10], sizes = [1], strides = [1]} : vector<16xf32> to vector<1xf32>
    %squeeze3A_60 = vector.extract %slice3A_59[0] : f32 from vector<1xf32>
    %add3A_61 = arith.addf %add3A_58, %squeeze3A_60 : f32
    %slice3A_62 = vector.extract_strided_slice %scan3A_30 {offsets = [11], sizes = [1], strides = [1]} : vector<16xf32> to vector<1xf32>
    %squeeze3A_63 = vector.extract %slice3A_62[0] : f32 from vector<1xf32>
    %add3A_64 = arith.addf %add3A_61, %squeeze3A_63 : f32
    %slice3A_65 = vector.extract_strided_slice %scan3A_30 {offsets = [12], sizes = [1], strides = [1]} : vector<16xf32> to vector<1xf32>
    %squeeze3A_66 = vector.extract %slice3A_65[0] : f32 from vector<1xf32>
    %add3A_67 = arith.addf %add3A_64, %squeeze3A_66 : f32
    %slice3A_68 = vector.extract_strided_slice %scan3A_30 {offsets = [13], sizes = [1], strides = [1]} : vector<16xf32> to vector<1xf32>
    %squeeze3A_69 = vector.extract %slice3A_68[0] : f32 from vector<1xf32>
    %add3A_70 = arith.addf %add3A_67, %squeeze3A_69 : f32
    %slice3A_71 = vector.extract_strided_slice %scan3A_30 {offsets = [14], sizes = [1], strides = [1]} : vector<16xf32> to vector<1xf32>
    %squeeze3A_72 = vector.extract %slice3A_71[0] : f32 from vector<1xf32>
    %add3A_73 = arith.addf %add3A_70, %squeeze3A_72 : f32
    %slice3A_74 = vector.extract_strided_slice %scan3A_30 {offsets = [15], sizes = [1], strides = [1]} : vector<16xf32> to vector<1xf32>
    %squeeze3A_75 = vector.extract %slice3A_74[0] : f32 from vector<1xf32>
    %add3A_76 = arith.addf %add3A_73, %squeeze3A_75 : f32
    %max3A = arith.constant 9.99999971E-10 : f32
    %max3A_77 = arith.maximumf %add3A_76, %max3A : f32
    %broadcast_in_dim3A_78 = arith.constant 1.000000e+00 : f32
    %broadcast_in_dim3A_79 = vector.broadcast %broadcast_in_dim3A_78 : f32 to vector<16xf32>
    %mul3A_80 = vector.broadcast %max3A_77 : f32 to vector<16xf32>
    %mul3A_81 = arith.mulf %broadcast_in_dim3A_79, %mul3A_80 : vector<16xf32>
    %broadcast_in_dim3A_82 = arith.constant 1.000000e+00 : f32
    %broadcast_in_dim3A_83 = vector.broadcast %broadcast_in_dim3A_82 : f32 to vector<16xf32>
    %div3A = arith.divf %broadcast_in_dim3A_83, %mul3A_81 : vector<16xf32>
    %scan3A_84 = arith.constant 0 : i32
    %scan3A_85 = arith.constant 0 : i32
    %scan3A_86 = arith.constant 224 : i32
    %scan3A_87 = arith.addi %scan3A_85, %scan3A_86 : i32
    %scan3A_88 = arith.constant 1 : i32
    %scan3A_89 = scf.for %scan3A_187 = %scan3A_85 to %scan3A_87 step %scan3A_88 iter_args(%scan3A_188 = %scan3A_84) -> (i32)  : i32 {
      %mul3A_189 = arith.constant 16 : i32
      %mul3A_190 = arith.muli %scan3A_187, %mul3A_189 : i32
      %get3A = arith.index_cast %mul3A_190 : i32 to index
      %get3A_191 = tpu.vector_load %arg10[%get3A] {strides = array<i32>} : memref<3584xf32, #tpu.memory_space<vmem>>, vector<16xf32>,
      %get3A_192 = vector.shape_cast %get3A_191 : vector<16xf32> to vector<16xf32>
      %mul3A_193 = arith.mulf %get3A_192, %div3A : vector<16xf32>
      %swap3A = arith.index_cast %mul3A_190 : i32 to index
      %swap3A_194 = tpu.vector_load %arg10[%swap3A] {strides = array<i32>} : memref<3584xf32, #tpu.memory_space<vmem>>, vector<16xf32>,
      %swap3A_195 = vector.shape_cast %swap3A_194 : vector<16xf32> to vector<16xf32>
      %swap3A_196 = vector.shape_cast %mul3A_193 : vector<16xf32> to vector<16xf32>
      tpu.vector_store %arg10[%swap3A], %swap3A_196 {strides = array<i32>} : memref<3584xf32, #tpu.memory_space<vmem>>, vector<16xf32>,
      %scan3A_197 = arith.constant 0 : i32
      scf.yield %scan3A_197 : i32
    }
    %scan3A_90 = arith.constant 224 : i32
    "tpu.region"() ({
      %run_scoped3A = tpu.sem_alloc : memref<!tpu.dma_semaphore, #tpu.memory_space<semaphore_mem>>
      %dma_start3A = arith.constant 0 : i32
      %dma_start3A_187 = tpu.memref_slice %arg5[%add3A_4, %dma_start3A] : memref<64x3584xf32, #tpu.memory_space<hbm>> -> memref<1x3584xf32, #tpu.memory_space<hbm>>
      %dma_start3A_188 = tpu.memref_squeeze %dma_start3A_187 : memref<1x3584xf32, #tpu.memory_space<hbm>> -> memref<3584xf32, #tpu.memory_space<hbm>>
      %dma_start3A_189 = arith.constant 0 : i32
      %dma_start3A_190 = tpu.memref_slice %arg5[%add3A_4, %dma_start3A_189] : memref<64x3584xf32, #tpu.memory_space<hbm>> -> memref<1x3584xf32, #tpu.memory_space<hbm>>
      %dma_start3A_191 = tpu.memref_squeeze %dma_start3A_190 : memref<1x3584xf32, #tpu.memory_space<hbm>> -> memref<3584xf32, #tpu.memory_space<hbm>>
      tpu.enqueue_dma source(%arg10 : memref<3584xf32, #tpu.memory_space<vmem>>) target(%dma_start3A_191 : memref<3584xf32, #tpu.memory_space<hbm>>) target_semaphore(%run_scoped3A : memref<!tpu.dma_semaphore, #tpu.memory_space<semaphore_mem>>)
      %dma_wait3A = arith.constant 0 : i32
      %dma_wait3A_192 = tpu.memref_slice %arg5[%add3A_4, %dma_wait3A] : memref<64x3584xf32, #tpu.memory_space<hbm>> -> memref<1x3584xf32, #tpu.memory_space<hbm>>
      %dma_wait3A_193 = tpu.memref_squeeze %dma_wait3A_192 : memref<1x3584xf32, #tpu.memory_space<hbm>> -> memref<3584xf32, #tpu.memory_space<hbm>>
      %dma_wait3A_194 = arith.constant 0 : i32
      %dma_wait3A_195 = tpu.memref_slice %arg5[%add3A_4, %dma_wait3A_194] : memref<64x3584xf32, #tpu.memory_space<hbm>> -> memref<1x3584xf32, #tpu.memory_space<hbm>>
      %dma_wait3A_196 = tpu.memref_squeeze %dma_wait3A_195 : memref<1x3584xf32, #tpu.memory_space<hbm>> -> memref<3584xf32, #tpu.memory_space<hbm>>
      tpu.wait_dma2 semaphore(%run_scoped3A : memref<!tpu.dma_semaphore, #tpu.memory_space<semaphore_mem>>) src(%arg10 : memref<3584xf32, #tpu.memory_space<vmem>>) dst(%dma_wait3A_196 : memref<3584xf32, #tpu.memory_space<hbm>>)
      tpu.yield
    }) : () -> ()
    %mul3A_91 = arith.constant 2 : i32
    %mul3A_92 = arith.muli %add3A, %mul3A_91 : i32
    %add3A_93 = arith.constant 1 : i32
    %add3A_94 = arith.addi %mul3A_92, %add3A_93 : i32
    "tpu.region"() ({
      %run_scoped3A = tpu.sem_alloc : memref<!tpu.dma_semaphore, #tpu.memory_space<semaphore_mem>>
      %dma_start3A = arith.constant 0 : i32
      %dma_start3A_187 = tpu.memref_slice %arg2[%add3A_94, %dma_start3A] : memref<64x512xi32, #tpu.memory_space<hbm>> -> memref<1x512xi32, #tpu.memory_space<hbm>>
      %dma_start3A_188 = tpu.memref_squeeze %dma_start3A_187 : memref<1x512xi32, #tpu.memory_space<hbm>> -> memref<512xi32, #tpu.memory_space<hbm>>
      %dma_start3A_189 = arith.constant 0 : i32
      %dma_start3A_190 = tpu.memref_slice %arg2[%add3A_94, %dma_start3A_189] : memref<64x512xi32, #tpu.memory_space<hbm>> -> memref<1x512xi32, #tpu.memory_space<hbm>>
      %dma_start3A_191 = tpu.memref_squeeze %dma_start3A_190 : memref<1x512xi32, #tpu.memory_space<hbm>> -> memref<512xi32, #tpu.memory_space<hbm>>
      tpu.enqueue_dma source(%dma_start3A_191 : memref<512xi32, #tpu.memory_space<hbm>>) target(%arg6 : memref<512xi32, #tpu.memory_space<vmem>>) target_semaphore(%run_scoped3A : memref<!tpu.dma_semaphore, #tpu.memory_space<semaphore_mem>>)
      %dma_wait3A = arith.constant 0 : i32
      %dma_wait3A_192 = tpu.memref_slice %arg2[%add3A_94, %dma_wait3A] : memref<64x512xi32, #tpu.memory_space<hbm>> -> memref<1x512xi32, #tpu.memory_space<hbm>>
      %dma_wait3A_193 = tpu.memref_squeeze %dma_wait3A_192 : memref<1x512xi32, #tpu.memory_space<hbm>> -> memref<512xi32, #tpu.memory_space<hbm>>
      %dma_wait3A_194 = arith.constant 0 : i32
      %dma_wait3A_195 = tpu.memref_slice %arg2[%add3A_94, %dma_wait3A_194] : memref<64x512xi32, #tpu.memory_space<hbm>> -> memref<1x512xi32, #tpu.memory_space<hbm>>
      %dma_wait3A_196 = tpu.memref_squeeze %dma_wait3A_195 : memref<1x512xi32, #tpu.memory_space<hbm>> -> memref<512xi32, #tpu.memory_space<hbm>>
      tpu.wait_dma2 semaphore(%run_scoped3A : memref<!tpu.dma_semaphore, #tpu.memory_space<semaphore_mem>>) src(%dma_wait3A_196 : memref<512xi32, #tpu.memory_space<hbm>>) dst(%arg6 : memref<512xi32, #tpu.memory_space<vmem>>)
      tpu.yield
    }) : () -> ()
    "tpu.region"() ({
      %run_scoped3A = tpu.sem_alloc : memref<!tpu.dma_semaphore, #tpu.memory_space<semaphore_mem>>
      %dma_start3A = arith.constant 0 : i32
      %dma_start3A_187 = tpu.memref_slice %arg3[%add3A_94, %dma_start3A] : memref<64x512xi32, #tpu.memory_space<hbm>> -> memref<1x512xi32, #tpu.memory_space<hbm>>
      %dma_start3A_188 = tpu.memref_squeeze %dma_start3A_187 : memref<1x512xi32, #tpu.memory_space<hbm>> -> memref<512xi32, #tpu.memory_space<hbm>>
      %dma_start3A_189 = arith.constant 0 : i32
      %dma_start3A_190 = tpu.memref_slice %arg3[%add3A_94, %dma_start3A_189] : memref<64x512xi32, #tpu.memory_space<hbm>> -> memref<1x512xi32, #tpu.memory_space<hbm>>
      %dma_start3A_191 = tpu.memref_squeeze %dma_start3A_190 : memref<1x512xi32, #tpu.memory_space<hbm>> -> memref<512xi32, #tpu.memory_space<hbm>>
      tpu.enqueue_dma source(%dma_start3A_191 : memref<512xi32, #tpu.memory_space<hbm>>) target(%arg7 : memref<512xi32, #tpu.memory_space<vmem>>) target_semaphore(%run_scoped3A : memref<!tpu.dma_semaphore, #tpu.memory_space<semaphore_mem>>)
      %dma_wait3A = arith.constant 0 : i32
      %dma_wait3A_192 = tpu.memref_slice %arg3[%add3A_94, %dma_wait3A] : memref<64x512xi32, #tpu.memory_space<hbm>> -> memref<1x512xi32, #tpu.memory_space<hbm>>
      %dma_wait3A_193 = tpu.memref_squeeze %dma_wait3A_192 : memref<1x512xi32, #tpu.memory_space<hbm>> -> memref<512xi32, #tpu.memory_space<hbm>>
      %dma_wait3A_194 = arith.constant 0 : i32
      %dma_wait3A_195 = tpu.memref_slice %arg3[%add3A_94, %dma_wait3A_194] : memref<64x512xi32, #tpu.memory_space<hbm>> -> memref<1x512xi32, #tpu.memory_space<hbm>>
      %dma_wait3A_196 = tpu.memref_squeeze %dma_wait3A_195 : memref<1x512xi32, #tpu.memory_space<hbm>> -> memref<512xi32, #tpu.memory_space<hbm>>
      tpu.wait_dma2 semaphore(%run_scoped3A : memref<!tpu.dma_semaphore, #tpu.memory_space<semaphore_mem>>) src(%dma_wait3A_196 : memref<512xi32, #tpu.memory_space<hbm>>) dst(%arg7 : memref<512xi32, #tpu.memory_space<vmem>>)
      tpu.yield
    }) : () -> ()
    %scan3A_95 = arith.constant 0 : i32
    %scan3A_96 = arith.constant 0 : i32
    %scan3A_97 = arith.constant 32 : i32
    %scan3A_98 = arith.addi %scan3A_96, %scan3A_97 : i32
    %scan3A_99 = arith.constant 1 : i32
    %scan3A_100 = scf.for %scan3A_187 = %scan3A_96 to %scan3A_98 step %scan3A_99 iter_args(%scan3A_188 = %scan3A_95) -> (i32)  : i32 {
      %mul3A_189 = arith.constant 16 : i32
      %mul3A_190 = arith.muli %scan3A_187, %mul3A_189 : i32
      %get3A = arith.index_cast %mul3A_190 : i32 to index
      %get3A_191 = tpu.vector_load %arg7[%get3A] {strides = array<i32>} : memref<512xi32, #tpu.memory_space<vmem>>, vector<16xi32>,
      %get3A_192 = vector.shape_cast %get3A_191 : vector<16xi32> to vector<16xi32>
      %convert_element_type3A = arith.sitofp %get3A_192 : vector<16xi32> to vector<16xf32>
      %swap3A = arith.index_cast %mul3A_190 : i32 to index
      %swap3A_193 = tpu.vector_load %arg8[%swap3A] {strides = array<i32>} : memref<512xf32, #tpu.memory_space<vmem>>, vector<16xf32>,
      %swap3A_194 = vector.shape_cast %swap3A_193 : vector<16xf32> to vector<16xf32>
      %swap3A_195 = vector.shape_cast %convert_element_type3A : vector<16xf32> to vector<16xf32>
      tpu.vector_store %arg8[%swap3A], %swap3A_195 {strides = array<i32>} : memref<512xf32, #tpu.memory_space<vmem>>, vector<16xf32>,
      %scan3A_196 = arith.constant 0 : i32
      scf.yield %scan3A_196 : i32
    }
    %scan3A_101 = arith.constant 32 : i32
    %scan3A_102 = arith.constant 0 : i32
    %scan3A_103 = arith.constant 0 : i32
    %scan3A_104 = arith.constant 224 : i32
    %scan3A_105 = arith.addi %scan3A_103, %scan3A_104 : i32
    %scan3A_106 = arith.constant 1 : i32
    %scan3A_107 = scf.for %scan3A_187 = %scan3A_103 to %scan3A_105 step %scan3A_106 iter_args(%scan3A_188 = %scan3A_102) -> (i32)  : i32 {
      %broadcast_in_dim3A_189 = arith.constant 0.000000e+00 : f32
      %broadcast_in_dim3A_190 = vector.broadcast %broadcast_in_dim3A_189 : f32 to vector<16xf32>
      %mul3A_191 = arith.constant 16 : i32
      %mul3A_192 = arith.muli %scan3A_187, %mul3A_191 : i32
      %swap3A = arith.index_cast %mul3A_192 : i32 to index
      %swap3A_193 = tpu.vector_load %arg10[%swap3A] {strides = array<i32>} : memref<3584xf32, #tpu.memory_space<vmem>>, vector<16xf32>,
      %swap3A_194 = vector.shape_cast %swap3A_193 : vector<16xf32> to vector<16xf32>
      %swap3A_195 = vector.shape_cast %broadcast_in_dim3A_190 : vector<16xf32> to vector<16xf32>
      tpu.vector_store %arg10[%swap3A], %swap3A_195 {strides = array<i32>} : memref<3584xf32, #tpu.memory_space<vmem>>, vector<16xf32>,
      %scan3A_196 = arith.constant 0 : i32
      scf.yield %scan3A_196 : i32
    }
    %scan3A_108 = arith.constant 224 : i32
    %scan3A_109 = arith.constant 0 : i32
    %scan3A_110 = arith.constant 0 : i32
    %scan3A_111 = arith.constant 16 : i32
    %scan3A_112 = arith.addi %scan3A_110, %scan3A_111 : i32
    %scan3A_113 = arith.constant 1 : i32
    %scan3A_114 = scf.for %scan3A_187 = %scan3A_110 to %scan3A_112 step %scan3A_113 iter_args(%scan3A_188 = %scan3A_109) -> (i32)  : i32 {
      %mul3A_189 = arith.constant 32 : i32
      %mul3A_190 = arith.muli %scan3A_187, %mul3A_189 : i32
      %multiple_of3A = tpu.assume_multiple %mul3A_190, 8 : i32
      %dma_start3A = tpu.memref_slice %arg6[%multiple_of3A] : memref<512xi32, #tpu.memory_space<vmem>> -> memref<32xi32, #tpu.memory_space<vmem>>
      %dma_start3A_191 = arith.constant 0 : i32
      %dma_start3A_192 = arith.constant 0 : i32
      %dma_start3A_193 = tpu.memref_slice %arg4[%dma_start3A_191, %dma_start3A_192] : memref<151936x3584xf32, #tpu.memory_space<hbm>> -> memref<151936x3584xf32, #tpu.memory_space<hbm>>
      tpu.enqueue_indirect_dma source(%dma_start3A_193 : memref<151936x3584xf32, #tpu.memory_space<hbm>>) target(%arg9 : memref<32x3584xf32, #tpu.memory_space<vmem>>) offsets(%dma_start3A : memref<32xi32, #tpu.memory_space<vmem>>) semaphore(%arg11 : memref<!tpu.dma_semaphore, #tpu.memory_space<semaphore_mem>>)
      %dma_wait3A = tpu.memref_slice %arg6[%multiple_of3A] : memref<512xi32, #tpu.memory_space<vmem>> -> memref<32xi32, #tpu.memory_space<vmem>>
      %dma_wait3A_194 = arith.constant 0 : i32
      %dma_wait3A_195 = arith.constant 0 : i32
      %dma_wait3A_196 = tpu.memref_slice %arg4[%dma_wait3A_194, %dma_wait3A_195] : memref<151936x3584xf32, #tpu.memory_space<hbm>> -> memref<151936x3584xf32, #tpu.memory_space<hbm>>
      tpu.wait_indirect_dma semaphore(%arg11 : memref<!tpu.dma_semaphore, #tpu.memory_space<semaphore_mem>>) src(%dma_wait3A_196 : memref<151936x3584xf32, #tpu.memory_space<hbm>>) dst(%arg9 : memref<32x3584xf32, #tpu.memory_space<vmem>>)
      %scan3A_197 = arith.constant 0 : i32
      %scan3A_198 = arith.constant 0 : i32
      %scan3A_199 = arith.constant 28 : i32
      %scan3A_200 = arith.addi %scan3A_198, %scan3A_199 : i32
      %scan3A_201 = arith.constant 1 : i32
      %scan3A_202 = scf.for %scan3A_205 = %scan3A_198 to %scan3A_200 step %scan3A_201 iter_args(%scan3A_206 = %scan3A_197) -> (i32)  : i32 {
        %mul3A_207 = arith.constant 8 : i32
        %mul3A_208 = arith.muli %scan3A_205, %mul3A_207 : i32
        %mul3A_209 = arith.constant 16 : i32
        %mul3A_210 = arith.muli %mul3A_208, %mul3A_209 : i32
        %add3A_211 = arith.constant 0 : i32
        %add3A_212 = arith.addi %mul3A_210, %add3A_211 : i32
        %get3A = arith.index_cast %add3A_212 : i32 to index
        %get3A_213 = tpu.vector_load %arg10[%get3A] {strides = array<i32>} : memref<3584xf32, #tpu.memory_space<vmem>>, vector<16xf32>,
        %get3A_214 = vector.shape_cast %get3A_213 : vector<16xf32> to vector<16xf32>
        %add3A_215 = arith.constant 16 : i32
        %add3A_216 = arith.addi %mul3A_210, %add3A_215 : i32
        %get3A_217 = arith.index_cast %add3A_216 : i32 to index
        %get3A_218 = tpu.vector_load %arg10[%get3A_217] {strides = array<i32>} : memref<3584xf32, #tpu.memory_space<vmem>>, vector<16xf32>,
        %get3A_219 = vector.shape_cast %get3A_218 : vector<16xf32> to vector<16xf32>
        %add3A_220 = arith.constant 32 : i32
        %add3A_221 = arith.addi %mul3A_210, %add3A_220 : i32
        %get3A_222 = arith.index_cast %add3A_221 : i32 to index
        %get3A_223 = tpu.vector_load %arg10[%get3A_222] {strides = array<i32>} : memref<3584xf32, #tpu.memory_space<vmem>>, vector<16xf32>,
        %get3A_224 = vector.shape_cast %get3A_223 : vector<16xf32> to vector<16xf32>
        %add3A_225 = arith.constant 48 : i32
        %add3A_226 = arith.addi %mul3A_210, %add3A_225 : i32
        %get3A_227 = arith.index_cast %add3A_226 : i32 to index
        %get3A_228 = tpu.vector_load %arg10[%get3A_227] {strides = array<i32>} : memref<3584xf32, #tpu.memory_space<vmem>>, vector<16xf32>,
        %get3A_229 = vector.shape_cast %get3A_228 : vector<16xf32> to vector<16xf32>
        %add3A_230 = arith.constant 64 : i32
        %add3A_231 = arith.addi %mul3A_210, %add3A_230 : i32
        %get3A_232 = arith.index_cast %add3A_231 : i32 to index
        %get3A_233 = tpu.vector_load %arg10[%get3A_232] {strides = array<i32>} : memref<3584xf32, #tpu.memory_space<vmem>>, vector<16xf32>,
        %get3A_234 = vector.shape_cast %get3A_233 : vector<16xf32> to vector<16xf32>
        %add3A_235 = arith.constant 80 : i32
        %add3A_236 = arith.addi %mul3A_210, %add3A_235 : i32
        %get3A_237 = arith.index_cast %add3A_236 : i32 to index
        %get3A_238 = tpu.vector_load %arg10[%get3A_237] {strides = array<i32>} : memref<3584xf32, #tpu.memory_space<vmem>>, vector<16xf32>,
        %get3A_239 = vector.shape_cast %get3A_238 : vector<16xf32> to vector<16xf32>
        %add3A_240 = arith.constant 96 : i32
        %add3A_241 = arith.addi %mul3A_210, %add3A_240 : i32
        %get3A_242 = arith.index_cast %add3A_241 : i32 to index
        %get3A_243 = tpu.vector_load %arg10[%get3A_242] {strides = array<i32>} : memref<3584xf32, #tpu.memory_space<vmem>>, vector<16xf32>,
        %get3A_244 = vector.shape_cast %get3A_243 : vector<16xf32> to vector<16xf32>
        %add3A_245 = arith.constant 112 : i32
        %add3A_246 = arith.addi %mul3A_210, %add3A_245 : i32
        %get3A_247 = arith.index_cast %add3A_246 : i32 to index
        %get3A_248 = tpu.vector_load %arg10[%get3A_247] {strides = array<i32>} : memref<3584xf32, #tpu.memory_space<vmem>>, vector<16xf32>,
        %get3A_249 = vector.shape_cast %get3A_248 : vector<16xf32> to vector<16xf32>
        %scan3A_250 = arith.constant 0 : i32
        %scan3A_251 = arith.constant 2 : i32
        %scan3A_252 = arith.addi %scan3A_250, %scan3A_251 : i32
        %scan3A_253 = arith.constant 1 : i32
        %scan3A_254:8 = scf.for %scan3A_304 = %scan3A_250 to %scan3A_252 step %scan3A_253 iter_args(%scan3A_305 = %get3A_214, %scan3A_306 = %get3A_219, %scan3A_307 = %get3A_224, %scan3A_308 = %get3A_229, %scan3A_309 = %get3A_234, %scan3A_310 = %get3A_239, %scan3A_311 = %get3A_244, %scan3A_312 = %get3A_249) -> (vector<16xf32>, vector<16xf32>, vector<16xf32>, vector<16xf32>, vector<16xf32>, vector<16xf32>, vector<16xf32>, vector<16xf32>)  : i32 {
          %mul3A_313 = arith.constant 16 : i32
          %mul3A_314 = arith.muli %scan3A_304, %mul3A_313 : i32
          %add3A_315 = arith.addi %multiple_of3A, %mul3A_314 : i32
          %get3A_316 = arith.index_cast %add3A_315 : i32 to index
          %get3A_317 = tpu.vector_load %arg8[%get3A_316] {strides = array<i32>} : memref<512xf32, #tpu.memory_space<vmem>>, vector<16xf32>,
          %get3A_318 = vector.shape_cast %get3A_317 : vector<16xf32> to vector<16xf32>
          %mul3A_319 = arith.constant 16 : i32
          %mul3A_320 = arith.muli %scan3A_304, %mul3A_319 : i32
          %add3A_321 = arith.constant 0 : i32
          %add3A_322 = arith.addi %mul3A_320, %add3A_321 : i32
          %slice3A_323 = vector.extract_strided_slice %get3A_318 {offsets = [0], sizes = [1], strides = [1]} : vector<16xf32> to vector<1xf32>
          %squeeze3A_324 = vector.extract %slice3A_323[0] : f32 from vector<1xf32>
          %add3A_325 = arith.constant 0 : i32
          %add3A_326 = arith.addi %mul3A_210, %add3A_325 : i32
          %get3A_327 = arith.index_cast %add3A_322 : i32 to index
          %get3A_328 = arith.index_cast %add3A_326 : i32 to index
          %get3A_329 = tpu.vector_load %arg9[%get3A_327, %get3A_328] {strides = array<i32>} : memref<32x3584xf32, #tpu.memory_space<vmem>>, vector<1x16xf32>,
          %get3A_330 = vector.shape_cast %get3A_329 : vector<1x16xf32> to vector<16xf32>
          %mul3A_331 = vector.broadcast %squeeze3A_324 : f32 to vector<16xf32>
          %mul3A_332 = arith.mulf %get3A_330, %mul3A_331 : vector<16xf32>
          %add3A_333 = arith.addf %scan3A_305, %mul3A_332 : vector<16xf32>
          %add3A_334 = arith.constant 16 : i32
          %add3A_335 = arith.addi %mul3A_210, %add3A_334 : i32
          %get3A_336 = arith.index_cast %add3A_322 : i32 to index
          %get3A_337 = arith.index_cast %add3A_335 : i32 to index
          %get3A_338 = tpu.vector_load %arg9[%get3A_336, %get3A_337] {strides = array<i32>} : memref<32x3584xf32, #tpu.memory_space<vmem>>, vector<1x16xf32>,
          %get3A_339 = vector.shape_cast %get3A_338 : vector<1x16xf32> to vector<16xf32>
          %mul3A_340 = vector.broadcast %squeeze3A_324 : f32 to vector<16xf32>
          %mul3A_341 = arith.mulf %get3A_339, %mul3A_340 : vector<16xf32>
          %add3A_342 = arith.addf %scan3A_306, %mul3A_341 : vector<16xf32>
          %add3A_343 = arith.constant 32 : i32
          %add3A_344 = arith.addi %mul3A_210, %add3A_343 : i32
          %get3A_345 = arith.index_cast %add3A_322 : i32 to index
          %get3A_346 = arith.index_cast %add3A_344 : i32 to index
          %get3A_347 = tpu.vector_load %arg9[%get3A_345, %get3A_346] {strides = array<i32>} : memref<32x3584xf32, #tpu.memory_space<vmem>>, vector<1x16xf32>,
          %get3A_348 = vector.shape_cast %get3A_347 : vector<1x16xf32> to vector<16xf32>
          %mul3A_349 = vector.broadcast %squeeze3A_324 : f32 to vector<16xf32>
          %mul3A_350 = arith.mulf %get3A_348, %mul3A_349 : vector<16xf32>
          %add3A_351 = arith.addf %scan3A_307, %mul3A_350 : vector<16xf32>
          %add3A_352 = arith.constant 48 : i32
          %add3A_353 = arith.addi %mul3A_210, %add3A_352 : i32
          %get3A_354 = arith.index_cast %add3A_322 : i32 to index
          %get3A_355 = arith.index_cast %add3A_353 : i32 to index
          %get3A_356 = tpu.vector_load %arg9[%get3A_354, %get3A_355] {strides = array<i32>} : memref<32x3584xf32, #tpu.memory_space<vmem>>, vector<1x16xf32>,
          %get3A_357 = vector.shape_cast %get3A_356 : vector<1x16xf32> to vector<16xf32>
          %mul3A_358 = vector.broadcast %squeeze3A_324 : f32 to vector<16xf32>
          %mul3A_359 = arith.mulf %get3A_357, %mul3A_358 : vector<16xf32>
          %add3A_360 = arith.addf %scan3A_308, %mul3A_359 : vector<16xf32>
          %add3A_361 = arith.constant 64 : i32
          %add3A_362 = arith.addi %mul3A_210, %add3A_361 : i32
          %get3A_363 = arith.index_cast %add3A_322 : i32 to index
          %get3A_364 = arith.index_cast %add3A_362 : i32 to index
          %get3A_365 = tpu.vector_load %arg9[%get3A_363, %get3A_364] {strides = array<i32>} : memref<32x3584xf32, #tpu.memory_space<vmem>>, vector<1x16xf32>,
          %get3A_366 = vector.shape_cast %get3A_365 : vector<1x16xf32> to vector<16xf32>
          %mul3A_367 = vector.broadcast %squeeze3A_324 : f32 to vector<16xf32>
          %mul3A_368 = arith.mulf %get3A_366, %mul3A_367 : vector<16xf32>
          %add3A_369 = arith.addf %scan3A_309, %mul3A_368 : vector<16xf32>
          %add3A_370 = arith.constant 80 : i32
          %add3A_371 = arith.addi %mul3A_210, %add3A_370 : i32
          %get3A_372 = arith.index_cast %add3A_322 : i32 to index
          %get3A_373 = arith.index_cast %add3A_371 : i32 to index
          %get3A_374 = tpu.vector_load %arg9[%get3A_372, %get3A_373] {strides = array<i32>} : memref<32x3584xf32, #tpu.memory_space<vmem>>, vector<1x16xf32>,
          %get3A_375 = vector.shape_cast %get3A_374 : vector<1x16xf32> to vector<16xf32>
          %mul3A_376 = vector.broadcast %squeeze3A_324 : f32 to vector<16xf32>
          %mul3A_377 = arith.mulf %get3A_375, %mul3A_376 : vector<16xf32>
          %add3A_378 = arith.addf %scan3A_310, %mul3A_377 : vector<16xf32>
          %add3A_379 = arith.constant 96 : i32
          %add3A_380 = arith.addi %mul3A_210, %add3A_379 : i32
          %get3A_381 = arith.index_cast %add3A_322 : i32 to index
          %get3A_382 = arith.index_cast %add3A_380 : i32 to index
          %get3A_383 = tpu.vector_load %arg9[%get3A_381, %get3A_382] {strides = array<i32>} : memref<32x3584xf32, #tpu.memory_space<vmem>>, vector<1x16xf32>,
          %get3A_384 = vector.shape_cast %get3A_383 : vector<1x16xf32> to vector<16xf32>
          %mul3A_385 = vector.broadcast %squeeze3A_324 : f32 to vector<16xf32>
          %mul3A_386 = arith.mulf %get3A_384, %mul3A_385 : vector<16xf32>
          %add3A_387 = arith.addf %scan3A_311, %mul3A_386 : vector<16xf32>
          %add3A_388 = arith.constant 112 : i32
          %add3A_389 = arith.addi %mul3A_210, %add3A_388 : i32
          %get3A_390 = arith.index_cast %add3A_322 : i32 to index
          %get3A_391 = arith.index_cast %add3A_389 : i32 to index
          %get3A_392 = tpu.vector_load %arg9[%get3A_390, %get3A_391] {strides = array<i32>} : memref<32x3584xf32, #tpu.memory_space<vmem>>, vector<1x16xf32>,
          %get3A_393 = vector.shape_cast %get3A_392 : vector<1x16xf32> to vector<16xf32>
          %mul3A_394 = vector.broadcast %squeeze3A_324 : f32 to vector<16xf32>
          %mul3A_395 = arith.mulf %get3A_393, %mul3A_394 : vector<16xf32>
          %add3A_396 = arith.addf %scan3A_312, %mul3A_395 : vector<16xf32>
          %mul3A_397 = arith.constant 16 : i32
          %mul3A_398 = arith.muli %scan3A_304, %mul3A_397 : i32
          %add3A_399 = arith.constant 1 : i32
          %add3A_400 = arith.addi %mul3A_398, %add3A_399 : i32
          %slice3A_401 = vector.extract_strided_slice %get3A_318 {offsets = [1], sizes = [1], strides = [1]} : vector<16xf32> to vector<1xf32>
          %squeeze3A_402 = vector.extract %slice3A_401[0] : f32 from vector<1xf32>
          %add3A_403 = arith.constant 0 : i32
          %add3A_404 = arith.addi %mul3A_210, %add3A_403 : i32
          %get3A_405 = arith.index_cast %add3A_400 : i32 to index
          %get3A_406 = arith.index_cast %add3A_404 : i32 to index
          %get3A_407 = tpu.vector_load %arg9[%get3A_405, %get3A_406] {strides = array<i32>} : memref<32x3584xf32, #tpu.memory_space<vmem>>, vector<1x16xf32>,
          %get3A_408 = vector.shape_cast %get3A_407 : vector<1x16xf32> to vector<16xf32>
          %mul3A_409 = vector.broadcast %squeeze3A_402 : f32 to vector<16xf32>
          %mul3A_410 = arith.mulf %get3A_408, %mul3A_409 : vector<16xf32>
          %add3A_411 = arith.addf %add3A_333, %mul3A_410 : vector<16xf32>
          %add3A_412 = arith.constant 16 : i32
          %add3A_413 = arith.addi %mul3A_210, %add3A_412 : i32
          %get3A_414 = arith.index_cast %add3A_400 : i32 to index
          %get3A_415 = arith.index_cast %add3A_413 : i32 to index
          %get3A_416 = tpu.vector_load %arg9[%get3A_414, %get3A_415] {strides = array<i32>} : memref<32x3584xf32, #tpu.memory_space<vmem>>, vector<1x16xf32>,
          %get3A_417 = vector.shape_cast %get3A_416 : vector<1x16xf32> to vector<16xf32>
          %mul3A_418 = vector.broadcast %squeeze3A_402 : f32 to vector<16xf32>
          %mul3A_419 = arith.mulf %get3A_417, %mul3A_418 : vector<16xf32>
          %add3A_420 = arith.addf %add3A_342, %mul3A_419 : vector<16xf32>
          %add3A_421 = arith.constant 32 : i32
          %add3A_422 = arith.addi %mul3A_210, %add3A_421 : i32
          %get3A_423 = arith.index_cast %add3A_400 : i32 to index
          %get3A_424 = arith.index_cast %add3A_422 : i32 to index
          %get3A_425 = tpu.vector_load %arg9[%get3A_423, %get3A_424] {strides = array<i32>} : memref<32x3584xf32, #tpu.memory_space<vmem>>, vector<1x16xf32>,
          %get3A_426 = vector.shape_cast %get3A_425 : vector<1x16xf32> to vector<16xf32>
          %mul3A_427 = vector.broadcast %squeeze3A_402 : f32 to vector<16xf32>
          %mul3A_428 = arith.mulf %get3A_426, %mul3A_427 : vector<16xf32>
          %add3A_429 = arith.addf %add3A_351, %mul3A_428 : vector<16xf32>
          %add3A_430 = arith.constant 48 : i32
          %add3A_431 = arith.addi %mul3A_210, %add3A_430 : i32
          %get3A_432 = arith.index_cast %add3A_400 : i32 to index
          %get3A_433 = arith.index_cast %add3A_431 : i32 to index
          %get3A_434 = tpu.vector_load %arg9[%get3A_432, %get3A_433] {strides = array<i32>} : memref<32x3584xf32, #tpu.memory_space<vmem>>, vector<1x16xf32>,
          %get3A_435 = vector.shape_cast %get3A_434 : vector<1x16xf32> to vector<16xf32>
          %mul3A_436 = vector.broadcast %squeeze3A_402 : f32 to vector<16xf32>
          %mul3A_437 = arith.mulf %get3A_435, %mul3A_436 : vector<16xf32>
          %add3A_438 = arith.addf %add3A_360, %mul3A_437 : vector<16xf32>
          %add3A_439 = arith.constant 64 : i32
          %add3A_440 = arith.addi %mul3A_210, %add3A_439 : i32
          %get3A_441 = arith.index_cast %add3A_400 : i32 to index
          %get3A_442 = arith.index_cast %add3A_440 : i32 to index
          %get3A_443 = tpu.vector_load %arg9[%get3A_441, %get3A_442] {strides = array<i32>} : memref<32x3584xf32, #tpu.memory_space<vmem>>, vector<1x16xf32>,
          %get3A_444 = vector.shape_cast %get3A_443 : vector<1x16xf32> to vector<16xf32>
          %mul3A_445 = vector.broadcast %squeeze3A_402 : f32 to vector<16xf32>
          %mul3A_446 = arith.mulf %get3A_444, %mul3A_445 : vector<16xf32>
          %add3A_447 = arith.addf %add3A_369, %mul3A_446 : vector<16xf32>
          %add3A_448 = arith.constant 80 : i32
          %add3A_449 = arith.addi %mul3A_210, %add3A_448 : i32
          %get3A_450 = arith.index_cast %add3A_400 : i32 to index
          %get3A_451 = arith.index_cast %add3A_449 : i32 to index
          %get3A_452 = tpu.vector_load %arg9[%get3A_450, %get3A_451] {strides = array<i32>} : memref<32x3584xf32, #tpu.memory_space<vmem>>, vector<1x16xf32>,
          %get3A_453 = vector.shape_cast %get3A_452 : vector<1x16xf32> to vector<16xf32>
          %mul3A_454 = vector.broadcast %squeeze3A_402 : f32 to vector<16xf32>
          %mul3A_455 = arith.mulf %get3A_453, %mul3A_454 : vector<16xf32>
          %add3A_456 = arith.addf %add3A_378, %mul3A_455 : vector<16xf32>
          %add3A_457 = arith.constant 96 : i32
          %add3A_458 = arith.addi %mul3A_210, %add3A_457 : i32
          %get3A_459 = arith.index_cast %add3A_400 : i32 to index
          %get3A_460 = arith.index_cast %add3A_458 : i32 to index
          %get3A_461 = tpu.vector_load %arg9[%get3A_459, %get3A_460] {strides = array<i32>} : memref<32x3584xf32, #tpu.memory_space<vmem>>, vector<1x16xf32>,
          %get3A_462 = vector.shape_cast %get3A_461 : vector<1x16xf32> to vector<16xf32>
          %mul3A_463 = vector.broadcast %squeeze3A_402 : f32 to vector<16xf32>
          %mul3A_464 = arith.mulf %get3A_462, %mul3A_463 : vector<16xf32>
          %add3A_465 = arith.addf %add3A_387, %mul3A_464 : vector<16xf32>
          %add3A_466 = arith.constant 112 : i32
          %add3A_467 = arith.addi %mul3A_210, %add3A_466 : i32
          %get3A_468 = arith.index_cast %add3A_400 : i32 to index
          %get3A_469 = arith.index_cast %add3A_467 : i32 to index
          %get3A_470 = tpu.vector_load %arg9[%get3A_468, %get3A_469] {strides = array<i32>} : memref<32x3584xf32, #tpu.memory_space<vmem>>, vector<1x16xf32>,
          %get3A_471 = vector.shape_cast %get3A_470 : vector<1x16xf32> to vector<16xf32>
          %mul3A_472 = vector.broadcast %squeeze3A_402 : f32 to vector<16xf32>
          %mul3A_473 = arith.mulf %get3A_471, %mul3A_472 : vector<16xf32>
          %add3A_474 = arith.addf %add3A_396, %mul3A_473 : vector<16xf32>
          %mul3A_475 = arith.constant 16 : i32
          %mul3A_476 = arith.muli %scan3A_304, %mul3A_475 : i32
          %add3A_477 = arith.constant 2 : i32
          %add3A_478 = arith.addi %mul3A_476, %add3A_477 : i32
          %slice3A_479 = vector.extract_strided_slice %get3A_318 {offsets = [2], sizes = [1], strides = [1]} : vector<16xf32> to vector<1xf32>
          %squeeze3A_480 = vector.extract %slice3A_479[0] : f32 from vector<1xf32>
          %add3A_481 = arith.constant 0 : i32
          %add3A_482 = arith.addi %mul3A_210, %add3A_481 : i32
          %get3A_483 = arith.index_cast %add3A_478 : i32 to index
          %get3A_484 = arith.index_cast %add3A_482 : i32 to index
          %get3A_485 = tpu.vector_load %arg9[%get3A_483, %get3A_484] {strides = array<i32>} : memref<32x3584xf32, #tpu.memory_space<vmem>>, vector<1x16xf32>,
          %get3A_486 = vector.shape_cast %get3A_485 : vector<1x16xf32> to vector<16xf32>
          %mul3A_487 = vector.broadcast %squeeze3A_480 : f32 to vector<16xf32>
          %mul3A_488 = arith.mulf %get3A_486, %mul3A_487 : vector<16xf32>
          %add3A_489 = arith.addf %add3A_411, %mul3A_488 : vector<16xf32>
          %add3A_490 = arith.constant 16 : i32
          %add3A_491 = arith.addi %mul3A_210, %add3A_490 : i32
          %get3A_492 = arith.index_cast %add3A_478 : i32 to index
          %get3A_493 = arith.index_cast %add3A_491 : i32 to index
          %get3A_494 = tpu.vector_load %arg9[%get3A_492, %get3A_493] {strides = array<i32>} : memref<32x3584xf32, #tpu.memory_space<vmem>>, vector<1x16xf32>,
          %get3A_495 = vector.shape_cast %get3A_494 : vector<1x16xf32> to vector<16xf32>
          %mul3A_496 = vector.broadcast %squeeze3A_480 : f32 to vector<16xf32>
          %mul3A_497 = arith.mulf %get3A_495, %mul3A_496 : vector<16xf32>
          %add3A_498 = arith.addf %add3A_420, %mul3A_497 : vector<16xf32>
          %add3A_499 = arith.constant 32 : i32
          %add3A_500 = arith.addi %mul3A_210, %add3A_499 : i32
          %get3A_501 = arith.index_cast %add3A_478 : i32 to index
          %get3A_502 = arith.index_cast %add3A_500 : i32 to index
          %get3A_503 = tpu.vector_load %arg9[%get3A_501, %get3A_502] {strides = array<i32>} : memref<32x3584xf32, #tpu.memory_space<vmem>>, vector<1x16xf32>,
          %get3A_504 = vector.shape_cast %get3A_503 : vector<1x16xf32> to vector<16xf32>
          %mul3A_505 = vector.broadcast %squeeze3A_480 : f32 to vector<16xf32>
          %mul3A_506 = arith.mulf %get3A_504, %mul3A_505 : vector<16xf32>
          %add3A_507 = arith.addf %add3A_429, %mul3A_506 : vector<16xf32>
          %add3A_508 = arith.constant 48 : i32
          %add3A_509 = arith.addi %mul3A_210, %add3A_508 : i32
          %get3A_510 = arith.index_cast %add3A_478 : i32 to index
          %get3A_511 = arith.index_cast %add3A_509 : i32 to index
          %get3A_512 = tpu.vector_load %arg9[%get3A_510, %get3A_511] {strides = array<i32>} : memref<32x3584xf32, #tpu.memory_space<vmem>>, vector<1x16xf32>,
          %get3A_513 = vector.shape_cast %get3A_512 : vector<1x16xf32> to vector<16xf32>
          %mul3A_514 = vector.broadcast %squeeze3A_480 : f32 to vector<16xf32>
          %mul3A_515 = arith.mulf %get3A_513, %mul3A_514 : vector<16xf32>
          %add3A_516 = arith.addf %add3A_438, %mul3A_515 : vector<16xf32>
          %add3A_517 = arith.constant 64 : i32
          %add3A_518 = arith.addi %mul3A_210, %add3A_517 : i32
          %get3A_519 = arith.index_cast %add3A_478 : i32 to index
          %get3A_520 = arith.index_cast %add3A_518 : i32 to index
          %get3A_521 = tpu.vector_load %arg9[%get3A_519, %get3A_520] {strides = array<i32>} : memref<32x3584xf32, #tpu.memory_space<vmem>>, vector<1x16xf32>,
          %get3A_522 = vector.shape_cast %get3A_521 : vector<1x16xf32> to vector<16xf32>
          %mul3A_523 = vector.broadcast %squeeze3A_480 : f32 to vector<16xf32>
          %mul3A_524 = arith.mulf %get3A_522, %mul3A_523 : vector<16xf32>
          %add3A_525 = arith.addf %add3A_447, %mul3A_524 : vector<16xf32>
          %add3A_526 = arith.constant 80 : i32
          %add3A_527 = arith.addi %mul3A_210, %add3A_526 : i32
          %get3A_528 = arith.index_cast %add3A_478 : i32 to index
          %get3A_529 = arith.index_cast %add3A_527 : i32 to index
          %get3A_530 = tpu.vector_load %arg9[%get3A_528, %get3A_529] {strides = array<i32>} : memref<32x3584xf32, #tpu.memory_space<vmem>>, vector<1x16xf32>,
          %get3A_531 = vector.shape_cast %get3A_530 : vector<1x16xf32> to vector<16xf32>
          %mul3A_532 = vector.broadcast %squeeze3A_480 : f32 to vector<16xf32>
          %mul3A_533 = arith.mulf %get3A_531, %mul3A_532 : vector<16xf32>
          %add3A_534 = arith.addf %add3A_456, %mul3A_533 : vector<16xf32>
          %add3A_535 = arith.constant 96 : i32
          %add3A_536 = arith.addi %mul3A_210, %add3A_535 : i32
          %get3A_537 = arith.index_cast %add3A_478 : i32 to index
          %get3A_538 = arith.index_cast %add3A_536 : i32 to index
          %get3A_539 = tpu.vector_load %arg9[%get3A_537, %get3A_538] {strides = array<i32>} : memref<32x3584xf32, #tpu.memory_space<vmem>>, vector<1x16xf32>,
          %get3A_540 = vector.shape_cast %get3A_539 : vector<1x16xf32> to vector<16xf32>
          %mul3A_541 = vector.broadcast %squeeze3A_480 : f32 to vector<16xf32>
          %mul3A_542 = arith.mulf %get3A_540, %mul3A_541 : vector<16xf32>
          %add3A_543 = arith.addf %add3A_465, %mul3A_542 : vector<16xf32>
          %add3A_544 = arith.constant 112 : i32
          %add3A_545 = arith.addi %mul3A_210, %add3A_544 : i32
          %get3A_546 = arith.index_cast %add3A_478 : i32 to index
          %get3A_547 = arith.index_cast %add3A_545 : i32 to index
          %get3A_548 = tpu.vector_load %arg9[%get3A_546, %get3A_547] {strides = array<i32>} : memref<32x3584xf32, #tpu.memory_space<vmem>>, vector<1x16xf32>,
          %get3A_549 = vector.shape_cast %get3A_548 : vector<1x16xf32> to vector<16xf32>
          %mul3A_550 = vector.broadcast %squeeze3A_480 : f32 to vector<16xf32>
          %mul3A_551 = arith.mulf %get3A_549, %mul3A_550 : vector<16xf32>
          %add3A_552 = arith.addf %add3A_474, %mul3A_551 : vector<16xf32>
          %mul3A_553 = arith.constant 16 : i32
          %mul3A_554 = arith.muli %scan3A_304, %mul3A_553 : i32
          %add3A_555 = arith.constant 3 : i32
          %add3A_556 = arith.addi %mul3A_554, %add3A_555 : i32
          %slice3A_557 = vector.extract_strided_slice %get3A_318 {offsets = [3], sizes = [1], strides = [1]} : vector<16xf32> to vector<1xf32>
          %squeeze3A_558 = vector.extract %slice3A_557[0] : f32 from vector<1xf32>
          %add3A_559 = arith.constant 0 : i32
          %add3A_560 = arith.addi %mul3A_210, %add3A_559 : i32
          %get3A_561 = arith.index_cast %add3A_556 : i32 to index
          %get3A_562 = arith.index_cast %add3A_560 : i32 to index
          %get3A_563 = tpu.vector_load %arg9[%get3A_561, %get3A_562] {strides = array<i32>} : memref<32x3584xf32, #tpu.memory_space<vmem>>, vector<1x16xf32>,
          %get3A_564 = vector.shape_cast %get3A_563 : vector<1x16xf32> to vector<16xf32>
          %mul3A_565 = vector.broadcast %squeeze3A_558 : f32 to vector<16xf32>
          %mul3A_566 = arith.mulf %get3A_564, %mul3A_565 : vector<16xf32>
          %add3A_567 = arith.addf %add3A_489, %mul3A_566 : vector<16xf32>
          %add3A_568 = arith.constant 16 : i32
          %add3A_569 = arith.addi %mul3A_210, %add3A_568 : i32
          %get3A_570 = arith.index_cast %add3A_556 : i32 to index
          %get3A_571 = arith.index_cast %add3A_569 : i32 to index
          %get3A_572 = tpu.vector_load %arg9[%get3A_570, %get3A_571] {strides = array<i32>} : memref<32x3584xf32, #tpu.memory_space<vmem>>, vector<1x16xf32>,
          %get3A_573 = vector.shape_cast %get3A_572 : vector<1x16xf32> to vector<16xf32>
          %mul3A_574 = vector.broadcast %squeeze3A_558 : f32 to vector<16xf32>
          %mul3A_575 = arith.mulf %get3A_573, %mul3A_574 : vector<16xf32>
          %add3A_576 = arith.addf %add3A_498, %mul3A_575 : vector<16xf32>
          %add3A_577 = arith.constant 32 : i32
          %add3A_578 = arith.addi %mul3A_210, %add3A_577 : i32
          %get3A_579 = arith.index_cast %add3A_556 : i32 to index
          %get3A_580 = arith.index_cast %add3A_578 : i32 to index
          %get3A_581 = tpu.vector_load %arg9[%get3A_579, %get3A_580] {strides = array<i32>} : memref<32x3584xf32, #tpu.memory_space<vmem>>, vector<1x16xf32>,
          %get3A_582 = vector.shape_cast %get3A_581 : vector<1x16xf32> to vector<16xf32>
          %mul3A_583 = vector.broadcast %squeeze3A_558 : f32 to vector<16xf32>
          %mul3A_584 = arith.mulf %get3A_582, %mul3A_583 : vector<16xf32>
          %add3A_585 = arith.addf %add3A_507, %mul3A_584 : vector<16xf32>
          %add3A_586 = arith.constant 48 : i32
          %add3A_587 = arith.addi %mul3A_210, %add3A_586 : i32
          %get3A_588 = arith.index_cast %add3A_556 : i32 to index
          %get3A_589 = arith.index_cast %add3A_587 : i32 to index
          %get3A_590 = tpu.vector_load %arg9[%get3A_588, %get3A_589] {strides = array<i32>} : memref<32x3584xf32, #tpu.memory_space<vmem>>, vector<1x16xf32>,
          %get3A_591 = vector.shape_cast %get3A_590 : vector<1x16xf32> to vector<16xf32>
          %mul3A_592 = vector.broadcast %squeeze3A_558 : f32 to vector<16xf32>
          %mul3A_593 = arith.mulf %get3A_591, %mul3A_592 : vector<16xf32>
          %add3A_594 = arith.addf %add3A_516, %mul3A_593 : vector<16xf32>
          %add3A_595 = arith.constant 64 : i32
          %add3A_596 = arith.addi %mul3A_210, %add3A_595 : i32
          %get3A_597 = arith.index_cast %add3A_556 : i32 to index
          %get3A_598 = arith.index_cast %add3A_596 : i32 to index
          %get3A_599 = tpu.vector_load %arg9[%get3A_597, %get3A_598] {strides = array<i32>} : memref<32x3584xf32, #tpu.memory_space<vmem>>, vector<1x16xf32>,
          %get3A_600 = vector.shape_cast %get3A_599 : vector<1x16xf32> to vector<16xf32>
          %mul3A_601 = vector.broadcast %squeeze3A_558 : f32 to vector<16xf32>
          %mul3A_602 = arith.mulf %get3A_600, %mul3A_601 : vector<16xf32>
          %add3A_603 = arith.addf %add3A_525, %mul3A_602 : vector<16xf32>
          %add3A_604 = arith.constant 80 : i32
          %add3A_605 = arith.addi %mul3A_210, %add3A_604 : i32
          %get3A_606 = arith.index_cast %add3A_556 : i32 to index
          %get3A_607 = arith.index_cast %add3A_605 : i32 to index
          %get3A_608 = tpu.vector_load %arg9[%get3A_606, %get3A_607] {strides = array<i32>} : memref<32x3584xf32, #tpu.memory_space<vmem>>, vector<1x16xf32>,
          %get3A_609 = vector.shape_cast %get3A_608 : vector<1x16xf32> to vector<16xf32>
          %mul3A_610 = vector.broadcast %squeeze3A_558 : f32 to vector<16xf32>
          %mul3A_611 = arith.mulf %get3A_609, %mul3A_610 : vector<16xf32>
          %add3A_612 = arith.addf %add3A_534, %mul3A_611 : vector<16xf32>
          %add3A_613 = arith.constant 96 : i32
          %add3A_614 = arith.addi %mul3A_210, %add3A_613 : i32
          %get3A_615 = arith.index_cast %add3A_556 : i32 to index
          %get3A_616 = arith.index_cast %add3A_614 : i32 to index
          %get3A_617 = tpu.vector_load %arg9[%get3A_615, %get3A_616] {strides = array<i32>} : memref<32x3584xf32, #tpu.memory_space<vmem>>, vector<1x16xf32>,
          %get3A_618 = vector.shape_cast %get3A_617 : vector<1x16xf32> to vector<16xf32>
          %mul3A_619 = vector.broadcast %squeeze3A_558 : f32 to vector<16xf32>
          %mul3A_620 = arith.mulf %get3A_618, %mul3A_619 : vector<16xf32>
          %add3A_621 = arith.addf %add3A_543, %mul3A_620 : vector<16xf32>
          %add3A_622 = arith.constant 112 : i32
          %add3A_623 = arith.addi %mul3A_210, %add3A_622 : i32
          %get3A_624 = arith.index_cast %add3A_556 : i32 to index
          %get3A_625 = arith.index_cast %add3A_623 : i32 to index
          %get3A_626 = tpu.vector_load %arg9[%get3A_624, %get3A_625] {strides = array<i32>} : memref<32x3584xf32, #tpu.memory_space<vmem>>, vector<1x16xf32>,
          %get3A_627 = vector.shape_cast %get3A_626 : vector<1x16xf32> to vector<16xf32>
          %mul3A_628 = vector.broadcast %squeeze3A_558 : f32 to vector<16xf32>
          %mul3A_629 = arith.mulf %get3A_627, %mul3A_628 : vector<16xf32>
          %add3A_630 = arith.addf %add3A_552, %mul3A_629 : vector<16xf32>
          %mul3A_631 = arith.constant 16 : i32
          %mul3A_632 = arith.muli %scan3A_304, %mul3A_631 : i32
          %add3A_633 = arith.constant 4 : i32
          %add3A_634 = arith.addi %mul3A_632, %add3A_633 : i32
          %slice3A_635 = vector.extract_strided_slice %get3A_318 {offsets = [4], sizes = [1], strides = [1]} : vector<16xf32> to vector<1xf32>
          %squeeze3A_636 = vector.extract %slice3A_635[0] : f32 from vector<1xf32>
          %add3A_637 = arith.constant 0 : i32
          %add3A_638 = arith.addi %mul3A_210, %add3A_637 : i32
          %get3A_639 = arith.index_cast %add3A_634 : i32 to index
          %get3A_640 = arith.index_cast %add3A_638 : i32 to index
          %get3A_641 = tpu.vector_load %arg9[%get3A_639, %get3A_640] {strides = array<i32>} : memref<32x3584xf32, #tpu.memory_space<vmem>>, vector<1x16xf32>,
          %get3A_642 = vector.shape_cast %get3A_641 : vector<1x16xf32> to vector<16xf32>
          %mul3A_643 = vector.broadcast %squeeze3A_636 : f32 to vector<16xf32>
          %mul3A_644 = arith.mulf %get3A_642, %mul3A_643 : vector<16xf32>
          %add3A_645 = arith.addf %add3A_567, %mul3A_644 : vector<16xf32>
          %add3A_646 = arith.constant 16 : i32
          %add3A_647 = arith.addi %mul3A_210, %add3A_646 : i32
          %get3A_648 = arith.index_cast %add3A_634 : i32 to index
          %get3A_649 = arith.index_cast %add3A_647 : i32 to index
          %get3A_650 = tpu.vector_load %arg9[%get3A_648, %get3A_649] {strides = array<i32>} : memref<32x3584xf32, #tpu.memory_space<vmem>>, vector<1x16xf32>,
          %get3A_651 = vector.shape_cast %get3A_650 : vector<1x16xf32> to vector<16xf32>
          %mul3A_652 = vector.broadcast %squeeze3A_636 : f32 to vector<16xf32>
          %mul3A_653 = arith.mulf %get3A_651, %mul3A_652 : vector<16xf32>
          %add3A_654 = arith.addf %add3A_576, %mul3A_653 : vector<16xf32>
          %add3A_655 = arith.constant 32 : i32
          %add3A_656 = arith.addi %mul3A_210, %add3A_655 : i32
          %get3A_657 = arith.index_cast %add3A_634 : i32 to index
          %get3A_658 = arith.index_cast %add3A_656 : i32 to index
          %get3A_659 = tpu.vector_load %arg9[%get3A_657, %get3A_658] {strides = array<i32>} : memref<32x3584xf32, #tpu.memory_space<vmem>>, vector<1x16xf32>,
          %get3A_660 = vector.shape_cast %get3A_659 : vector<1x16xf32> to vector<16xf32>
          %mul3A_661 = vector.broadcast %squeeze3A_636 : f32 to vector<16xf32>
          %mul3A_662 = arith.mulf %get3A_660, %mul3A_661 : vector<16xf32>
          %add3A_663 = arith.addf %add3A_585, %mul3A_662 : vector<16xf32>
          %add3A_664 = arith.constant 48 : i32
          %add3A_665 = arith.addi %mul3A_210, %add3A_664 : i32
          %get3A_666 = arith.index_cast %add3A_634 : i32 to index
          %get3A_667 = arith.index_cast %add3A_665 : i32 to index
          %get3A_668 = tpu.vector_load %arg9[%get3A_666, %get3A_667] {strides = array<i32>} : memref<32x3584xf32, #tpu.memory_space<vmem>>, vector<1x16xf32>,
          %get3A_669 = vector.shape_cast %get3A_668 : vector<1x16xf32> to vector<16xf32>
          %mul3A_670 = vector.broadcast %squeeze3A_636 : f32 to vector<16xf32>
          %mul3A_671 = arith.mulf %get3A_669, %mul3A_670 : vector<16xf32>
          %add3A_672 = arith.addf %add3A_594, %mul3A_671 : vector<16xf32>
          %add3A_673 = arith.constant 64 : i32
          %add3A_674 = arith.addi %mul3A_210, %add3A_673 : i32
          %get3A_675 = arith.index_cast %add3A_634 : i32 to index
          %get3A_676 = arith.index_cast %add3A_674 : i32 to index
          %get3A_677 = tpu.vector_load %arg9[%get3A_675, %get3A_676] {strides = array<i32>} : memref<32x3584xf32, #tpu.memory_space<vmem>>, vector<1x16xf32>,
          %get3A_678 = vector.shape_cast %get3A_677 : vector<1x16xf32> to vector<16xf32>
          %mul3A_679 = vector.broadcast %squeeze3A_636 : f32 to vector<16xf32>
          %mul3A_680 = arith.mulf %get3A_678, %mul3A_679 : vector<16xf32>
          %add3A_681 = arith.addf %add3A_603, %mul3A_680 : vector<16xf32>
          %add3A_682 = arith.constant 80 : i32
          %add3A_683 = arith.addi %mul3A_210, %add3A_682 : i32
          %get3A_684 = arith.index_cast %add3A_634 : i32 to index
          %get3A_685 = arith.index_cast %add3A_683 : i32 to index
          %get3A_686 = tpu.vector_load %arg9[%get3A_684, %get3A_685] {strides = array<i32>} : memref<32x3584xf32, #tpu.memory_space<vmem>>, vector<1x16xf32>,
          %get3A_687 = vector.shape_cast %get3A_686 : vector<1x16xf32> to vector<16xf32>
          %mul3A_688 = vector.broadcast %squeeze3A_636 : f32 to vector<16xf32>
          %mul3A_689 = arith.mulf %get3A_687, %mul3A_688 : vector<16xf32>
          %add3A_690 = arith.addf %add3A_612, %mul3A_689 : vector<16xf32>
          %add3A_691 = arith.constant 96 : i32
          %add3A_692 = arith.addi %mul3A_210, %add3A_691 : i32
          %get3A_693 = arith.index_cast %add3A_634 : i32 to index
          %get3A_694 = arith.index_cast %add3A_692 : i32 to index
          %get3A_695 = tpu.vector_load %arg9[%get3A_693, %get3A_694] {strides = array<i32>} : memref<32x3584xf32, #tpu.memory_space<vmem>>, vector<1x16xf32>,
          %get3A_696 = vector.shape_cast %get3A_695 : vector<1x16xf32> to vector<16xf32>
          %mul3A_697 = vector.broadcast %squeeze3A_636 : f32 to vector<16xf32>
          %mul3A_698 = arith.mulf %get3A_696, %mul3A_697 : vector<16xf32>
          %add3A_699 = arith.addf %add3A_621, %mul3A_698 : vector<16xf32>
          %add3A_700 = arith.constant 112 : i32
          %add3A_701 = arith.addi %mul3A_210, %add3A_700 : i32
          %get3A_702 = arith.index_cast %add3A_634 : i32 to index
          %get3A_703 = arith.index_cast %add3A_701 : i32 to index
          %get3A_704 = tpu.vector_load %arg9[%get3A_702, %get3A_703] {strides = array<i32>} : memref<32x3584xf32, #tpu.memory_space<vmem>>, vector<1x16xf32>,
          %get3A_705 = vector.shape_cast %get3A_704 : vector<1x16xf32> to vector<16xf32>
          %mul3A_706 = vector.broadcast %squeeze3A_636 : f32 to vector<16xf32>
          %mul3A_707 = arith.mulf %get3A_705, %mul3A_706 : vector<16xf32>
          %add3A_708 = arith.addf %add3A_630, %mul3A_707 : vector<16xf32>
          %mul3A_709 = arith.constant 16 : i32
          %mul3A_710 = arith.muli %scan3A_304, %mul3A_709 : i32
          %add3A_711 = arith.constant 5 : i32
          %add3A_712 = arith.addi %mul3A_710, %add3A_711 : i32
          %slice3A_713 = vector.extract_strided_slice %get3A_318 {offsets = [5], sizes = [1], strides = [1]} : vector<16xf32> to vector<1xf32>
          %squeeze3A_714 = vector.extract %slice3A_713[0] : f32 from vector<1xf32>
          %add3A_715 = arith.constant 0 : i32
          %add3A_716 = arith.addi %mul3A_210, %add3A_715 : i32
          %get3A_717 = arith.index_cast %add3A_712 : i32 to index
          %get3A_718 = arith.index_cast %add3A_716 : i32 to index
          %get3A_719 = tpu.vector_load %arg9[%get3A_717, %get3A_718] {strides = array<i32>} : memref<32x3584xf32, #tpu.memory_space<vmem>>, vector<1x16xf32>,
          %get3A_720 = vector.shape_cast %get3A_719 : vector<1x16xf32> to vector<16xf32>
          %mul3A_721 = vector.broadcast %squeeze3A_714 : f32 to vector<16xf32>
          %mul3A_722 = arith.mulf %get3A_720, %mul3A_721 : vector<16xf32>
          %add3A_723 = arith.addf %add3A_645, %mul3A_722 : vector<16xf32>
          %add3A_724 = arith.constant 16 : i32
          %add3A_725 = arith.addi %mul3A_210, %add3A_724 : i32
          %get3A_726 = arith.index_cast %add3A_712 : i32 to index
          %get3A_727 = arith.index_cast %add3A_725 : i32 to index
          %get3A_728 = tpu.vector_load %arg9[%get3A_726, %get3A_727] {strides = array<i32>} : memref<32x3584xf32, #tpu.memory_space<vmem>>, vector<1x16xf32>,
          %get3A_729 = vector.shape_cast %get3A_728 : vector<1x16xf32> to vector<16xf32>
          %mul3A_730 = vector.broadcast %squeeze3A_714 : f32 to vector<16xf32>
          %mul3A_731 = arith.mulf %get3A_729, %mul3A_730 : vector<16xf32>
          %add3A_732 = arith.addf %add3A_654, %mul3A_731 : vector<16xf32>
          %add3A_733 = arith.constant 32 : i32
          %add3A_734 = arith.addi %mul3A_210, %add3A_733 : i32
          %get3A_735 = arith.index_cast %add3A_712 : i32 to index
          %get3A_736 = arith.index_cast %add3A_734 : i32 to index
          %get3A_737 = tpu.vector_load %arg9[%get3A_735, %get3A_736] {strides = array<i32>} : memref<32x3584xf32, #tpu.memory_space<vmem>>, vector<1x16xf32>,
          %get3A_738 = vector.shape_cast %get3A_737 : vector<1x16xf32> to vector<16xf32>
          %mul3A_739 = vector.broadcast %squeeze3A_714 : f32 to vector<16xf32>
          %mul3A_740 = arith.mulf %get3A_738, %mul3A_739 : vector<16xf32>
          %add3A_741 = arith.addf %add3A_663, %mul3A_740 : vector<16xf32>
          %add3A_742 = arith.constant 48 : i32
          %add3A_743 = arith.addi %mul3A_210, %add3A_742 : i32
          %get3A_744 = arith.index_cast %add3A_712 : i32 to index
          %get3A_745 = arith.index_cast %add3A_743 : i32 to index
          %get3A_746 = tpu.vector_load %arg9[%get3A_744, %get3A_745] {strides = array<i32>} : memref<32x3584xf32, #tpu.memory_space<vmem>>, vector<1x16xf32>,
          %get3A_747 = vector.shape_cast %get3A_746 : vector<1x16xf32> to vector<16xf32>
          %mul3A_748 = vector.broadcast %squeeze3A_714 : f32 to vector<16xf32>
          %mul3A_749 = arith.mulf %get3A_747, %mul3A_748 : vector<16xf32>
          %add3A_750 = arith.addf %add3A_672, %mul3A_749 : vector<16xf32>
          %add3A_751 = arith.constant 64 : i32
          %add3A_752 = arith.addi %mul3A_210, %add3A_751 : i32
          %get3A_753 = arith.index_cast %add3A_712 : i32 to index
          %get3A_754 = arith.index_cast %add3A_752 : i32 to index
          %get3A_755 = tpu.vector_load %arg9[%get3A_753, %get3A_754] {strides = array<i32>} : memref<32x3584xf32, #tpu.memory_space<vmem>>, vector<1x16xf32>,
          %get3A_756 = vector.shape_cast %get3A_755 : vector<1x16xf32> to vector<16xf32>
          %mul3A_757 = vector.broadcast %squeeze3A_714 : f32 to vector<16xf32>
          %mul3A_758 = arith.mulf %get3A_756, %mul3A_757 : vector<16xf32>
          %add3A_759 = arith.addf %add3A_681, %mul3A_758 : vector<16xf32>
          %add3A_760 = arith.constant 80 : i32
          %add3A_761 = arith.addi %mul3A_210, %add3A_760 : i32
          %get3A_762 = arith.index_cast %add3A_712 : i32 to index
          %get3A_763 = arith.index_cast %add3A_761 : i32 to index
          %get3A_764 = tpu.vector_load %arg9[%get3A_762, %get3A_763] {strides = array<i32>} : memref<32x3584xf32, #tpu.memory_space<vmem>>, vector<1x16xf32>,
          %get3A_765 = vector.shape_cast %get3A_764 : vector<1x16xf32> to vector<16xf32>
          %mul3A_766 = vector.broadcast %squeeze3A_714 : f32 to vector<16xf32>
          %mul3A_767 = arith.mulf %get3A_765, %mul3A_766 : vector<16xf32>
          %add3A_768 = arith.addf %add3A_690, %mul3A_767 : vector<16xf32>
          %add3A_769 = arith.constant 96 : i32
          %add3A_770 = arith.addi %mul3A_210, %add3A_769 : i32
          %get3A_771 = arith.index_cast %add3A_712 : i32 to index
          %get3A_772 = arith.index_cast %add3A_770 : i32 to index
          %get3A_773 = tpu.vector_load %arg9[%get3A_771, %get3A_772] {strides = array<i32>} : memref<32x3584xf32, #tpu.memory_space<vmem>>, vector<1x16xf32>,
          %get3A_774 = vector.shape_cast %get3A_773 : vector<1x16xf32> to vector<16xf32>
          %mul3A_775 = vector.broadcast %squeeze3A_714 : f32 to vector<16xf32>
          %mul3A_776 = arith.mulf %get3A_774, %mul3A_775 : vector<16xf32>
          %add3A_777 = arith.addf %add3A_699, %mul3A_776 : vector<16xf32>
          %add3A_778 = arith.constant 112 : i32
          %add3A_779 = arith.addi %mul3A_210, %add3A_778 : i32
          %get3A_780 = arith.index_cast %add3A_712 : i32 to index
          %get3A_781 = arith.index_cast %add3A_779 : i32 to index
          %get3A_782 = tpu.vector_load %arg9[%get3A_780, %get3A_781] {strides = array<i32>} : memref<32x3584xf32, #tpu.memory_space<vmem>>, vector<1x16xf32>,
          %get3A_783 = vector.shape_cast %get3A_782 : vector<1x16xf32> to vector<16xf32>
          %mul3A_784 = vector.broadcast %squeeze3A_714 : f32 to vector<16xf32>
          %mul3A_785 = arith.mulf %get3A_783, %mul3A_784 : vector<16xf32>
          %add3A_786 = arith.addf %add3A_708, %mul3A_785 : vector<16xf32>
          %mul3A_787 = arith.constant 16 : i32
          %mul3A_788 = arith.muli %scan3A_304, %mul3A_787 : i32
          %add3A_789 = arith.constant 6 : i32
          %add3A_790 = arith.addi %mul3A_788, %add3A_789 : i32
          %slice3A_791 = vector.extract_strided_slice %get3A_318 {offsets = [6], sizes = [1], strides = [1]} : vector<16xf32> to vector<1xf32>
          %squeeze3A_792 = vector.extract %slice3A_791[0] : f32 from vector<1xf32>
          %add3A_793 = arith.constant 0 : i32
          %add3A_794 = arith.addi %mul3A_210, %add3A_793 : i32
          %get3A_795 = arith.index_cast %add3A_790 : i32 to index
          %get3A_796 = arith.index_cast %add3A_794 : i32 to index
          %get3A_797 = tpu.vector_load %arg9[%get3A_795, %get3A_796] {strides = array<i32>} : memref<32x3584xf32, #tpu.memory_space<vmem>>, vector<1x16xf32>,
          %get3A_798 = vector.shape_cast %get3A_797 : vector<1x16xf32> to vector<16xf32>
          %mul3A_799 = vector.broadcast %squeeze3A_792 : f32 to vector<16xf32>
          %mul3A_800 = arith.mulf %get3A_798, %mul3A_799 : vector<16xf32>
          %add3A_801 = arith.addf %add3A_723, %mul3A_800 : vector<16xf32>
          %add3A_802 = arith.constant 16 : i32
          %add3A_803 = arith.addi %mul3A_210, %add3A_802 : i32
          %get3A_804 = arith.index_cast %add3A_790 : i32 to index
          %get3A_805 = arith.index_cast %add3A_803 : i32 to index
          %get3A_806 = tpu.vector_load %arg9[%get3A_804, %get3A_805] {strides = array<i32>} : memref<32x3584xf32, #tpu.memory_space<vmem>>, vector<1x16xf32>,
          %get3A_807 = vector.shape_cast %get3A_806 : vector<1x16xf32> to vector<16xf32>
          %mul3A_808 = vector.broadcast %squeeze3A_792 : f32 to vector<16xf32>
          %mul3A_809 = arith.mulf %get3A_807, %mul3A_808 : vector<16xf32>
          %add3A_810 = arith.addf %add3A_732, %mul3A_809 : vector<16xf32>
          %add3A_811 = arith.constant 32 : i32
          %add3A_812 = arith.addi %mul3A_210, %add3A_811 : i32
          %get3A_813 = arith.index_cast %add3A_790 : i32 to index
          %get3A_814 = arith.index_cast %add3A_812 : i32 to index
          %get3A_815 = tpu.vector_load %arg9[%get3A_813, %get3A_814] {strides = array<i32>} : memref<32x3584xf32, #tpu.memory_space<vmem>>, vector<1x16xf32>,
          %get3A_816 = vector.shape_cast %get3A_815 : vector<1x16xf32> to vector<16xf32>
          %mul3A_817 = vector.broadcast %squeeze3A_792 : f32 to vector<16xf32>
          %mul3A_818 = arith.mulf %get3A_816, %mul3A_817 : vector<16xf32>
          %add3A_819 = arith.addf %add3A_741, %mul3A_818 : vector<16xf32>
          %add3A_820 = arith.constant 48 : i32
          %add3A_821 = arith.addi %mul3A_210, %add3A_820 : i32
          %get3A_822 = arith.index_cast %add3A_790 : i32 to index
          %get3A_823 = arith.index_cast %add3A_821 : i32 to index
          %get3A_824 = tpu.vector_load %arg9[%get3A_822, %get3A_823] {strides = array<i32>} : memref<32x3584xf32, #tpu.memory_space<vmem>>, vector<1x16xf32>,
          %get3A_825 = vector.shape_cast %get3A_824 : vector<1x16xf32> to vector<16xf32>
          %mul3A_826 = vector.broadcast %squeeze3A_792 : f32 to vector<16xf32>
          %mul3A_827 = arith.mulf %get3A_825, %mul3A_826 : vector<16xf32>
          %add3A_828 = arith.addf %add3A_750, %mul3A_827 : vector<16xf32>
          %add3A_829 = arith.constant 64 : i32
          %add3A_830 = arith.addi %mul3A_210, %add3A_829 : i32
          %get3A_831 = arith.index_cast %add3A_790 : i32 to index
          %get3A_832 = arith.index_cast %add3A_830 : i32 to index
          %get3A_833 = tpu.vector_load %arg9[%get3A_831, %get3A_832] {strides = array<i32>} : memref<32x3584xf32, #tpu.memory_space<vmem>>, vector<1x16xf32>,
          %get3A_834 = vector.shape_cast %get3A_833 : vector<1x16xf32> to vector<16xf32>
          %mul3A_835 = vector.broadcast %squeeze3A_792 : f32 to vector<16xf32>
          %mul3A_836 = arith.mulf %get3A_834, %mul3A_835 : vector<16xf32>
          %add3A_837 = arith.addf %add3A_759, %mul3A_836 : vector<16xf32>
          %add3A_838 = arith.constant 80 : i32
          %add3A_839 = arith.addi %mul3A_210, %add3A_838 : i32
          %get3A_840 = arith.index_cast %add3A_790 : i32 to index
          %get3A_841 = arith.index_cast %add3A_839 : i32 to index
          %get3A_842 = tpu.vector_load %arg9[%get3A_840, %get3A_841] {strides = array<i32>} : memref<32x3584xf32, #tpu.memory_space<vmem>>, vector<1x16xf32>,
          %get3A_843 = vector.shape_cast %get3A_842 : vector<1x16xf32> to vector<16xf32>
          %mul3A_844 = vector.broadcast %squeeze3A_792 : f32 to vector<16xf32>
          %mul3A_845 = arith.mulf %get3A_843, %mul3A_844 : vector<16xf32>
          %add3A_846 = arith.addf %add3A_768, %mul3A_845 : vector<16xf32>
          %add3A_847 = arith.constant 96 : i32
          %add3A_848 = arith.addi %mul3A_210, %add3A_847 : i32
          %get3A_849 = arith.index_cast %add3A_790 : i32 to index
          %get3A_850 = arith.index_cast %add3A_848 : i32 to index
          %get3A_851 = tpu.vector_load %arg9[%get3A_849, %get3A_850] {strides = array<i32>} : memref<32x3584xf32, #tpu.memory_space<vmem>>, vector<1x16xf32>,
          %get3A_852 = vector.shape_cast %get3A_851 : vector<1x16xf32> to vector<16xf32>
          %mul3A_853 = vector.broadcast %squeeze3A_792 : f32 to vector<16xf32>
          %mul3A_854 = arith.mulf %get3A_852, %mul3A_853 : vector<16xf32>
          %add3A_855 = arith.addf %add3A_777, %mul3A_854 : vector<16xf32>
          %add3A_856 = arith.constant 112 : i32
          %add3A_857 = arith.addi %mul3A_210, %add3A_856 : i32
          %get3A_858 = arith.index_cast %add3A_790 : i32 to index
          %get3A_859 = arith.index_cast %add3A_857 : i32 to index
          %get3A_860 = tpu.vector_load %arg9[%get3A_858, %get3A_859] {strides = array<i32>} : memref<32x3584xf32, #tpu.memory_space<vmem>>, vector<1x16xf32>,
          %get3A_861 = vector.shape_cast %get3A_860 : vector<1x16xf32> to vector<16xf32>
          %mul3A_862 = vector.broadcast %squeeze3A_792 : f32 to vector<16xf32>
          %mul3A_863 = arith.mulf %get3A_861, %mul3A_862 : vector<16xf32>
          %add3A_864 = arith.addf %add3A_786, %mul3A_863 : vector<16xf32>
          %mul3A_865 = arith.constant 16 : i32
          %mul3A_866 = arith.muli %scan3A_304, %mul3A_865 : i32
          %add3A_867 = arith.constant 7 : i32
          %add3A_868 = arith.addi %mul3A_866, %add3A_867 : i32
          %slice3A_869 = vector.extract_strided_slice %get3A_318 {offsets = [7], sizes = [1], strides = [1]} : vector<16xf32> to vector<1xf32>
          %squeeze3A_870 = vector.extract %slice3A_869[0] : f32 from vector<1xf32>
          %add3A_871 = arith.constant 0 : i32
          %add3A_872 = arith.addi %mul3A_210, %add3A_871 : i32
          %get3A_873 = arith.index_cast %add3A_868 : i32 to index
          %get3A_874 = arith.index_cast %add3A_872 : i32 to index
          %get3A_875 = tpu.vector_load %arg9[%get3A_873, %get3A_874] {strides = array<i32>} : memref<32x3584xf32, #tpu.memory_space<vmem>>, vector<1x16xf32>,
          %get3A_876 = vector.shape_cast %get3A_875 : vector<1x16xf32> to vector<16xf32>
          %mul3A_877 = vector.broadcast %squeeze3A_870 : f32 to vector<16xf32>
          %mul3A_878 = arith.mulf %get3A_876, %mul3A_877 : vector<16xf32>
          %add3A_879 = arith.addf %add3A_801, %mul3A_878 : vector<16xf32>
          %add3A_880 = arith.constant 16 : i32
          %add3A_881 = arith.addi %mul3A_210, %add3A_880 : i32
          %get3A_882 = arith.index_cast %add3A_868 : i32 to index
          %get3A_883 = arith.index_cast %add3A_881 : i32 to index
          %get3A_884 = tpu.vector_load %arg9[%get3A_882, %get3A_883] {strides = array<i32>} : memref<32x3584xf32, #tpu.memory_space<vmem>>, vector<1x16xf32>,
          %get3A_885 = vector.shape_cast %get3A_884 : vector<1x16xf32> to vector<16xf32>
          %mul3A_886 = vector.broadcast %squeeze3A_870 : f32 to vector<16xf32>
          %mul3A_887 = arith.mulf %get3A_885, %mul3A_886 : vector<16xf32>
          %add3A_888 = arith.addf %add3A_810, %mul3A_887 : vector<16xf32>
          %add3A_889 = arith.constant 32 : i32
          %add3A_890 = arith.addi %mul3A_210, %add3A_889 : i32
          %get3A_891 = arith.index_cast %add3A_868 : i32 to index
          %get3A_892 = arith.index_cast %add3A_890 : i32 to index
          %get3A_893 = tpu.vector_load %arg9[%get3A_891, %get3A_892] {strides = array<i32>} : memref<32x3584xf32, #tpu.memory_space<vmem>>, vector<1x16xf32>,
          %get3A_894 = vector.shape_cast %get3A_893 : vector<1x16xf32> to vector<16xf32>
          %mul3A_895 = vector.broadcast %squeeze3A_870 : f32 to vector<16xf32>
          %mul3A_896 = arith.mulf %get3A_894, %mul3A_895 : vector<16xf32>
          %add3A_897 = arith.addf %add3A_819, %mul3A_896 : vector<16xf32>
          %add3A_898 = arith.constant 48 : i32
          %add3A_899 = arith.addi %mul3A_210, %add3A_898 : i32
          %get3A_900 = arith.index_cast %add3A_868 : i32 to index
          %get3A_901 = arith.index_cast %add3A_899 : i32 to index
          %get3A_902 = tpu.vector_load %arg9[%get3A_900, %get3A_901] {strides = array<i32>} : memref<32x3584xf32, #tpu.memory_space<vmem>>, vector<1x16xf32>,
          %get3A_903 = vector.shape_cast %get3A_902 : vector<1x16xf32> to vector<16xf32>
          %mul3A_904 = vector.broadcast %squeeze3A_870 : f32 to vector<16xf32>
          %mul3A_905 = arith.mulf %get3A_903, %mul3A_904 : vector<16xf32>
          %add3A_906 = arith.addf %add3A_828, %mul3A_905 : vector<16xf32>
          %add3A_907 = arith.constant 64 : i32
          %add3A_908 = arith.addi %mul3A_210, %add3A_907 : i32
          %get3A_909 = arith.index_cast %add3A_868 : i32 to index
          %get3A_910 = arith.index_cast %add3A_908 : i32 to index
          %get3A_911 = tpu.vector_load %arg9[%get3A_909, %get3A_910] {strides = array<i32>} : memref<32x3584xf32, #tpu.memory_space<vmem>>, vector<1x16xf32>,
          %get3A_912 = vector.shape_cast %get3A_911 : vector<1x16xf32> to vector<16xf32>
          %mul3A_913 = vector.broadcast %squeeze3A_870 : f32 to vector<16xf32>
          %mul3A_914 = arith.mulf %get3A_912, %mul3A_913 : vector<16xf32>
          %add3A_915 = arith.addf %add3A_837, %mul3A_914 : vector<16xf32>
          %add3A_916 = arith.constant 80 : i32
          %add3A_917 = arith.addi %mul3A_210, %add3A_916 : i32
          %get3A_918 = arith.index_cast %add3A_868 : i32 to index
          %get3A_919 = arith.index_cast %add3A_917 : i32 to index
          %get3A_920 = tpu.vector_load %arg9[%get3A_918, %get3A_919] {strides = array<i32>} : memref<32x3584xf32, #tpu.memory_space<vmem>>, vector<1x16xf32>,
          %get3A_921 = vector.shape_cast %get3A_920 : vector<1x16xf32> to vector<16xf32>
          %mul3A_922 = vector.broadcast %squeeze3A_870 : f32 to vector<16xf32>
          %mul3A_923 = arith.mulf %get3A_921, %mul3A_922 : vector<16xf32>
          %add3A_924 = arith.addf %add3A_846, %mul3A_923 : vector<16xf32>
          %add3A_925 = arith.constant 96 : i32
          %add3A_926 = arith.addi %mul3A_210, %add3A_925 : i32
          %get3A_927 = arith.index_cast %add3A_868 : i32 to index
          %get3A_928 = arith.index_cast %add3A_926 : i32 to index
          %get3A_929 = tpu.vector_load %arg9[%get3A_927, %get3A_928] {strides = array<i32>} : memref<32x3584xf32, #tpu.memory_space<vmem>>, vector<1x16xf32>,
          %get3A_930 = vector.shape_cast %get3A_929 : vector<1x16xf32> to vector<16xf32>
          %mul3A_931 = vector.broadcast %squeeze3A_870 : f32 to vector<16xf32>
          %mul3A_932 = arith.mulf %get3A_930, %mul3A_931 : vector<16xf32>
          %add3A_933 = arith.addf %add3A_855, %mul3A_932 : vector<16xf32>
          %add3A_934 = arith.constant 112 : i32
          %add3A_935 = arith.addi %mul3A_210, %add3A_934 : i32
          %get3A_936 = arith.index_cast %add3A_868 : i32 to index
          %get3A_937 = arith.index_cast %add3A_935 : i32 to index
          %get3A_938 = tpu.vector_load %arg9[%get3A_936, %get3A_937] {strides = array<i32>} : memref<32x3584xf32, #tpu.memory_space<vmem>>, vector<1x16xf32>,
          %get3A_939 = vector.shape_cast %get3A_938 : vector<1x16xf32> to vector<16xf32>
          %mul3A_940 = vector.broadcast %squeeze3A_870 : f32 to vector<16xf32>
          %mul3A_941 = arith.mulf %get3A_939, %mul3A_940 : vector<16xf32>
          %add3A_942 = arith.addf %add3A_864, %mul3A_941 : vector<16xf32>
          %mul3A_943 = arith.constant 16 : i32
          %mul3A_944 = arith.muli %scan3A_304, %mul3A_943 : i32
          %add3A_945 = arith.constant 8 : i32
          %add3A_946 = arith.addi %mul3A_944, %add3A_945 : i32
          %slice3A_947 = vector.extract_strided_slice %get3A_318 {offsets = [8], sizes = [1], strides = [1]} : vector<16xf32> to vector<1xf32>
          %squeeze3A_948 = vector.extract %slice3A_947[0] : f32 from vector<1xf32>
          %add3A_949 = arith.constant 0 : i32
          %add3A_950 = arith.addi %mul3A_210, %add3A_949 : i32
          %get3A_951 = arith.index_cast %add3A_946 : i32 to index
          %get3A_952 = arith.index_cast %add3A_950 : i32 to index
          %get3A_953 = tpu.vector_load %arg9[%get3A_951, %get3A_952] {strides = array<i32>} : memref<32x3584xf32, #tpu.memory_space<vmem>>, vector<1x16xf32>,
          %get3A_954 = vector.shape_cast %get3A_953 : vector<1x16xf32> to vector<16xf32>
          %mul3A_955 = vector.broadcast %squeeze3A_948 : f32 to vector<16xf32>
          %mul3A_956 = arith.mulf %get3A_954, %mul3A_955 : vector<16xf32>
          %add3A_957 = arith.addf %add3A_879, %mul3A_956 : vector<16xf32>
          %add3A_958 = arith.constant 16 : i32
          %add3A_959 = arith.addi %mul3A_210, %add3A_958 : i32
          %get3A_960 = arith.index_cast %add3A_946 : i32 to index
          %get3A_961 = arith.index_cast %add3A_959 : i32 to index
          %get3A_962 = tpu.vector_load %arg9[%get3A_960, %get3A_961] {strides = array<i32>} : memref<32x3584xf32, #tpu.memory_space<vmem>>, vector<1x16xf32>,
          %get3A_963 = vector.shape_cast %get3A_962 : vector<1x16xf32> to vector<16xf32>
          %mul3A_964 = vector.broadcast %squeeze3A_948 : f32 to vector<16xf32>
          %mul3A_965 = arith.mulf %get3A_963, %mul3A_964 : vector<16xf32>
          %add3A_966 = arith.addf %add3A_888, %mul3A_965 : vector<16xf32>
          %add3A_967 = arith.constant 32 : i32
          %add3A_968 = arith.addi %mul3A_210, %add3A_967 : i32
          %get3A_969 = arith.index_cast %add3A_946 : i32 to index
          %get3A_970 = arith.index_cast %add3A_968 : i32 to index
          %get3A_971 = tpu.vector_load %arg9[%get3A_969, %get3A_970] {strides = array<i32>} : memref<32x3584xf32, #tpu.memory_space<vmem>>, vector<1x16xf32>,
          %get3A_972 = vector.shape_cast %get3A_971 : vector<1x16xf32> to vector<16xf32>
          %mul3A_973 = vector.broadcast %squeeze3A_948 : f32 to vector<16xf32>
          %mul3A_974 = arith.mulf %get3A_972, %mul3A_973 : vector<16xf32>
          %add3A_975 = arith.addf %add3A_897, %mul3A_974 : vector<16xf32>
          %add3A_976 = arith.constant 48 : i32
          %add3A_977 = arith.addi %mul3A_210, %add3A_976 : i32
          %get3A_978 = arith.index_cast %add3A_946 : i32 to index
          %get3A_979 = arith.index_cast %add3A_977 : i32 to index
          %get3A_980 = tpu.vector_load %arg9[%get3A_978, %get3A_979] {strides = array<i32>} : memref<32x3584xf32, #tpu.memory_space<vmem>>, vector<1x16xf32>,
          %get3A_981 = vector.shape_cast %get3A_980 : vector<1x16xf32> to vector<16xf32>
          %mul3A_982 = vector.broadcast %squeeze3A_948 : f32 to vector<16xf32>
          %mul3A_983 = arith.mulf %get3A_981, %mul3A_982 : vector<16xf32>
          %add3A_984 = arith.addf %add3A_906, %mul3A_983 : vector<16xf32>
          %add3A_985 = arith.constant 64 : i32
          %add3A_986 = arith.addi %mul3A_210, %add3A_985 : i32
          %get3A_987 = arith.index_cast %add3A_946 : i32 to index
          %get3A_988 = arith.index_cast %add3A_986 : i32 to index
          %get3A_989 = tpu.vector_load %arg9[%get3A_987, %get3A_988] {strides = array<i32>} : memref<32x3584xf32, #tpu.memory_space<vmem>>, vector<1x16xf32>,
          %get3A_990 = vector.shape_cast %get3A_989 : vector<1x16xf32> to vector<16xf32>
          %mul3A_991 = vector.broadcast %squeeze3A_948 : f32 to vector<16xf32>
          %mul3A_992 = arith.mulf %get3A_990, %mul3A_991 : vector<16xf32>
          %add3A_993 = arith.addf %add3A_915, %mul3A_992 : vector<16xf32>
          %add3A_994 = arith.constant 80 : i32
          %add3A_995 = arith.addi %mul3A_210, %add3A_994 : i32
          %get3A_996 = arith.index_cast %add3A_946 : i32 to index
          %get3A_997 = arith.index_cast %add3A_995 : i32 to index
          %get3A_998 = tpu.vector_load %arg9[%get3A_996, %get3A_997] {strides = array<i32>} : memref<32x3584xf32, #tpu.memory_space<vmem>>, vector<1x16xf32>,
          %get3A_999 = vector.shape_cast %get3A_998 : vector<1x16xf32> to vector<16xf32>
          %mul3A_1000 = vector.broadcast %squeeze3A_948 : f32 to vector<16xf32>
          %mul3A_1001 = arith.mulf %get3A_999, %mul3A_1000 : vector<16xf32>
          %add3A_1002 = arith.addf %add3A_924, %mul3A_1001 : vector<16xf32>
          %add3A_1003 = arith.constant 96 : i32
          %add3A_1004 = arith.addi %mul3A_210, %add3A_1003 : i32
          %get3A_1005 = arith.index_cast %add3A_946 : i32 to index
          %get3A_1006 = arith.index_cast %add3A_1004 : i32 to index
          %get3A_1007 = tpu.vector_load %arg9[%get3A_1005, %get3A_1006] {strides = array<i32>} : memref<32x3584xf32, #tpu.memory_space<vmem>>, vector<1x16xf32>,
          %get3A_1008 = vector.shape_cast %get3A_1007 : vector<1x16xf32> to vector<16xf32>
          %mul3A_1009 = vector.broadcast %squeeze3A_948 : f32 to vector<16xf32>
          %mul3A_1010 = arith.mulf %get3A_1008, %mul3A_1009 : vector<16xf32>
          %add3A_1011 = arith.addf %add3A_933, %mul3A_1010 : vector<16xf32>
          %add3A_1012 = arith.constant 112 : i32
          %add3A_1013 = arith.addi %mul3A_210, %add3A_1012 : i32
          %get3A_1014 = arith.index_cast %add3A_946 : i32 to index
          %get3A_1015 = arith.index_cast %add3A_1013 : i32 to index
          %get3A_1016 = tpu.vector_load %arg9[%get3A_1014, %get3A_1015] {strides = array<i32>} : memref<32x3584xf32, #tpu.memory_space<vmem>>, vector<1x16xf32>,
          %get3A_1017 = vector.shape_cast %get3A_1016 : vector<1x16xf32> to vector<16xf32>
          %mul3A_1018 = vector.broadcast %squeeze3A_948 : f32 to vector<16xf32>
          %mul3A_1019 = arith.mulf %get3A_1017, %mul3A_1018 : vector<16xf32>
          %add3A_1020 = arith.addf %add3A_942, %mul3A_1019 : vector<16xf32>
          %mul3A_1021 = arith.constant 16 : i32
          %mul3A_1022 = arith.muli %scan3A_304, %mul3A_1021 : i32
          %add3A_1023 = arith.constant 9 : i32
          %add3A_1024 = arith.addi %mul3A_1022, %add3A_1023 : i32
          %slice3A_1025 = vector.extract_strided_slice %get3A_318 {offsets = [9], sizes = [1], strides = [1]} : vector<16xf32> to vector<1xf32>
          %squeeze3A_1026 = vector.extract %slice3A_1025[0] : f32 from vector<1xf32>
          %add3A_1027 = arith.constant 0 : i32
          %add3A_1028 = arith.addi %mul3A_210, %add3A_1027 : i32
          %get3A_1029 = arith.index_cast %add3A_1024 : i32 to index
          %get3A_1030 = arith.index_cast %add3A_1028 : i32 to index
          %get3A_1031 = tpu.vector_load %arg9[%get3A_1029, %get3A_1030] {strides = array<i32>} : memref<32x3584xf32, #tpu.memory_space<vmem>>, vector<1x16xf32>,
          %get3A_1032 = vector.shape_cast %get3A_1031 : vector<1x16xf32> to vector<16xf32>
          %mul3A_1033 = vector.broadcast %squeeze3A_1026 : f32 to vector<16xf32>
          %mul3A_1034 = arith.mulf %get3A_1032, %mul3A_1033 : vector<16xf32>
          %add3A_1035 = arith.addf %add3A_957, %mul3A_1034 : vector<16xf32>
          %add3A_1036 = arith.constant 16 : i32
          %add3A_1037 = arith.addi %mul3A_210, %add3A_1036 : i32
          %get3A_1038 = arith.index_cast %add3A_1024 : i32 to index
          %get3A_1039 = arith.index_cast %add3A_1037 : i32 to index
          %get3A_1040 = tpu.vector_load %arg9[%get3A_1038, %get3A_1039] {strides = array<i32>} : memref<32x3584xf32, #tpu.memory_space<vmem>>, vector<1x16xf32>,
          %get3A_1041 = vector.shape_cast %get3A_1040 : vector<1x16xf32> to vector<16xf32>
          %mul3A_1042 = vector.broadcast %squeeze3A_1026 : f32 to vector<16xf32>
          %mul3A_1043 = arith.mulf %get3A_1041, %mul3A_1042 : vector<16xf32>
          %add3A_1044 = arith.addf %add3A_966, %mul3A_1043 : vector<16xf32>
          %add3A_1045 = arith.constant 32 : i32
          %add3A_1046 = arith.addi %mul3A_210, %add3A_1045 : i32
          %get3A_1047 = arith.index_cast %add3A_1024 : i32 to index
          %get3A_1048 = arith.index_cast %add3A_1046 : i32 to index
          %get3A_1049 = tpu.vector_load %arg9[%get3A_1047, %get3A_1048] {strides = array<i32>} : memref<32x3584xf32, #tpu.memory_space<vmem>>, vector<1x16xf32>,
          %get3A_1050 = vector.shape_cast %get3A_1049 : vector<1x16xf32> to vector<16xf32>
          %mul3A_1051 = vector.broadcast %squeeze3A_1026 : f32 to vector<16xf32>
          %mul3A_1052 = arith.mulf %get3A_1050, %mul3A_1051 : vector<16xf32>
          %add3A_1053 = arith.addf %add3A_975, %mul3A_1052 : vector<16xf32>
          %add3A_1054 = arith.constant 48 : i32
          %add3A_1055 = arith.addi %mul3A_210, %add3A_1054 : i32
          %get3A_1056 = arith.index_cast %add3A_1024 : i32 to index
          %get3A_1057 = arith.index_cast %add3A_1055 : i32 to index
          %get3A_1058 = tpu.vector_load %arg9[%get3A_1056, %get3A_1057] {strides = array<i32>} : memref<32x3584xf32, #tpu.memory_space<vmem>>, vector<1x16xf32>,
          %get3A_1059 = vector.shape_cast %get3A_1058 : vector<1x16xf32> to vector<16xf32>
          %mul3A_1060 = vector.broadcast %squeeze3A_1026 : f32 to vector<16xf32>
          %mul3A_1061 = arith.mulf %get3A_1059, %mul3A_1060 : vector<16xf32>
          %add3A_1062 = arith.addf %add3A_984, %mul3A_1061 : vector<16xf32>
          %add3A_1063 = arith.constant 64 : i32
          %add3A_1064 = arith.addi %mul3A_210, %add3A_1063 : i32
          %get3A_1065 = arith.index_cast %add3A_1024 : i32 to index
          %get3A_1066 = arith.index_cast %add3A_1064 : i32 to index
          %get3A_1067 = tpu.vector_load %arg9[%get3A_1065, %get3A_1066] {strides = array<i32>} : memref<32x3584xf32, #tpu.memory_space<vmem>>, vector<1x16xf32>,
          %get3A_1068 = vector.shape_cast %get3A_1067 : vector<1x16xf32> to vector<16xf32>
          %mul3A_1069 = vector.broadcast %squeeze3A_1026 : f32 to vector<16xf32>
          %mul3A_1070 = arith.mulf %get3A_1068, %mul3A_1069 : vector<16xf32>
          %add3A_1071 = arith.addf %add3A_993, %mul3A_1070 : vector<16xf32>
          %add3A_1072 = arith.constant 80 : i32
          %add3A_1073 = arith.addi %mul3A_210, %add3A_1072 : i32
          %get3A_1074 = arith.index_cast %add3A_1024 : i32 to index
          %get3A_1075 = arith.index_cast %add3A_1073 : i32 to index
          %get3A_1076 = tpu.vector_load %arg9[%get3A_1074, %get3A_1075] {strides = array<i32>} : memref<32x3584xf32, #tpu.memory_space<vmem>>, vector<1x16xf32>,
          %get3A_1077 = vector.shape_cast %get3A_1076 : vector<1x16xf32> to vector<16xf32>
          %mul3A_1078 = vector.broadcast %squeeze3A_1026 : f32 to vector<16xf32>
          %mul3A_1079 = arith.mulf %get3A_1077, %mul3A_1078 : vector<16xf32>
          %add3A_1080 = arith.addf %add3A_1002, %mul3A_1079 : vector<16xf32>
          %add3A_1081 = arith.constant 96 : i32
          %add3A_1082 = arith.addi %mul3A_210, %add3A_1081 : i32
          %get3A_1083 = arith.index_cast %add3A_1024 : i32 to index
          %get3A_1084 = arith.index_cast %add3A_1082 : i32 to index
          %get3A_1085 = tpu.vector_load %arg9[%get3A_1083, %get3A_1084] {strides = array<i32>} : memref<32x3584xf32, #tpu.memory_space<vmem>>, vector<1x16xf32>,
          %get3A_1086 = vector.shape_cast %get3A_1085 : vector<1x16xf32> to vector<16xf32>
          %mul3A_1087 = vector.broadcast %squeeze3A_1026 : f32 to vector<16xf32>
          %mul3A_1088 = arith.mulf %get3A_1086, %mul3A_1087 : vector<16xf32>
          %add3A_1089 = arith.addf %add3A_1011, %mul3A_1088 : vector<16xf32>
          %add3A_1090 = arith.constant 112 : i32
          %add3A_1091 = arith.addi %mul3A_210, %add3A_1090 : i32
          %get3A_1092 = arith.index_cast %add3A_1024 : i32 to index
          %get3A_1093 = arith.index_cast %add3A_1091 : i32 to index
          %get3A_1094 = tpu.vector_load %arg9[%get3A_1092, %get3A_1093] {strides = array<i32>} : memref<32x3584xf32, #tpu.memory_space<vmem>>, vector<1x16xf32>,
          %get3A_1095 = vector.shape_cast %get3A_1094 : vector<1x16xf32> to vector<16xf32>
          %mul3A_1096 = vector.broadcast %squeeze3A_1026 : f32 to vector<16xf32>
          %mul3A_1097 = arith.mulf %get3A_1095, %mul3A_1096 : vector<16xf32>
          %add3A_1098 = arith.addf %add3A_1020, %mul3A_1097 : vector<16xf32>
          %mul3A_1099 = arith.constant 16 : i32
          %mul3A_1100 = arith.muli %scan3A_304, %mul3A_1099 : i32
          %add3A_1101 = arith.constant 10 : i32
          %add3A_1102 = arith.addi %mul3A_1100, %add3A_1101 : i32
          %slice3A_1103 = vector.extract_strided_slice %get3A_318 {offsets = [10], sizes = [1], strides = [1]} : vector<16xf32> to vector<1xf32>
          %squeeze3A_1104 = vector.extract %slice3A_1103[0] : f32 from vector<1xf32>
          %add3A_1105 = arith.constant 0 : i32
          %add3A_1106 = arith.addi %mul3A_210, %add3A_1105 : i32
          %get3A_1107 = arith.index_cast %add3A_1102 : i32 to index
          %get3A_1108 = arith.index_cast %add3A_1106 : i32 to index
          %get3A_1109 = tpu.vector_load %arg9[%get3A_1107, %get3A_1108] {strides = array<i32>} : memref<32x3584xf32, #tpu.memory_space<vmem>>, vector<1x16xf32>,
          %get3A_1110 = vector.shape_cast %get3A_1109 : vector<1x16xf32> to vector<16xf32>
          %mul3A_1111 = vector.broadcast %squeeze3A_1104 : f32 to vector<16xf32>
          %mul3A_1112 = arith.mulf %get3A_1110, %mul3A_1111 : vector<16xf32>
          %add3A_1113 = arith.addf %add3A_1035, %mul3A_1112 : vector<16xf32>
          %add3A_1114 = arith.constant 16 : i32
          %add3A_1115 = arith.addi %mul3A_210, %add3A_1114 : i32
          %get3A_1116 = arith.index_cast %add3A_1102 : i32 to index
          %get3A_1117 = arith.index_cast %add3A_1115 : i32 to index
          %get3A_1118 = tpu.vector_load %arg9[%get3A_1116, %get3A_1117] {strides = array<i32>} : memref<32x3584xf32, #tpu.memory_space<vmem>>, vector<1x16xf32>,
          %get3A_1119 = vector.shape_cast %get3A_1118 : vector<1x16xf32> to vector<16xf32>
          %mul3A_1120 = vector.broadcast %squeeze3A_1104 : f32 to vector<16xf32>
          %mul3A_1121 = arith.mulf %get3A_1119, %mul3A_1120 : vector<16xf32>
          %add3A_1122 = arith.addf %add3A_1044, %mul3A_1121 : vector<16xf32>
          %add3A_1123 = arith.constant 32 : i32
          %add3A_1124 = arith.addi %mul3A_210, %add3A_1123 : i32
          %get3A_1125 = arith.index_cast %add3A_1102 : i32 to index
          %get3A_1126 = arith.index_cast %add3A_1124 : i32 to index
          %get3A_1127 = tpu.vector_load %arg9[%get3A_1125, %get3A_1126] {strides = array<i32>} : memref<32x3584xf32, #tpu.memory_space<vmem>>, vector<1x16xf32>,
          %get3A_1128 = vector.shape_cast %get3A_1127 : vector<1x16xf32> to vector<16xf32>
          %mul3A_1129 = vector.broadcast %squeeze3A_1104 : f32 to vector<16xf32>
          %mul3A_1130 = arith.mulf %get3A_1128, %mul3A_1129 : vector<16xf32>
          %add3A_1131 = arith.addf %add3A_1053, %mul3A_1130 : vector<16xf32>
          %add3A_1132 = arith.constant 48 : i32
          %add3A_1133 = arith.addi %mul3A_210, %add3A_1132 : i32
          %get3A_1134 = arith.index_cast %add3A_1102 : i32 to index
          %get3A_1135 = arith.index_cast %add3A_1133 : i32 to index
          %get3A_1136 = tpu.vector_load %arg9[%get3A_1134, %get3A_1135] {strides = array<i32>} : memref<32x3584xf32, #tpu.memory_space<vmem>>, vector<1x16xf32>,
          %get3A_1137 = vector.shape_cast %get3A_1136 : vector<1x16xf32> to vector<16xf32>
          %mul3A_1138 = vector.broadcast %squeeze3A_1104 : f32 to vector<16xf32>
          %mul3A_1139 = arith.mulf %get3A_1137, %mul3A_1138 : vector<16xf32>
          %add3A_1140 = arith.addf %add3A_1062, %mul3A_1139 : vector<16xf32>
          %add3A_1141 = arith.constant 64 : i32
          %add3A_1142 = arith.addi %mul3A_210, %add3A_1141 : i32
          %get3A_1143 = arith.index_cast %add3A_1102 : i32 to index
          %get3A_1144 = arith.index_cast %add3A_1142 : i32 to index
          %get3A_1145 = tpu.vector_load %arg9[%get3A_1143, %get3A_1144] {strides = array<i32>} : memref<32x3584xf32, #tpu.memory_space<vmem>>, vector<1x16xf32>,
          %get3A_1146 = vector.shape_cast %get3A_1145 : vector<1x16xf32> to vector<16xf32>
          %mul3A_1147 = vector.broadcast %squeeze3A_1104 : f32 to vector<16xf32>
          %mul3A_1148 = arith.mulf %get3A_1146, %mul3A_1147 : vector<16xf32>
          %add3A_1149 = arith.addf %add3A_1071, %mul3A_1148 : vector<16xf32>
          %add3A_1150 = arith.constant 80 : i32
          %add3A_1151 = arith.addi %mul3A_210, %add3A_1150 : i32
          %get3A_1152 = arith.index_cast %add3A_1102 : i32 to index
          %get3A_1153 = arith.index_cast %add3A_1151 : i32 to index
          %get3A_1154 = tpu.vector_load %arg9[%get3A_1152, %get3A_1153] {strides = array<i32>} : memref<32x3584xf32, #tpu.memory_space<vmem>>, vector<1x16xf32>,
          %get3A_1155 = vector.shape_cast %get3A_1154 : vector<1x16xf32> to vector<16xf32>
          %mul3A_1156 = vector.broadcast %squeeze3A_1104 : f32 to vector<16xf32>
          %mul3A_1157 = arith.mulf %get3A_1155, %mul3A_1156 : vector<16xf32>
          %add3A_1158 = arith.addf %add3A_1080, %mul3A_1157 : vector<16xf32>
          %add3A_1159 = arith.constant 96 : i32
          %add3A_1160 = arith.addi %mul3A_210, %add3A_1159 : i32
          %get3A_1161 = arith.index_cast %add3A_1102 : i32 to index
          %get3A_1162 = arith.index_cast %add3A_1160 : i32 to index
          %get3A_1163 = tpu.vector_load %arg9[%get3A_1161, %get3A_1162] {strides = array<i32>} : memref<32x3584xf32, #tpu.memory_space<vmem>>, vector<1x16xf32>,
          %get3A_1164 = vector.shape_cast %get3A_1163 : vector<1x16xf32> to vector<16xf32>
          %mul3A_1165 = vector.broadcast %squeeze3A_1104 : f32 to vector<16xf32>
          %mul3A_1166 = arith.mulf %get3A_1164, %mul3A_1165 : vector<16xf32>
          %add3A_1167 = arith.addf %add3A_1089, %mul3A_1166 : vector<16xf32>
          %add3A_1168 = arith.constant 112 : i32
          %add3A_1169 = arith.addi %mul3A_210, %add3A_1168 : i32
          %get3A_1170 = arith.index_cast %add3A_1102 : i32 to index
          %get3A_1171 = arith.index_cast %add3A_1169 : i32 to index
          %get3A_1172 = tpu.vector_load %arg9[%get3A_1170, %get3A_1171] {strides = array<i32>} : memref<32x3584xf32, #tpu.memory_space<vmem>>, vector<1x16xf32>,
          %get3A_1173 = vector.shape_cast %get3A_1172 : vector<1x16xf32> to vector<16xf32>
          %mul3A_1174 = vector.broadcast %squeeze3A_1104 : f32 to vector<16xf32>
          %mul3A_1175 = arith.mulf %get3A_1173, %mul3A_1174 : vector<16xf32>
          %add3A_1176 = arith.addf %add3A_1098, %mul3A_1175 : vector<16xf32>
          %mul3A_1177 = arith.constant 16 : i32
          %mul3A_1178 = arith.muli %scan3A_304, %mul3A_1177 : i32
          %add3A_1179 = arith.constant 11 : i32
          %add3A_1180 = arith.addi %mul3A_1178, %add3A_1179 : i32
          %slice3A_1181 = vector.extract_strided_slice %get3A_318 {offsets = [11], sizes = [1], strides = [1]} : vector<16xf32> to vector<1xf32>
          %squeeze3A_1182 = vector.extract %slice3A_1181[0] : f32 from vector<1xf32>
          %add3A_1183 = arith.constant 0 : i32
          %add3A_1184 = arith.addi %mul3A_210, %add3A_1183 : i32
          %get3A_1185 = arith.index_cast %add3A_1180 : i32 to index
          %get3A_1186 = arith.index_cast %add3A_1184 : i32 to index
          %get3A_1187 = tpu.vector_load %arg9[%get3A_1185, %get3A_1186] {strides = array<i32>} : memref<32x3584xf32, #tpu.memory_space<vmem>>, vector<1x16xf32>,
          %get3A_1188 = vector.shape_cast %get3A_1187 : vector<1x16xf32> to vector<16xf32>
          %mul3A_1189 = vector.broadcast %squeeze3A_1182 : f32 to vector<16xf32>
          %mul3A_1190 = arith.mulf %get3A_1188, %mul3A_1189 : vector<16xf32>
          %add3A_1191 = arith.addf %add3A_1113, %mul3A_1190 : vector<16xf32>
          %add3A_1192 = arith.constant 16 : i32
          %add3A_1193 = arith.addi %mul3A_210, %add3A_1192 : i32
          %get3A_1194 = arith.index_cast %add3A_1180 : i32 to index
          %get3A_1195 = arith.index_cast %add3A_1193 : i32 to index
          %get3A_1196 = tpu.vector_load %arg9[%get3A_1194, %get3A_1195] {strides = array<i32>} : memref<32x3584xf32, #tpu.memory_space<vmem>>, vector<1x16xf32>,
          %get3A_1197 = vector.shape_cast %get3A_1196 : vector<1x16xf32> to vector<16xf32>
          %mul3A_1198 = vector.broadcast %squeeze3A_1182 : f32 to vector<16xf32>
          %mul3A_1199 = arith.mulf %get3A_1197, %mul3A_1198 : vector<16xf32>
          %add3A_1200 = arith.addf %add3A_1122, %mul3A_1199 : vector<16xf32>
          %add3A_1201 = arith.constant 32 : i32
          %add3A_1202 = arith.addi %mul3A_210, %add3A_1201 : i32
          %get3A_1203 = arith.index_cast %add3A_1180 : i32 to index
          %get3A_1204 = arith.index_cast %add3A_1202 : i32 to index
          %get3A_1205 = tpu.vector_load %arg9[%get3A_1203, %get3A_1204] {strides = array<i32>} : memref<32x3584xf32, #tpu.memory_space<vmem>>, vector<1x16xf32>,
          %get3A_1206 = vector.shape_cast %get3A_1205 : vector<1x16xf32> to vector<16xf32>
          %mul3A_1207 = vector.broadcast %squeeze3A_1182 : f32 to vector<16xf32>
          %mul3A_1208 = arith.mulf %get3A_1206, %mul3A_1207 : vector<16xf32>
          %add3A_1209 = arith.addf %add3A_1131, %mul3A_1208 : vector<16xf32>
          %add3A_1210 = arith.constant 48 : i32
          %add3A_1211 = arith.addi %mul3A_210, %add3A_1210 : i32
          %get3A_1212 = arith.index_cast %add3A_1180 : i32 to index
          %get3A_1213 = arith.index_cast %add3A_1211 : i32 to index
          %get3A_1214 = tpu.vector_load %arg9[%get3A_1212, %get3A_1213] {strides = array<i32>} : memref<32x3584xf32, #tpu.memory_space<vmem>>, vector<1x16xf32>,
          %get3A_1215 = vector.shape_cast %get3A_1214 : vector<1x16xf32> to vector<16xf32>
          %mul3A_1216 = vector.broadcast %squeeze3A_1182 : f32 to vector<16xf32>
          %mul3A_1217 = arith.mulf %get3A_1215, %mul3A_1216 : vector<16xf32>
          %add3A_1218 = arith.addf %add3A_1140, %mul3A_1217 : vector<16xf32>
          %add3A_1219 = arith.constant 64 : i32
          %add3A_1220 = arith.addi %mul3A_210, %add3A_1219 : i32
          %get3A_1221 = arith.index_cast %add3A_1180 : i32 to index
          %get3A_1222 = arith.index_cast %add3A_1220 : i32 to index
          %get3A_1223 = tpu.vector_load %arg9[%get3A_1221, %get3A_1222] {strides = array<i32>} : memref<32x3584xf32, #tpu.memory_space<vmem>>, vector<1x16xf32>,
          %get3A_1224 = vector.shape_cast %get3A_1223 : vector<1x16xf32> to vector<16xf32>
          %mul3A_1225 = vector.broadcast %squeeze3A_1182 : f32 to vector<16xf32>
          %mul3A_1226 = arith.mulf %get3A_1224, %mul3A_1225 : vector<16xf32>
          %add3A_1227 = arith.addf %add3A_1149, %mul3A_1226 : vector<16xf32>
          %add3A_1228 = arith.constant 80 : i32
          %add3A_1229 = arith.addi %mul3A_210, %add3A_1228 : i32
          %get3A_1230 = arith.index_cast %add3A_1180 : i32 to index
          %get3A_1231 = arith.index_cast %add3A_1229 : i32 to index
          %get3A_1232 = tpu.vector_load %arg9[%get3A_1230, %get3A_1231] {strides = array<i32>} : memref<32x3584xf32, #tpu.memory_space<vmem>>, vector<1x16xf32>,
          %get3A_1233 = vector.shape_cast %get3A_1232 : vector<1x16xf32> to vector<16xf32>
          %mul3A_1234 = vector.broadcast %squeeze3A_1182 : f32 to vector<16xf32>
          %mul3A_1235 = arith.mulf %get3A_1233, %mul3A_1234 : vector<16xf32>
          %add3A_1236 = arith.addf %add3A_1158, %mul3A_1235 : vector<16xf32>
          %add3A_1237 = arith.constant 96 : i32
          %add3A_1238 = arith.addi %mul3A_210, %add3A_1237 : i32
          %get3A_1239 = arith.index_cast %add3A_1180 : i32 to index
          %get3A_1240 = arith.index_cast %add3A_1238 : i32 to index
          %get3A_1241 = tpu.vector_load %arg9[%get3A_1239, %get3A_1240] {strides = array<i32>} : memref<32x3584xf32, #tpu.memory_space<vmem>>, vector<1x16xf32>,
          %get3A_1242 = vector.shape_cast %get3A_1241 : vector<1x16xf32> to vector<16xf32>
          %mul3A_1243 = vector.broadcast %squeeze3A_1182 : f32 to vector<16xf32>
          %mul3A_1244 = arith.mulf %get3A_1242, %mul3A_1243 : vector<16xf32>
          %add3A_1245 = arith.addf %add3A_1167, %mul3A_1244 : vector<16xf32>
          %add3A_1246 = arith.constant 112 : i32
          %add3A_1247 = arith.addi %mul3A_210, %add3A_1246 : i32
          %get3A_1248 = arith.index_cast %add3A_1180 : i32 to index
          %get3A_1249 = arith.index_cast %add3A_1247 : i32 to index
          %get3A_1250 = tpu.vector_load %arg9[%get3A_1248, %get3A_1249] {strides = array<i32>} : memref<32x3584xf32, #tpu.memory_space<vmem>>, vector<1x16xf32>,
          %get3A_1251 = vector.shape_cast %get3A_1250 : vector<1x16xf32> to vector<16xf32>
          %mul3A_1252 = vector.broadcast %squeeze3A_1182 : f32 to vector<16xf32>
          %mul3A_1253 = arith.mulf %get3A_1251, %mul3A_1252 : vector<16xf32>
          %add3A_1254 = arith.addf %add3A_1176, %mul3A_1253 : vector<16xf32>
          %mul3A_1255 = arith.constant 16 : i32
          %mul3A_1256 = arith.muli %scan3A_304, %mul3A_1255 : i32
          %add3A_1257 = arith.constant 12 : i32
          %add3A_1258 = arith.addi %mul3A_1256, %add3A_1257 : i32
          %slice3A_1259 = vector.extract_strided_slice %get3A_318 {offsets = [12], sizes = [1], strides = [1]} : vector<16xf32> to vector<1xf32>
          %squeeze3A_1260 = vector.extract %slice3A_1259[0] : f32 from vector<1xf32>
          %add3A_1261 = arith.constant 0 : i32
          %add3A_1262 = arith.addi %mul3A_210, %add3A_1261 : i32
          %get3A_1263 = arith.index_cast %add3A_1258 : i32 to index
          %get3A_1264 = arith.index_cast %add3A_1262 : i32 to index
          %get3A_1265 = tpu.vector_load %arg9[%get3A_1263, %get3A_1264] {strides = array<i32>} : memref<32x3584xf32, #tpu.memory_space<vmem>>, vector<1x16xf32>,
          %get3A_1266 = vector.shape_cast %get3A_1265 : vector<1x16xf32> to vector<16xf32>
          %mul3A_1267 = vector.broadcast %squeeze3A_1260 : f32 to vector<16xf32>
          %mul3A_1268 = arith.mulf %get3A_1266, %mul3A_1267 : vector<16xf32>
          %add3A_1269 = arith.addf %add3A_1191, %mul3A_1268 : vector<16xf32>
          %add3A_1270 = arith.constant 16 : i32
          %add3A_1271 = arith.addi %mul3A_210, %add3A_1270 : i32
          %get3A_1272 = arith.index_cast %add3A_1258 : i32 to index
          %get3A_1273 = arith.index_cast %add3A_1271 : i32 to index
          %get3A_1274 = tpu.vector_load %arg9[%get3A_1272, %get3A_1273] {strides = array<i32>} : memref<32x3584xf32, #tpu.memory_space<vmem>>, vector<1x16xf32>,
          %get3A_1275 = vector.shape_cast %get3A_1274 : vector<1x16xf32> to vector<16xf32>
          %mul3A_1276 = vector.broadcast %squeeze3A_1260 : f32 to vector<16xf32>
          %mul3A_1277 = arith.mulf %get3A_1275, %mul3A_1276 : vector<16xf32>
          %add3A_1278 = arith.addf %add3A_1200, %mul3A_1277 : vector<16xf32>
          %add3A_1279 = arith.constant 32 : i32
          %add3A_1280 = arith.addi %mul3A_210, %add3A_1279 : i32
          %get3A_1281 = arith.index_cast %add3A_1258 : i32 to index
          %get3A_1282 = arith.index_cast %add3A_1280 : i32 to index
          %get3A_1283 = tpu.vector_load %arg9[%get3A_1281, %get3A_1282] {strides = array<i32>} : memref<32x3584xf32, #tpu.memory_space<vmem>>, vector<1x16xf32>,
          %get3A_1284 = vector.shape_cast %get3A_1283 : vector<1x16xf32> to vector<16xf32>
          %mul3A_1285 = vector.broadcast %squeeze3A_1260 : f32 to vector<16xf32>
          %mul3A_1286 = arith.mulf %get3A_1284, %mul3A_1285 : vector<16xf32>
          %add3A_1287 = arith.addf %add3A_1209, %mul3A_1286 : vector<16xf32>
          %add3A_1288 = arith.constant 48 : i32
          %add3A_1289 = arith.addi %mul3A_210, %add3A_1288 : i32
          %get3A_1290 = arith.index_cast %add3A_1258 : i32 to index
          %get3A_1291 = arith.index_cast %add3A_1289 : i32 to index
          %get3A_1292 = tpu.vector_load %arg9[%get3A_1290, %get3A_1291] {strides = array<i32>} : memref<32x3584xf32, #tpu.memory_space<vmem>>, vector<1x16xf32>,
          %get3A_1293 = vector.shape_cast %get3A_1292 : vector<1x16xf32> to vector<16xf32>
          %mul3A_1294 = vector.broadcast %squeeze3A_1260 : f32 to vector<16xf32>
          %mul3A_1295 = arith.mulf %get3A_1293, %mul3A_1294 : vector<16xf32>
          %add3A_1296 = arith.addf %add3A_1218, %mul3A_1295 : vector<16xf32>
          %add3A_1297 = arith.constant 64 : i32
          %add3A_1298 = arith.addi %mul3A_210, %add3A_1297 : i32
          %get3A_1299 = arith.index_cast %add3A_1258 : i32 to index
          %get3A_1300 = arith.index_cast %add3A_1298 : i32 to index
          %get3A_1301 = tpu.vector_load %arg9[%get3A_1299, %get3A_1300] {strides = array<i32>} : memref<32x3584xf32, #tpu.memory_space<vmem>>, vector<1x16xf32>,
          %get3A_1302 = vector.shape_cast %get3A_1301 : vector<1x16xf32> to vector<16xf32>
          %mul3A_1303 = vector.broadcast %squeeze3A_1260 : f32 to vector<16xf32>
          %mul3A_1304 = arith.mulf %get3A_1302, %mul3A_1303 : vector<16xf32>
          %add3A_1305 = arith.addf %add3A_1227, %mul3A_1304 : vector<16xf32>
          %add3A_1306 = arith.constant 80 : i32
          %add3A_1307 = arith.addi %mul3A_210, %add3A_1306 : i32
          %get3A_1308 = arith.index_cast %add3A_1258 : i32 to index
          %get3A_1309 = arith.index_cast %add3A_1307 : i32 to index
          %get3A_1310 = tpu.vector_load %arg9[%get3A_1308, %get3A_1309] {strides = array<i32>} : memref<32x3584xf32, #tpu.memory_space<vmem>>, vector<1x16xf32>,
          %get3A_1311 = vector.shape_cast %get3A_1310 : vector<1x16xf32> to vector<16xf32>
          %mul3A_1312 = vector.broadcast %squeeze3A_1260 : f32 to vector<16xf32>
          %mul3A_1313 = arith.mulf %get3A_1311, %mul3A_1312 : vector<16xf32>
          %add3A_1314 = arith.addf %add3A_1236, %mul3A_1313 : vector<16xf32>
          %add3A_1315 = arith.constant 96 : i32
          %add3A_1316 = arith.addi %mul3A_210, %add3A_1315 : i32
          %get3A_1317 = arith.index_cast %add3A_1258 : i32 to index
          %get3A_1318 = arith.index_cast %add3A_1316 : i32 to index
          %get3A_1319 = tpu.vector_load %arg9[%get3A_1317, %get3A_1318] {strides = array<i32>} : memref<32x3584xf32, #tpu.memory_space<vmem>>, vector<1x16xf32>,
          %get3A_1320 = vector.shape_cast %get3A_1319 : vector<1x16xf32> to vector<16xf32>
          %mul3A_1321 = vector.broadcast %squeeze3A_1260 : f32 to vector<16xf32>
          %mul3A_1322 = arith.mulf %get3A_1320, %mul3A_1321 : vector<16xf32>
          %add3A_1323 = arith.addf %add3A_1245, %mul3A_1322 : vector<16xf32>
          %add3A_1324 = arith.constant 112 : i32
          %add3A_1325 = arith.addi %mul3A_210, %add3A_1324 : i32
          %get3A_1326 = arith.index_cast %add3A_1258 : i32 to index
          %get3A_1327 = arith.index_cast %add3A_1325 : i32 to index
          %get3A_1328 = tpu.vector_load %arg9[%get3A_1326, %get3A_1327] {strides = array<i32>} : memref<32x3584xf32, #tpu.memory_space<vmem>>, vector<1x16xf32>,
          %get3A_1329 = vector.shape_cast %get3A_1328 : vector<1x16xf32> to vector<16xf32>
          %mul3A_1330 = vector.broadcast %squeeze3A_1260 : f32 to vector<16xf32>
          %mul3A_1331 = arith.mulf %get3A_1329, %mul3A_1330 : vector<16xf32>
          %add3A_1332 = arith.addf %add3A_1254, %mul3A_1331 : vector<16xf32>
          %mul3A_1333 = arith.constant 16 : i32
          %mul3A_1334 = arith.muli %scan3A_304, %mul3A_1333 : i32
          %add3A_1335 = arith.constant 13 : i32
          %add3A_1336 = arith.addi %mul3A_1334, %add3A_1335 : i32
          %slice3A_1337 = vector.extract_strided_slice %get3A_318 {offsets = [13], sizes = [1], strides = [1]} : vector<16xf32> to vector<1xf32>
          %squeeze3A_1338 = vector.extract %slice3A_1337[0] : f32 from vector<1xf32>
          %add3A_1339 = arith.constant 0 : i32
          %add3A_1340 = arith.addi %mul3A_210, %add3A_1339 : i32
          %get3A_1341 = arith.index_cast %add3A_1336 : i32 to index
          %get3A_1342 = arith.index_cast %add3A_1340 : i32 to index
          %get3A_1343 = tpu.vector_load %arg9[%get3A_1341, %get3A_1342] {strides = array<i32>} : memref<32x3584xf32, #tpu.memory_space<vmem>>, vector<1x16xf32>,
          %get3A_1344 = vector.shape_cast %get3A_1343 : vector<1x16xf32> to vector<16xf32>
          %mul3A_1345 = vector.broadcast %squeeze3A_1338 : f32 to vector<16xf32>
          %mul3A_1346 = arith.mulf %get3A_1344, %mul3A_1345 : vector<16xf32>
          %add3A_1347 = arith.addf %add3A_1269, %mul3A_1346 : vector<16xf32>
          %add3A_1348 = arith.constant 16 : i32
          %add3A_1349 = arith.addi %mul3A_210, %add3A_1348 : i32
          %get3A_1350 = arith.index_cast %add3A_1336 : i32 to index
          %get3A_1351 = arith.index_cast %add3A_1349 : i32 to index
          %get3A_1352 = tpu.vector_load %arg9[%get3A_1350, %get3A_1351] {strides = array<i32>} : memref<32x3584xf32, #tpu.memory_space<vmem>>, vector<1x16xf32>,
          %get3A_1353 = vector.shape_cast %get3A_1352 : vector<1x16xf32> to vector<16xf32>
          %mul3A_1354 = vector.broadcast %squeeze3A_1338 : f32 to vector<16xf32>
          %mul3A_1355 = arith.mulf %get3A_1353, %mul3A_1354 : vector<16xf32>
          %add3A_1356 = arith.addf %add3A_1278, %mul3A_1355 : vector<16xf32>
          %add3A_1357 = arith.constant 32 : i32
          %add3A_1358 = arith.addi %mul3A_210, %add3A_1357 : i32
          %get3A_1359 = arith.index_cast %add3A_1336 : i32 to index
          %get3A_1360 = arith.index_cast %add3A_1358 : i32 to index
          %get3A_1361 = tpu.vector_load %arg9[%get3A_1359, %get3A_1360] {strides = array<i32>} : memref<32x3584xf32, #tpu.memory_space<vmem>>, vector<1x16xf32>,
          %get3A_1362 = vector.shape_cast %get3A_1361 : vector<1x16xf32> to vector<16xf32>
          %mul3A_1363 = vector.broadcast %squeeze3A_1338 : f32 to vector<16xf32>
          %mul3A_1364 = arith.mulf %get3A_1362, %mul3A_1363 : vector<16xf32>
          %add3A_1365 = arith.addf %add3A_1287, %mul3A_1364 : vector<16xf32>
          %add3A_1366 = arith.constant 48 : i32
          %add3A_1367 = arith.addi %mul3A_210, %add3A_1366 : i32
          %get3A_1368 = arith.index_cast %add3A_1336 : i32 to index
          %get3A_1369 = arith.index_cast %add3A_1367 : i32 to index
          %get3A_1370 = tpu.vector_load %arg9[%get3A_1368, %get3A_1369] {strides = array<i32>} : memref<32x3584xf32, #tpu.memory_space<vmem>>, vector<1x16xf32>,
          %get3A_1371 = vector.shape_cast %get3A_1370 : vector<1x16xf32> to vector<16xf32>
          %mul3A_1372 = vector.broadcast %squeeze3A_1338 : f32 to vector<16xf32>
          %mul3A_1373 = arith.mulf %get3A_1371, %mul3A_1372 : vector<16xf32>
          %add3A_1374 = arith.addf %add3A_1296, %mul3A_1373 : vector<16xf32>
          %add3A_1375 = arith.constant 64 : i32
          %add3A_1376 = arith.addi %mul3A_210, %add3A_1375 : i32
          %get3A_1377 = arith.index_cast %add3A_1336 : i32 to index
          %get3A_1378 = arith.index_cast %add3A_1376 : i32 to index
          %get3A_1379 = tpu.vector_load %arg9[%get3A_1377, %get3A_1378] {strides = array<i32>} : memref<32x3584xf32, #tpu.memory_space<vmem>>, vector<1x16xf32>,
          %get3A_1380 = vector.shape_cast %get3A_1379 : vector<1x16xf32> to vector<16xf32>
          %mul3A_1381 = vector.broadcast %squeeze3A_1338 : f32 to vector<16xf32>
          %mul3A_1382 = arith.mulf %get3A_1380, %mul3A_1381 : vector<16xf32>
          %add3A_1383 = arith.addf %add3A_1305, %mul3A_1382 : vector<16xf32>
          %add3A_1384 = arith.constant 80 : i32
          %add3A_1385 = arith.addi %mul3A_210, %add3A_1384 : i32
          %get3A_1386 = arith.index_cast %add3A_1336 : i32 to index
          %get3A_1387 = arith.index_cast %add3A_1385 : i32 to index
          %get3A_1388 = tpu.vector_load %arg9[%get3A_1386, %get3A_1387] {strides = array<i32>} : memref<32x3584xf32, #tpu.memory_space<vmem>>, vector<1x16xf32>,
          %get3A_1389 = vector.shape_cast %get3A_1388 : vector<1x16xf32> to vector<16xf32>
          %mul3A_1390 = vector.broadcast %squeeze3A_1338 : f32 to vector<16xf32>
          %mul3A_1391 = arith.mulf %get3A_1389, %mul3A_1390 : vector<16xf32>
          %add3A_1392 = arith.addf %add3A_1314, %mul3A_1391 : vector<16xf32>
          %add3A_1393 = arith.constant 96 : i32
          %add3A_1394 = arith.addi %mul3A_210, %add3A_1393 : i32
          %get3A_1395 = arith.index_cast %add3A_1336 : i32 to index
          %get3A_1396 = arith.index_cast %add3A_1394 : i32 to index
          %get3A_1397 = tpu.vector_load %arg9[%get3A_1395, %get3A_1396] {strides = array<i32>} : memref<32x3584xf32, #tpu.memory_space<vmem>>, vector<1x16xf32>,
          %get3A_1398 = vector.shape_cast %get3A_1397 : vector<1x16xf32> to vector<16xf32>
          %mul3A_1399 = vector.broadcast %squeeze3A_1338 : f32 to vector<16xf32>
          %mul3A_1400 = arith.mulf %get3A_1398, %mul3A_1399 : vector<16xf32>
          %add3A_1401 = arith.addf %add3A_1323, %mul3A_1400 : vector<16xf32>
          %add3A_1402 = arith.constant 112 : i32
          %add3A_1403 = arith.addi %mul3A_210, %add3A_1402 : i32
          %get3A_1404 = arith.index_cast %add3A_1336 : i32 to index
          %get3A_1405 = arith.index_cast %add3A_1403 : i32 to index
          %get3A_1406 = tpu.vector_load %arg9[%get3A_1404, %get3A_1405] {strides = array<i32>} : memref<32x3584xf32, #tpu.memory_space<vmem>>, vector<1x16xf32>,
          %get3A_1407 = vector.shape_cast %get3A_1406 : vector<1x16xf32> to vector<16xf32>
          %mul3A_1408 = vector.broadcast %squeeze3A_1338 : f32 to vector<16xf32>
          %mul3A_1409 = arith.mulf %get3A_1407, %mul3A_1408 : vector<16xf32>
          %add3A_1410 = arith.addf %add3A_1332, %mul3A_1409 : vector<16xf32>
          %mul3A_1411 = arith.constant 16 : i32
          %mul3A_1412 = arith.muli %scan3A_304, %mul3A_1411 : i32
          %add3A_1413 = arith.constant 14 : i32
          %add3A_1414 = arith.addi %mul3A_1412, %add3A_1413 : i32
          %slice3A_1415 = vector.extract_strided_slice %get3A_318 {offsets = [14], sizes = [1], strides = [1]} : vector<16xf32> to vector<1xf32>
          %squeeze3A_1416 = vector.extract %slice3A_1415[0] : f32 from vector<1xf32>
          %add3A_1417 = arith.constant 0 : i32
          %add3A_1418 = arith.addi %mul3A_210, %add3A_1417 : i32
          %get3A_1419 = arith.index_cast %add3A_1414 : i32 to index
          %get3A_1420 = arith.index_cast %add3A_1418 : i32 to index
          %get3A_1421 = tpu.vector_load %arg9[%get3A_1419, %get3A_1420] {strides = array<i32>} : memref<32x3584xf32, #tpu.memory_space<vmem>>, vector<1x16xf32>,
          %get3A_1422 = vector.shape_cast %get3A_1421 : vector<1x16xf32> to vector<16xf32>
          %mul3A_1423 = vector.broadcast %squeeze3A_1416 : f32 to vector<16xf32>
          %mul3A_1424 = arith.mulf %get3A_1422, %mul3A_1423 : vector<16xf32>
          %add3A_1425 = arith.addf %add3A_1347, %mul3A_1424 : vector<16xf32>
          %add3A_1426 = arith.constant 16 : i32
          %add3A_1427 = arith.addi %mul3A_210, %add3A_1426 : i32
          %get3A_1428 = arith.index_cast %add3A_1414 : i32 to index
          %get3A_1429 = arith.index_cast %add3A_1427 : i32 to index
          %get3A_1430 = tpu.vector_load %arg9[%get3A_1428, %get3A_1429] {strides = array<i32>} : memref<32x3584xf32, #tpu.memory_space<vmem>>, vector<1x16xf32>,
          %get3A_1431 = vector.shape_cast %get3A_1430 : vector<1x16xf32> to vector<16xf32>
          %mul3A_1432 = vector.broadcast %squeeze3A_1416 : f32 to vector<16xf32>
          %mul3A_1433 = arith.mulf %get3A_1431, %mul3A_1432 : vector<16xf32>
          %add3A_1434 = arith.addf %add3A_1356, %mul3A_1433 : vector<16xf32>
          %add3A_1435 = arith.constant 32 : i32
          %add3A_1436 = arith.addi %mul3A_210, %add3A_1435 : i32
          %get3A_1437 = arith.index_cast %add3A_1414 : i32 to index
          %get3A_1438 = arith.index_cast %add3A_1436 : i32 to index
          %get3A_1439 = tpu.vector_load %arg9[%get3A_1437, %get3A_1438] {strides = array<i32>} : memref<32x3584xf32, #tpu.memory_space<vmem>>, vector<1x16xf32>,
          %get3A_1440 = vector.shape_cast %get3A_1439 : vector<1x16xf32> to vector<16xf32>
          %mul3A_1441 = vector.broadcast %squeeze3A_1416 : f32 to vector<16xf32>
          %mul3A_1442 = arith.mulf %get3A_1440, %mul3A_1441 : vector<16xf32>
          %add3A_1443 = arith.addf %add3A_1365, %mul3A_1442 : vector<16xf32>
          %add3A_1444 = arith.constant 48 : i32
          %add3A_1445 = arith.addi %mul3A_210, %add3A_1444 : i32
          %get3A_1446 = arith.index_cast %add3A_1414 : i32 to index
          %get3A_1447 = arith.index_cast %add3A_1445 : i32 to index
          %get3A_1448 = tpu.vector_load %arg9[%get3A_1446, %get3A_1447] {strides = array<i32>} : memref<32x3584xf32, #tpu.memory_space<vmem>>, vector<1x16xf32>,
          %get3A_1449 = vector.shape_cast %get3A_1448 : vector<1x16xf32> to vector<16xf32>
          %mul3A_1450 = vector.broadcast %squeeze3A_1416 : f32 to vector<16xf32>
          %mul3A_1451 = arith.mulf %get3A_1449, %mul3A_1450 : vector<16xf32>
          %add3A_1452 = arith.addf %add3A_1374, %mul3A_1451 : vector<16xf32>
          %add3A_1453 = arith.constant 64 : i32
          %add3A_1454 = arith.addi %mul3A_210, %add3A_1453 : i32
          %get3A_1455 = arith.index_cast %add3A_1414 : i32 to index
          %get3A_1456 = arith.index_cast %add3A_1454 : i32 to index
          %get3A_1457 = tpu.vector_load %arg9[%get3A_1455, %get3A_1456] {strides = array<i32>} : memref<32x3584xf32, #tpu.memory_space<vmem>>, vector<1x16xf32>,
          %get3A_1458 = vector.shape_cast %get3A_1457 : vector<1x16xf32> to vector<16xf32>
          %mul3A_1459 = vector.broadcast %squeeze3A_1416 : f32 to vector<16xf32>
          %mul3A_1460 = arith.mulf %get3A_1458, %mul3A_1459 : vector<16xf32>
          %add3A_1461 = arith.addf %add3A_1383, %mul3A_1460 : vector<16xf32>
          %add3A_1462 = arith.constant 80 : i32
          %add3A_1463 = arith.addi %mul3A_210, %add3A_1462 : i32
          %get3A_1464 = arith.index_cast %add3A_1414 : i32 to index
          %get3A_1465 = arith.index_cast %add3A_1463 : i32 to index
          %get3A_1466 = tpu.vector_load %arg9[%get3A_1464, %get3A_1465] {strides = array<i32>} : memref<32x3584xf32, #tpu.memory_space<vmem>>, vector<1x16xf32>,
          %get3A_1467 = vector.shape_cast %get3A_1466 : vector<1x16xf32> to vector<16xf32>
          %mul3A_1468 = vector.broadcast %squeeze3A_1416 : f32 to vector<16xf32>
          %mul3A_1469 = arith.mulf %get3A_1467, %mul3A_1468 : vector<16xf32>
          %add3A_1470 = arith.addf %add3A_1392, %mul3A_1469 : vector<16xf32>
          %add3A_1471 = arith.constant 96 : i32
          %add3A_1472 = arith.addi %mul3A_210, %add3A_1471 : i32
          %get3A_1473 = arith.index_cast %add3A_1414 : i32 to index
          %get3A_1474 = arith.index_cast %add3A_1472 : i32 to index
          %get3A_1475 = tpu.vector_load %arg9[%get3A_1473, %get3A_1474] {strides = array<i32>} : memref<32x3584xf32, #tpu.memory_space<vmem>>, vector<1x16xf32>,
          %get3A_1476 = vector.shape_cast %get3A_1475 : vector<1x16xf32> to vector<16xf32>
          %mul3A_1477 = vector.broadcast %squeeze3A_1416 : f32 to vector<16xf32>
          %mul3A_1478 = arith.mulf %get3A_1476, %mul3A_1477 : vector<16xf32>
          %add3A_1479 = arith.addf %add3A_1401, %mul3A_1478 : vector<16xf32>
          %add3A_1480 = arith.constant 112 : i32
          %add3A_1481 = arith.addi %mul3A_210, %add3A_1480 : i32
          %get3A_1482 = arith.index_cast %add3A_1414 : i32 to index
          %get3A_1483 = arith.index_cast %add3A_1481 : i32 to index
          %get3A_1484 = tpu.vector_load %arg9[%get3A_1482, %get3A_1483] {strides = array<i32>} : memref<32x3584xf32, #tpu.memory_space<vmem>>, vector<1x16xf32>,
          %get3A_1485 = vector.shape_cast %get3A_1484 : vector<1x16xf32> to vector<16xf32>
          %mul3A_1486 = vector.broadcast %squeeze3A_1416 : f32 to vector<16xf32>
          %mul3A_1487 = arith.mulf %get3A_1485, %mul3A_1486 : vector<16xf32>
          %add3A_1488 = arith.addf %add3A_1410, %mul3A_1487 : vector<16xf32>
          %mul3A_1489 = arith.constant 16 : i32
          %mul3A_1490 = arith.muli %scan3A_304, %mul3A_1489 : i32
          %add3A_1491 = arith.constant 15 : i32
          %add3A_1492 = arith.addi %mul3A_1490, %add3A_1491 : i32
          %slice3A_1493 = vector.extract_strided_slice %get3A_318 {offsets = [15], sizes = [1], strides = [1]} : vector<16xf32> to vector<1xf32>
          %squeeze3A_1494 = vector.extract %slice3A_1493[0] : f32 from vector<1xf32>
          %add3A_1495 = arith.constant 0 : i32
          %add3A_1496 = arith.addi %mul3A_210, %add3A_1495 : i32
          %get3A_1497 = arith.index_cast %add3A_1492 : i32 to index
          %get3A_1498 = arith.index_cast %add3A_1496 : i32 to index
          %get3A_1499 = tpu.vector_load %arg9[%get3A_1497, %get3A_1498] {strides = array<i32>} : memref<32x3584xf32, #tpu.memory_space<vmem>>, vector<1x16xf32>,
          %get3A_1500 = vector.shape_cast %get3A_1499 : vector<1x16xf32> to vector<16xf32>
          %mul3A_1501 = vector.broadcast %squeeze3A_1494 : f32 to vector<16xf32>
          %mul3A_1502 = arith.mulf %get3A_1500, %mul3A_1501 : vector<16xf32>
          %add3A_1503 = arith.addf %add3A_1425, %mul3A_1502 : vector<16xf32>
          %add3A_1504 = arith.constant 16 : i32
          %add3A_1505 = arith.addi %mul3A_210, %add3A_1504 : i32
          %get3A_1506 = arith.index_cast %add3A_1492 : i32 to index
          %get3A_1507 = arith.index_cast %add3A_1505 : i32 to index
          %get3A_1508 = tpu.vector_load %arg9[%get3A_1506, %get3A_1507] {strides = array<i32>} : memref<32x3584xf32, #tpu.memory_space<vmem>>, vector<1x16xf32>,
          %get3A_1509 = vector.shape_cast %get3A_1508 : vector<1x16xf32> to vector<16xf32>
          %mul3A_1510 = vector.broadcast %squeeze3A_1494 : f32 to vector<16xf32>
          %mul3A_1511 = arith.mulf %get3A_1509, %mul3A_1510 : vector<16xf32>
          %add3A_1512 = arith.addf %add3A_1434, %mul3A_1511 : vector<16xf32>
          %add3A_1513 = arith.constant 32 : i32
          %add3A_1514 = arith.addi %mul3A_210, %add3A_1513 : i32
          %get3A_1515 = arith.index_cast %add3A_1492 : i32 to index
          %get3A_1516 = arith.index_cast %add3A_1514 : i32 to index
          %get3A_1517 = tpu.vector_load %arg9[%get3A_1515, %get3A_1516] {strides = array<i32>} : memref<32x3584xf32, #tpu.memory_space<vmem>>, vector<1x16xf32>,
          %get3A_1518 = vector.shape_cast %get3A_1517 : vector<1x16xf32> to vector<16xf32>
          %mul3A_1519 = vector.broadcast %squeeze3A_1494 : f32 to vector<16xf32>
          %mul3A_1520 = arith.mulf %get3A_1518, %mul3A_1519 : vector<16xf32>
          %add3A_1521 = arith.addf %add3A_1443, %mul3A_1520 : vector<16xf32>
          %add3A_1522 = arith.constant 48 : i32
          %add3A_1523 = arith.addi %mul3A_210, %add3A_1522 : i32
          %get3A_1524 = arith.index_cast %add3A_1492 : i32 to index
          %get3A_1525 = arith.index_cast %add3A_1523 : i32 to index
          %get3A_1526 = tpu.vector_load %arg9[%get3A_1524, %get3A_1525] {strides = array<i32>} : memref<32x3584xf32, #tpu.memory_space<vmem>>, vector<1x16xf32>,
          %get3A_1527 = vector.shape_cast %get3A_1526 : vector<1x16xf32> to vector<16xf32>
          %mul3A_1528 = vector.broadcast %squeeze3A_1494 : f32 to vector<16xf32>
          %mul3A_1529 = arith.mulf %get3A_1527, %mul3A_1528 : vector<16xf32>
          %add3A_1530 = arith.addf %add3A_1452, %mul3A_1529 : vector<16xf32>
          %add3A_1531 = arith.constant 64 : i32
          %add3A_1532 = arith.addi %mul3A_210, %add3A_1531 : i32
          %get3A_1533 = arith.index_cast %add3A_1492 : i32 to index
          %get3A_1534 = arith.index_cast %add3A_1532 : i32 to index
          %get3A_1535 = tpu.vector_load %arg9[%get3A_1533, %get3A_1534] {strides = array<i32>} : memref<32x3584xf32, #tpu.memory_space<vmem>>, vector<1x16xf32>,
          %get3A_1536 = vector.shape_cast %get3A_1535 : vector<1x16xf32> to vector<16xf32>
          %mul3A_1537 = vector.broadcast %squeeze3A_1494 : f32 to vector<16xf32>
          %mul3A_1538 = arith.mulf %get3A_1536, %mul3A_1537 : vector<16xf32>
          %add3A_1539 = arith.addf %add3A_1461, %mul3A_1538 : vector<16xf32>
          %add3A_1540 = arith.constant 80 : i32
          %add3A_1541 = arith.addi %mul3A_210, %add3A_1540 : i32
          %get3A_1542 = arith.index_cast %add3A_1492 : i32 to index
          %get3A_1543 = arith.index_cast %add3A_1541 : i32 to index
          %get3A_1544 = tpu.vector_load %arg9[%get3A_1542, %get3A_1543] {strides = array<i32>} : memref<32x3584xf32, #tpu.memory_space<vmem>>, vector<1x16xf32>,
          %get3A_1545 = vector.shape_cast %get3A_1544 : vector<1x16xf32> to vector<16xf32>
          %mul3A_1546 = vector.broadcast %squeeze3A_1494 : f32 to vector<16xf32>
          %mul3A_1547 = arith.mulf %get3A_1545, %mul3A_1546 : vector<16xf32>
          %add3A_1548 = arith.addf %add3A_1470, %mul3A_1547 : vector<16xf32>
          %add3A_1549 = arith.constant 96 : i32
          %add3A_1550 = arith.addi %mul3A_210, %add3A_1549 : i32
          %get3A_1551 = arith.index_cast %add3A_1492 : i32 to index
          %get3A_1552 = arith.index_cast %add3A_1550 : i32 to index
          %get3A_1553 = tpu.vector_load %arg9[%get3A_1551, %get3A_1552] {strides = array<i32>} : memref<32x3584xf32, #tpu.memory_space<vmem>>, vector<1x16xf32>,
          %get3A_1554 = vector.shape_cast %get3A_1553 : vector<1x16xf32> to vector<16xf32>
          %mul3A_1555 = vector.broadcast %squeeze3A_1494 : f32 to vector<16xf32>
          %mul3A_1556 = arith.mulf %get3A_1554, %mul3A_1555 : vector<16xf32>
          %add3A_1557 = arith.addf %add3A_1479, %mul3A_1556 : vector<16xf32>
          %add3A_1558 = arith.constant 112 : i32
          %add3A_1559 = arith.addi %mul3A_210, %add3A_1558 : i32
          %get3A_1560 = arith.index_cast %add3A_1492 : i32 to index
          %get3A_1561 = arith.index_cast %add3A_1559 : i32 to index
          %get3A_1562 = tpu.vector_load %arg9[%get3A_1560, %get3A_1561] {strides = array<i32>} : memref<32x3584xf32, #tpu.memory_space<vmem>>, vector<1x16xf32>,
          %get3A_1563 = vector.shape_cast %get3A_1562 : vector<1x16xf32> to vector<16xf32>
          %mul3A_1564 = vector.broadcast %squeeze3A_1494 : f32 to vector<16xf32>
          %mul3A_1565 = arith.mulf %get3A_1563, %mul3A_1564 : vector<16xf32>
          %add3A_1566 = arith.addf %add3A_1488, %mul3A_1565 : vector<16xf32>
          scf.yield %add3A_1503, %add3A_1512, %add3A_1521, %add3A_1530, %add3A_1539, %add3A_1548, %add3A_1557, %add3A_1566 : vector<16xf32>, vector<16xf32>, vector<16xf32>, vector<16xf32>, vector<16xf32>, vector<16xf32>, vector<16xf32>, vector<16xf32>
        }
        %scan3A_255 = arith.constant 2 : i32
        %add3A_256 = arith.constant 0 : i32
        %add3A_257 = arith.addi %mul3A_210, %add3A_256 : i32
        %swap3A = arith.index_cast %add3A_257 : i32 to index
        %swap3A_258 = tpu.vector_load %arg10[%swap3A] {strides = array<i32>} : memref<3584xf32, #tpu.memory_space<vmem>>, vector<16xf32>,
        %swap3A_259 = vector.shape_cast %swap3A_258 : vector<16xf32> to vector<16xf32>
        %swap3A_260 = vector.shape_cast %scan3A_254#0 : vector<16xf32> to vector<16xf32>
        tpu.vector_store %arg10[%swap3A], %swap3A_260 {strides = array<i32>} : memref<3584xf32, #tpu.memory_space<vmem>>, vector<16xf32>,
        %add3A_261 = arith.constant 16 : i32
        %add3A_262 = arith.addi %mul3A_210, %add3A_261 : i32
        %swap3A_263 = arith.index_cast %add3A_262 : i32 to index
        %swap3A_264 = tpu.vector_load %arg10[%swap3A_263] {strides = array<i32>} : memref<3584xf32, #tpu.memory_space<vmem>>, vector<16xf32>,
        %swap3A_265 = vector.shape_cast %swap3A_264 : vector<16xf32> to vector<16xf32>
        %swap3A_266 = vector.shape_cast %scan3A_254#1 : vector<16xf32> to vector<16xf32>
        tpu.vector_store %arg10[%swap3A_263], %swap3A_266 {strides = array<i32>} : memref<3584xf32, #tpu.memory_space<vmem>>, vector<16xf32>,
        %add3A_267 = arith.constant 32 : i32
        %add3A_268 = arith.addi %mul3A_210, %add3A_267 : i32
        %swap3A_269 = arith.index_cast %add3A_268 : i32 to index
        %swap3A_270 = tpu.vector_load %arg10[%swap3A_269] {strides = array<i32>} : memref<3584xf32, #tpu.memory_space<vmem>>, vector<16xf32>,
        %swap3A_271 = vector.shape_cast %swap3A_270 : vector<16xf32> to vector<16xf32>
        %swap3A_272 = vector.shape_cast %scan3A_254#2 : vector<16xf32> to vector<16xf32>
        tpu.vector_store %arg10[%swap3A_269], %swap3A_272 {strides = array<i32>} : memref<3584xf32, #tpu.memory_space<vmem>>, vector<16xf32>,
        %add3A_273 = arith.constant 48 : i32
        %add3A_274 = arith.addi %mul3A_210, %add3A_273 : i32
        %swap3A_275 = arith.index_cast %add3A_274 : i32 to index
        %swap3A_276 = tpu.vector_load %arg10[%swap3A_275] {strides = array<i32>} : memref<3584xf32, #tpu.memory_space<vmem>>, vector<16xf32>,
        %swap3A_277 = vector.shape_cast %swap3A_276 : vector<16xf32> to vector<16xf32>
        %swap3A_278 = vector.shape_cast %scan3A_254#3 : vector<16xf32> to vector<16xf32>
        tpu.vector_store %arg10[%swap3A_275], %swap3A_278 {strides = array<i32>} : memref<3584xf32, #tpu.memory_space<vmem>>, vector<16xf32>,
        %add3A_279 = arith.constant 64 : i32
        %add3A_280 = arith.addi %mul3A_210, %add3A_279 : i32
        %swap3A_281 = arith.index_cast %add3A_280 : i32 to index
        %swap3A_282 = tpu.vector_load %arg10[%swap3A_281] {strides = array<i32>} : memref<3584xf32, #tpu.memory_space<vmem>>, vector<16xf32>,
        %swap3A_283 = vector.shape_cast %swap3A_282 : vector<16xf32> to vector<16xf32>
        %swap3A_284 = vector.shape_cast %scan3A_254#4 : vector<16xf32> to vector<16xf32>
        tpu.vector_store %arg10[%swap3A_281], %swap3A_284 {strides = array<i32>} : memref<3584xf32, #tpu.memory_space<vmem>>, vector<16xf32>,
        %add3A_285 = arith.constant 80 : i32
        %add3A_286 = arith.addi %mul3A_210, %add3A_285 : i32
        %swap3A_287 = arith.index_cast %add3A_286 : i32 to index
        %swap3A_288 = tpu.vector_load %arg10[%swap3A_287] {strides = array<i32>} : memref<3584xf32, #tpu.memory_space<vmem>>, vector<16xf32>,
        %swap3A_289 = vector.shape_cast %swap3A_288 : vector<16xf32> to vector<16xf32>
        %swap3A_290 = vector.shape_cast %scan3A_254#5 : vector<16xf32> to vector<16xf32>
        tpu.vector_store %arg10[%swap3A_287], %swap3A_290 {strides = array<i32>} : memref<3584xf32, #tpu.memory_space<vmem>>, vector<16xf32>,
        %add3A_291 = arith.constant 96 : i32
        %add3A_292 = arith.addi %mul3A_210, %add3A_291 : i32
        %swap3A_293 = arith.index_cast %add3A_292 : i32 to index
        %swap3A_294 = tpu.vector_load %arg10[%swap3A_293] {strides = array<i32>} : memref<3584xf32, #tpu.memory_space<vmem>>, vector<16xf32>,
        %swap3A_295 = vector.shape_cast %swap3A_294 : vector<16xf32> to vector<16xf32>
        %swap3A_296 = vector.shape_cast %scan3A_254#6 : vector<16xf32> to vector<16xf32>
        tpu.vector_store %arg10[%swap3A_293], %swap3A_296 {strides = array<i32>} : memref<3584xf32, #tpu.memory_space<vmem>>, vector<16xf32>,
        %add3A_297 = arith.constant 112 : i32
        %add3A_298 = arith.addi %mul3A_210, %add3A_297 : i32
        %swap3A_299 = arith.index_cast %add3A_298 : i32 to index
        %swap3A_300 = tpu.vector_load %arg10[%swap3A_299] {strides = array<i32>} : memref<3584xf32, #tpu.memory_space<vmem>>, vector<16xf32>,
        %swap3A_301 = vector.shape_cast %swap3A_300 : vector<16xf32> to vector<16xf32>
        %swap3A_302 = vector.shape_cast %scan3A_254#7 : vector<16xf32> to vector<16xf32>
        tpu.vector_store %arg10[%swap3A_299], %swap3A_302 {strides = array<i32>} : memref<3584xf32, #tpu.memory_space<vmem>>, vector<16xf32>,
        %scan3A_303 = arith.constant 0 : i32
        scf.yield %scan3A_303 : i32
      }
      %scan3A_203 = arith.constant 28 : i32
      %scan3A_204 = arith.constant 0 : i32
      scf.yield %scan3A_204 : i32
    }
    %scan3A_115 = arith.constant 16 : i32
    %broadcast_in_dim3A_116 = arith.constant 0.000000e+00 : f32
    %broadcast_in_dim3A_117 = vector.broadcast %broadcast_in_dim3A_116 : f32 to vector<16xf32>
    %scan3A_118 = arith.constant 0 : i32
    %scan3A_119 = arith.constant 32 : i32
    %scan3A_120 = arith.addi %scan3A_118, %scan3A_119 : i32
    %scan3A_121 = arith.constant 1 : i32
    %scan3A_122 = scf.for %scan3A_187 = %scan3A_118 to %scan3A_120 step %scan3A_121 iter_args(%scan3A_188 = %broadcast_in_dim3A_117) -> (vector<16xf32>)  : i32 {
      %mul3A_189 = arith.constant 16 : i32
      %mul3A_190 = arith.muli %scan3A_187, %mul3A_189 : i32
      %get3A = arith.index_cast %mul3A_190 : i32 to index
      %get3A_191 = tpu.vector_load %arg8[%get3A] {strides = array<i32>} : memref<512xf32, #tpu.memory_space<vmem>>, vector<16xf32>,
      %get3A_192 = vector.shape_cast %get3A_191 : vector<16xf32> to vector<16xf32>
      %add3A_193 = arith.addf %scan3A_188, %get3A_192 : vector<16xf32>
      scf.yield %add3A_193 : vector<16xf32>
    }
    %scan3A_123 = arith.constant 32 : i32
    %slice3A_124 = vector.extract_strided_slice %scan3A_122 {offsets = [0], sizes = [1], strides = [1]} : vector<16xf32> to vector<1xf32>
    %squeeze3A_125 = vector.extract %slice3A_124[0] : f32 from vector<1xf32>
    %slice3A_126 = vector.extract_strided_slice %scan3A_122 {offsets = [1], sizes = [1], strides = [1]} : vector<16xf32> to vector<1xf32>
    %squeeze3A_127 = vector.extract %slice3A_126[0] : f32 from vector<1xf32>
    %add3A_128 = arith.addf %squeeze3A_125, %squeeze3A_127 : f32
    %slice3A_129 = vector.extract_strided_slice %scan3A_122 {offsets = [2], sizes = [1], strides = [1]} : vector<16xf32> to vector<1xf32>
    %squeeze3A_130 = vector.extract %slice3A_129[0] : f32 from vector<1xf32>
    %add3A_131 = arith.addf %add3A_128, %squeeze3A_130 : f32
    %slice3A_132 = vector.extract_strided_slice %scan3A_122 {offsets = [3], sizes = [1], strides = [1]} : vector<16xf32> to vector<1xf32>
    %squeeze3A_133 = vector.extract %slice3A_132[0] : f32 from vector<1xf32>
    %add3A_134 = arith.addf %add3A_131, %squeeze3A_133 : f32
    %slice3A_135 = vector.extract_strided_slice %scan3A_122 {offsets = [4], sizes = [1], strides = [1]} : vector<16xf32> to vector<1xf32>
    %squeeze3A_136 = vector.extract %slice3A_135[0] : f32 from vector<1xf32>
    %add3A_137 = arith.addf %add3A_134, %squeeze3A_136 : f32
    %slice3A_138 = vector.extract_strided_slice %scan3A_122 {offsets = [5], sizes = [1], strides = [1]} : vector<16xf32> to vector<1xf32>
    %squeeze3A_139 = vector.extract %slice3A_138[0] : f32 from vector<1xf32>
    %add3A_140 = arith.addf %add3A_137, %squeeze3A_139 : f32
    %slice3A_141 = vector.extract_strided_slice %scan3A_122 {offsets = [6], sizes = [1], strides = [1]} : vector<16xf32> to vector<1xf32>
    %squeeze3A_142 = vector.extract %slice3A_141[0] : f32 from vector<1xf32>
    %add3A_143 = arith.addf %add3A_140, %squeeze3A_142 : f32
    %slice3A_144 = vector.extract_strided_slice %scan3A_122 {offsets = [7], sizes = [1], strides = [1]} : vector<16xf32> to vector<1xf32>
    %squeeze3A_145 = vector.extract %slice3A_144[0] : f32 from vector<1xf32>
    %add3A_146 = arith.addf %add3A_143, %squeeze3A_145 : f32
    %slice3A_147 = vector.extract_strided_slice %scan3A_122 {offsets = [8], sizes = [1], strides = [1]} : vector<16xf32> to vector<1xf32>
    %squeeze3A_148 = vector.extract %slice3A_147[0] : f32 from vector<1xf32>
    %add3A_149 = arith.addf %add3A_146, %squeeze3A_148 : f32
    %slice3A_150 = vector.extract_strided_slice %scan3A_122 {offsets = [9], sizes = [1], strides = [1]} : vector<16xf32> to vector<1xf32>
    %squeeze3A_151 = vector.extract %slice3A_150[0] : f32 from vector<1xf32>
    %add3A_152 = arith.addf %add3A_149, %squeeze3A_151 : f32
    %slice3A_153 = vector.extract_strided_slice %scan3A_122 {offsets = [10], sizes = [1], strides = [1]} : vector<16xf32> to vector<1xf32>
    %squeeze3A_154 = vector.extract %slice3A_153[0] : f32 from vector<1xf32>
    %add3A_155 = arith.addf %add3A_152, %squeeze3A_154 : f32
    %slice3A_156 = vector.extract_strided_slice %scan3A_122 {offsets = [11], sizes = [1], strides = [1]} : vector<16xf32> to vector<1xf32>
    %squeeze3A_157 = vector.extract %slice3A_156[0] : f32 from vector<1xf32>
    %add3A_158 = arith.addf %add3A_155, %squeeze3A_157 : f32
    %slice3A_159 = vector.extract_strided_slice %scan3A_122 {offsets = [12], sizes = [1], strides = [1]} : vector<16xf32> to vector<1xf32>
    %squeeze3A_160 = vector.extract %slice3A_159[0] : f32 from vector<1xf32>
    %add3A_161 = arith.addf %add3A_158, %squeeze3A_160 : f32
    %slice3A_162 = vector.extract_strided_slice %scan3A_122 {offsets = [13], sizes = [1], strides = [1]} : vector<16xf32> to vector<1xf32>
    %squeeze3A_163 = vector.extract %slice3A_162[0] : f32 from vector<1xf32>
    %add3A_164 = arith.addf %add3A_161, %squeeze3A_163 : f32
    %slice3A_165 = vector.extract_strided_slice %scan3A_122 {offsets = [14], sizes = [1], strides = [1]} : vector<16xf32> to vector<1xf32>
    %squeeze3A_166 = vector.extract %slice3A_165[0] : f32 from vector<1xf32>
    %add3A_167 = arith.addf %add3A_164, %squeeze3A_166 : f32
    %slice3A_168 = vector.extract_strided_slice %scan3A_122 {offsets = [15], sizes = [1], strides = [1]} : vector<16xf32> to vector<1xf32>
    %squeeze3A_169 = vector.extract %slice3A_168[0] : f32 from vector<1xf32>
    %add3A_170 = arith.addf %add3A_167, %squeeze3A_169 : f32
    %max3A_171 = arith.constant 9.99999971E-10 : f32
    %max3A_172 = arith.maximumf %add3A_170, %max3A_171 : f32
    %broadcast_in_dim3A_173 = arith.constant 1.000000e+00 : f32
    %broadcast_in_dim3A_174 = vector.broadcast %broadcast_in_dim3A_173 : f32 to vector<16xf32>
    %mul3A_175 = vector.broadcast %max3A_172 : f32 to vector<16xf32>
    %mul3A_176 = arith.mulf %broadcast_in_dim3A_174, %mul3A_175 : vector<16xf32>
    %broadcast_in_dim3A_177 = arith.constant 1.000000e+00 : f32
    %broadcast_in_dim3A_178 = vector.broadcast %broadcast_in_dim3A_177 : f32 to vector<16xf32>
    %div3A_179 = arith.divf %broadcast_in_dim3A_178, %mul3A_176 : vector<16xf32>
    %scan3A_180 = arith.constant 0 : i32
    %scan3A_181 = arith.constant 0 : i32
    %scan3A_182 = arith.constant 224 : i32
    %scan3A_183 = arith.addi %scan3A_181, %scan3A_182 : i32
    %scan3A_184 = arith.constant 1 : i32
    %scan3A_185 = scf.for %scan3A_187 = %scan3A_181 to %scan3A_183 step %scan3A_184 iter_args(%scan3A_188 = %scan3A_180) -> (i32)  : i32 {
      %mul3A_189 = arith.constant 16 : i32
      %mul3A_190 = arith.muli %scan3A_187, %mul3A_189 : i32
      %get3A = arith.index_cast %mul3A_190 : i32 to index
      %get3A_191 = tpu.vector_load %arg10[%get3A] {strides = array<i32>} : memref<3584xf32, #tpu.memory_space<vmem>>, vector<16xf32>,
      %get3A_192 = vector.shape_cast %get3A_191 : vector<16xf32> to vector<16xf32>
      %mul3A_193 = arith.mulf %get3A_192, %div3A_179 : vector<16xf32>
      %swap3A = arith.index_cast %mul3A_190 : i32 to index
      %swap3A_194 = tpu.vector_load %arg10[%swap3A] {strides = array<i32>} : memref<3584xf32, #tpu.memory_space<vmem>>, vector<16xf32>,
      %swap3A_195 = vector.shape_cast %swap3A_194 : vector<16xf32> to vector<16xf32>
      %swap3A_196 = vector.shape_cast %mul3A_193 : vector<16xf32> to vector<16xf32>
      tpu.vector_store %arg10[%swap3A], %swap3A_196 {strides = array<i32>} : memref<3584xf32, #tpu.memory_space<vmem>>, vector<16xf32>,
      %scan3A_197 = arith.constant 0 : i32
      scf.yield %scan3A_197 : i32
    }
    %scan3A_186 = arith.constant 224 : i32
    "tpu.region"() ({
      %run_scoped3A = tpu.sem_alloc : memref<!tpu.dma_semaphore, #tpu.memory_space<semaphore_mem>>
      %dma_start3A = arith.constant 0 : i32
      %dma_start3A_187 = tpu.memref_slice %arg5[%add3A_94, %dma_start3A] : memref<64x3584xf32, #tpu.memory_space<hbm>> -> memref<1x3584xf32, #tpu.memory_space<hbm>>
      %dma_start3A_188 = tpu.memref_squeeze %dma_start3A_187 : memref<1x3584xf32, #tpu.memory_space<hbm>> -> memref<3584xf32, #tpu.memory_space<hbm>>
      %dma_start3A_189 = arith.constant 0 : i32
      %dma_start3A_190 = tpu.memref_slice %arg5[%add3A_94, %dma_start3A_189] : memref<64x3584xf32, #tpu.memory_space<hbm>> -> memref<1x3584xf32, #tpu.memory_space<hbm>>
      %dma_start3A_191 = tpu.memref_squeeze %dma_start3A_190 : memref<1x3584xf32, #tpu.memory_space<hbm>> -> memref<3584xf32, #tpu.memory_space<hbm>>
      tpu.enqueue_dma source(%arg10 : memref<3584xf32, #tpu.memory_space<vmem>>) target(%dma_start3A_191 : memref<3584xf32, #tpu.memory_space<hbm>>) target_semaphore(%run_scoped3A : memref<!tpu.dma_semaphore, #tpu.memory_space<semaphore_mem>>)
      %dma_wait3A = arith.constant 0 : i32
      %dma_wait3A_192 = tpu.memref_slice %arg5[%add3A_94, %dma_wait3A] : memref<64x3584xf32, #tpu.memory_space<hbm>> -> memref<1x3584xf32, #tpu.memory_space<hbm>>
      %dma_wait3A_193 = tpu.memref_squeeze %dma_wait3A_192 : memref<1x3584xf32, #tpu.memory_space<hbm>> -> memref<3584xf32, #tpu.memory_space<hbm>>
      %dma_wait3A_194 = arith.constant 0 : i32
      %dma_wait3A_195 = tpu.memref_slice %arg5[%add3A_94, %dma_wait3A_194] : memref<64x3584xf32, #tpu.memory_space<hbm>> -> memref<1x3584xf32, #tpu.memory_space<hbm>>
      %dma_wait3A_196 = tpu.memref_squeeze %dma_wait3A_195 : memref<1x3584xf32, #tpu.memory_space<hbm>> -> memref<3584xf32, #tpu.memory_space<hbm>>
      tpu.wait_dma2 semaphore(%run_scoped3A : memref<!tpu.dma_semaphore, #tpu.memory_space<semaphore_mem>>) src(%arg10 : memref<3584xf32, #tpu.memory_space<vmem>>) dst(%dma_wait3A_196 : memref<3584xf32, #tpu.memory_space<hbm>>)
      tpu.yield
    }) : () -> ()
    return
  }
}

</mosaic_0001>

<sc_bundles>
// kernel: kernel.3.cloned.1.call-start
scs
__scs_entry_jumppad:
0x0: {  	(pc) =	sbr.rel $0x88, $3  }
0x1: {  	(tag) =	ssettag $0x0;
	lr =	simm.s32 $0x1  }
0x2: {  	[smem:$0x3F9E] =	sst lr;
	_ =	strace $0xD0000000  }
0x3: {  	_ = 	snop  }
0x4: {  	_ = 	snop  }
0x5: {  	_ = 	snop  }
0x6: {  	_ = 	snop  }
0x7: {  	_ = 	snop  }
__scs_overlays_trampoline_lowered:
0x8: {  	[smem:$0x3FAD] =	sst s0  }
0x9: {  	[smem:$0x3FAE] =	sst s1  }
0xa: {  	[smem:$0x3FAF] =	sst s2  }
0xb: {  	[smem:$0x3FB0] =	sst s3  }
0xc: {  	[smem:$0x3FB1] =	sst s4  }
0xd: {  	[smem:$0x3FB2] =	sst s5  }
0xe: {  	[smem:$0x3FB3] =	sst s6  }
0xf: {  	[smem:$0x3FB4] =	sst s7  }
0x10: {  	[smem:$0x3FB5] =	sst s8  }
0x11: {  	[smem:$0x3FB6] =	sst s9;
	s0 =	simm.s32 @!p0 $0x0  }
0x12: {  	s1 =	sld [smem:$0x3F9C];
	s0 =	simm.s32 @p0 $0x1  }
0x13: {  	[smem:$0x3FB7] =	sst s0;
	s0 =	simm.s32 @!p1 $0x0  }
0x14: {  	s2 =	sld [smem:$0x3F9B];
	s0 =	simm.s32 @p1 $0x1  }
0x15: {  	[smem:$0x3FB8] =	sst s0;
	s0 =	simm.s32 @!p2 $0x0  }
0x16: {  	s3 =	sld [smem:$0x3FDB];
	s0 =	simm.s32 @p2 $0x1  }
0x17: {  	s4 =	simm.s32 $0x1BF5;
	[smem:$0x3FBA] =	sst s0  }
0x18: {  	s0 =	sld [smem:$0x3F9D];
	_ =	swait.ge [sflag:s4], $0x0  }
0x19: {  	s7 =	sld [smem:$0x3F9E]  }
0x1a: {  	s8 =	sadd.s32 $0xFFFFE003, lr  }
0x1b: {  	s9 =	sadd.s32 $0xFFFFFEF7, lr;
	s5 =	simm.s32 $0xFFFFFFFF;
	p2 =	slt.u32 s8, $0xFFFFF086  }
0x1c: {  	p1 =	slt.u32 s9, $0xF7A;
	s5 =	simm.s32 @!p2 $0x0  }
0x1d: {  	s5 =	simm.s32 @p1 $0x1;
	p0 =	seq.s32 s7, s2  }
0x1e: {  	s7 =	smul.u32 @!p0 $0xF7A, s2;
	p2 =	seq.s32 @!p0 s5, $0x0  }
0x1f: {  	s9 =	smul.u32 $0xF7A, s1;
	s8 =	simm.s32 @!p0 $0x1BF5;
	p2 =	por !p2, p0  }
0x20: {  	[sflag:s8] =	ssyncset.s32 @!p0 $0xFFFFF086;
	s6 =	sadd.s32 @!p0 s3, s7;
	s7 =	simm.s32 @!p0 $0x108  }
0x21: {  	s3 =	sadd.s32 s3, s9;
	s6 =	sadd.s32 @!p0 $0x88, s6;
	s7 =	simm.s32 @p2 $0x1082  }
0x22: {  	[simem:s7], [sflag:s8] =	dma.local @!p0 [hbm:s6], $0xF7A  }
0x23: {  	s9 =	sor.u32 $0xD0000000, s2;
	s6 =	simm.s32 $0x108;
	_ =	swait.ge @!p0 [sflag:s8], $0x0  }
0x24: {  	s3 =	sadd.s32 $0x88, s3;
	s6 =	simm.s32 @!p1 $0x1082;
	[sflag:s4] =	ssyncset.s32 $0xFFFFF086  }
0x25: {  	[simem:s6], [sflag:s4] =	dma.local [hbm:s3], $0xF7A  }
0x26: {  	[smem:$0x3F9E] =	sst s1;
	(tag) =	ssettag s2;
	_ =	strace s9  }
0x27: {  	s1 =	sld [smem:$0x3FAE]  }
0x28: {  	s2 =	sld [smem:$0x3FAF]  }
0x29: {  	s4 =	sld [smem:$0x3FB1]  }
0x2a: {  	p0 =	seq.s32 s5, $0x0;
	s5 =	sld [smem:$0x3FB2]  }
0x2b: {  	s6 =	sld [smem:$0x3FB3]  }
0x2c: {  	s7 =	sld [smem:$0x3FB4]  }
0x2d: {  	s3 =	simm.s32 $0x108;
	s8 =	sld [smem:$0x3FB5]  }
0x2e: {  	s3 =	simm.s32 @!p0 $0x1082;
	s9 =	sld [smem:$0x3FB6]  }
0x2f: {  	lr =	sadd.s32 s0, s3;
	s0 =	sld [smem:$0x3FAD]  }
0x30: {  	s3 =	sld [smem:$0x3FB0]  }
0x31: {  	[smem:$0x3FB9] =	sst s10  }
0x32: {  	s10 =	sld [smem:$0x3FB7];
	_ =	sdelay $0x3  }
0x33: {  	p0 =	seq.s32 s10, $0x1;
	s10 =	sld [smem:$0x3FB9];
	_ =	sdelay $0x3  }
0x34: {  	[smem:$0x3FB9] =	sst s10  }
0x35: {  	s10 =	sld [smem:$0x3FB8];
	_ =	sdelay $0x3  }
0x36: {  	p1 =	seq.s32 s10, $0x1;
	s10 =	sld [smem:$0x3FB9];
	_ =	sdelay $0x3  }
0x37: {  	[smem:$0x3FB9] =	sst s10  }
0x38: {  	s10 =	sld [smem:$0x3FBA]  }
0x39: {  	_ = 	snop;
	(pc) =	sbr.ind lr, $3  }
0x3a: {  	_ = 	snop  }
0x3b: {  	_ = 	snop  }
0x3c: {  	p2 =	seq.s32 s10, $0x1;
	s10 =	sld [smem:$0x3FB9]  }
0x3d: {  	_ =	shalt  }
0x3e: {  	_ =	shalt  }
0x3f: {  	_ =	shalt  }
0x40: {  	_ =	shalt  }
0x41: {  	_ =	shalt  }
0x42: {  	_ =	shalt  }
0x43: {  	_ =	shalt  }
0x44: {  	_ =	shalt  }
0x45: {  	_ =	shalt  }
0x46: {  	_ =	shalt  }
0x47: {  	_ =	shalt  }
0x48: {  	_ =	shalt  }
0x49: {  	_ =	shalt  }
0x4a: {  	_ =	shalt  }
0x4b: {  	_ =	shalt  }
0x4c: {  	_ =	shalt  }
0x4d: {  	_ =	shalt  }
0x4e: {  	_ =	shalt  }
0x4f: {  	_ =	shalt  }
0x50: {  	_ =	shalt  }
0x51: {  	_ =	shalt  }
0x52: {  	_ =	shalt  }
0x53: {  	_ =	shalt  }
0x54: {  	_ =	shalt  }
0x55: {  	_ =	shalt  }
0x56: {  	_ =	shalt  }
0x57: {  	_ =	shalt  }
0x58: {  	_ =	shalt  }
0x59: {  	_ =	shalt  }
0x5a: {  	_ =	shalt  }
0x5b: {  	_ =	shalt  }
0x5c: {  	_ =	shalt  }
0x5d: {  	_ =	shalt  }
0x5e: {  	_ =	shalt  }
0x5f: {  	_ =	shalt  }
0x60: {  	_ =	shalt  }
0x61: {  	_ =	shalt  }
0x62: {  	_ =	shalt  }
0x63: {  	_ =	shalt  }
0x64: {  	_ =	shalt  }
0x65: {  	_ =	shalt  }
0x66: {  	_ =	shalt  }
0x67: {  	_ =	shalt  }
0x68: {  	_ =	shalt  }
0x69: {  	_ =	shalt  }
0x6a: {  	_ =	shalt  }
0x6b: {  	_ =	shalt  }
0x6c: {  	_ =	shalt  }
0x6d: {  	_ =	shalt  }
0x6e: {  	_ =	shalt  }
0x6f: {  	_ =	shalt  }
0x70: {  	_ =	shalt  }
0x71: {  	_ =	shalt  }
0x72: {  	_ =	shalt  }
0x73: {  	_ =	shalt  }
0x74: {  	_ =	shalt  }
0x75: {  	_ =	shalt  }
0x76: {  	_ =	shalt  }
0x77: {  	_ =	shalt  }
0x78: {  	_ =	shalt  }
0x79: {  	_ =	shalt  }
0x7a: {  	_ =	shalt  }
0x7b: {  	_ =	shalt  }
0x7c: {  	_ =	shalt  }
0x7d: {  	_ =	shalt  }
0x7e: {  	_ =	shalt  }
0x7f: {  	_ =	shalt  }
0x80: {  	_ =	shalt  }
0x81: {  	_ =	shalt  }
0x82: {  	_ =	shalt  }
0x83: {  	_ =	shalt  }
0x84: {  	_ =	shalt  }
0x85: {  	_ =	shalt  }
0x86: {  	_ =	shalt  }
0x87: {  	_ =	shalt  }
.Lfunc_end0:
.L_simem_size_0:
called_computation_lowered:
.L_overlay_start_0:
0x88: {  	s2 =	sld [smem:$0x3FD9]  }
0x89: {  	s3 =	sld [smem:$0x3FFE];
	_ =	sdelay $0x1  }
0x8a: {  	s1 =	srdreg.scid  }
0x8b: {  	s0 =	sand.u32 $0x1, s1  }
0x8c: {  	s18 =	sshll.u32 s0, $0xA;
	s2 =	sadd.s32 s3, s2  }
0x8d: {  	s2 =	sadd.s32 s2, s18  }
0x8e: {  	[smem:$0x3FC5] =	sst s2  }
0x8f: {  	_ = 	snop  }
0x90: {  	s2 =	sld [smem:$0x3FC9]  }
0x91: {  	s19 =	sld [smem:$0x3FC8]  }
0x92: {  	s4 =	sld [smem:$0x3FC7]  }
0x93: {  	s5 =	sld [smem:$0x3FD0];
	(tm) =	ssettm $0x1  }
0x94: {  	s6 =	sld [smem:$0x3FFB];
	_ =	sdelay $0x3  }
0x95: {  	_ =	strace s6  }
0x96: {  	s6 =	sld [smem:$0x3FFC];
	_ =	sdelay $0x3  }
0x97: {  	_ =	strace s6  }
0x98: {  	s6 =	sld [smem:$0x3FFD];
	_ =	sdelay $0x3  }
0x99: {  	_ =	strace s6  }
0x9a: {  	_ =	strace $0x8FFFFFFF  }
0x9b: {  	s20 =	sld [smem:$0x3FDB];
	_ =	sdelay $0x1  }
0x9c: {  	s7 =	simm.s32 $_scs_section_size  }
0x9d: {  	s8 =	simm.s32 $_size__tile_overlayer_lowered;
	s9 =	simm.s32 $_tile_overlayer_lowered  }
0x9e: {  	s23 =	simm.s32 $0x1BFF;
	s22 =	sshll.u32 s9, $0x1;
	s6 =	sadd.s32 s7, s20  }
0x9f: {  	s10 =	simm.s32 $0x0;
	s21 =	sshll.u32 s8, $0x1;
	s8 =	sadd.s32 s22, s6  }
0xa0: {  	[timem:s10], [sflag:s23] =	dma.local [hbm:s8], s21  }
0xa1: {  	_ =	swait.ge [sflag:s23], s21  }
0xa2: {  	s7 =	ssub.s32 $0x0, s21;
	[sflag:s23] =	ssyncset.done $0x0  }
0xa3: {  	[sflag:s23] =	ssyncadd.s32 s7;
	_ =	sdelay $0x1  }
0xa4: {  	s24 =	simm.s32 $0x1B8B  }
0xa5: {  	_ =	swait.ge [sflag:s24], $0x1  }
0xa6: {  	[sflag:s24] =	ssyncset.done $0x0  }
0xa7: {  	s25 =	simm.s32 $0x1B8E;
	[sflag:s24] =	ssyncadd.s32 $0xFFFFFFFF  }
0xa8: {  	s26 =	simm.s32 $execute0_lowered;
	[smem:$0x3FD2] =	sst s25  }
0xa9: {  	s7 =	sshll.u32 s26, $0x1;
	_ =	strace $0x80000046;
	[dreg:$0x1] =	wrdreg $0xFFFFFFFF  }
0xaa: {  	s28 =	simm.s32 $_size_execute0_lowered;
	s6 =	sadd.s32 s6, s7;
	[dreg:$0x0] =	wrdreg $0x0  }
0xab: {  	s7 =	sshll.u32 s28, $0x1;
	[dreg:$0x2] =	wrdreg s6  }
0xac: {  	[dreg:$0x3] =	wrdreg s7  }
0xad: {  	[dreg:$0x4] =	wrdreg $0xC0  }
0xae: {  	_ =	task [dreg:s10], $0x5FFFF  }
0xaf: {  	[dreg:$0x1] =	wrdreg $0xFFFFFFFF  }
0xb0: {  	[dreg:$0x0] =	wrdreg $0x60  }
0xb1: {  	[dreg:$0x2] =	wrdreg s2  }
0xb2: {  	[dreg:$0x3] =	wrdreg s19  }
0xb3: {  	[dreg:$0x4] =	wrdreg s4  }
0xb4: {  	[dreg:$0x5] =	wrdreg s5  }
0xb5: {  	[dreg:$0x6] =	wrdreg $0x9  }
0xb6: {  	_ =	task.clear_ibuf [dreg:s10], $0x7FFFF;
	_ =	strace $0x90000046  }
0xb7: {  	s29 =	simm.s32 $0x9;
	_ =	strace $0x80000048  }
0xb8: {  	_ =	swait.ge [sflag:s29], $0x1  }
0xb9: {  	[sflag:s29] =	ssyncadd.s32 $0xFFFFFFFF  }
0xba: {  	_ =	strace $0x90000048  }
0xbb: {  	_ =	sfence  }
0xbc: {  	s30 =	sld [smem:$0x0];
	_ =	sdelay $0x2  }
0xbd: {  	s31 =	sshll.u32 s1, $0xD;
	s1 =	sshrl.u32 s1, $0x2  }
0xbe: {  	s3 =	sand.u32 $0x4000, s31;
	s1 =	sadd.s32 s1, s30  }
0xbf: {  	s0 =	sor.u32 s3, s0;
	s1 =	sshll.u32 s1, $0x11  }
0xc0: {  	s0 =	sor.u32 s1, s0  }
0xc1: {  	s0 =	sadd.s32 $0x8F2B, s0  }
0xc2: {  	[sflag:s0] =	ssyncadd.remote.s32 $0x1  }
0xc3: {  	_ =	sfence.sel $0xFFFF  }
0xc4: {  	[dreg:$0x0] =	wrdreg $0xFFFFFFFF;
	(pc) =	sbr.abs _section_cstart, $3  }
0xc5: {  	[dreg:$0x1] =	wrdreg $0xFFFFFFFF  }
0xc6: {  	_ =	task.clear_ibuf [dreg:s10], $0x2FFFF;
	_ =	strace $0x9FFFFFFF  }
0xc7: {  	(tm) =	ssettm $0x7FFFFFFF  }
tec
execute0_lowered:
.L_overlay_start_1:
0x0: {  	(tag) =	ssettag $0x1  }
0x1: {  	s0 =	rddreg [dreg:$0x0]  }
0x2: {  	s2 =	rddreg [dreg:$0x1]  }
0x3: {  	s1 =	rddreg [dreg:$0x2];
	s3 =	srdreg.scid  }
0x4: {  	s7 =	stileid.u32;
	s4 =	rddreg [dreg:$0x3];
	s22 =	simm.s32 $0x0  }
0x5: {  	s29 =	simm.s32 $0x19E00;
	s30 =	simm.s32 $0x1A600;
	s31 =	simm.s32 $0x1AE00  }
0x6: {  	s3 =	sand.u32 $0x1, s3;
	s5 =	sshll.u32 s7, $0x9;
	s16 =	sshrl.u32 s7, $0x1  }
0x7: {  	[smem:$0x7FF] =	sst s22;
	s7 =	sadd.s32 $0x200, s1;
	s8 =	sadd.s32 $0x300, s1  }
0x8: {  	s9 =	sadd.s32 $0x400, s1;
	s10 =	sadd.s32 $0x500, s1;
	s11 =	sadd.s32 $0x600, s1  }
0x9: {  	s12 =	sadd.s32 $0x700, s1;
	s13 =	sadd.s32 $0x800, s1;
	s14 =	sadd.s32 $0x900, s1  }
0xa: {  	s15 =	sadd.s32 $0xA00, s1;
	s17 =	sadd.s32 $0xC00, s1;
	s22 =	simm.s32 $0x400  }
0xb: {  	s6 =	sshll.u32 s3, $0x8;
	s5 =	sand.u32 $0x200, s5;
	s18 =	sshll.u32 s16, $0xC  }
0xc: {  	s3 =	ssub.s32 $0x2, s3;
	_ =	strace $0x80000047;
	s19 =	smul.u32 $0x7000, s16  }
0xd: {  	s16 =	sadd.s32 $0xB00, s1;
	s5 =	sor.u32 s6, s5;
	s23 =	sshrl.u32 s3, $0x1  }
0xe: {  	s6 =	sor.u32 s18, s5;
	s3 =	ssub.s32 s3, s23;
	s20 =	sor.u32 $0x80, s5  }
0xf: {  	s5 =	sor.u32 s19, s5;
	s23 =	simm.s32 $0x17E00;
	s6 =	sshrl.u32 s6, $0x3  }
0x10: {  	s21 =	sor.u32 s18, s20;
	s19 =	sor.u32 s19, s20;
	s18 =	sadd.s32 $0xD00, s1  }
0x11: {  	s5 =	sshrl.u32 s5, $0x3;
	s28 =	smax.u32 s3, $0x1;
	s3 =	simm.s32 $0x1  }
0x12: {  	s24 =	sadd.s32 s0, s6;
	s6 =	sadd.s32 s2, s6;
	[dreg:$0xb] =	wrdreg s28  }
0x13: {  	s25 =	sshrl.u32 s21, $0x3;
	s5 =	sadd.s32 s4, s5;
	[dreg:$0x5] =	wrdreg s24  }
0x14: {  	s26 =	sshrl.u32 s19, $0x3;
	s21 =	simm.s32 $0x80;
	[dreg:$0x6] =	wrdreg s6  }
0x15: {  	s19 =	simm.s32 $0x2;
	s6 =	sadd.s32 $0x100, s1;
	[dreg:$0x7] =	wrdreg s5  }
0x16: {  	s0 =	sadd.s32 s0, s25;
	s2 =	sadd.s32 s2, s25;
	s24 =	simm.s32 $0x18600  }
0x17: {  	v3 =	vlaneseq.u32;
	s25 =	simm.s32 $0x18E00;
	s5 =	simm.s32 $0x0;
	[dreg:$0x8] =	wrdreg s0  }
0x18: {  	v0 =	vimm.f32 $0.0e+00;
	vm0 =	vmmov $0xffff;
	v2 =	vshrl.u32 v3, $0x3;
	[dreg:$0x9] =	wrdreg s2;
	s0 =	sadd.s32 s4, s26;
	s26 =	simm.s32 $0x19600  }
0x19: {  	v1 =	vand.u32 $0x7, v3;
	v3 =	vor.u32 $0x8, v3;
	v2 =	vmul.u32 $0x8, v2;
	s2 =	simm.s32 $0x1B600;
	[dreg:$0xa] =	wrdreg s0;
	s0 =	simm.s32 $0x1BE00  }
.LBB2_1:
0x1a: {  	[dreg:$0xc] =	wrdreg s5  }
0x1b: {  	s4 =	simm.s32 $0x0;
	s28 =	rddreg [dreg:$0x5]  }
0x1c: {  	[tilespmem:s4], [sflag:$0x2] =	stream.strided.gather [hbm4b:s28+s21], $0x200, s22, s21, $0x38;
	[tilespmem:$0x1D400] =	vst v63  }
0x1d: {  	_ =	swait.ge [sflag:s19], $0x200  }
0x1e: {  	[sflag:s19] =	ssyncset.done $0x0  }
0x1f: {  	s28 =	simm.s32 $0x200;
	s20 =	rddreg [dreg:$0x6];
	[sflag:s19] =	ssyncadd.s32 $0xFFFFFE00  }
0x20: {  	[tilespmem:s28], [sflag:$0x2] =	stream.strided.gather [hbm4b:s20+s21], $0x200, s22, s21, $0x38;
	[tilespmem:$0x1D400] =	vst v63  }
0x21: {  	_ =	swait.ge [sflag:s19], $0x200  }
0x22: {  	[sflag:s19] =	ssyncset.done $0x0  }
0x23: {  	s4 =	simm.s32 $0x0;
	[sflag:s19] =	ssyncadd.s32 $0xFFFFFE00  }
0x24: {  	v4 =	vld [tilespmem:s4+$0x200]  }
0x25: {  	s5 =	simm.s32 $0x40  }
.LBB2_2:
0x26: {  	p0 =	sne.s32 s5, $0x7C0  }
.Ltmp0:
0x27: {  	_ = 	snop;
	(pc) =	sbr.rel @p0 .LBB2_2-.Ltmp0, $4  }
0x28: {  	_ = 	snop  }
0x29: {  	s19 =	sshra.s32 s5, $0x2;
	s5 =	sadd.s32 $0x40, s5;
	v5 =	vcvt.s32.f32 v4  }
0x2a: {  	v4 =	vld [tilespmem:s19+$0x200]  }
0x2b: {  	[tilespmem:s4+$0x400] =	vst v5;
	s4 =	smov.u32 s19  }
0x2c: {  	_ =	sdelay $0x2  }
0x2d: {  	v4 =	vcvt.s32.f32 v4;
	_ =	sdelay $0x1  }
0x2e: {  	s5 =	simm.s32 $0x40;
	s19 =	simm.s32 $0x0;
	[tilespmem:s4+$0x400] =	vst v4;
	s4 =	simm.s32 $0x0  }
.LBB2_4:
0x2f: {  	p0 =	sne.s32 s5, $0x37C0;
	[tilespmem:s19+$0x1C600] =	vst v0;
	s19 =	smov.u32 s5;
	s5 =	sadd.s32 $0x40, s5  }
.Ltmp1:
0x30: {  	(pc) =	sbr.rel @p0 .LBB2_4-.Ltmp1, $2  }
0x31: {  	_ =	sdelay $0x2  }
0x32: {  	s19 =	sshra.s32 s19, $0x2  }
0x33: {  	[tilespmem:s19+$0x1C600] =	vst v0  }
.LBB2_6:
0x34: {  	s19 =	sshll.u32 s4, $0x5  }
0x35: {  	v4 =	vld [tilespmem:s19+$0x0];
	_ =	sdelay $0x4  }
0x36: {  	v5 =	vshrl.u32 v4, $0x3  }
0x37: {  	v5 =	vmul.u32 $0xE0, v5  }
0x38: {  	v4 =	vand.u32 $0x7, v4  }
0x39: {  	v4 =	vor.u32 v4, v5  }
0x3a: {  	v5 =	vperm.xlane v4, v1;
	_ =	sdelay $0x1  }
0x3b: {  	v5 =	vadd.s32 v2, v5;
	_ =	sdelay $0x3  }
0x3c: {  	s5 =	simm.s32 $0x0;
	s20 =	simm.s32 $0x600  }
0x3d: {  	[tilespmem:s20], [sflag:$0x1] =	stream.indirect_vreg.gather [hbm4b:s1+s5], $0x80, v5, vm0, $0xb8;
	[tilespmem:$0x1D400] =	vst v63  }
0x3e: {  	s28 =	simm.s32 $0xE00  }
0x3f: {  	[tilespmem:s28], [sflag:$0x1] =	stream.indirect_vreg.gather [hbm4b:s6+s5], $0x80, v5, vm0, $0xb8;
	[tilespmem:$0x1D400] =	vst v63  }
0x40: {  	s28 =	simm.s32 $0x1600  }
0x41: {  	[tilespmem:s28], [sflag:$0x1] =	stream.indirect_vreg.gather [hbm4b:s7+s5], $0x80, v5, vm0, $0xb8;
	[tilespmem:$0x1D400] =	vst v63  }
0x42: {  	s28 =	simm.s32 $0x1E00  }
0x43: {  	[tilespmem:s28], [sflag:$0x1] =	stream.indirect_vreg.gather [hbm4b:s8+s5], $0x80, v5, vm0, $0xb8;
	[tilespmem:$0x1D400] =	vst v63  }
0x44: {  	s28 =	simm.s32 $0x2600  }
0x45: {  	[tilespmem:s28], [sflag:$0x1] =	stream.indirect_vreg.gather [hbm4b:s9+s5], $0x80, v5, vm0, $0xb8;
	[tilespmem:$0x1D400] =	vst v63  }
0x46: {  	s28 =	simm.s32 $0x2E00  }
0x47: {  	[tilespmem:s28], [sflag:$0x1] =	stream.indirect_vreg.gather [hbm4b:s10+s5], $0x80, v5, vm0, $0xb8;
	[tilespmem:$0x1D400] =	vst v63  }
0x48: {  	s28 =	simm.s32 $0x3600  }
0x49: {  	[tilespmem:s28], [sflag:$0x1] =	stream.indirect_vreg.gather [hbm4b:s11+s5], $0x80, v5, vm0, $0xb8;
	[tilespmem:$0x1D400] =	vst v63  }
0x4a: {  	s28 =	simm.s32 $0x3E00  }
0x4b: {  	[tilespmem:s28], [sflag:$0x1] =	stream.indirect_vreg.gather [hbm4b:s12+s5], $0x80, v5, vm0, $0xb8;
	[tilespmem:$0x1D400] =	vst v63  }
0x4c: {  	s28 =	simm.s32 $0x4600  }
0x4d: {  	[tilespmem:s28], [sflag:$0x1] =	stream.indirect_vreg.gather [hbm4b:s13+s5], $0x80, v5, vm0, $0xb8;
	[tilespmem:$0x1D400] =	vst v63  }
0x4e: {  	s28 =	simm.s32 $0x4E00  }
0x4f: {  	[tilespmem:s28], [sflag:$0x1] =	stream.indirect_vreg.gather [hbm4b:s14+s5], $0x80, v5, vm0, $0xb8;
	[tilespmem:$0x1D400] =	vst v63  }
0x50: {  	s28 =	simm.s32 $0x5600  }
0x51: {  	[tilespmem:s28], [sflag:$0x1] =	stream.indirect_vreg.gather [hbm4b:s15+s5], $0x80, v5, vm0, $0xb8;
	[tilespmem:$0x1D400] =	vst v63  }
0x52: {  	v4 =	vperm.xlane v4, v3;
	s28 =	simm.s32 $0x5E00  }
0x53: {  	[tilespmem:s28], [sflag:$0x1] =	stream.indirect_vreg.gather [hbm4b:s16+s5], $0x80, v5, vm0, $0xb8;
	[tilespmem:$0x1D400] =	vst v63  }
0x54: {  	v4 =	vadd.s32 v2, v4;
	s28 =	simm.s32 $0x6600  }
0x55: {  	[tilespmem:s28], [sflag:$0x1] =	stream.indirect_vreg.gather [hbm4b:s17+s5], $0x80, v5, vm0, $0xb8;
	[tilespmem:$0x1D400] =	vst v63  }
0x56: {  	s28 =	simm.s32 $0x6E00  }
0x57: {  	[tilespmem:s28], [sflag:$0x1] =	stream.indirect_vreg.gather [hbm4b:s18+s5], $0x80, v5, vm0, $0xb8;
	[tilespmem:$0x1D400] =	vst v63  }
0x58: {  	s28 =	simm.s32 $0x7600  }
0x59: {  	[tilespmem:s28], [sflag:$0x1] =	stream.indirect_vreg.gather [hbm4b:s1+s5], $0x80, v4, vm0, $0xb8;
	[tilespmem:$0x1D400] =	vst v63  }
0x5a: {  	s28 =	simm.s32 $0x7E00  }
0x5b: {  	[tilespmem:s28], [sflag:$0x1] =	stream.indirect_vreg.gather [hbm4b:s6+s5], $0x80, v4, vm0, $0xb8;
	[tilespmem:$0x1D400] =	vst v63  }
0x5c: {  	s28 =	simm.s32 $0x8600  }
0x5d: {  	[tilespmem:s28], [sflag:$0x1] =	stream.indirect_vreg.gather [hbm4b:s7+s5], $0x80, v4, vm0, $0xb8;
	[tilespmem:$0x1D400] =	vst v63  }
0x5e: {  	s28 =	simm.s32 $0x8E00  }
0x5f: {  	[tilespmem:s28], [sflag:$0x1] =	stream.indirect_vreg.gather [hbm4b:s8+s5], $0x80, v4, vm0, $0xb8;
	[tilespmem:$0x1D400] =	vst v63  }
0x60: {  	s28 =	simm.s32 $0x9600  }
0x61: {  	[tilespmem:s28], [sflag:$0x1] =	stream.indirect_vreg.gather [hbm4b:s9+s5], $0x80, v4, vm0, $0xb8;
	[tilespmem:$0x1D400] =	vst v63  }
0x62: {  	s28 =	simm.s32 $0x9E00  }
0x63: {  	[tilespmem:s28], [sflag:$0x1] =	stream.indirect_vreg.gather [hbm4b:s10+s5], $0x80, v4, vm0, $0xb8;
	[tilespmem:$0x1D400] =	vst v63  }
0x64: {  	s28 =	simm.s32 $0xA600  }
0x65: {  	[tilespmem:s28], [sflag:$0x1] =	stream.indirect_vreg.gather [hbm4b:s11+s5], $0x80, v4, vm0, $0xb8;
	[tilespmem:$0x1D400] =	vst v63  }
0x66: {  	s28 =	simm.s32 $0xAE00  }
0x67: {  	[tilespmem:s28], [sflag:$0x1] =	stream.indirect_vreg.gather [hbm4b:s12+s5], $0x80, v4, vm0, $0xb8;
	[tilespmem:$0x1D400] =	vst v63  }
0x68: {  	s28 =	simm.s32 $0xB600  }
0x69: {  	[tilespmem:s28], [sflag:$0x1] =	stream.indirect_vreg.gather [hbm4b:s13+s5], $0x80, v4, vm0, $0xb8;
	[tilespmem:$0x1D400] =	vst v63  }
0x6a: {  	s28 =	simm.s32 $0xBE00  }
0x6b: {  	[tilespmem:s28], [sflag:$0x1] =	stream.indirect_vreg.gather [hbm4b:s14+s5], $0x80, v4, vm0, $0xb8;
	[tilespmem:$0x1D400] =	vst v63  }
0x6c: {  	s28 =	simm.s32 $0xC600  }
0x6d: {  	[tilespmem:s28], [sflag:$0x1] =	stream.indirect_vreg.gather [hbm4b:s15+s5], $0x80, v4, vm0, $0xb8;
	[tilespmem:$0x1D400] =	vst v63  }
0x6e: {  	s28 =	simm.s32 $0xCE00  }
0x6f: {  	[tilespmem:s28], [sflag:$0x1] =	stream.indirect_vreg.gather [hbm4b:s16+s5], $0x80, v4, vm0, $0xb8;
	[tilespmem:$0x1D400] =	vst v63  }
0x70: {  	s28 =	simm.s32 $0xD600  }
0x71: {  	[tilespmem:s28], [sflag:$0x1] =	stream.indirect_vreg.gather [hbm4b:s17+s5], $0x80, v4, vm0, $0xb8;
	[tilespmem:$0x1D400] =	vst v63  }
0x72: {  	s28 =	simm.s32 $0xDE00  }
0x73: {  	[tilespmem:s28], [sflag:$0x1] =	stream.indirect_vreg.gather [hbm4b:s18+s5], $0x80, v4, vm0, $0xb8;
	[tilespmem:$0x1D400] =	vst v63  }
0x74: {  	v4 =	vld [tilespmem:s19+$0x10];
	_ =	sdelay $0x4  }
0x75: {  	v5 =	vshrl.u32 v4, $0x3  }
0x76: {  	v5 =	vmul.u32 $0xE0, v5  }
0x77: {  	v4 =	vand.u32 $0x7, v4  }
0x78: {  	v4 =	vor.u32 v4, v5  }
0x79: {  	v5 =	vperm.xlane v4, v1;
	_ =	sdelay $0x1  }
0x7a: {  	v5 =	vadd.s32 v2, v5;
	_ =	sdelay $0x3  }
0x7b: {  	s28 =	simm.s32 $0xE600  }
0x7c: {  	[tilespmem:s28], [sflag:$0x1] =	stream.indirect_vreg.gather [hbm4b:s1+s5], $0x80, v5, vm0, $0xb8;
	[tilespmem:$0x1D400] =	vst v63  }
0x7d: {  	s28 =	simm.s32 $0xEE00  }
0x7e: {  	[tilespmem:s28], [sflag:$0x1] =	stream.indirect_vreg.gather [hbm4b:s6+s5], $0x80, v5, vm0, $0xb8;
	[tilespmem:$0x1D400] =	vst v63  }
0x7f: {  	s28 =	simm.s32 $0xF600  }
0x80: {  	[tilespmem:s28], [sflag:$0x1] =	stream.indirect_vreg.gather [hbm4b:s7+s5], $0x80, v5, vm0, $0xb8;
	[tilespmem:$0x1D400] =	vst v63  }
0x81: {  	s28 =	simm.s32 $0xFE00  }
0x82: {  	[tilespmem:s28], [sflag:$0x1] =	stream.indirect_vreg.gather [hbm4b:s8+s5], $0x80, v5, vm0, $0xb8;
	[tilespmem:$0x1D400] =	vst v63  }
0x83: {  	s28 =	simm.s32 $0x10600  }
0x84: {  	[tilespmem:s28], [sflag:$0x1] =	stream.indirect_vreg.gather [hbm4b:s9+s5], $0x80, v5, vm0, $0xb8;
	[tilespmem:$0x1D400] =	vst v63  }
0x85: {  	s28 =	simm.s32 $0x10E00  }
0x86: {  	[tilespmem:s28], [sflag:$0x1] =	stream.indirect_vreg.gather [hbm4b:s10+s5], $0x80, v5, vm0, $0xb8;
	[tilespmem:$0x1D400] =	vst v63  }
0x87: {  	s28 =	simm.s32 $0x11600  }
0x88: {  	[tilespmem:s28], [sflag:$0x1] =	stream.indirect_vreg.gather [hbm4b:s11+s5], $0x80, v5, vm0, $0xb8;
	[tilespmem:$0x1D400] =	vst v63  }
0x89: {  	s28 =	simm.s32 $0x11E00  }
0x8a: {  	[tilespmem:s28], [sflag:$0x1] =	stream.indirect_vreg.gather [hbm4b:s12+s5], $0x80, v5, vm0, $0xb8;
	[tilespmem:$0x1D400] =	vst v63  }
0x8b: {  	s28 =	simm.s32 $0x12600  }
0x8c: {  	[tilespmem:s28], [sflag:$0x1] =	stream.indirect_vreg.gather [hbm4b:s13+s5], $0x80, v5, vm0, $0xb8;
	[tilespmem:$0x1D400] =	vst v63  }
0x8d: {  	s28 =	simm.s32 $0x12E00  }
0x8e: {  	[tilespmem:s28], [sflag:$0x1] =	stream.indirect_vreg.gather [hbm4b:s14+s5], $0x80, v5, vm0, $0xb8;
	[tilespmem:$0x1D400] =	vst v63  }
0x8f: {  	s28 =	simm.s32 $0x13600  }
0x90: {  	[tilespmem:s28], [sflag:$0x1] =	stream.indirect_vreg.gather [hbm4b:s15+s5], $0x80, v5, vm0, $0xb8;
	[tilespmem:$0x1D400] =	vst v63  }
0x91: {  	v4 =	vperm.xlane v4, v3;
	s28 =	simm.s32 $0x13E00  }
0x92: {  	[tilespmem:s28], [sflag:$0x1] =	stream.indirect_vreg.gather [hbm4b:s16+s5], $0x80, v5, vm0, $0xb8;
	[tilespmem:$0x1D400] =	vst v63  }
0x93: {  	v4 =	vadd.s32 v2, v4;
	s28 =	simm.s32 $0x14600  }
0x94: {  	[tilespmem:s28], [sflag:$0x1] =	stream.indirect_vreg.gather [hbm4b:s17+s5], $0x80, v5, vm0, $0xb8;
	[tilespmem:$0x1D400] =	vst v63  }
0x95: {  	s28 =	simm.s32 $0x14E00  }
0x96: {  	[tilespmem:s28], [sflag:$0x1] =	stream.indirect_vreg.gather [hbm4b:s18+s5], $0x80, v5, vm0, $0xb8;
	[tilespmem:$0x1D400] =	vst v63  }
0x97: {  	s28 =	simm.s32 $0x15600  }
0x98: {  	[tilespmem:s28], [sflag:$0x1] =	stream.indirect_vreg.gather [hbm4b:s1+s5], $0x80, v4, vm0, $0xb8;
	[tilespmem:$0x1D400] =	vst v63  }
0x99: {  	s28 =	simm.s32 $0x15E00  }
0x9a: {  	[tilespmem:s28], [sflag:$0x1] =	stream.indirect_vreg.gather [hbm4b:s6+s5], $0x80, v4, vm0, $0xb8;
	[tilespmem:$0x1D400] =	vst v63  }
0x9b: {  	s28 =	simm.s32 $0x16600  }
0x9c: {  	[tilespmem:s28], [sflag:$0x1] =	stream.indirect_vreg.gather [hbm4b:s7+s5], $0x80, v4, vm0, $0xb8;
	[tilespmem:$0x1D400] =	vst v63  }
0x9d: {  	s28 =	simm.s32 $0x16E00  }
0x9e: {  	[tilespmem:s28], [sflag:$0x1] =	stream.indirect_vreg.gather [hbm4b:s8+s5], $0x80, v4, vm0, $0xb8;
	[tilespmem:$0x1D400] =	vst v63  }
0x9f: {  	s28 =	simm.s32 $0x17600  }
0xa0: {  	[tilespmem:s28], [sflag:$0x1] =	stream.indirect_vreg.gather [hbm4b:s9+s5], $0x80, v4, vm0, $0xb8;
	[tilespmem:$0x1D400] =	vst v63  }
0xa1: {  	_ = 	snop  }
0xa2: {  	[tilespmem:s23], [sflag:$0x1] =	stream.indirect_vreg.gather [hbm4b:s10+s5], $0x80, v4, vm0, $0xb8;
	[tilespmem:$0x1D400] =	vst v63  }
0xa3: {  	_ = 	snop  }
0xa4: {  	[tilespmem:s24], [sflag:$0x1] =	stream.indirect_vreg.gather [hbm4b:s11+s5], $0x80, v4, vm0, $0xb8;
	[tilespmem:$0x1D400] =	vst v63  }
0xa5: {  	_ = 	snop  }
0xa6: {  	[tilespmem:s25], [sflag:$0x1] =	stream.indirect_vreg.gather [hbm4b:s12+s5], $0x80, v4, vm0, $0xb8;
	[tilespmem:$0x1D400] =	vst v63  }
0xa7: {  	_ = 	snop  }
0xa8: {  	[tilespmem:s26], [sflag:$0x1] =	stream.indirect_vreg.gather [hbm4b:s13+s5], $0x80, v4, vm0, $0xb8;
	[tilespmem:$0x1D400] =	vst v63  }
0xa9: {  	_ = 	snop  }
0xaa: {  	[tilespmem:s29], [sflag:$0x1] =	stream.indirect_vreg.gather [hbm4b:s14+s5], $0x80, v4, vm0, $0xb8;
	[tilespmem:$0x1D400] =	vst v63  }
0xab: {  	_ = 	snop  }
0xac: {  	[tilespmem:s30], [sflag:$0x1] =	stream.indirect_vreg.gather [hbm4b:s15+s5], $0x80, v4, vm0, $0xb8;
	[tilespmem:$0x1D400] =	vst v63  }
0xad: {  	_ = 	snop  }
0xae: {  	[tilespmem:s31], [sflag:$0x1] =	stream.indirect_vreg.gather [hbm4b:s16+s5], $0x80, v4, vm0, $0xb8;
	[tilespmem:$0x1D400] =	vst v63  }
0xaf: {  	_ = 	snop  }
0xb0: {  	[tilespmem:s2], [sflag:$0x1] =	stream.indirect_vreg.gather [hbm4b:s17+s5], $0x80, v4, vm0, $0xb8;
	[tilespmem:$0x1D400] =	vst v63  }
0xb1: {  	s19 =	sadd.s32 $0x400, s19  }
0xb2: {  	[tilespmem:s0], [sflag:$0x1] =	stream.indirect_vreg.gather [hbm4b:s18+s5], $0x80, v4, vm0, $0xb8;
	[tilespmem:$0x1D400] =	vst v63  }
0xb3: {  	v4 =	vmov s19;
	_ =	swait.ge [sflag:s3], $0x1C000  }
0xb4: {  	[sflag:s3] =	ssyncset.done $0x0  }
0xb5: {  	[sflag:s3] =	ssyncadd.s32 $0xFFFE4000  }
.LBB2_7:
0xb6: {  	s19 =	sshll.u32 s5, $0x7  }
0xb7: {  	s28 =	sand.u32 $0x3FFFFF80, s19  }
0xb8: {  	v15 =	vld [tilespmem:s28+$0x1C600]  }
0xb9: {  	v14 =	vld [tilespmem:s28+$0x1C610]  }
0xba: {  	v13 =	vld [tilespmem:s28+$0x1C620]  }
0xbb: {  	v12 =	vld [tilespmem:s28+$0x1C630]  }
0xbc: {  	s19 =	sshll.u32 s5, $0xA;
	v11 =	vld [tilespmem:s28+$0x1C640]  }
0xbd: {  	v10 =	vld [tilespmem:s28+$0x1C650];
	s20 =	sadd.s32 $0x600, s19  }
0xbe: {  	v9 =	vld [tilespmem:s28+$0x1C660];
	v5 =	vmov s20  }
0xbf: {  	p0 =	por $0x1, $0x1;
	v8 =	vld [tilespmem:s28+$0x1C670];
	v6 =	vmov s19;
	s19 =	simm.s32 $0x0  }
.LBB2_8:
0xc0: {  	s20 =	sshll.u32 s19, $0x4  }
0xc1: {  	s19 =	smul.u32 $0xE000, s19;
	s20 =	sand.u32 $0x3FFFFFF0, s20  }
0xc2: {  	v7 =	vld.idx.msk [tilespmem:v4+s20+$0x0 ss:$0x1], $0xffff  }
0xc3: {  	v16 =	vld.idx.msk [tilespmem:v5+s19+$0x0 ss:$0x1], $0xffff  }
0xc4: {  	v17 =	vld.idx.msk [tilespmem:v5+s19+$0x10 ss:$0x1], $0xffff  }
0xc5: {  	v18 =	vld.idx.msk [tilespmem:v5+s19+$0x20 ss:$0x1], $0xffff  }
0xc6: {  	v19 =	vld.idx.msk [tilespmem:v5+s19+$0x30 ss:$0x1], $0xffff  }
0xc7: {  	v20 =	vld.idx.msk [tilespmem:v5+s19+$0x40 ss:$0x1], $0xffff  }
0xc8: {  	v21 =	vld.idx.msk [tilespmem:v5+s19+$0x50 ss:$0x1], $0xffff  }
0xc9: {  	v22 =	vld.idx.msk [tilespmem:v5+s19+$0x60 ss:$0x1], $0xffff  }
0xca: {  	v23 =	vld.idx.msk [tilespmem:v5+s19+$0x70 ss:$0x1], $0xffff  }
0xcb: {  	v24 =	vld.idx.msk [tilespmem:v5+s19+$0x80 ss:$0x1], $0xffff  }
0xcc: {  	v25 =	vld.idx.msk [tilespmem:v5+s19+$0x90 ss:$0x1], $0xffff  }
0xcd: {  	v26 =	vld.idx.msk [tilespmem:v5+s19+$0xA0 ss:$0x1], $0xffff  }
0xce: {  	v27 =	vld.idx.msk [tilespmem:v5+s19+$0xB0 ss:$0x1], $0xffff  }
0xcf: {  	v28 =	vld.idx.msk [tilespmem:v5+s19+$0xC0 ss:$0x1], $0xffff  }
0xd0: {  	v29 =	vld.idx.msk [tilespmem:v5+s19+$0xD0 ss:$0x1], $0xffff  }
0xd1: {  	v30 =	vld.idx.msk [tilespmem:v5+s19+$0xE0 ss:$0x1], $0xffff  }
0xd2: {  	v31 =	vld.idx.msk [tilespmem:v5+s19+$0xF0 ss:$0x1], $0xffff  }
0xd3: {  	v32 =	vld.idx.msk [tilespmem:v5+s19+$0x100 ss:$0x1], $0xffff  }
0xd4: {  	v33 =	vld.idx.msk [tilespmem:v5+s19+$0x110 ss:$0x1], $0xffff  }
0xd5: {  	v34 =	vld.idx.msk [tilespmem:v5+s19+$0x120 ss:$0x1], $0xffff  }
0xd6: {  	v35 =	vld.idx.msk [tilespmem:v5+s19+$0x130 ss:$0x1], $0xffff  }
0xd7: {  	v36 =	vld.idx.msk [tilespmem:v5+s19+$0x140 ss:$0x1], $0xffff  }
0xd8: {  	v37 =	vld.idx.msk [tilespmem:v5+s19+$0x150 ss:$0x1], $0xffff  }
0xd9: {  	v38 =	vld.idx.msk [tilespmem:v5+s19+$0x160 ss:$0x1], $0xffff  }
0xda: {  	v39 =	vld.idx.msk [tilespmem:v5+s19+$0x170 ss:$0x1], $0xffff  }
0xdb: {  	v40 =	vld.idx.msk [tilespmem:v5+s19+$0x180 ss:$0x1], $0xffff  }
0xdc: {  	v41 =	vld.idx.msk [tilespmem:v5+s19+$0x190 ss:$0x1], $0xffff  }
0xdd: {  	v42 =	vld.idx.msk [tilespmem:v5+s19+$0x1A0 ss:$0x1], $0xffff  }
0xde: {  	v43 =	vld.idx.msk [tilespmem:v5+s19+$0x1B0 ss:$0x1], $0xffff  }
0xdf: {  	v44 =	vld.idx.msk [tilespmem:v5+s19+$0x1C0 ss:$0x1], $0xffff  }
0xe0: {  	v45 =	vld.idx.msk [tilespmem:v5+s19+$0x1D0 ss:$0x1], $0xffff  }
0xe1: {  	v46 =	vld.idx.msk [tilespmem:v5+s19+$0x1E0 ss:$0x1], $0xffff  }
0xe2: {  	v47 =	vld.idx.msk [tilespmem:v5+s19+$0x1F0 ss:$0x1], $0xffff  }
0xe3: {  	v48 =	vld.idx.msk [tilespmem:v5+s19+$0x200 ss:$0x1], $0xffff  }
0xe4: {  	v49 =	vld.idx.msk [tilespmem:v5+s19+$0x210 ss:$0x1], $0xffff  }
0xe5: {  	v50 =	vld.idx.msk [tilespmem:v5+s19+$0x220 ss:$0x1], $0xffff  }
0xe6: {  	v51 =	vld.idx.msk [tilespmem:v5+s19+$0x230 ss:$0x1], $0xffff  }
0xe7: {  	v52 =	vld.idx.msk [tilespmem:v5+s19+$0x240 ss:$0x1], $0xffff  }
0xe8: {  	v53 =	vld.idx.msk [tilespmem:v5+s19+$0x250 ss:$0x1], $0xffff  }
0xe9: {  	v54 =	vld.idx.msk [tilespmem:v5+s19+$0x260 ss:$0x1], $0xffff  }
0xea: {  	v55 =	vld.idx.msk [tilespmem:v5+s19+$0x270 ss:$0x1], $0xffff  }
0xeb: {  	v56 =	vld.idx.msk [tilespmem:v5+s19+$0x280 ss:$0x1], $0xffff  }
0xec: {  	v58 =	vld.idx.msk [tilespmem:v5+s19+$0x290 ss:$0x1], $0xffff;
	v57 =	vbroadcast v7, $0x0  }
0xed: {  	v59 =	vld.idx.msk [tilespmem:v5+s19+$0x2A0 ss:$0x1], $0xffff  }
0xee: {  	v60 =	vld.idx.msk [tilespmem:v5+s19+$0x2B0 ss:$0x1], $0xffff;
	v16 =	vmul.f32 v57, v16  }
0xef: {  	v61 =	vld.idx.msk [tilespmem:v5+s19+$0x2C0 ss:$0x1], $0xffff;
	v17 =	vmul.f32 v17, v57;
	v18 =	vmul.f32 v18, v57  }
0xf0: {  	v63 =	vmul.f32 v20, v57;
	v20 =	vld.idx.msk [tilespmem:v5+s19+$0x2E0 ss:$0x1], $0xffff;
	v15 =	vadd.f32 v16, v15;
	v16 =	vmul.f32 v19, v57  }
0xf1: {  	v62 =	vmul.f32 v23, v57;
	v23 =	vld.idx.msk [tilespmem:v5+s19+$0x320 ss:$0x1], $0xffff;
	v14 =	vadd.f32 v17, v14;
	v13 =	vadd.f32 v18, v13  }
0xf2: {  	v17 =	vld.idx.msk [tilespmem:v5+s19+$0x2D0 ss:$0x1], $0xffff;
	v19 =	vbroadcast v7, $0x1;
	v12 =	vadd.f32 v16, v12;
	v16 =	vmul.f32 v21, v57  }
0xf3: {  	v11 =	vadd.f32 v63, v11;
	v8 =	vadd.f32 v62, v8;
	v18 =	vld.idx.msk [tilespmem:v6+s19+$0x7740 ss:$0x1], $0xffff;
	v21 =	vmul.f32 v22, v57  }
0xf4: {  	v22 =	vld.idx.msk [tilespmem:v5+s19+$0x2F0 ss:$0x1], $0xffff;
	v63 =	vmul.f32 v24, v19;
	v10 =	vadd.f32 v16, v10;
	v16 =	vmul.f32 v25, v19  }
0xf5: {  	v24 =	vld.idx.msk [tilespmem:v5+s19+$0x300 ss:$0x1], $0xffff;
	v57 =	vmul.f32 v26, v19;
	v62 =	vmul.f32 v28, v19;
	v9 =	vadd.f32 v21, v9  }
0xf6: {  	v26 =	vld.idx.msk [tilespmem:v5+s19+$0x330 ss:$0x1], $0xffff;
	v15 =	vadd.f32 v63, v15;
	v14 =	vadd.f32 v16, v14;
	v16 =	vmul.f32 v27, v19  }
0xf7: {  	v28 =	vld.idx.msk [tilespmem:v5+s19+$0x340 ss:$0x1], $0xffff;
	v13 =	vadd.f32 v57, v13;
	v63 =	vmul.f32 v29, v19;
	v57 =	vbroadcast v7, $0x2  }
0xf8: {  	v21 =	vld.idx.msk [tilespmem:v5+s19+$0x310 ss:$0x1], $0xffff;
	v11 =	vadd.f32 v62, v11;
	v12 =	vadd.f32 v16, v12;
	v16 =	vmul.f32 v30, v19  }
0xf9: {  	v25 =	vld.idx.msk [tilespmem:v5+s19+$0x350 ss:$0x1], $0xffff;
	v62 =	vmul.f32 v31, v19;
	v10 =	vadd.f32 v63, v10;
	v63 =	vmul.f32 v32, v57  }
0xfa: {  	v29 =	vld.idx.msk [tilespmem:v5+s19+$0x360 ss:$0x1], $0xffff;
	v34 =	vmul.f32 v34, v57;
	v9 =	vadd.f32 v16, v9;
	v16 =	vmul.f32 v33, v57  }
0xfb: {  	v31 =	vld.idx.msk [tilespmem:v5+s19+$0x370 ss:$0x1], $0xffff;
	v8 =	vadd.f32 v62, v8;
	v35 =	vmul.f32 v35, v57;
	v37 =	vmul.f32 v37, v57  }
0xfc: {  	v27 =	vmul.f32 v39, v57;
	v39 =	vld.idx.msk [tilespmem:v6+s19+$0x7620 ss:$0x1], $0xffff;
	v14 =	vadd.f32 v16, v14;
	v16 =	vmul.f32 v36, v57  }
0xfd: {  	v32 =	vbroadcast v7, $0x3;
	v15 =	vadd.f32 v63, v15;
	v19 =	vld.idx.msk [tilespmem:v5+s19+$0x380 ss:$0x1], $0xffff;
	v13 =	vadd.f32 v34, v13  }
0xfe: {  	v30 =	vld.idx.msk [tilespmem:v5+s19+$0x390 ss:$0x1], $0xffff;
	v10 =	vadd.f32 v37, v10;
	v11 =	vadd.f32 v16, v11;
	v16 =	vmul.f32 v38, v57  }
0xff: {  	v34 =	vld.idx.msk [tilespmem:v5+s19+$0x3B0 ss:$0x1], $0xffff;
	v40 =	vmul.f32 v40, v32;
	v8 =	vadd.f32 v27, v8;
	v62 =	vmul.f32 v43, v32  }
0x100: {  	v27 =	vld.idx.msk [tilespmem:v5+s19+$0x3D0 ss:$0x1], $0xffff;
	v63 =	vbroadcast v7, $0x4;
	v9 =	vadd.f32 v16, v9;
	v16 =	vmul.f32 v42, v32  }
0x101: {  	v45 =	vmul.f32 v45, v32;
	v46 =	vmul.f32 v46, v32;
	v43 =	vld.idx.msk [tilespmem:v6+s19+$0x7640 ss:$0x1], $0xffff;
	v12 =	vadd.f32 v35, v12  }
0x102: {  	v37 =	vld.idx.msk [tilespmem:v6+s19+$0x7690 ss:$0x1], $0xffff;
	v15 =	vadd.f32 v40, v15;
	v13 =	vadd.f32 v16, v13;
	v16 =	vmul.f32 v44, v32  }
0x103: {  	v33 =	vld.idx.msk [tilespmem:v5+s19+$0x3A0 ss:$0x1], $0xffff;
	v48 =	vmul.f32 v48, v63;
	v10 =	vadd.f32 v45, v10;
	v49 =	vmul.f32 v49, v63  }
0x104: {  	v35 =	vld.idx.msk [tilespmem:v5+s19+$0x3E0 ss:$0x1], $0xffff;
	v51 =	vmul.f32 v51, v63;
	v11 =	vadd.f32 v16, v11;
	v16 =	vmul.f32 v47, v32  }
0x105: {  	v40 =	vld.idx.msk [tilespmem:v6+s19+$0x7600 ss:$0x1], $0xffff;
	v52 =	vmul.f32 v52, v63;
	v12 =	vadd.f32 v62, v12;
	v57 =	vmul.f32 v41, v32  }
0x106: {  	v45 =	vld.idx.msk [tilespmem:v6+s19+$0x7650 ss:$0x1], $0xffff;
	v15 =	vadd.f32 v48, v15;
	v8 =	vadd.f32 v16, v8;
	v16 =	vmul.f32 v50, v63  }
0x107: {  	v54 =	vmul.f32 v54, v63;
	v36 =	vld.idx.msk [tilespmem:v5+s19+$0x3C0 ss:$0x1], $0xffff;
	v12 =	vadd.f32 v51, v12;
	v14 =	vadd.f32 v57, v14  }
0x108: {  	v48 =	vld.idx.msk [tilespmem:v6+s19+$0x7680 ss:$0x1], $0xffff;
	v44 =	vbroadcast v7, $0x7;
	v13 =	vadd.f32 v16, v13;
	v16 =	vmul.f32 v53, v63  }
0x109: {  	v38 =	vld.idx.msk [tilespmem:v5+s19+$0x3F0 ss:$0x1], $0xffff;
	v9 =	vadd.f32 v46, v9;
	v14 =	vadd.f32 v49, v14;
	v53 =	vbroadcast v7, $0x5  }
0x10a: {  	v41 =	vld.idx.msk [tilespmem:v6+s19+$0x7610 ss:$0x1], $0xffff;
	v51 =	vmul.f32 v19, v44;
	v10 =	vadd.f32 v16, v10;
	v16 =	vmul.f32 v55, v63  }
0x10b: {  	v42 =	vld.idx.msk [tilespmem:v6+s19+$0x7660 ss:$0x1], $0xffff;
	v9 =	vadd.f32 v54, v9;
	v56 =	vmul.f32 v56, v53;
	v57 =	vmul.f32 v58, v53  }
0x10c: {  	v46 =	vld.idx.msk [tilespmem:v6+s19+$0x7670 ss:$0x1], $0xffff;
	v58 =	vmul.f32 v59, v53;
	v8 =	vadd.f32 v16, v8;
	v16 =	vmul.f32 v60, v53  }
0x10d: {  	v49 =	vld.idx.msk [tilespmem:v6+s19+$0x76B0 ss:$0x1], $0xffff;
	v11 =	vadd.f32 v52, v11;
	v59 =	vmul.f32 v61, v53;
	v61 =	vmul.f32 v22, v53  }
0x10e: {  	v32 =	vld.idx.msk [tilespmem:v6+s19+$0x7630 ss:$0x1], $0xffff;
	v12 =	vadd.f32 v16, v12;
	v16 =	vmul.f32 v17, v53;
	v17 =	vbroadcast v7, $0x6  }
0x10f: {  	v47 =	vld.idx.msk [tilespmem:v6+s19+$0x76A0 ss:$0x1], $0xffff;
	v55 =	vbroadcast v7, $0x8;
	v15 =	vadd.f32 v56, v15;
	v14 =	vadd.f32 v57, v14  }
0x110: {  	v54 =	vld.idx.msk [tilespmem:v6+s19+$0x7750 ss:$0x1], $0xffff;
	v13 =	vadd.f32 v58, v13;
	v10 =	vadd.f32 v16, v10;
	v16 =	vmul.f32 v24, v17  }
0x111: {  	v52 =	vld.idx.msk [tilespmem:v6+s19+$0x7720 ss:$0x1], $0xffff;
	v11 =	vadd.f32 v59, v11;
	v60 =	vmul.f32 v20, v53;
	v56 =	vmul.f32 v40, v55  }
0x112: {  	v22 =	vld.idx.msk [tilespmem:v6+s19+$0x76C0 ss:$0x1], $0xffff;
	v58 =	vmul.f32 v39, v55;
	v15 =	vadd.f32 v16, v15;
	v16 =	vmul.f32 v26, v17  }
0x113: {  	v20 =	vld.idx.msk [tilespmem:v6+s19+$0x76E0 ss:$0x1], $0xffff;
	v9 =	vadd.f32 v60, v9;
	v21 =	vmul.f32 v21, v17;
	v62 =	vmul.f32 v23, v17  }
0x114: {  	v57 =	vld.idx.msk [tilespmem:v6+s19+$0x7780 ss:$0x1], $0xffff;
	v63 =	vmul.f32 v28, v17;
	v12 =	vadd.f32 v16, v12;
	v16 =	vmul.f32 v25, v17  }
0x115: {  	v59 =	vld.idx.msk [tilespmem:v6+s19+$0x77A0 ss:$0x1], $0xffff;
	v8 =	vadd.f32 v61, v8;
	v50 =	vmul.f32 v29, v17;
	v17 =	vmul.f32 v31, v17  }
0x116: {  	v39 =	vld.idx.msk [tilespmem:v6+s19+$0x77E0 ss:$0x1], $0xffff;
	v14 =	vadd.f32 v21, v14;
	v10 =	vadd.f32 v16, v10;
	v16 =	vmul.f32 v30, v44  }
0x117: {  	v40 =	vld.idx.msk [tilespmem:v6+s19+$0x7900 ss:$0x1], $0xffff;
	v13 =	vadd.f32 v62, v13;
	v8 =	vadd.f32 v17, v8;
	v17 =	vmul.f32 v33, v44  }
0x118: {  	v53 =	vmul.f32 v36, v44;
	v60 =	vld.idx.msk [tilespmem:v6+s19+$0x77B0 ss:$0x1], $0xffff;
	v14 =	vadd.f32 v16, v14;
	v16 =	vmul.f32 v34, v44  }
0x119: {  	v61 =	vbroadcast v7, $0x9;
	v36 =	vld.idx.msk [tilespmem:v6+s19+$0x78E0 ss:$0x1], $0xffff;
	v13 =	vadd.f32 v17, v13;
	v17 =	vmul.f32 v27, v44  }
0x11a: {  	v24 =	vld.idx.msk [tilespmem:v6+s19+$0x76D0 ss:$0x1], $0xffff;
	v9 =	vadd.f32 v50, v9;
	v12 =	vadd.f32 v16, v12;
	v16 =	vmul.f32 v35, v44  }
0x11b: {  	v28 =	vld.idx.msk [tilespmem:v6+s19+$0x7710 ss:$0x1], $0xffff;
	v37 =	vmul.f32 v37, v61;
	v10 =	vadd.f32 v17, v10;
	v17 =	vmul.f32 v38, v44  }
0x11c: {  	v29 =	vld.idx.msk [tilespmem:v6+s19+$0x7770 ss:$0x1], $0xffff;
	v11 =	vadd.f32 v63, v11;
	v9 =	vadd.f32 v16, v9;
	v16 =	vmul.f32 v41, v55  }
0x11d: {  	v21 =	vld.idx.msk [tilespmem:v6+s19+$0x76F0 ss:$0x1], $0xffff;
	v15 =	vadd.f32 v51, v15;
	v8 =	vadd.f32 v17, v8;
	v17 =	vmul.f32 v32, v55  }
0x11e: {  	v26 =	vld.idx.msk [tilespmem:v6+s19+$0x7700 ss:$0x1], $0xffff;
	v11 =	vadd.f32 v53, v11;
	v14 =	vadd.f32 v16, v14;
	v16 =	vmul.f32 v43, v55  }
0x11f: {  	v62 =	vld.idx.msk [tilespmem:v6+s19+$0x77C0 ss:$0x1], $0xffff;
	v15 =	vadd.f32 v56, v15;
	v12 =	vadd.f32 v17, v12;
	v17 =	vmul.f32 v45, v55  }
0x120: {  	v63 =	vld.idx.msk [tilespmem:v6+s19+$0x77D0 ss:$0x1], $0xffff;
	v27 =	vmul.f32 v46, v55;
	v11 =	vadd.f32 v16, v11;
	v16 =	vmul.f32 v42, v55  }
0x121: {  	v50 =	vld.idx.msk [tilespmem:v6+s19+$0x7830 ss:$0x1], $0xffff;
	v46 =	vbroadcast v7, $0xA;
	v10 =	vadd.f32 v17, v10;
	v17 =	vmul.f32 v48, v61  }
0x122: {  	v25 =	vld.idx.msk [tilespmem:v6+s19+$0x7730 ss:$0x1], $0xffff;
	v13 =	vadd.f32 v58, v13;
	v9 =	vadd.f32 v16, v9;
	v16 =	vmul.f32 v47, v61  }
0x123: {  	v20 =	vmul.f32 v20, v61;
	v31 =	vld.idx.msk [tilespmem:v6+s19+$0x7760 ss:$0x1], $0xffff;
	v15 =	vadd.f32 v17, v15;
	v17 =	vmul.f32 v49, v61  }
0x124: {  	v51 =	vld.idx.msk [tilespmem:v6+s19+$0x7840 ss:$0x1], $0xffff;
	v18 =	vmul.f32 v18, v46;
	v13 =	vadd.f32 v16, v13;
	v16 =	vmul.f32 v22, v61  }
0x125: {  	v53 =	vld.idx.msk [tilespmem:v6+s19+$0x7860 ss:$0x1], $0xffff;
	v8 =	vadd.f32 v27, v8;
	v12 =	vadd.f32 v17, v12;
	v17 =	vmul.f32 v24, v61  }
0x126: {  	v56 =	vld.idx.msk [tilespmem:v6+s19+$0x7880 ss:$0x1], $0xffff;
	v14 =	vadd.f32 v37, v14;
	v11 =	vadd.f32 v16, v11;
	v16 =	vmul.f32 v21, v61  }
0x127: {  	v35 =	vld.idx.msk [tilespmem:v6+s19+$0x7790 ss:$0x1], $0xffff;
	v42 =	vbroadcast v7, $0xD;
	v10 =	vadd.f32 v17, v10;
	v17 =	vmul.f32 v28, v46  }
0x128: {  	v44 =	vld.idx.msk [tilespmem:v6+s19+$0x77F0 ss:$0x1], $0xffff;
	v49 =	vmul.f32 v26, v46;
	v8 =	vadd.f32 v16, v8;
	v16 =	vmul.f32 v52, v46  }
0x129: {  	v9 =	vadd.f32 v20, v9;
	v61 =	vld.idx.msk [tilespmem:v6+s19+$0x78C0 ss:$0x1], $0xffff;
	v14 =	vadd.f32 v17, v14;
	v17 =	vmul.f32 v25, v46  }
0x12a: {  	v58 =	vld.idx.msk [tilespmem:v6+s19+$0x7890 ss:$0x1], $0xffff;
	v15 =	vadd.f32 v49, v15;
	v13 =	vadd.f32 v16, v13;
	v16 =	vmul.f32 v54, v46  }
0x12b: {  	v41 =	vld.idx.msk [tilespmem:v6+s19+$0x7910 ss:$0x1], $0xffff;
	v54 =	vbroadcast v7, $0xB;
	v12 =	vadd.f32 v17, v12;
	v17 =	vmul.f32 v31, v46  }
0x12c: {  	v45 =	vld.idx.msk [tilespmem:v6+s19+$0x7800 ss:$0x1], $0xffff;
	v11 =	vadd.f32 v18, v11;
	v10 =	vadd.f32 v16, v10;
	v16 =	vmul.f32 v29, v46  }
0x12d: {  	v43 =	vld.idx.msk [tilespmem:v6+s19+$0x7920 ss:$0x1], $0xffff;
	v18 =	vmul.f32 v56, v42;
	v9 =	vadd.f32 v17, v9;
	v17 =	vmul.f32 v35, v54  }
0x12e: {  	v48 =	vld.idx.msk [tilespmem:v6+s19+$0x7820 ss:$0x1], $0xffff;
	v49 =	vmul.f32 v61, v42;
	v8 =	vadd.f32 v16, v8;
	v16 =	vmul.f32 v60, v54  }
0x12f: {  	v55 =	vld.idx.msk [tilespmem:v6+s19+$0x7870 ss:$0x1], $0xffff;
	v57 =	vmul.f32 v57, v54;
	v14 =	vadd.f32 v17, v14;
	v17 =	vmul.f32 v62, v54  }
0x130: {  	v47 =	vld.idx.msk [tilespmem:v6+s19+$0x7810 ss:$0x1], $0xffff;
	v62 =	vbroadcast v7, $0xC;
	v12 =	vadd.f32 v16, v12;
	v16 =	vmul.f32 v63, v54  }
0x131: {  	v52 =	vld.idx.msk [tilespmem:v6+s19+$0x7850 ss:$0x1], $0xffff;
	v23 =	vmul.f32 v59, v54;
	v11 =	vadd.f32 v17, v11;
	v17 =	vmul.f32 v39, v54  }
0x132: {  	v59 =	vld.idx.msk [tilespmem:v6+s19+$0x78A0 ss:$0x1], $0xffff;
	v15 =	vadd.f32 v57, v15;
	v10 =	vadd.f32 v16, v10;
	v16 =	vmul.f32 v45, v62  }
0x133: {  	v46 =	vld.idx.msk [tilespmem:v6+s19+$0x7940 ss:$0x1], $0xffff;
	v13 =	vadd.f32 v23, v13;
	v9 =	vadd.f32 v17, v9;
	v17 =	vmul.f32 v48, v62  }
0x134: {  	v25 =	vmul.f32 v44, v54;
	v60 =	vld.idx.msk [tilespmem:v6+s19+$0x78B0 ss:$0x1], $0xffff;
	v15 =	vadd.f32 v16, v15;
	v16 =	vmul.f32 v50, v62  }
0x135: {  	v57 =	vld.idx.msk [tilespmem:v6+s19+$0x79B0 ss:$0x1], $0xffff;
	v38 =	vmul.f32 v47, v62;
	v13 =	vadd.f32 v17, v13;
	v17 =	vmul.f32 v51, v62  }
0x136: {  	v63 =	vld.idx.msk [tilespmem:v6+s19+$0x78D0 ss:$0x1], $0xffff;
	v8 =	vadd.f32 v25, v8;
	v12 =	vadd.f32 v16, v12;
	v16 =	vmul.f32 v52, v62  }
0x137: {  	v39 =	vld.idx.msk [tilespmem:v6+s19+$0x78F0 ss:$0x1], $0xffff;
	v44 =	vmul.f32 v53, v62;
	v11 =	vadd.f32 v17, v11;
	v17 =	vmul.f32 v55, v62  }
0x138: {  	v47 =	vld.idx.msk [tilespmem:v6+s19+$0x7950 ss:$0x1], $0xffff;
	v14 =	vadd.f32 v38, v14;
	v10 =	vadd.f32 v16, v10;
	v16 =	vmul.f32 v58, v42  }
0x139: {  	v53 =	vld.idx.msk [tilespmem:v6+s19+$0x7990 ss:$0x1], $0xffff;
	v9 =	vadd.f32 v44, v9;
	v8 =	vadd.f32 v17, v8;
	v17 =	vmul.f32 v59, v42  }
0x13a: {  	v45 =	vld.idx.msk [tilespmem:v6+s19+$0x7930 ss:$0x1], $0xffff;
	v51 =	vbroadcast v7, $0xE;
	v14 =	vadd.f32 v16, v14;
	v16 =	vmul.f32 v60, v42  }
0x13b: {  	v48 =	vld.idx.msk [tilespmem:v6+s19+$0x7960 ss:$0x1], $0xffff;
	v7 =	vbroadcast v7, $0xF;
	v13 =	vadd.f32 v17, v13;
	v17 =	vmul.f32 v63, v42  }
0x13c: {  	v50 =	vld.idx.msk [tilespmem:v6+s19+$0x7970 ss:$0x1], $0xffff;
	v15 =	vadd.f32 v18, v15;
	v12 =	vadd.f32 v16, v12;
	v16 =	vmul.f32 v36, v42  }
0x13d: {  	v52 =	vld.idx.msk [tilespmem:v6+s19+$0x7980 ss:$0x1], $0xffff;
	v54 =	vmul.f32 v40, v51;
	v10 =	vadd.f32 v17, v10;
	v17 =	vmul.f32 v39, v42  }
0x13e: {  	v55 =	vld.idx.msk [tilespmem:v6+s19+$0x79A0 ss:$0x1], $0xffff;
	v56 =	vmul.f32 v43, v51;
	v9 =	vadd.f32 v16, v9;
	v16 =	vmul.f32 v41, v51  }
0x13f: {  	v22 =	vmul.f32 v53, v7;
	v59 =	vld.idx.msk [tilespmem:v6+s19+$0x79D0 ss:$0x1], $0xffff;
	v8 =	vadd.f32 v17, v8;
	v17 =	vmul.f32 v45, v51  }
0x140: {  	v62 =	vld.idx.msk [tilespmem:v6+s19+$0x79F0 ss:$0x1], $0xffff;
	v11 =	vadd.f32 v49, v11;
	v14 =	vadd.f32 v16, v14;
	v16 =	vmul.f32 v46, v51  }
0x141: {  	v15 =	vadd.f32 v54, v15;
	v58 =	vld.idx.msk [tilespmem:v6+s19+$0x79C0 ss:$0x1], $0xffff;
	v12 =	vadd.f32 v17, v12;
	v17 =	vmul.f32 v47, v51  }
0x142: {  	v61 =	vmul.f32 v50, v51;
	v60 =	vld.idx.msk [tilespmem:v6+s19+$0x79E0 ss:$0x1], $0xffff;
	v11 =	vadd.f32 v16, v11;
	v16 =	vmul.f32 v48, v51  }
0x143: {  	v13 =	vadd.f32 v56, v13;
	v10 =	vadd.f32 v17, v10;
	v17 =	vmul.f32 v52, v7  }
0x144: {  	p1 =	por p0, p0;
	v63 =	vmul.f32 v59, v7;
	v9 =	vadd.f32 v16, v9;
	v16 =	vmul.f32 v55, v7  }
.Ltmp2:
0x145: {  	v8 =	vadd.f32 v61, v8;
	v15 =	vadd.f32 v17, v15;
	v17 =	vmul.f32 v57, v7;
	(pc) =	sbr.rel @p1 .LBB2_8-.Ltmp2, $4  }
0x146: {  	v14 =	vadd.f32 v22, v14;
	v13 =	vadd.f32 v16, v13;
	v16 =	vmul.f32 v58, v7  }
0x147: {  	v12 =	vadd.f32 v17, v12;
	v17 =	vmul.f32 v60, v7;
	v7 =	vmul.f32 v62, v7  }
0x148: {  	v10 =	vadd.f32 v63, v10;
	v11 =	vadd.f32 v16, v11  }
0x149: {  	p0 =	por $0x0, $0x0;
	s19 =	simm.s32 $0x1;
	v9 =	vadd.f32 v17, v9;
	v8 =	vadd.f32 v7, v8  }
0x14a: {  	[tilespmem:s28+$0x1C600] =	vst v15  }
0x14b: {  	[tilespmem:s28+$0x1C610] =	vst v14;
	s5 =	sadd.s32 $0x1, s5  }
0x14c: {  	[tilespmem:s28+$0x1C620] =	vst v13;
	p0 =	sne.s32 s5, $0x1C  }
.Ltmp3:
0x14d: {  	[tilespmem:s28+$0x1C630] =	vst v12;
	(pc) =	sbr.rel @p0 .LBB2_7-.Ltmp3, $4  }
0x14e: {  	[tilespmem:s28+$0x1C640] =	vst v11  }
0x14f: {  	[tilespmem:s28+$0x1C650] =	vst v10  }
0x150: {  	[tilespmem:s28+$0x1C660] =	vst v9  }
0x151: {  	[tilespmem:s28+$0x1C670] =	vst v8  }
0x152: {  	s4 =	sadd.s32 $0x1, s4  }
0x153: {  	p0 =	sne.s32 s4, $0x10  }
.Ltmp4:
0x154: {  	_ = 	snop;
	(pc) =	sbr.rel @p0 .LBB2_6-.Ltmp4, $1  }
0x155: {  	_ =	sdelay $0x3  }
0x156: {  	v4 =	vld [tilespmem:$0x400];
	_ =	sdelay $0x1  }
0x157: {  	v5 =	vld [tilespmem:$0x410];
	_ =	sdelay $0x1  }
0x158: {  	v6 =	vld [tilespmem:$0x420]  }
0x159: {  	v4 =	vadd.f32 $0.0e+00, v4  }
0x15a: {  	v7 =	vld [tilespmem:$0x430]  }
0x15b: {  	v4 =	vadd.f32 v5, v4  }
0x15c: {  	v5 =	vld [tilespmem:$0x440]  }
0x15d: {  	v4 =	vadd.f32 v6, v4  }
0x15e: {  	v6 =	vld [tilespmem:$0x450]  }
0x15f: {  	v4 =	vadd.f32 v7, v4  }
0x160: {  	v7 =	vld [tilespmem:$0x460]  }
0x161: {  	v4 =	vadd.f32 v5, v4  }
0x162: {  	v5 =	vld [tilespmem:$0x470]  }
0x163: {  	v4 =	vadd.f32 v6, v4  }
0x164: {  	v6 =	vld [tilespmem:$0x480]  }
0x165: {  	v4 =	vadd.f32 v7, v4  }
0x166: {  	v7 =	vld [tilespmem:$0x490]  }
0x167: {  	v4 =	vadd.f32 v5, v4  }
0x168: {  	v5 =	vld [tilespmem:$0x4A0]  }
0x169: {  	v4 =	vadd.f32 v6, v4  }
0x16a: {  	v6 =	vld [tilespmem:$0x4B0]  }
0x16b: {  	v4 =	vadd.f32 v7, v4  }
0x16c: {  	v7 =	vld [tilespmem:$0x4C0]  }
0x16d: {  	v4 =	vadd.f32 v5, v4  }
0x16e: {  	v5 =	vld [tilespmem:$0x4D0]  }
0x16f: {  	v4 =	vadd.f32 v6, v4  }
0x170: {  	v6 =	vld [tilespmem:$0x4E0]  }
0x171: {  	v4 =	vadd.f32 v7, v4  }
0x172: {  	v7 =	vld [tilespmem:$0x4F0]  }
0x173: {  	v4 =	vadd.f32 v5, v4  }
0x174: {  	v5 =	vld [tilespmem:$0x500]  }
0x175: {  	v4 =	vadd.f32 v6, v4  }
0x176: {  	v6 =	vld [tilespmem:$0x510]  }
0x177: {  	v4 =	vadd.f32 v7, v4  }
0x178: {  	v7 =	vld [tilespmem:$0x520]  }
0x179: {  	v4 =	vadd.f32 v5, v4  }
0x17a: {  	v5 =	vld [tilespmem:$0x530]  }
0x17b: {  	v4 =	vadd.f32 v6, v4  }
0x17c: {  	v6 =	vld [tilespmem:$0x540]  }
0x17d: {  	v4 =	vadd.f32 v7, v4  }
0x17e: {  	v7 =	vld [tilespmem:$0x550]  }
0x17f: {  	v4 =	vadd.f32 v5, v4  }
0x180: {  	v5 =	vld [tilespmem:$0x560]  }
0x181: {  	v4 =	vadd.f32 v6, v4  }
0x182: {  	v6 =	vld [tilespmem:$0x570]  }
0x183: {  	v4 =	vadd.f32 v7, v4  }
0x184: {  	v7 =	vld [tilespmem:$0x580]  }
0x185: {  	v4 =	vadd.f32 v5, v4  }
0x186: {  	v5 =	vld [tilespmem:$0x590]  }
0x187: {  	v4 =	vadd.f32 v6, v4  }
0x188: {  	v6 =	vld [tilespmem:$0x5A0]  }
0x189: {  	v4 =	vadd.f32 v7, v4  }
0x18a: {  	v7 =	vld [tilespmem:$0x5B0]  }
0x18b: {  	v4 =	vadd.f32 v5, v4  }
0x18c: {  	v5 =	vld [tilespmem:$0x5C0]  }
0x18d: {  	v4 =	vadd.f32 v6, v4  }
0x18e: {  	v6 =	vld [tilespmem:$0x5D0]  }
0x18f: {  	v4 =	vadd.f32 v7, v4  }
0x190: {  	v7 =	vld [tilespmem:$0x5E0]  }
0x191: {  	v4 =	vadd.f32 v5, v4  }
0x192: {  	v5 =	vld [tilespmem:$0x5F0]  }
0x193: {  	v4 =	vadd.f32 v6, v4;
	_ =	sdelay $0x1  }
0x194: {  	v4 =	vadd.f32 v7, v4;
	_ =	sdelay $0x1  }
0x195: {  	v4 =	vadd.f32 v5, v4;
	_ =	sdelay $0x1  }
0x196: {  	(v2sf) =	vpush v4, $0x0  }
0x197: {  	(v2sf) =	vpush v4, $0x1;
	_ =	sdelay $0x1  }
0x198: {  	(v2sf) =	vpush v4, $0x2;
	_ =	sdelay $0x1  }
0x199: {  	(v2sf) =	vpush v4, $0x3;
	_ =	sdelay $0x1  }
0x19a: {  	(v2sf) =	vpush v4, $0x4;
	_ =	sdelay $0x1  }
0x19b: {  	(v2sf) =	vpush v4, $0x5;
	_ =	sdelay $0x1  }
0x19c: {  	(v2sf) =	vpush v4, $0x6;
	_ =	sdelay $0x1  }
0x19d: {  	(v2sf) =	vpush v4, $0x7;
	_ =	sdelay $0x1  }
0x19e: {  	s4 =	spop (v2sf);
	(v2sf) =	vpush v4, $0x8  }
0x19f: {  	s5 =	spop (v2sf)  }
0x1a0: {  	(v2sf) =	vpush v4, $0x9;
	s4 =	sadd.f32 s5, s4  }
0x1a1: {  	s20 =	spop (v2sf)  }
0x1a2: {  	(v2sf) =	vpush v4, $0xA;
	s4 =	sadd.f32 s4, s20  }
0x1a3: {  	s28 =	spop (v2sf)  }
0x1a4: {  	(v2sf) =	vpush v4, $0xB;
	s4 =	sadd.f32 s4, s28  }
0x1a5: {  	s19 =	spop (v2sf)  }
0x1a6: {  	(v2sf) =	vpush v4, $0xC;
	s4 =	sadd.f32 s4, s19  }
0x1a7: {  	s20 =	spop (v2sf)  }
0x1a8: {  	(v2sf) =	vpush v4, $0xD;
	s4 =	sadd.f32 s4, s20  }
0x1a9: {  	s28 =	spop (v2sf)  }
0x1aa: {  	(v2sf) =	vpush v4, $0xE;
	s4 =	sadd.f32 s4, s28  }
0x1ab: {  	s19 =	spop (v2sf)  }
0x1ac: {  	(v2sf) =	vpush v4, $0xF;
	s4 =	sadd.f32 s4, s19  }
0x1ad: {  	s20 =	spop (v2sf)  }
0x1ae: {  	s4 =	sadd.f32 s4, s20  }
0x1af: {  	s28 =	spop (v2sf)  }
0x1b0: {  	s4 =	sadd.f32 s4, s28  }
0x1b1: {  	s19 =	spop (v2sf)  }
0x1b2: {  	s4 =	sadd.f32 s4, s19  }
0x1b3: {  	s20 =	spop (v2sf)  }
0x1b4: {  	s4 =	sadd.f32 s4, s20  }
0x1b5: {  	s28 =	spop (v2sf)  }
0x1b6: {  	s4 =	sadd.f32 s4, s28  }
0x1b7: {  	s19 =	spop (v2sf)  }
0x1b8: {  	s4 =	sadd.f32 s4, s19  }
0x1b9: {  	s20 =	spop (v2sf)  }
0x1ba: {  	s4 =	sadd.f32 s4, s20  }
0x1bb: {  	s28 =	spop (v2sf)  }
0x1bc: {  	s4 =	sadd.f32 s4, s28;
	_ =	sdelay $0x1  }
0x1bd: {  	s4 =	smax.f32 s4, $9.999999710e-10  }
0x1be: {  	v4 =	vmov s4  }
0x1bf: {  	(erf) = vrcp.f32 v4;
	_ =	sdelay $0x8  }
0x1c0: {  	s5 =	simm.s32 $0x40;
	s4 =	simm.s32 $0x0;
	v4 =	vpop (erf)  }
.LBB2_12:
0x1c1: {  	p0 =	sne.s32 s5, $0x37C0;
	v5 =	vld [tilespmem:s4+$0x1C600];
	_ =	sdelay $0x2  }
.Ltmp5:
0x1c2: {  	(pc) =	sbr.rel @p0 .LBB2_12-.Ltmp5, $3  }
0x1c3: {  	_ = 	snop  }
0x1c4: {  	v5 =	vmul.f32 v5, v4;
	_ =	sdelay $0x1  }
0x1c5: {  	[tilespmem:s4+$0x1C600] =	vst v5;
	s4 =	sshra.s32 s5, $0x2;
	s5 =	sadd.s32 $0x40, s5  }
0x1c6: {  	v5 =	vld [tilespmem:s4+$0x1C600];
	_ =	sdelay $0x4  }
0x1c7: {  	v4 =	vmul.f32 v5, v4;
	_ =	sdelay $0x1  }
0x1c8: {  	s19 =	rddreg [dreg:$0x7];
	s5 =	simm.s32 $0x1C600;
	[tilespmem:s4+$0x1C600] =	vst v4  }
0x1c9: {  	[hbm4b:s19+s21] =	stream.strided.scatter [tilespmem:s5], [sflag:$0x2], $0xE00, s22, s21, $0x38;
	[tilespmem:$0x1D400] =	vst v63  }
0x1ca: {  	s19 =	simm.s32 $0x2  }
0x1cb: {  	_ =	swait.ge [sflag:s19], $0xE00  }
0x1cc: {  	[sflag:s19] =	ssyncset.done $0x0  }
0x1cd: {  	s20 =	simm.s32 $0x0;
	s28 =	rddreg [dreg:$0x8];
	[sflag:s19] =	ssyncadd.s32 $0xFFFFF200  }
0x1ce: {  	[tilespmem:s20], [sflag:$0x2] =	stream.strided.gather [hbm4b:s28+s21], $0x200, s22, s21, $0x38;
	[tilespmem:$0x1D400] =	vst v63  }
0x1cf: {  	_ =	swait.ge [sflag:s19], $0x200  }
0x1d0: {  	[sflag:s19] =	ssyncset.done $0x0  }
0x1d1: {  	s28 =	simm.s32 $0x200;
	s20 =	rddreg [dreg:$0x9];
	[sflag:s19] =	ssyncadd.s32 $0xFFFFFE00  }
0x1d2: {  	[tilespmem:s28], [sflag:$0x2] =	stream.strided.gather [hbm4b:s20+s21], $0x200, s22, s21, $0x38;
	[tilespmem:$0x1D400] =	vst v63  }
0x1d3: {  	_ =	swait.ge [sflag:s19], $0x200  }
0x1d4: {  	[sflag:s19] =	ssyncset.done $0x0  }
0x1d5: {  	s4 =	simm.s32 $0x0;
	[sflag:s19] =	ssyncadd.s32 $0xFFFFFE00  }
0x1d6: {  	v4 =	vld [tilespmem:s4+$0x200]  }
0x1d7: {  	s5 =	simm.s32 $0x40  }
.LBB2_14:
0x1d8: {  	p0 =	sne.s32 s5, $0x7C0  }
.Ltmp6:
0x1d9: {  	_ = 	snop;
	(pc) =	sbr.rel @p0 .LBB2_14-.Ltmp6, $4  }
0x1da: {  	_ = 	snop  }
0x1db: {  	s19 =	sshra.s32 s5, $0x2;
	s5 =	sadd.s32 $0x40, s5;
	v5 =	vcvt.s32.f32 v4  }
0x1dc: {  	v4 =	vld [tilespmem:s19+$0x200]  }
0x1dd: {  	[tilespmem:s4+$0x400] =	vst v5;
	s4 =	smov.u32 s19  }
0x1de: {  	_ =	sdelay $0x2  }
0x1df: {  	v4 =	vcvt.s32.f32 v4;
	_ =	sdelay $0x1  }
0x1e0: {  	s5 =	simm.s32 $0x0;
	[tilespmem:s4+$0x400] =	vst v4;
	s4 =	simm.s32 $0x40  }
.LBB2_16:
0x1e1: {  	p0 =	sne.s32 s4, $0x37C0;
	[tilespmem:s5+$0x1C600] =	vst v0;
	s5 =	smov.u32 s4;
	s4 =	sadd.s32 $0x40, s4  }
.Ltmp7:
0x1e2: {  	(pc) =	sbr.rel @p0 .LBB2_16-.Ltmp7, $2  }
0x1e3: {  	_ =	sdelay $0x2  }
0x1e4: {  	s5 =	sshra.s32 s5, $0x2  }
0x1e5: {  	[tilespmem:s5+$0x1C600] =	vst v0;
	s4 =	simm.s32 $0x0;
	s5 =	simm.s32 $0x0  }
.LBB2_18:
0x1e6: {  	s19 =	sshll.u32 s5, $0x5  }
0x1e7: {  	v4 =	vld [tilespmem:s19+$0x0];
	_ =	sdelay $0x4  }
0x1e8: {  	v5 =	vshrl.u32 v4, $0x3  }
0x1e9: {  	v5 =	vmul.u32 $0xE0, v5  }
0x1ea: {  	v4 =	vand.u32 $0x7, v4  }
0x1eb: {  	v4 =	vor.u32 v4, v5  }
0x1ec: {  	v5 =	vperm.xlane v4, v1;
	_ =	sdelay $0x1  }
0x1ed: {  	v5 =	vadd.s32 v2, v5;
	_ =	sdelay $0x3  }
0x1ee: {  	s20 =	simm.s32 $0x600  }
0x1ef: {  	[tilespmem:s20], [sflag:$0x1] =	stream.indirect_vreg.gather [hbm4b:s1+s4], $0x80, v5, vm0, $0xb8;
	[tilespmem:$0x1D400] =	vst v63  }
0x1f0: {  	s21 =	simm.s32 $0xE00  }
0x1f1: {  	[tilespmem:s21], [sflag:$0x1] =	stream.indirect_vreg.gather [hbm4b:s6+s4], $0x80, v5, vm0, $0xb8;
	[tilespmem:$0x1D400] =	vst v63  }
0x1f2: {  	s22 =	simm.s32 $0x1600  }
0x1f3: {  	[tilespmem:s22], [sflag:$0x1] =	stream.indirect_vreg.gather [hbm4b:s7+s4], $0x80, v5, vm0, $0xb8;
	[tilespmem:$0x1D400] =	vst v63  }
0x1f4: {  	s21 =	simm.s32 $0x1E00  }
0x1f5: {  	[tilespmem:s21], [sflag:$0x1] =	stream.indirect_vreg.gather [hbm4b:s8+s4], $0x80, v5, vm0, $0xb8;
	[tilespmem:$0x1D400] =	vst v63  }
0x1f6: {  	s22 =	simm.s32 $0x2600  }
0x1f7: {  	[tilespmem:s22], [sflag:$0x1] =	stream.indirect_vreg.gather [hbm4b:s9+s4], $0x80, v5, vm0, $0xb8;
	[tilespmem:$0x1D400] =	vst v63  }
0x1f8: {  	s21 =	simm.s32 $0x2E00  }
0x1f9: {  	[tilespmem:s21], [sflag:$0x1] =	stream.indirect_vreg.gather [hbm4b:s10+s4], $0x80, v5, vm0, $0xb8;
	[tilespmem:$0x1D400] =	vst v63  }
0x1fa: {  	s22 =	simm.s32 $0x3600  }
0x1fb: {  	[tilespmem:s22], [sflag:$0x1] =	stream.indirect_vreg.gather [hbm4b:s11+s4], $0x80, v5, vm0, $0xb8;
	[tilespmem:$0x1D400] =	vst v63  }
0x1fc: {  	s21 =	simm.s32 $0x3E00  }
0x1fd: {  	[tilespmem:s21], [sflag:$0x1] =	stream.indirect_vreg.gather [hbm4b:s12+s4], $0x80, v5, vm0, $0xb8;
	[tilespmem:$0x1D400] =	vst v63  }
0x1fe: {  	s22 =	simm.s32 $0x4600  }
0x1ff: {  	[tilespmem:s22], [sflag:$0x1] =	stream.indirect_vreg.gather [hbm4b:s13+s4], $0x80, v5, vm0, $0xb8;
	[tilespmem:$0x1D400] =	vst v63  }
0x200: {  	s21 =	simm.s32 $0x4E00  }
0x201: {  	[tilespmem:s21], [sflag:$0x1] =	stream.indirect_vreg.gather [hbm4b:s14+s4], $0x80, v5, vm0, $0xb8;
	[tilespmem:$0x1D400] =	vst v63  }
0x202: {  	s22 =	simm.s32 $0x5600  }
0x203: {  	[tilespmem:s22], [sflag:$0x1] =	stream.indirect_vreg.gather [hbm4b:s15+s4], $0x80, v5, vm0, $0xb8;
	[tilespmem:$0x1D400] =	vst v63  }
0x204: {  	v4 =	vperm.xlane v4, v3;
	s21 =	simm.s32 $0x5E00  }
0x205: {  	[tilespmem:s21], [sflag:$0x1] =	stream.indirect_vreg.gather [hbm4b:s16+s4], $0x80, v5, vm0, $0xb8;
	[tilespmem:$0x1D400] =	vst v63  }
0x206: {  	v4 =	vadd.s32 v2, v4;
	s22 =	simm.s32 $0x6600  }
0x207: {  	[tilespmem:s22], [sflag:$0x1] =	stream.indirect_vreg.gather [hbm4b:s17+s4], $0x80, v5, vm0, $0xb8;
	[tilespmem:$0x1D400] =	vst v63  }
0x208: {  	s21 =	simm.s32 $0x6E00  }
0x209: {  	[tilespmem:s21], [sflag:$0x1] =	stream.indirect_vreg.gather [hbm4b:s18+s4], $0x80, v5, vm0, $0xb8;
	[tilespmem:$0x1D400] =	vst v63  }
0x20a: {  	s22 =	simm.s32 $0x7600  }
0x20b: {  	[tilespmem:s22], [sflag:$0x1] =	stream.indirect_vreg.gather [hbm4b:s1+s4], $0x80, v4, vm0, $0xb8;
	[tilespmem:$0x1D400] =	vst v63  }
0x20c: {  	s21 =	simm.s32 $0x7E00  }
0x20d: {  	[tilespmem:s21], [sflag:$0x1] =	stream.indirect_vreg.gather [hbm4b:s6+s4], $0x80, v4, vm0, $0xb8;
	[tilespmem:$0x1D400] =	vst v63  }
0x20e: {  	s22 =	simm.s32 $0x8600  }
0x20f: {  	[tilespmem:s22], [sflag:$0x1] =	stream.indirect_vreg.gather [hbm4b:s7+s4], $0x80, v4, vm0, $0xb8;
	[tilespmem:$0x1D400] =	vst v63  }
0x210: {  	s21 =	simm.s32 $0x8E00  }
0x211: {  	[tilespmem:s21], [sflag:$0x1] =	stream.indirect_vreg.gather [hbm4b:s8+s4], $0x80, v4, vm0, $0xb8;
	[tilespmem:$0x1D400] =	vst v63  }
0x212: {  	s22 =	simm.s32 $0x9600  }
0x213: {  	[tilespmem:s22], [sflag:$0x1] =	stream.indirect_vreg.gather [hbm4b:s9+s4], $0x80, v4, vm0, $0xb8;
	[tilespmem:$0x1D400] =	vst v63  }
0x214: {  	s21 =	simm.s32 $0x9E00  }
0x215: {  	[tilespmem:s21], [sflag:$0x1] =	stream.indirect_vreg.gather [hbm4b:s10+s4], $0x80, v4, vm0, $0xb8;
	[tilespmem:$0x1D400] =	vst v63  }
0x216: {  	s22 =	simm.s32 $0xA600  }
0x217: {  	[tilespmem:s22], [sflag:$0x1] =	stream.indirect_vreg.gather [hbm4b:s11+s4], $0x80, v4, vm0, $0xb8;
	[tilespmem:$0x1D400] =	vst v63  }
0x218: {  	s21 =	simm.s32 $0xAE00  }
0x219: {  	[tilespmem:s21], [sflag:$0x1] =	stream.indirect_vreg.gather [hbm4b:s12+s4], $0x80, v4, vm0, $0xb8;
	[tilespmem:$0x1D400] =	vst v63  }
0x21a: {  	s22 =	simm.s32 $0xB600  }
0x21b: {  	[tilespmem:s22], [sflag:$0x1] =	stream.indirect_vreg.gather [hbm4b:s13+s4], $0x80, v4, vm0, $0xb8;
	[tilespmem:$0x1D400] =	vst v63  }
0x21c: {  	s21 =	simm.s32 $0xBE00  }
0x21d: {  	[tilespmem:s21], [sflag:$0x1] =	stream.indirect_vreg.gather [hbm4b:s14+s4], $0x80, v4, vm0, $0xb8;
	[tilespmem:$0x1D400] =	vst v63  }
0x21e: {  	s22 =	simm.s32 $0xC600  }
0x21f: {  	[tilespmem:s22], [sflag:$0x1] =	stream.indirect_vreg.gather [hbm4b:s15+s4], $0x80, v4, vm0, $0xb8;
	[tilespmem:$0x1D400] =	vst v63  }
0x220: {  	s21 =	simm.s32 $0xCE00  }
0x221: {  	[tilespmem:s21], [sflag:$0x1] =	stream.indirect_vreg.gather [hbm4b:s16+s4], $0x80, v4, vm0, $0xb8;
	[tilespmem:$0x1D400] =	vst v63  }
0x222: {  	s22 =	simm.s32 $0xD600  }
0x223: {  	[tilespmem:s22], [sflag:$0x1] =	stream.indirect_vreg.gather [hbm4b:s17+s4], $0x80, v4, vm0, $0xb8;
	[tilespmem:$0x1D400] =	vst v63  }
0x224: {  	s21 =	simm.s32 $0xDE00  }
0x225: {  	[tilespmem:s21], [sflag:$0x1] =	stream.indirect_vreg.gather [hbm4b:s18+s4], $0x80, v4, vm0, $0xb8;
	[tilespmem:$0x1D400] =	vst v63  }
0x226: {  	v4 =	vld [tilespmem:s19+$0x10];
	_ =	sdelay $0x4  }
0x227: {  	v5 =	vshrl.u32 v4, $0x3  }
0x228: {  	v5 =	vmul.u32 $0xE0, v5  }
0x229: {  	v4 =	vand.u32 $0x7, v4  }
0x22a: {  	v4 =	vor.u32 v4, v5  }
0x22b: {  	v5 =	vperm.xlane v4, v1;
	_ =	sdelay $0x1  }
0x22c: {  	v5 =	vadd.s32 v2, v5;
	_ =	sdelay $0x3  }
0x22d: {  	s22 =	simm.s32 $0xE600  }
0x22e: {  	[tilespmem:s22], [sflag:$0x1] =	stream.indirect_vreg.gather [hbm4b:s1+s4], $0x80, v5, vm0, $0xb8;
	[tilespmem:$0x1D400] =	vst v63  }
0x22f: {  	s21 =	simm.s32 $0xEE00  }
0x230: {  	[tilespmem:s21], [sflag:$0x1] =	stream.indirect_vreg.gather [hbm4b:s6+s4], $0x80, v5, vm0, $0xb8;
	[tilespmem:$0x1D400] =	vst v63  }
0x231: {  	s22 =	simm.s32 $0xF600  }
0x232: {  	[tilespmem:s22], [sflag:$0x1] =	stream.indirect_vreg.gather [hbm4b:s7+s4], $0x80, v5, vm0, $0xb8;
	[tilespmem:$0x1D400] =	vst v63  }
0x233: {  	s21 =	simm.s32 $0xFE00  }
0x234: {  	[tilespmem:s21], [sflag:$0x1] =	stream.indirect_vreg.gather [hbm4b:s8+s4], $0x80, v5, vm0, $0xb8;
	[tilespmem:$0x1D400] =	vst v63  }
0x235: {  	s22 =	simm.s32 $0x10600  }
0x236: {  	[tilespmem:s22], [sflag:$0x1] =	stream.indirect_vreg.gather [hbm4b:s9+s4], $0x80, v5, vm0, $0xb8;
	[tilespmem:$0x1D400] =	vst v63  }
0x237: {  	s21 =	simm.s32 $0x10E00  }
0x238: {  	[tilespmem:s21], [sflag:$0x1] =	stream.indirect_vreg.gather [hbm4b:s10+s4], $0x80, v5, vm0, $0xb8;
	[tilespmem:$0x1D400] =	vst v63  }
0x239: {  	s22 =	simm.s32 $0x11600  }
0x23a: {  	[tilespmem:s22], [sflag:$0x1] =	stream.indirect_vreg.gather [hbm4b:s11+s4], $0x80, v5, vm0, $0xb8;
	[tilespmem:$0x1D400] =	vst v63  }
0x23b: {  	s21 =	simm.s32 $0x11E00  }
0x23c: {  	[tilespmem:s21], [sflag:$0x1] =	stream.indirect_vreg.gather [hbm4b:s12+s4], $0x80, v5, vm0, $0xb8;
	[tilespmem:$0x1D400] =	vst v63  }
0x23d: {  	s22 =	simm.s32 $0x12600  }
0x23e: {  	[tilespmem:s22], [sflag:$0x1] =	stream.indirect_vreg.gather [hbm4b:s13+s4], $0x80, v5, vm0, $0xb8;
	[tilespmem:$0x1D400] =	vst v63  }
0x23f: {  	s21 =	simm.s32 $0x12E00  }
0x240: {  	[tilespmem:s21], [sflag:$0x1] =	stream.indirect_vreg.gather [hbm4b:s14+s4], $0x80, v5, vm0, $0xb8;
	[tilespmem:$0x1D400] =	vst v63  }
0x241: {  	s22 =	simm.s32 $0x13600  }
0x242: {  	[tilespmem:s22], [sflag:$0x1] =	stream.indirect_vreg.gather [hbm4b:s15+s4], $0x80, v5, vm0, $0xb8;
	[tilespmem:$0x1D400] =	vst v63  }
0x243: {  	v4 =	vperm.xlane v4, v3;
	s21 =	simm.s32 $0x13E00  }
0x244: {  	[tilespmem:s21], [sflag:$0x1] =	stream.indirect_vreg.gather [hbm4b:s16+s4], $0x80, v5, vm0, $0xb8;
	[tilespmem:$0x1D400] =	vst v63  }
0x245: {  	v4 =	vadd.s32 v2, v4;
	s22 =	simm.s32 $0x14600  }
0x246: {  	[tilespmem:s22], [sflag:$0x1] =	stream.indirect_vreg.gather [hbm4b:s17+s4], $0x80, v5, vm0, $0xb8;
	[tilespmem:$0x1D400] =	vst v63  }
0x247: {  	s21 =	simm.s32 $0x14E00  }
0x248: {  	[tilespmem:s21], [sflag:$0x1] =	stream.indirect_vreg.gather [hbm4b:s18+s4], $0x80, v5, vm0, $0xb8;
	[tilespmem:$0x1D400] =	vst v63  }
0x249: {  	s22 =	simm.s32 $0x15600  }
0x24a: {  	[tilespmem:s22], [sflag:$0x1] =	stream.indirect_vreg.gather [hbm4b:s1+s4], $0x80, v4, vm0, $0xb8;
	[tilespmem:$0x1D400] =	vst v63  }
0x24b: {  	s21 =	simm.s32 $0x15E00  }
0x24c: {  	[tilespmem:s21], [sflag:$0x1] =	stream.indirect_vreg.gather [hbm4b:s6+s4], $0x80, v4, vm0, $0xb8;
	[tilespmem:$0x1D400] =	vst v63  }
0x24d: {  	s22 =	simm.s32 $0x16600  }
0x24e: {  	[tilespmem:s22], [sflag:$0x1] =	stream.indirect_vreg.gather [hbm4b:s7+s4], $0x80, v4, vm0, $0xb8;
	[tilespmem:$0x1D400] =	vst v63  }
0x24f: {  	s21 =	simm.s32 $0x16E00  }
0x250: {  	[tilespmem:s21], [sflag:$0x1] =	stream.indirect_vreg.gather [hbm4b:s8+s4], $0x80, v4, vm0, $0xb8;
	[tilespmem:$0x1D400] =	vst v63  }
0x251: {  	s22 =	simm.s32 $0x17600  }
0x252: {  	[tilespmem:s22], [sflag:$0x1] =	stream.indirect_vreg.gather [hbm4b:s9+s4], $0x80, v4, vm0, $0xb8;
	[tilespmem:$0x1D400] =	vst v63  }
0x253: {  	_ = 	snop  }
0x254: {  	[tilespmem:s23], [sflag:$0x1] =	stream.indirect_vreg.gather [hbm4b:s10+s4], $0x80, v4, vm0, $0xb8;
	[tilespmem:$0x1D400] =	vst v63  }
0x255: {  	_ = 	snop  }
0x256: {  	[tilespmem:s24], [sflag:$0x1] =	stream.indirect_vreg.gather [hbm4b:s11+s4], $0x80, v4, vm0, $0xb8;
	[tilespmem:$0x1D400] =	vst v63  }
0x257: {  	_ = 	snop  }
0x258: {  	[tilespmem:s25], [sflag:$0x1] =	stream.indirect_vreg.gather [hbm4b:s12+s4], $0x80, v4, vm0, $0xb8;
	[tilespmem:$0x1D400] =	vst v63  }
0x259: {  	_ = 	snop  }
0x25a: {  	[tilespmem:s26], [sflag:$0x1] =	stream.indirect_vreg.gather [hbm4b:s13+s4], $0x80, v4, vm0, $0xb8;
	[tilespmem:$0x1D400] =	vst v63  }
0x25b: {  	_ = 	snop  }
0x25c: {  	[tilespmem:s29], [sflag:$0x1] =	stream.indirect_vreg.gather [hbm4b:s14+s4], $0x80, v4, vm0, $0xb8;
	[tilespmem:$0x1D400] =	vst v63  }
0x25d: {  	_ = 	snop  }
0x25e: {  	[tilespmem:s30], [sflag:$0x1] =	stream.indirect_vreg.gather [hbm4b:s15+s4], $0x80, v4, vm0, $0xb8;
	[tilespmem:$0x1D400] =	vst v63  }
0x25f: {  	_ = 	snop  }
0x260: {  	[tilespmem:s31], [sflag:$0x1] =	stream.indirect_vreg.gather [hbm4b:s16+s4], $0x80, v4, vm0, $0xb8;
	[tilespmem:$0x1D400] =	vst v63  }
0x261: {  	_ = 	snop  }
0x262: {  	[tilespmem:s2], [sflag:$0x1] =	stream.indirect_vreg.gather [hbm4b:s17+s4], $0x80, v4, vm0, $0xb8;
	[tilespmem:$0x1D400] =	vst v63  }
0x263: {  	s19 =	sadd.s32 $0x400, s19  }
0x264: {  	[tilespmem:s0], [sflag:$0x1] =	stream.indirect_vreg.gather [hbm4b:s18+s4], $0x80, v4, vm0, $0xb8;
	[tilespmem:$0x1D400] =	vst v63  }
0x265: {  	v4 =	vmov s19;
	_ =	swait.ge [sflag:s3], $0x1C000  }
0x266: {  	[sflag:s3] =	ssyncset.done $0x0  }
0x267: {  	s28 =	simm.s32 $0x0;
	[sflag:s3] =	ssyncadd.s32 $0xFFFE4000  }
.LBB2_19:
0x268: {  	s19 =	sshll.u32 s28, $0x7  }
0x269: {  	s19 =	sand.u32 $0x3FFFFF80, s19  }
0x26a: {  	v15 =	vld [tilespmem:s19+$0x1C600]  }
0x26b: {  	v14 =	vld [tilespmem:s19+$0x1C610]  }
0x26c: {  	v13 =	vld [tilespmem:s19+$0x1C620]  }
0x26d: {  	v12 =	vld [tilespmem:s19+$0x1C630]  }
0x26e: {  	s21 =	sshll.u32 s28, $0xA;
	v11 =	vld [tilespmem:s19+$0x1C640]  }
0x26f: {  	s22 =	sadd.s32 $0x600, s21;
	v10 =	vld [tilespmem:s19+$0x1C650]  }
0x270: {  	v9 =	vld [tilespmem:s19+$0x1C660];
	v5 =	vmov s22  }
0x271: {  	s20 =	simm.s32 $0x0;
	p0 =	por $0x1, $0x1;
	v6 =	vmov s21;
	v8 =	vld [tilespmem:s19+$0x1C670]  }
.LBB2_20:
0x272: {  	s21 =	sshll.u32 s20, $0x4  }
0x273: {  	s22 =	smul.u32 $0xE000, s20;
	s21 =	sand.u32 $0x3FFFFFF0, s21  }
0x274: {  	v7 =	vld.idx.msk [tilespmem:v4+s21+$0x0 ss:$0x1], $0xffff  }
0x275: {  	v16 =	vld.idx.msk [tilespmem:v5+s22+$0x0 ss:$0x1], $0xffff  }
0x276: {  	v17 =	vld.idx.msk [tilespmem:v5+s22+$0x10 ss:$0x1], $0xffff  }
0x277: {  	v18 =	vld.idx.msk [tilespmem:v5+s22+$0x20 ss:$0x1], $0xffff  }
0x278: {  	v19 =	vld.idx.msk [tilespmem:v5+s22+$0x30 ss:$0x1], $0xffff  }
0x279: {  	v20 =	vld.idx.msk [tilespmem:v5+s22+$0x40 ss:$0x1], $0xffff  }
0x27a: {  	v21 =	vld.idx.msk [tilespmem:v5+s22+$0x50 ss:$0x1], $0xffff  }
0x27b: {  	v22 =	vld.idx.msk [tilespmem:v5+s22+$0x60 ss:$0x1], $0xffff  }
0x27c: {  	v23 =	vld.idx.msk [tilespmem:v5+s22+$0x70 ss:$0x1], $0xffff  }
0x27d: {  	v24 =	vld.idx.msk [tilespmem:v5+s22+$0x80 ss:$0x1], $0xffff  }
0x27e: {  	v25 =	vld.idx.msk [tilespmem:v5+s22+$0x90 ss:$0x1], $0xffff  }
0x27f: {  	v26 =	vld.idx.msk [tilespmem:v5+s22+$0xA0 ss:$0x1], $0xffff  }
0x280: {  	v27 =	vld.idx.msk [tilespmem:v5+s22+$0xB0 ss:$0x1], $0xffff  }
0x281: {  	v28 =	vld.idx.msk [tilespmem:v5+s22+$0xC0 ss:$0x1], $0xffff  }
0x282: {  	v29 =	vld.idx.msk [tilespmem:v5+s22+$0xD0 ss:$0x1], $0xffff  }
0x283: {  	v30 =	vld.idx.msk [tilespmem:v5+s22+$0xE0 ss:$0x1], $0xffff  }
0x284: {  	v31 =	vld.idx.msk [tilespmem:v5+s22+$0xF0 ss:$0x1], $0xffff  }
0x285: {  	v32 =	vld.idx.msk [tilespmem:v5+s22+$0x100 ss:$0x1], $0xffff  }
0x286: {  	v33 =	vld.idx.msk [tilespmem:v5+s22+$0x110 ss:$0x1], $0xffff  }
0x287: {  	v34 =	vld.idx.msk [tilespmem:v5+s22+$0x120 ss:$0x1], $0xffff  }
0x288: {  	v35 =	vld.idx.msk [tilespmem:v5+s22+$0x130 ss:$0x1], $0xffff  }
0x289: {  	v36 =	vld.idx.msk [tilespmem:v5+s22+$0x140 ss:$0x1], $0xffff  }
0x28a: {  	v37 =	vld.idx.msk [tilespmem:v5+s22+$0x150 ss:$0x1], $0xffff  }
0x28b: {  	v38 =	vld.idx.msk [tilespmem:v5+s22+$0x160 ss:$0x1], $0xffff  }
0x28c: {  	v39 =	vld.idx.msk [tilespmem:v5+s22+$0x170 ss:$0x1], $0xffff  }
0x28d: {  	v40 =	vld.idx.msk [tilespmem:v5+s22+$0x180 ss:$0x1], $0xffff  }
0x28e: {  	v41 =	vld.idx.msk [tilespmem:v5+s22+$0x190 ss:$0x1], $0xffff  }
0x28f: {  	v42 =	vld.idx.msk [tilespmem:v5+s22+$0x1A0 ss:$0x1], $0xffff  }
0x290: {  	v43 =	vld.idx.msk [tilespmem:v5+s22+$0x1B0 ss:$0x1], $0xffff  }
0x291: {  	v44 =	vld.idx.msk [tilespmem:v5+s22+$0x1C0 ss:$0x1], $0xffff  }
0x292: {  	v45 =	vld.idx.msk [tilespmem:v5+s22+$0x1D0 ss:$0x1], $0xffff  }
0x293: {  	v46 =	vld.idx.msk [tilespmem:v5+s22+$0x1E0 ss:$0x1], $0xffff  }
0x294: {  	v47 =	vld.idx.msk [tilespmem:v5+s22+$0x1F0 ss:$0x1], $0xffff  }
0x295: {  	v48 =	vld.idx.msk [tilespmem:v5+s22+$0x200 ss:$0x1], $0xffff  }
0x296: {  	v49 =	vld.idx.msk [tilespmem:v5+s22+$0x210 ss:$0x1], $0xffff  }
0x297: {  	v50 =	vld.idx.msk [tilespmem:v5+s22+$0x220 ss:$0x1], $0xffff  }
0x298: {  	v51 =	vld.idx.msk [tilespmem:v5+s22+$0x230 ss:$0x1], $0xffff  }
0x299: {  	v52 =	vld.idx.msk [tilespmem:v5+s22+$0x240 ss:$0x1], $0xffff  }
0x29a: {  	v53 =	vld.idx.msk [tilespmem:v5+s22+$0x250 ss:$0x1], $0xffff  }
0x29b: {  	v54 =	vld.idx.msk [tilespmem:v5+s22+$0x260 ss:$0x1], $0xffff  }
0x29c: {  	v55 =	vld.idx.msk [tilespmem:v5+s22+$0x270 ss:$0x1], $0xffff  }
0x29d: {  	v56 =	vld.idx.msk [tilespmem:v5+s22+$0x280 ss:$0x1], $0xffff  }
0x29e: {  	v58 =	vld.idx.msk [tilespmem:v5+s22+$0x290 ss:$0x1], $0xffff;
	v57 =	vbroadcast v7, $0x0  }
0x29f: {  	v59 =	vld.idx.msk [tilespmem:v5+s22+$0x2A0 ss:$0x1], $0xffff  }
0x2a0: {  	v60 =	vld.idx.msk [tilespmem:v5+s22+$0x2B0 ss:$0x1], $0xffff;
	v16 =	vmul.f32 v57, v16  }
0x2a1: {  	v61 =	vld.idx.msk [tilespmem:v5+s22+$0x2C0 ss:$0x1], $0xffff;
	v17 =	vmul.f32 v17, v57;
	v18 =	vmul.f32 v18, v57  }
0x2a2: {  	v63 =	vmul.f32 v20, v57;
	v20 =	vld.idx.msk [tilespmem:v5+s22+$0x2E0 ss:$0x1], $0xffff;
	v15 =	vadd.f32 v16, v15;
	v16 =	vmul.f32 v19, v57  }
0x2a3: {  	v62 =	vmul.f32 v23, v57;
	v23 =	vld.idx.msk [tilespmem:v5+s22+$0x320 ss:$0x1], $0xffff;
	v14 =	vadd.f32 v17, v14;
	v13 =	vadd.f32 v18, v13  }
0x2a4: {  	v17 =	vld.idx.msk [tilespmem:v5+s22+$0x2D0 ss:$0x1], $0xffff;
	v19 =	vbroadcast v7, $0x1;
	v12 =	vadd.f32 v16, v12;
	v16 =	vmul.f32 v21, v57  }
0x2a5: {  	v11 =	vadd.f32 v63, v11;
	v8 =	vadd.f32 v62, v8;
	v18 =	vld.idx.msk [tilespmem:v6+s22+$0x7740 ss:$0x1], $0xffff;
	v21 =	vmul.f32 v22, v57  }
0x2a6: {  	v22 =	vld.idx.msk [tilespmem:v5+s22+$0x2F0 ss:$0x1], $0xffff;
	v63 =	vmul.f32 v24, v19;
	v10 =	vadd.f32 v16, v10;
	v16 =	vmul.f32 v25, v19  }
0x2a7: {  	v24 =	vld.idx.msk [tilespmem:v5+s22+$0x300 ss:$0x1], $0xffff;
	v57 =	vmul.f32 v26, v19;
	v62 =	vmul.f32 v28, v19;
	v9 =	vadd.f32 v21, v9  }
0x2a8: {  	v26 =	vld.idx.msk [tilespmem:v5+s22+$0x330 ss:$0x1], $0xffff;
	v15 =	vadd.f32 v63, v15;
	v14 =	vadd.f32 v16, v14;
	v16 =	vmul.f32 v27, v19  }
0x2a9: {  	v28 =	vld.idx.msk [tilespmem:v5+s22+$0x340 ss:$0x1], $0xffff;
	v13 =	vadd.f32 v57, v13;
	v63 =	vmul.f32 v29, v19;
	v57 =	vbroadcast v7, $0x2  }
0x2aa: {  	v21 =	vld.idx.msk [tilespmem:v5+s22+$0x310 ss:$0x1], $0xffff;
	v11 =	vadd.f32 v62, v11;
	v12 =	vadd.f32 v16, v12;
	v16 =	vmul.f32 v30, v19  }
0x2ab: {  	v25 =	vld.idx.msk [tilespmem:v5+s22+$0x350 ss:$0x1], $0xffff;
	v62 =	vmul.f32 v31, v19;
	v10 =	vadd.f32 v63, v10;
	v63 =	vmul.f32 v32, v57  }
0x2ac: {  	v29 =	vld.idx.msk [tilespmem:v5+s22+$0x360 ss:$0x1], $0xffff;
	v34 =	vmul.f32 v34, v57;
	v9 =	vadd.f32 v16, v9;
	v16 =	vmul.f32 v33, v57  }
0x2ad: {  	v31 =	vld.idx.msk [tilespmem:v5+s22+$0x370 ss:$0x1], $0xffff;
	v8 =	vadd.f32 v62, v8;
	v35 =	vmul.f32 v35, v57;
	v37 =	vmul.f32 v37, v57  }
0x2ae: {  	v27 =	vmul.f32 v39, v57;
	v39 =	vld.idx.msk [tilespmem:v6+s22+$0x7620 ss:$0x1], $0xffff;
	v14 =	vadd.f32 v16, v14;
	v16 =	vmul.f32 v36, v57  }
0x2af: {  	v32 =	vbroadcast v7, $0x3;
	v15 =	vadd.f32 v63, v15;
	v19 =	vld.idx.msk [tilespmem:v5+s22+$0x380 ss:$0x1], $0xffff;
	v13 =	vadd.f32 v34, v13  }
0x2b0: {  	v30 =	vld.idx.msk [tilespmem:v5+s22+$0x390 ss:$0x1], $0xffff;
	v10 =	vadd.f32 v37, v10;
	v11 =	vadd.f32 v16, v11;
	v16 =	vmul.f32 v38, v57  }
0x2b1: {  	v34 =	vld.idx.msk [tilespmem:v5+s22+$0x3B0 ss:$0x1], $0xffff;
	v40 =	vmul.f32 v40, v32;
	v8 =	vadd.f32 v27, v8;
	v62 =	vmul.f32 v43, v32  }
0x2b2: {  	v27 =	vld.idx.msk [tilespmem:v5+s22+$0x3D0 ss:$0x1], $0xffff;
	v63 =	vbroadcast v7, $0x4;
	v9 =	vadd.f32 v16, v9;
	v16 =	vmul.f32 v42, v32  }
0x2b3: {  	v45 =	vmul.f32 v45, v32;
	v46 =	vmul.f32 v46, v32;
	v43 =	vld.idx.msk [tilespmem:v6+s22+$0x7640 ss:$0x1], $0xffff;
	v12 =	vadd.f32 v35, v12  }
0x2b4: {  	v37 =	vld.idx.msk [tilespmem:v6+s22+$0x7690 ss:$0x1], $0xffff;
	v15 =	vadd.f32 v40, v15;
	v13 =	vadd.f32 v16, v13;
	v16 =	vmul.f32 v44, v32  }
0x2b5: {  	v33 =	vld.idx.msk [tilespmem:v5+s22+$0x3A0 ss:$0x1], $0xffff;
	v48 =	vmul.f32 v48, v63;
	v10 =	vadd.f32 v45, v10;
	v49 =	vmul.f32 v49, v63  }
0x2b6: {  	v35 =	vld.idx.msk [tilespmem:v5+s22+$0x3E0 ss:$0x1], $0xffff;
	v51 =	vmul.f32 v51, v63;
	v11 =	vadd.f32 v16, v11;
	v16 =	vmul.f32 v47, v32  }
0x2b7: {  	v40 =	vld.idx.msk [tilespmem:v6+s22+$0x7600 ss:$0x1], $0xffff;
	v52 =	vmul.f32 v52, v63;
	v12 =	vadd.f32 v62, v12;
	v57 =	vmul.f32 v41, v32  }
0x2b8: {  	v45 =	vld.idx.msk [tilespmem:v6+s22+$0x7650 ss:$0x1], $0xffff;
	v15 =	vadd.f32 v48, v15;
	v8 =	vadd.f32 v16, v8;
	v16 =	vmul.f32 v50, v63  }
0x2b9: {  	v54 =	vmul.f32 v54, v63;
	v36 =	vld.idx.msk [tilespmem:v5+s22+$0x3C0 ss:$0x1], $0xffff;
	v12 =	vadd.f32 v51, v12;
	v14 =	vadd.f32 v57, v14  }
0x2ba: {  	v48 =	vld.idx.msk [tilespmem:v6+s22+$0x7680 ss:$0x1], $0xffff;
	v44 =	vbroadcast v7, $0x7;
	v13 =	vadd.f32 v16, v13;
	v16 =	vmul.f32 v53, v63  }
0x2bb: {  	v38 =	vld.idx.msk [tilespmem:v5+s22+$0x3F0 ss:$0x1], $0xffff;
	v9 =	vadd.f32 v46, v9;
	v14 =	vadd.f32 v49, v14;
	v53 =	vbroadcast v7, $0x5  }
0x2bc: {  	v41 =	vld.idx.msk [tilespmem:v6+s22+$0x7610 ss:$0x1], $0xffff;
	v51 =	vmul.f32 v19, v44;
	v10 =	vadd.f32 v16, v10;
	v16 =	vmul.f32 v55, v63  }
0x2bd: {  	v42 =	vld.idx.msk [tilespmem:v6+s22+$0x7660 ss:$0x1], $0xffff;
	v9 =	vadd.f32 v54, v9;
	v56 =	vmul.f32 v56, v53;
	v57 =	vmul.f32 v58, v53  }
0x2be: {  	v46 =	vld.idx.msk [tilespmem:v6+s22+$0x7670 ss:$0x1], $0xffff;
	v58 =	vmul.f32 v59, v53;
	v8 =	vadd.f32 v16, v8;
	v16 =	vmul.f32 v60, v53  }
0x2bf: {  	v49 =	vld.idx.msk [tilespmem:v6+s22+$0x76B0 ss:$0x1], $0xffff;
	v11 =	vadd.f32 v52, v11;
	v59 =	vmul.f32 v61, v53;
	v61 =	vmul.f32 v22, v53  }
0x2c0: {  	v32 =	vld.idx.msk [tilespmem:v6+s22+$0x7630 ss:$0x1], $0xffff;
	v12 =	vadd.f32 v16, v12;
	v16 =	vmul.f32 v17, v53;
	v17 =	vbroadcast v7, $0x6  }
0x2c1: {  	v47 =	vld.idx.msk [tilespmem:v6+s22+$0x76A0 ss:$0x1], $0xffff;
	v55 =	vbroadcast v7, $0x8;
	v15 =	vadd.f32 v56, v15;
	v14 =	vadd.f32 v57, v14  }
0x2c2: {  	v54 =	vld.idx.msk [tilespmem:v6+s22+$0x7750 ss:$0x1], $0xffff;
	v13 =	vadd.f32 v58, v13;
	v10 =	vadd.f32 v16, v10;
	v16 =	vmul.f32 v24, v17  }
0x2c3: {  	v52 =	vld.idx.msk [tilespmem:v6+s22+$0x7720 ss:$0x1], $0xffff;
	v11 =	vadd.f32 v59, v11;
	v60 =	vmul.f32 v20, v53;
	v56 =	vmul.f32 v40, v55  }
0x2c4: {  	v22 =	vld.idx.msk [tilespmem:v6+s22+$0x76C0 ss:$0x1], $0xffff;
	v58 =	vmul.f32 v39, v55;
	v15 =	vadd.f32 v16, v15;
	v16 =	vmul.f32 v26, v17  }
0x2c5: {  	v20 =	vld.idx.msk [tilespmem:v6+s22+$0x76E0 ss:$0x1], $0xffff;
	v9 =	vadd.f32 v60, v9;
	v21 =	vmul.f32 v21, v17;
	v62 =	vmul.f32 v23, v17  }
0x2c6: {  	v57 =	vld.idx.msk [tilespmem:v6+s22+$0x7780 ss:$0x1], $0xffff;
	v63 =	vmul.f32 v28, v17;
	v12 =	vadd.f32 v16, v12;
	v16 =	vmul.f32 v25, v17  }
0x2c7: {  	v59 =	vld.idx.msk [tilespmem:v6+s22+$0x77A0 ss:$0x1], $0xffff;
	v8 =	vadd.f32 v61, v8;
	v50 =	vmul.f32 v29, v17;
	v17 =	vmul.f32 v31, v17  }
0x2c8: {  	v39 =	vld.idx.msk [tilespmem:v6+s22+$0x77E0 ss:$0x1], $0xffff;
	v14 =	vadd.f32 v21, v14;
	v10 =	vadd.f32 v16, v10;
	v16 =	vmul.f32 v30, v44  }
0x2c9: {  	v40 =	vld.idx.msk [tilespmem:v6+s22+$0x7900 ss:$0x1], $0xffff;
	v13 =	vadd.f32 v62, v13;
	v8 =	vadd.f32 v17, v8;
	v17 =	vmul.f32 v33, v44  }
0x2ca: {  	v53 =	vmul.f32 v36, v44;
	v60 =	vld.idx.msk [tilespmem:v6+s22+$0x77B0 ss:$0x1], $0xffff;
	v14 =	vadd.f32 v16, v14;
	v16 =	vmul.f32 v34, v44  }
0x2cb: {  	v61 =	vbroadcast v7, $0x9;
	v36 =	vld.idx.msk [tilespmem:v6+s22+$0x78E0 ss:$0x1], $0xffff;
	v13 =	vadd.f32 v17, v13;
	v17 =	vmul.f32 v27, v44  }
0x2cc: {  	v24 =	vld.idx.msk [tilespmem:v6+s22+$0x76D0 ss:$0x1], $0xffff;
	v9 =	vadd.f32 v50, v9;
	v12 =	vadd.f32 v16, v12;
	v16 =	vmul.f32 v35, v44  }
0x2cd: {  	v28 =	vld.idx.msk [tilespmem:v6+s22+$0x7710 ss:$0x1], $0xffff;
	v37 =	vmul.f32 v37, v61;
	v10 =	vadd.f32 v17, v10;
	v17 =	vmul.f32 v38, v44  }
0x2ce: {  	v29 =	vld.idx.msk [tilespmem:v6+s22+$0x7770 ss:$0x1], $0xffff;
	v11 =	vadd.f32 v63, v11;
	v9 =	vadd.f32 v16, v9;
	v16 =	vmul.f32 v41, v55  }
0x2cf: {  	v21 =	vld.idx.msk [tilespmem:v6+s22+$0x76F0 ss:$0x1], $0xffff;
	v15 =	vadd.f32 v51, v15;
	v8 =	vadd.f32 v17, v8;
	v17 =	vmul.f32 v32, v55  }
0x2d0: {  	v26 =	vld.idx.msk [tilespmem:v6+s22+$0x7700 ss:$0x1], $0xffff;
	v11 =	vadd.f32 v53, v11;
	v14 =	vadd.f32 v16, v14;
	v16 =	vmul.f32 v43, v55  }
0x2d1: {  	v62 =	vld.idx.msk [tilespmem:v6+s22+$0x77C0 ss:$0x1], $0xffff;
	v15 =	vadd.f32 v56, v15;
	v12 =	vadd.f32 v17, v12;
	v17 =	vmul.f32 v45, v55  }
0x2d2: {  	v63 =	vld.idx.msk [tilespmem:v6+s22+$0x77D0 ss:$0x1], $0xffff;
	v27 =	vmul.f32 v46, v55;
	v11 =	vadd.f32 v16, v11;
	v16 =	vmul.f32 v42, v55  }
0x2d3: {  	v50 =	vld.idx.msk [tilespmem:v6+s22+$0x7830 ss:$0x1], $0xffff;
	v46 =	vbroadcast v7, $0xA;
	v10 =	vadd.f32 v17, v10;
	v17 =	vmul.f32 v48, v61  }
0x2d4: {  	v25 =	vld.idx.msk [tilespmem:v6+s22+$0x7730 ss:$0x1], $0xffff;
	v13 =	vadd.f32 v58, v13;
	v9 =	vadd.f32 v16, v9;
	v16 =	vmul.f32 v47, v61  }
0x2d5: {  	v20 =	vmul.f32 v20, v61;
	v31 =	vld.idx.msk [tilespmem:v6+s22+$0x7760 ss:$0x1], $0xffff;
	v15 =	vadd.f32 v17, v15;
	v17 =	vmul.f32 v49, v61  }
0x2d6: {  	v51 =	vld.idx.msk [tilespmem:v6+s22+$0x7840 ss:$0x1], $0xffff;
	v18 =	vmul.f32 v18, v46;
	v13 =	vadd.f32 v16, v13;
	v16 =	vmul.f32 v22, v61  }
0x2d7: {  	v53 =	vld.idx.msk [tilespmem:v6+s22+$0x7860 ss:$0x1], $0xffff;
	v8 =	vadd.f32 v27, v8;
	v12 =	vadd.f32 v17, v12;
	v17 =	vmul.f32 v24, v61  }
0x2d8: {  	v56 =	vld.idx.msk [tilespmem:v6+s22+$0x7880 ss:$0x1], $0xffff;
	v14 =	vadd.f32 v37, v14;
	v11 =	vadd.f32 v16, v11;
	v16 =	vmul.f32 v21, v61  }
0x2d9: {  	v35 =	vld.idx.msk [tilespmem:v6+s22+$0x7790 ss:$0x1], $0xffff;
	v42 =	vbroadcast v7, $0xD;
	v10 =	vadd.f32 v17, v10;
	v17 =	vmul.f32 v28, v46  }
0x2da: {  	v44 =	vld.idx.msk [tilespmem:v6+s22+$0x77F0 ss:$0x1], $0xffff;
	v49 =	vmul.f32 v26, v46;
	v8 =	vadd.f32 v16, v8;
	v16 =	vmul.f32 v52, v46  }
0x2db: {  	v9 =	vadd.f32 v20, v9;
	v61 =	vld.idx.msk [tilespmem:v6+s22+$0x78C0 ss:$0x1], $0xffff;
	v14 =	vadd.f32 v17, v14;
	v17 =	vmul.f32 v25, v46  }
0x2dc: {  	v58 =	vld.idx.msk [tilespmem:v6+s22+$0x7890 ss:$0x1], $0xffff;
	v15 =	vadd.f32 v49, v15;
	v13 =	vadd.f32 v16, v13;
	v16 =	vmul.f32 v54, v46  }
0x2dd: {  	v41 =	vld.idx.msk [tilespmem:v6+s22+$0x7910 ss:$0x1], $0xffff;
	v54 =	vbroadcast v7, $0xB;
	v12 =	vadd.f32 v17, v12;
	v17 =	vmul.f32 v31, v46  }
0x2de: {  	v45 =	vld.idx.msk [tilespmem:v6+s22+$0x7800 ss:$0x1], $0xffff;
	v11 =	vadd.f32 v18, v11;
	v10 =	vadd.f32 v16, v10;
	v16 =	vmul.f32 v29, v46  }
0x2df: {  	v43 =	vld.idx.msk [tilespmem:v6+s22+$0x7920 ss:$0x1], $0xffff;
	v18 =	vmul.f32 v56, v42;
	v9 =	vadd.f32 v17, v9;
	v17 =	vmul.f32 v35, v54  }
0x2e0: {  	v48 =	vld.idx.msk [tilespmem:v6+s22+$0x7820 ss:$0x1], $0xffff;
	v49 =	vmul.f32 v61, v42;
	v8 =	vadd.f32 v16, v8;
	v16 =	vmul.f32 v60, v54  }
0x2e1: {  	v55 =	vld.idx.msk [tilespmem:v6+s22+$0x7870 ss:$0x1], $0xffff;
	v57 =	vmul.f32 v57, v54;
	v14 =	vadd.f32 v17, v14;
	v17 =	vmul.f32 v62, v54  }
0x2e2: {  	v47 =	vld.idx.msk [tilespmem:v6+s22+$0x7810 ss:$0x1], $0xffff;
	v62 =	vbroadcast v7, $0xC;
	v12 =	vadd.f32 v16, v12;
	v16 =	vmul.f32 v63, v54  }
0x2e3: {  	v52 =	vld.idx.msk [tilespmem:v6+s22+$0x7850 ss:$0x1], $0xffff;
	v23 =	vmul.f32 v59, v54;
	v11 =	vadd.f32 v17, v11;
	v17 =	vmul.f32 v39, v54  }
0x2e4: {  	v59 =	vld.idx.msk [tilespmem:v6+s22+$0x78A0 ss:$0x1], $0xffff;
	v15 =	vadd.f32 v57, v15;
	v10 =	vadd.f32 v16, v10;
	v16 =	vmul.f32 v45, v62  }
0x2e5: {  	v46 =	vld.idx.msk [tilespmem:v6+s22+$0x7940 ss:$0x1], $0xffff;
	v13 =	vadd.f32 v23, v13;
	v9 =	vadd.f32 v17, v9;
	v17 =	vmul.f32 v48, v62  }
0x2e6: {  	v25 =	vmul.f32 v44, v54;
	v60 =	vld.idx.msk [tilespmem:v6+s22+$0x78B0 ss:$0x1], $0xffff;
	v15 =	vadd.f32 v16, v15;
	v16 =	vmul.f32 v50, v62  }
0x2e7: {  	v57 =	vld.idx.msk [tilespmem:v6+s22+$0x79B0 ss:$0x1], $0xffff;
	v38 =	vmul.f32 v47, v62;
	v13 =	vadd.f32 v17, v13;
	v17 =	vmul.f32 v51, v62  }
0x2e8: {  	v63 =	vld.idx.msk [tilespmem:v6+s22+$0x78D0 ss:$0x1], $0xffff;
	v8 =	vadd.f32 v25, v8;
	v12 =	vadd.f32 v16, v12;
	v16 =	vmul.f32 v52, v62  }
0x2e9: {  	v39 =	vld.idx.msk [tilespmem:v6+s22+$0x78F0 ss:$0x1], $0xffff;
	v44 =	vmul.f32 v53, v62;
	v11 =	vadd.f32 v17, v11;
	v17 =	vmul.f32 v55, v62  }
0x2ea: {  	v47 =	vld.idx.msk [tilespmem:v6+s22+$0x7950 ss:$0x1], $0xffff;
	v14 =	vadd.f32 v38, v14;
	v10 =	vadd.f32 v16, v10;
	v16 =	vmul.f32 v58, v42  }
0x2eb: {  	v53 =	vld.idx.msk [tilespmem:v6+s22+$0x7990 ss:$0x1], $0xffff;
	v9 =	vadd.f32 v44, v9;
	v8 =	vadd.f32 v17, v8;
	v17 =	vmul.f32 v59, v42  }
0x2ec: {  	v45 =	vld.idx.msk [tilespmem:v6+s22+$0x7930 ss:$0x1], $0xffff;
	v51 =	vbroadcast v7, $0xE;
	v14 =	vadd.f32 v16, v14;
	v16 =	vmul.f32 v60, v42  }
0x2ed: {  	v48 =	vld.idx.msk [tilespmem:v6+s22+$0x7960 ss:$0x1], $0xffff;
	v7 =	vbroadcast v7, $0xF;
	v13 =	vadd.f32 v17, v13;
	v17 =	vmul.f32 v63, v42  }
0x2ee: {  	v50 =	vld.idx.msk [tilespmem:v6+s22+$0x7970 ss:$0x1], $0xffff;
	v15 =	vadd.f32 v18, v15;
	v12 =	vadd.f32 v16, v12;
	v16 =	vmul.f32 v36, v42  }
0x2ef: {  	v52 =	vld.idx.msk [tilespmem:v6+s22+$0x7980 ss:$0x1], $0xffff;
	v54 =	vmul.f32 v40, v51;
	v10 =	vadd.f32 v17, v10;
	v17 =	vmul.f32 v39, v42  }
0x2f0: {  	v55 =	vld.idx.msk [tilespmem:v6+s22+$0x79A0 ss:$0x1], $0xffff;
	v56 =	vmul.f32 v43, v51;
	v9 =	vadd.f32 v16, v9;
	v16 =	vmul.f32 v41, v51  }
0x2f1: {  	v22 =	vmul.f32 v53, v7;
	v59 =	vld.idx.msk [tilespmem:v6+s22+$0x79D0 ss:$0x1], $0xffff;
	v8 =	vadd.f32 v17, v8;
	v17 =	vmul.f32 v45, v51  }
0x2f2: {  	v62 =	vld.idx.msk [tilespmem:v6+s22+$0x79F0 ss:$0x1], $0xffff;
	v11 =	vadd.f32 v49, v11;
	v14 =	vadd.f32 v16, v14;
	v16 =	vmul.f32 v46, v51  }
0x2f3: {  	v15 =	vadd.f32 v54, v15;
	v58 =	vld.idx.msk [tilespmem:v6+s22+$0x79C0 ss:$0x1], $0xffff;
	v12 =	vadd.f32 v17, v12;
	v17 =	vmul.f32 v47, v51  }
0x2f4: {  	v61 =	vmul.f32 v50, v51;
	v60 =	vld.idx.msk [tilespmem:v6+s22+$0x79E0 ss:$0x1], $0xffff;
	v11 =	vadd.f32 v16, v11;
	v16 =	vmul.f32 v48, v51  }
0x2f5: {  	v13 =	vadd.f32 v56, v13;
	v10 =	vadd.f32 v17, v10;
	v17 =	vmul.f32 v52, v7  }
0x2f6: {  	p1 =	por p0, p0;
	v63 =	vmul.f32 v59, v7;
	v9 =	vadd.f32 v16, v9;
	v16 =	vmul.f32 v55, v7  }
.Ltmp8:
0x2f7: {  	v8 =	vadd.f32 v61, v8;
	v15 =	vadd.f32 v17, v15;
	v17 =	vmul.f32 v57, v7;
	(pc) =	sbr.rel @p1 .LBB2_20-.Ltmp8, $4  }
0x2f8: {  	v14 =	vadd.f32 v22, v14;
	v13 =	vadd.f32 v16, v13;
	v16 =	vmul.f32 v58, v7  }
0x2f9: {  	v12 =	vadd.f32 v17, v12;
	v17 =	vmul.f32 v60, v7;
	v7 =	vmul.f32 v62, v7  }
0x2fa: {  	v10 =	vadd.f32 v63, v10;
	v11 =	vadd.f32 v16, v11  }
0x2fb: {  	s20 =	simm.s32 $0x1;
	p0 =	por $0x0, $0x0;
	v9 =	vadd.f32 v17, v9;
	v8 =	vadd.f32 v7, v8  }
0x2fc: {  	[tilespmem:s19+$0x1C600] =	vst v15  }
0x2fd: {  	[tilespmem:s19+$0x1C610] =	vst v14;
	s28 =	sadd.s32 $0x1, s28  }
0x2fe: {  	[tilespmem:s19+$0x1C620] =	vst v13;
	p0 =	sne.s32 s28, $0x1C  }
.Ltmp9:
0x2ff: {  	[tilespmem:s19+$0x1C630] =	vst v12;
	(pc) =	sbr.rel @p0 .LBB2_19-.Ltmp9, $4  }
0x300: {  	[tilespmem:s19+$0x1C640] =	vst v11  }
0x301: {  	[tilespmem:s19+$0x1C650] =	vst v10  }
0x302: {  	[tilespmem:s19+$0x1C660] =	vst v9  }
0x303: {  	[tilespmem:s19+$0x1C670] =	vst v8  }
0x304: {  	s5 =	sadd.s32 $0x1, s5  }
0x305: {  	p0 =	sne.s32 s5, $0x10  }
.Ltmp10:
0x306: {  	_ = 	snop;
	(pc) =	sbr.rel @p0 .LBB2_18-.Ltmp10, $1  }
0x307: {  	_ =	sdelay $0x3  }
0x308: {  	v4 =	vld [tilespmem:$0x400];
	_ =	sdelay $0x1  }
0x309: {  	v5 =	vld [tilespmem:$0x410];
	_ =	sdelay $0x1  }
0x30a: {  	v6 =	vld [tilespmem:$0x420]  }
0x30b: {  	v4 =	vadd.f32 $0.0e+00, v4  }
0x30c: {  	v7 =	vld [tilespmem:$0x430]  }
0x30d: {  	v4 =	vadd.f32 v5, v4  }
0x30e: {  	v5 =	vld [tilespmem:$0x440]  }
0x30f: {  	v4 =	vadd.f32 v6, v4  }
0x310: {  	v6 =	vld [tilespmem:$0x450]  }
0x311: {  	v4 =	vadd.f32 v7, v4  }
0x312: {  	v7 =	vld [tilespmem:$0x460]  }
0x313: {  	v4 =	vadd.f32 v5, v4  }
0x314: {  	v5 =	vld [tilespmem:$0x470]  }
0x315: {  	v4 =	vadd.f32 v6, v4  }
0x316: {  	v6 =	vld [tilespmem:$0x480]  }
0x317: {  	v4 =	vadd.f32 v7, v4  }
0x318: {  	v7 =	vld [tilespmem:$0x490]  }
0x319: {  	v4 =	vadd.f32 v5, v4  }
0x31a: {  	v5 =	vld [tilespmem:$0x4A0]  }
0x31b: {  	v4 =	vadd.f32 v6, v4  }
0x31c: {  	v6 =	vld [tilespmem:$0x4B0]  }
0x31d: {  	v4 =	vadd.f32 v7, v4  }
0x31e: {  	v7 =	vld [tilespmem:$0x4C0]  }
0x31f: {  	v4 =	vadd.f32 v5, v4  }
0x320: {  	v5 =	vld [tilespmem:$0x4D0]  }
0x321: {  	v4 =	vadd.f32 v6, v4  }
0x322: {  	v6 =	vld [tilespmem:$0x4E0]  }
0x323: {  	v4 =	vadd.f32 v7, v4  }
0x324: {  	v7 =	vld [tilespmem:$0x4F0]  }
0x325: {  	v4 =	vadd.f32 v5, v4  }
0x326: {  	v5 =	vld [tilespmem:$0x500]  }
0x327: {  	v4 =	vadd.f32 v6, v4  }
0x328: {  	v6 =	vld [tilespmem:$0x510]  }
0x329: {  	v4 =	vadd.f32 v7, v4  }
0x32a: {  	v7 =	vld [tilespmem:$0x520]  }
0x32b: {  	v4 =	vadd.f32 v5, v4  }
0x32c: {  	v5 =	vld [tilespmem:$0x530]  }
0x32d: {  	v4 =	vadd.f32 v6, v4  }
0x32e: {  	v6 =	vld [tilespmem:$0x540]  }
0x32f: {  	v4 =	vadd.f32 v7, v4  }
0x330: {  	v7 =	vld [tilespmem:$0x550]  }
0x331: {  	v4 =	vadd.f32 v5, v4  }
0x332: {  	v5 =	vld [tilespmem:$0x560]  }
0x333: {  	v4 =	vadd.f32 v6, v4  }
0x334: {  	v6 =	vld [tilespmem:$0x570]  }
0x335: {  	v4 =	vadd.f32 v7, v4  }
0x336: {  	v7 =	vld [tilespmem:$0x580]  }
0x337: {  	v4 =	vadd.f32 v5, v4  }
0x338: {  	v5 =	vld [tilespmem:$0x590]  }
0x339: {  	v4 =	vadd.f32 v6, v4  }
0x33a: {  	v6 =	vld [tilespmem:$0x5A0]  }
0x33b: {  	v4 =	vadd.f32 v7, v4  }
0x33c: {  	v7 =	vld [tilespmem:$0x5B0]  }
0x33d: {  	v4 =	vadd.f32 v5, v4  }
0x33e: {  	v5 =	vld [tilespmem:$0x5C0]  }
0x33f: {  	v4 =	vadd.f32 v6, v4  }
0x340: {  	v6 =	vld [tilespmem:$0x5D0]  }
0x341: {  	v4 =	vadd.f32 v7, v4  }
0x342: {  	v7 =	vld [tilespmem:$0x5E0]  }
0x343: {  	v4 =	vadd.f32 v5, v4  }
0x344: {  	v5 =	vld [tilespmem:$0x5F0]  }
0x345: {  	v4 =	vadd.f32 v6, v4;
	_ =	sdelay $0x1  }
0x346: {  	v4 =	vadd.f32 v7, v4;
	_ =	sdelay $0x1  }
0x347: {  	v4 =	vadd.f32 v5, v4;
	_ =	sdelay $0x1  }
0x348: {  	(v2sf) =	vpush v4, $0x0  }
0x349: {  	(v2sf) =	vpush v4, $0x1;
	_ =	sdelay $0x1  }
0x34a: {  	(v2sf) =	vpush v4, $0x2;
	_ =	sdelay $0x1  }
0x34b: {  	(v2sf) =	vpush v4, $0x3;
	_ =	sdelay $0x1  }
0x34c: {  	(v2sf) =	vpush v4, $0x4;
	_ =	sdelay $0x1  }
0x34d: {  	(v2sf) =	vpush v4, $0x5;
	_ =	sdelay $0x1  }
0x34e: {  	(v2sf) =	vpush v4, $0x6;
	_ =	sdelay $0x1  }
0x34f: {  	(v2sf) =	vpush v4, $0x7;
	_ =	sdelay $0x1  }
0x350: {  	s4 =	spop (v2sf);
	(v2sf) =	vpush v4, $0x8  }
0x351: {  	s5 =	spop (v2sf)  }
0x352: {  	(v2sf) =	vpush v4, $0x9;
	s4 =	sadd.f32 s5, s4  }
0x353: {  	s20 =	spop (v2sf)  }
0x354: {  	(v2sf) =	vpush v4, $0xA;
	s4 =	sadd.f32 s4, s20  }
0x355: {  	s21 =	spop (v2sf)  }
0x356: {  	(v2sf) =	vpush v4, $0xB;
	s4 =	sadd.f32 s4, s21  }
0x357: {  	s22 =	spop (v2sf)  }
0x358: {  	(v2sf) =	vpush v4, $0xC;
	s4 =	sadd.f32 s4, s22  }
0x359: {  	s28 =	spop (v2sf)  }
0x35a: {  	(v2sf) =	vpush v4, $0xD;
	s4 =	sadd.f32 s4, s28  }
0x35b: {  	s19 =	spop (v2sf)  }
0x35c: {  	(v2sf) =	vpush v4, $0xE;
	s4 =	sadd.f32 s4, s19  }
0x35d: {  	s20 =	spop (v2sf)  }
0x35e: {  	(v2sf) =	vpush v4, $0xF;
	s4 =	sadd.f32 s4, s20  }
0x35f: {  	s21 =	spop (v2sf)  }
0x360: {  	s4 =	sadd.f32 s4, s21  }
0x361: {  	s22 =	spop (v2sf)  }
0x362: {  	s4 =	sadd.f32 s4, s22  }
0x363: {  	s28 =	spop (v2sf)  }
0x364: {  	s4 =	sadd.f32 s4, s28  }
0x365: {  	s19 =	spop (v2sf)  }
0x366: {  	s4 =	sadd.f32 s4, s19  }
0x367: {  	s20 =	spop (v2sf)  }
0x368: {  	s4 =	sadd.f32 s4, s20  }
0x369: {  	s21 =	spop (v2sf)  }
0x36a: {  	s4 =	sadd.f32 s4, s21  }
0x36b: {  	s22 =	spop (v2sf)  }
0x36c: {  	s4 =	sadd.f32 s4, s22  }
0x36d: {  	s28 =	spop (v2sf)  }
0x36e: {  	s4 =	sadd.f32 s4, s28;
	_ =	sdelay $0x1  }
0x36f: {  	s4 =	smax.f32 s4, $9.999999710e-10  }
0x370: {  	v4 =	vmov s4  }
0x371: {  	(erf) = vrcp.f32 v4;
	_ =	sdelay $0x8  }
0x372: {  	s5 =	simm.s32 $0x40;
	s4 =	simm.s32 $0x0;
	v4 =	vpop (erf)  }
.LBB2_24:
0x373: {  	p0 =	sne.s32 s5, $0x37C0;
	v5 =	vld [tilespmem:s4+$0x1C600];
	_ =	sdelay $0x2  }
.Ltmp11:
0x374: {  	(pc) =	sbr.rel @p0 .LBB2_24-.Ltmp11, $3  }
0x375: {  	_ = 	snop  }
0x376: {  	v5 =	vmul.f32 v5, v4;
	_ =	sdelay $0x1  }
0x377: {  	[tilespmem:s4+$0x1C600] =	vst v5;
	s4 =	sshra.s32 s5, $0x2;
	s5 =	sadd.s32 $0x40, s5  }
0x378: {  	v5 =	vld [tilespmem:s4+$0x1C600];
	_ =	sdelay $0x4  }
0x379: {  	v4 =	vmul.f32 v5, v4  }
0x37a: {  	s19 =	rddreg [dreg:$0xa]  }
0x37b: {  	s21 =	simm.s32 $0x80;
	s22 =	simm.s32 $0x400;
	s5 =	simm.s32 $0x1C600;
	[tilespmem:s4+$0x1C600] =	vst v4  }
0x37c: {  	[hbm4b:s19+s21] =	stream.strided.scatter [tilespmem:s5], [sflag:$0x2], $0xE00, s22, s21, $0x38;
	[tilespmem:$0x1D400] =	vst v63  }
0x37d: {  	s19 =	simm.s32 $0x2  }
0x37e: {  	_ =	swait.ge [sflag:s19], $0xE00  }
0x37f: {  	s20 =	rddreg [dreg:$0xc]  }
0x380: {  	s28 =	rddreg [dreg:$0xb];
	s5 =	sadd.s32 $0x1, s20  }
0x381: {  	p0 =	sne.s32 s5, s28  }
.Ltmp12:
0x382: {  	_ = 	snop;
	(pc) =	sbr.rel @p0 .LBB2_1-.Ltmp12, $3  }
0x383: {  	_ =	sdelay $0x1  }
0x384: {  	[sflag:s19] =	ssyncset.done $0x0  }
0x385: {  	[sflag:s19] =	ssyncadd.s32 $0xFFFFF200  }
0x386: {  	_ =	sfence.sel $0x180000  }
0x387: {  	[bflag:$0x0] =	sbarrier.arrive $0xFFFF  }
0x388: {  	_ =	strace $0x90000047  }
0x389: {  	s0 =	stileid.u32;
	[bflag:$0x2] =	sbarrier.arrive $0xFFFF  }
0x38a: {  	p0 =	sne.s32 s0, $0x0;
	s0 =	rddreg [dreg:$0x4]  }
0x38b: {  	s0 =	sadd.s32 @!p0 $0x100000, s0  }
0x38c: {  	[sflag:s0] =	ssyncadd.tile.s32 @!p0 $0x1;
	_ =	shalt  }
.Lfunc_end2:
_tile_overlayer_lowered:
.L_overlay_start_2:
0x38d: {  	(tag) =	ssettag $0x2  }
0x38e: {  	s0 =	rddreg [dreg:$0x0];
	s2 =	stileid.u32  }
0x38f: {  	s1 =	rddreg [dreg:$0x1];
	p0 =	sne.s32 s2, $0x0  }
0x390: {  	s3 =	rddreg [dreg:$0x2];
	[bflag:$0x3] =	sbarrier.arrive $0xFFFF;
	s2 =	simm.s32 @!p0 $0x1C02  }
0x391: {  	[timem:s3], [sflag:s2] =	dma.local @!p0 [hbm:s0], s1  }
0x392: {  	s0 =	simm.s32 @!p0 $0x2  }
0x393: {  	_ =	swait.ge @!p0 [sflag:s0], s1  }
0x394: {  	s1 =	ssub.s32 @!p0 $0x0, s1;
	[sflag:s0] =	ssyncset.done @!p0 $0x0  }
0x395: {  	[sflag:s0] =	ssyncadd.s32 @!p0 s1  }
0x396: {  	[bflag:$0x3] =	sbarrier.arrive $0xFFFF  }
0x397: {  	_ =	shalt  }

</sc_bundles>
